<compile_context>
chip_gen: v7x
topology: tpu7x:2x2x1
jax: 0.10.2.dev20260603
libtpu: 0.0.44.dev20260713+nightly
codegen_flags: <defaults>
</compile_context>

<pallas_src>
import functools

import jax
import jax.numpy as jnp
from jax import lax
from jax.experimental import pallas as pl
from jax.experimental.pallas import tpu as pltpu
from jax.experimental.pallas import tpu_sc as plsc

NEG = 0.2
NC = 2
NS = 16
L = 16
K = 128


def _lrelu(v):
    return jnp.maximum(v, NEG * v)



def _mm2_body(x_ref, e_ref, w_ref, ox_ref, oe_ref):
    ox_ref[...] = jnp.dot(x_ref[...], w_ref[...],
                          preferred_element_type=jnp.float32)
    oe_ref[...] = jnp.dot(e_ref[...], w_ref[...],
                          preferred_element_type=jnp.float32)


def _mm2(x, e, w):
    return pl.pallas_call(
        _mm2_body,
        out_shape=[
            jax.ShapeDtypeStruct((x.shape[0], w.shape[1]), jnp.float32),
            jax.ShapeDtypeStruct((e.shape[0], w.shape[1]), jnp.float32),
        ],
    )(x, e, w)


def _mid_body(a_ref, c_ref, b_ref, d_ref, w_ref, ox_ref, oy_ref):
    sx = _lrelu(a_ref[...]) + _lrelu(c_ref[...])
    ox_ref[...] = jnp.dot(sx, w_ref[...], preferred_element_type=jnp.float32)
    sy = _lrelu(d_ref[...]) + _lrelu(b_ref[...])
    oy_ref[...] = jnp.dot(sy, w_ref[...], preferred_element_type=jnp.float32)


def _mid(a, c, b, d, w):
    return pl.pallas_call(
        _mid_body,
        out_shape=[
            jax.ShapeDtypeStruct((a.shape[0], w.shape[1]), jnp.float32),
            jax.ShapeDtypeStruct((b.shape[0], w.shape[1]), jnp.float32),
        ],
    )(a, c, b, d, w)


def _fin_body(a_ref, c_ref, b_ref, d_ref, ox_ref, oy_ref):
    ox_ref[...] = _lrelu(a_ref[...]) + _lrelu(c_ref[...])
    oy_ref[...] = _lrelu(d_ref[...]) + _lrelu(b_ref[...])


def _fin(a, c, b, d):
    return pl.pallas_call(
        _fin_body,
        out_shape=[
            jax.ShapeDtypeStruct(a.shape, jnp.float32),
            jax.ShapeDtypeStruct(b.shape, jnp.float32),
        ],
    )(a, c, b, d)



@functools.lru_cache(maxsize=None)
def _sc_spmm_kernel(w, n_big, n_small, nch_hht, nch_hth, nch_h, nch_ht):
    mesh = plsc.VectorSubcoreMesh(core_axis_name="c", subcore_axis_name="s",
                                  num_cores=NC, num_subcores=NS)
    out_type = [
        jax.ShapeDtypeStruct((n_big, w), jnp.float32),
        jax.ShapeDtypeStruct((n_big, w), jnp.float32),
        jax.ShapeDtypeStruct((n_small, w), jnp.float32),
        jax.ShapeDtypeStruct((n_small, w), jnp.float32),
    ]
    scratch = [
        pltpu.VMEM_SHARED((n_big, w), jnp.float32),
        pltpu.VMEM((K,), jnp.int32),
        pltpu.VMEM((K,), jnp.int32),
        pltpu.VMEM((K,), jnp.float32),
        pltpu.VMEM((K, w), jnp.float32),
        pltpu.SemaphoreType.DMA,
    ]

    def body(sx, sy,
             r_hht, c_hht, v_hht, r_h, c_h, v_h,
             r_ht, c_ht, v_ht, r_hth, c_hth, v_hth,
             o_hht, o_h, o_ht, o_hth,
             acc, ridx, cidx, vbuf, buf, sem):
        core = lax.axis_index("c")
        tile = lax.axis_index("s")

        def _edges(i, carry):
            iv = jnp.full((L,), i, dtype=jnp.int32)
            vv = plsc.load_gather(vbuf, [iv])
            for j in range(w // L):
                sl = pl.ds(j * L, L)
                buf[i, sl] = buf[i, sl] * vv
            return carry

        def _phase(row_h, col_h, val_h, src_h, out_h, nch, nrows):
            def _zrow(r, carry):
                for j in range(w // L):
                    buf[r, pl.ds(j * L, L)] = jnp.zeros((L,), jnp.float32)
                return carry
            lax.fori_loop(0, K, _zrow, 0)
            nz = nrows // K
            for j in range(-(-nz // NS)):
                kk = tile + NS * j
                @pl.when(kk < nz)
                def _():
                    pltpu.sync_copy(buf, acc.at[pl.ds(kk * K, K)])
            plsc.subcore_barrier()

            base = tile * (nch * K)

            def chunk(ci, carry):
                off = base + ci * K
                pltpu.sync_copy(row_h.at[pl.ds(off, K)], ridx)
                pltpu.sync_copy(col_h.at[pl.ds(off, K)], cidx)
                pltpu.sync_copy(val_h.at[pl.ds(off, K)], vbuf)
                pltpu.async_copy(src_h.at[cidx], buf, sem).wait()
                lax.fori_loop(0, K, _edges, 0)
                pltpu.sync_copy(buf, acc.at[ridx], add=True)
                return carry
            lax.fori_loop(0, nch, chunk, 0)
            plsc.subcore_barrier()

            for j in range(-(-nz // NS)):
                kk = tile + NS * j
                @pl.when(kk < nz)
                def _():
                    pltpu.sync_copy(acc.at[pl.ds(kk * K, K)],
                                    out_h.at[pl.ds(kk * K, K)])
            plsc.subcore_barrier()

        @pl.when(core == 0)
        def _():
            _phase(r_hht, c_hht, v_hht, sx, o_hht, nch_hht, n_big)
            _phase(r_hth, c_hth, v_hth, sy, o_hth, nch_hth, n_small)

        @pl.when(core == 1)
        def _():
            _phase(r_h, c_h, v_h, sy, o_h, nch_h, n_big)
            _phase(r_ht, c_ht, v_ht, sx, o_ht, nch_ht, n_small)

    return pl.kernel(
        body, out_type=out_type, mesh=mesh, scratch_types=scratch,
        compiler_params=pltpu.CompilerParams(needs_layout_passes=False,
                                             use_tc_tiling_on_sc=False))


def _pad_edges(idx, val, n_src, n_dst):
    e = idx.shape[1]
    target = -(-e // (NS * K)) * (NS * K)
    pad = target - e
    ar = jnp.arange(pad, dtype=jnp.int32)
    rows = jnp.concatenate([idx[0], ar % n_dst])
    cols = jnp.concatenate([idx[1], ar % n_src])
    vals = jnp.concatenate([val, jnp.zeros((pad,), jnp.float32)])
    return rows, cols, vals, target // (NS * K)


def kernel(norm_X, norm_E, HHT_idx, HHT_val, H_idx, H_val,
           HT_idx, HT_val, HTH_idx, HTH_val, W0, W1):
    n = norm_X.shape[0]
    m = norm_E.shape[0]
    hid = W0.shape[1]
    out_w = W1.shape[1]
    n_pad = -(-n // K) * K
    m_pad = -(-m // K) * K

    r1, c1, v1, nch1 = _pad_edges(HHT_idx, HHT_val, n, n)
    r2, c2, v2, nch2 = _pad_edges(H_idx, H_val, m, n)
    r3, c3, v3, nch3 = _pad_edges(HT_idx, HT_val, n, m)
    r4, c4, v4, nch4 = _pad_edges(HTH_idx, HTH_val, m, m)

    sx0, sy0 = _mm2(norm_X, norm_E, W0)
    k0 = _sc_spmm_kernel(hid, n_pad, m_pad, nch1, nch4, nch2, nch3)
    a_hht, a_h, a_ht, a_hth = k0(sx0, sy0, r1, c1, v1, r2, c2, v2,
                                 r3, c3, v3, r4, c4, v4)
    sx1, sy1 = _mid(a_hht, a_h, a_hth, a_ht, W1)
    k1 = _sc_spmm_kernel(out_w, n_pad, m_pad, nch1, nch4, nch2, nch3)
    b_hht, b_h, b_ht, b_hth = k1(sx1, sy1, r1, c1, v1, r2, c2, v2,
                                 r3, c3, v3, r4, c4, v4)
    x, y = _fin(b_hht, b_h, b_hth, b_ht)
    return x[:n], y[:m]

# --- scband reference (transcript-rebuilt; emitter-appended) ---
"""Pipeline reference for scband-hjrl-67619965108617 (READ-ONLY COPY).

The authoritative reference and input builder live on the scoring server;
editing this copy changes nothing except your own understanding.
"""

import jax, jax.numpy as jnp
import numpy as np

N = 10000
M = 5000
F_IN = 128
HID = 128
OUT = 64
E1 = 320000
E2 = 320000
E3 = 320000
E4 = 160000
NEG = 0.2


def spmm(idx, val, x, n_rows):
    # sparse (COO) matmul: out[r] = sum_{e: idx[0,e]==r} val[e] * x[idx[1,e]]
    gathered = val[:, None] * jnp.take(x, idx[1], axis=0)
    return jax.ops.segment_sum(gathered, idx[0], num_segments=n_rows)


def setup_inputs(seed: int = 0) -> dict:
    key = jax.random.key(seed)
    ks = jax.random.split(key, 14)
    norm_X = jax.random.normal(ks[0], (N, F_IN), dtype=jnp.float32)
    norm_E = jax.random.normal(ks[1], (M, F_IN), dtype=jnp.float32)
    HHT_idx = jax.random.randint(ks[2], (2, E1), 0, N, dtype=jnp.int32)
    HHT_val = jax.random.uniform(ks[3], (E1,), dtype=jnp.float32)
    H_idx = jax.random.randint(ks[4], (2, E2), 0, M, dtype=jnp.int32)  # rows < M <= N, cols < M: in-range for [N, M] operator
    H_val = jax.random.uniform(ks[5], (E2,), dtype=jnp.float32)
    HT_idx = jax.random.randint(ks[6], (2, E3), 0, M, dtype=jnp.int32)
    HT_val = jax.random.uniform(ks[7], (E3,), dtype=jnp.float32)
    HTH_idx = jax.random.randint(ks[8], (2, E4), 0, M, dtype=jnp.int32)
    HTH_val = jax.random.uniform(ks[9], (E4,), dtype=jnp.float32)
    stdv0 = 1.0 / np.sqrt(HID)
    stdv1 = 1.0 / np.sqrt(OUT)
    W0 = jax.random.uniform(ks[10], (F_IN, HID), dtype=jnp.float32, minval=-stdv0, maxval=stdv0)
    W1 = jax.random.uniform(ks[11], (HID, OUT), dtype=jnp.float32, minval=-stdv1, maxval=stdv1)
    return {
        'norm_X': norm_X, 'norm_E': norm_E,
        'HHT_idx': HHT_idx, 'HHT_val': HHT_val,
        'H_idx': H_idx, 'H_val': H_val,
        'HT_idx': HT_idx, 'HT_val': HT_val,
        'HTH_idx': HTH_idx, 'HTH_val': HTH_val,
        'W0': W0, 'W1': W1,
    }


def reference(norm_X, norm_E, HHT_idx, HHT_val, H_idx, H_val, HT_idx, HT_val, HTH_idx, HTH_val, W0, W1):
    def conv(feat, idx, val, n_rows, W, act):
        support = feat @ W
        out = spmm(idx, val, support, n_rows)
        if act:
            out = jax.nn.leaky_relu(out, NEG)
        return out

    x, y = norm_X, norm_E
    # layer 0 (hidden, leaky_relu inside conv); dropout skipped (eval mode)
    HHT_l = conv(x, HHT_idx, HHT_val, N, W0, True)
    H_l = conv(y, H_idx, H_val, N, W0, True)
    HT_l = conv(x, HT_idx, HT_val, M, W0, True)
    HTH_l = conv(y, HTH_idx, HTH_val, M, W0, True)
    x = HHT_l + H_l
    y = HT_l + HTH_l
    # final layer (no activation inside conv)
    HHT_l = conv(x, HHT_idx, HHT_val, N, W1, False)
    H_l = conv(y, H_idx, H_val, N, W1, False)
    HT_l = conv(x, HT_idx, HT_val, M, W1, False)
    HTH_l = conv(y, HTH_idx, HTH_val, M, W1, False)
    HHT_l = jax.nn.leaky_relu(HHT_l, NEG)
    H_l = jax.nn.leaky_relu(H_l, NEG)
    HT_l = jax.nn.leaky_relu(HT_l, NEG)
    HTH_l = jax.nn.leaky_relu(HTH_l, NEG)
    x = HHT_l + H_l
    y = HT_l + HTH_l
    return (x, y)

if __name__ == "__main__":
    import jax
    _d = setup_inputs()
    print(jax.jit(kernel)(*tuple(_d.values())))

</pallas_src>

<mosaic_0001>
#map = affine_map<(d0, d1) -> (0, 0)>
#map1 = affine_map<(d0, d1) -> (0)>
module attributes {stable_mosaic.version = 14 : i64} {
  func.func @body(%arg0: i32, %arg1: i32, %arg2: memref<10000x128xf32, #tpu.memory_space<hbm>>, %arg3: memref<5000x128xf32, #tpu.memory_space<hbm>>, %arg4: memref<321536xi32, #tpu.memory_space<hbm>>, %arg5: memref<321536xi32, #tpu.memory_space<hbm>>, %arg6: memref<321536xf32, #tpu.memory_space<hbm>>, %arg7: memref<321536xi32, #tpu.memory_space<hbm>>, %arg8: memref<321536xi32, #tpu.memory_space<hbm>>, %arg9: memref<321536xf32, #tpu.memory_space<hbm>>, %arg10: memref<321536xi32, #tpu.memory_space<hbm>>, %arg11: memref<321536xi32, #tpu.memory_space<hbm>>, %arg12: memref<321536xf32, #tpu.memory_space<hbm>>, %arg13: memref<161792xi32, #tpu.memory_space<hbm>>, %arg14: memref<161792xi32, #tpu.memory_space<hbm>>, %arg15: memref<161792xf32, #tpu.memory_space<hbm>>, %arg16: memref<10112x128xf32, #tpu.memory_space<hbm>>, %arg17: memref<10112x128xf32, #tpu.memory_space<hbm>>, %arg18: memref<5120x128xf32, #tpu.memory_space<hbm>>, %arg19: memref<5120x128xf32, #tpu.memory_space<hbm>>, %arg20: memref<10112x128xf32, #tpu.memory_space<vmem_shared>>, %arg21: memref<128xi32, #tpu.memory_space<vmem>>, %arg22: memref<128xi32, #tpu.memory_space<vmem>>, %arg23: memref<128xf32, #tpu.memory_space<vmem>>, %arg24: memref<128x128xf32, #tpu.memory_space<vmem>>, %arg25: memref<!tpu.dma_semaphore, #tpu.memory_space<semaphore_mem>>) attributes {dimension_semantics = [#tpu.dimension_semantics<core_parallel>, #tpu.dimension_semantics<subcore_parallel>], iteration_bounds = array<i64: 2, 16>, scalar_prefetch = 0 : i64, scratch_operands = 6 : i64, tpu.core_type = #tpu.core_type<sc_vector_subcore>, window_params = [{transform_indices = #map}, {transform_indices = #map}, {transform_indices = #map1}, {transform_indices = #map1}, {transform_indices = #map1}, {transform_indices = #map1}, {transform_indices = #map1}, {transform_indices = #map1}, {transform_indices = #map1}, {transform_indices = #map1}, {transform_indices = #map1}, {transform_indices = #map1}, {transform_indices = #map1}, {transform_indices = #map1}, {transform_indices = #map}, {transform_indices = #map}, {transform_indices = #map}, {transform_indices = #map}]} {
    %eq3A = arith.constant 0 : i32
    %eq3A_0 = arith.cmpi eq, %arg0, %eq3A : i32
    %convert_element_type3A = arith.extui %eq3A_0 : i1 to i32
    %cond3A = arith.constant 0 : i32
    %cond3A_1 = arith.cmpi ne, %convert_element_type3A, %cond3A : i32
    scf.if %cond3A_1 {
      %scan3A = arith.constant 0 : i32
      %scan3A_7 = arith.constant 0 : i32
      %scan3A_8 = arith.constant 128 : i32
      %scan3A_9 = arith.addi %scan3A_7, %scan3A_8 : i32
      %scan3A_10 = arith.constant 1 : i32
      scf.for %scan3A_148 = %scan3A_7 to %scan3A_9 step %scan3A_10  : i32 {
        %broadcast_in_dim3A = arith.constant 0.000000e+00 : f32
        %broadcast_in_dim3A_149 = vector.broadcast %broadcast_in_dim3A : f32 to vector<16xf32>
        %swap3A = arith.index_cast %scan3A_148 : i32 to index
        %swap3A_150 = arith.constant 0 : index
        %swap3A_151 = tpu.vector_load %arg24[%swap3A, %swap3A_150] {strides = array<i32>} : memref<128x128xf32, #tpu.memory_space<vmem>>, vector<16xf32>,
        tpu.vector_store %arg24[%swap3A, %swap3A_150], %broadcast_in_dim3A_149 {strides = array<i32>} : memref<128x128xf32, #tpu.memory_space<vmem>>, vector<16xf32>,
        %broadcast_in_dim3A_152 = arith.constant 0.000000e+00 : f32
        %broadcast_in_dim3A_153 = vector.broadcast %broadcast_in_dim3A_152 : f32 to vector<16xf32>
        %swap3A_154 = arith.index_cast %scan3A_148 : i32 to index
        %swap3A_155 = arith.constant 16 : index
        %swap3A_156 = tpu.vector_load %arg24[%swap3A_154, %swap3A_155] {strides = array<i32>} : memref<128x128xf32, #tpu.memory_space<vmem>>, vector<16xf32>,
        tpu.vector_store %arg24[%swap3A_154, %swap3A_155], %broadcast_in_dim3A_153 {strides = array<i32>} : memref<128x128xf32, #tpu.memory_space<vmem>>, vector<16xf32>,
        %broadcast_in_dim3A_157 = arith.constant 0.000000e+00 : f32
        %broadcast_in_dim3A_158 = vector.broadcast %broadcast_in_dim3A_157 : f32 to vector<16xf32>
        %swap3A_159 = arith.index_cast %scan3A_148 : i32 to index
        %swap3A_160 = arith.constant 32 : index
        %swap3A_161 = tpu.vector_load %arg24[%swap3A_159, %swap3A_160] {strides = array<i32>} : memref<128x128xf32, #tpu.memory_space<vmem>>, vector<16xf32>,
        tpu.vector_store %arg24[%swap3A_159, %swap3A_160], %broadcast_in_dim3A_158 {strides = array<i32>} : memref<128x128xf32, #tpu.memory_space<vmem>>, vector<16xf32>,
        %broadcast_in_dim3A_162 = arith.constant 0.000000e+00 : f32
        %broadcast_in_dim3A_163 = vector.broadcast %broadcast_in_dim3A_162 : f32 to vector<16xf32>
        %swap3A_164 = arith.index_cast %scan3A_148 : i32 to index
        %swap3A_165 = arith.constant 48 : index
        %swap3A_166 = tpu.vector_load %arg24[%swap3A_164, %swap3A_165] {strides = array<i32>} : memref<128x128xf32, #tpu.memory_space<vmem>>, vector<16xf32>,
        tpu.vector_store %arg24[%swap3A_164, %swap3A_165], %broadcast_in_dim3A_163 {strides = array<i32>} : memref<128x128xf32, #tpu.memory_space<vmem>>, vector<16xf32>,
        %broadcast_in_dim3A_167 = arith.constant 0.000000e+00 : f32
        %broadcast_in_dim3A_168 = vector.broadcast %broadcast_in_dim3A_167 : f32 to vector<16xf32>
        %swap3A_169 = arith.index_cast %scan3A_148 : i32 to index
        %swap3A_170 = arith.constant 64 : index
        %swap3A_171 = tpu.vector_load %arg24[%swap3A_169, %swap3A_170] {strides = array<i32>} : memref<128x128xf32, #tpu.memory_space<vmem>>, vector<16xf32>,
        tpu.vector_store %arg24[%swap3A_169, %swap3A_170], %broadcast_in_dim3A_168 {strides = array<i32>} : memref<128x128xf32, #tpu.memory_space<vmem>>, vector<16xf32>,
        %broadcast_in_dim3A_172 = arith.constant 0.000000e+00 : f32
        %broadcast_in_dim3A_173 = vector.broadcast %broadcast_in_dim3A_172 : f32 to vector<16xf32>
        %swap3A_174 = arith.index_cast %scan3A_148 : i32 to index
        %swap3A_175 = arith.constant 80 : index
        %swap3A_176 = tpu.vector_load %arg24[%swap3A_174, %swap3A_175] {strides = array<i32>} : memref<128x128xf32, #tpu.memory_space<vmem>>, vector<16xf32>,
        tpu.vector_store %arg24[%swap3A_174, %swap3A_175], %broadcast_in_dim3A_173 {strides = array<i32>} : memref<128x128xf32, #tpu.memory_space<vmem>>, vector<16xf32>,
        %broadcast_in_dim3A_177 = arith.constant 0.000000e+00 : f32
        %broadcast_in_dim3A_178 = vector.broadcast %broadcast_in_dim3A_177 : f32 to vector<16xf32>
        %swap3A_179 = arith.index_cast %scan3A_148 : i32 to index
        %swap3A_180 = arith.constant 96 : index
        %swap3A_181 = tpu.vector_load %arg24[%swap3A_179, %swap3A_180] {strides = array<i32>} : memref<128x128xf32, #tpu.memory_space<vmem>>, vector<16xf32>,
        tpu.vector_store %arg24[%swap3A_179, %swap3A_180], %broadcast_in_dim3A_178 {strides = array<i32>} : memref<128x128xf32, #tpu.memory_space<vmem>>, vector<16xf32>,
        %broadcast_in_dim3A_182 = arith.constant 0.000000e+00 : f32
        %broadcast_in_dim3A_183 = vector.broadcast %broadcast_in_dim3A_182 : f32 to vector<16xf32>
        %swap3A_184 = arith.index_cast %scan3A_148 : i32 to index
        %swap3A_185 = arith.constant 112 : index
        %swap3A_186 = tpu.vector_load %arg24[%swap3A_184, %swap3A_185] {strides = array<i32>} : memref<128x128xf32, #tpu.memory_space<vmem>>, vector<16xf32>,
        tpu.vector_store %arg24[%swap3A_184, %swap3A_185], %broadcast_in_dim3A_183 {strides = array<i32>} : memref<128x128xf32, #tpu.memory_space<vmem>>, vector<16xf32>,
      }
      %scan3A_11 = arith.constant 128 : i32
      %add3A = arith.constant 0 : i32
      %add3A_12 = arith.addi %arg1, %add3A : i32
      %lt3A = arith.constant 79 : i32
      %lt3A_13 = arith.cmpi slt, %add3A_12, %lt3A : i32
      %convert_element_type3A_14 = arith.extui %lt3A_13 : i1 to i32
      %cond3A_15 = arith.constant 0 : i32
      %cond3A_16 = arith.cmpi ne, %convert_element_type3A_14, %cond3A_15 : i32
      scf.if %cond3A_16 {
        %mul3A_148 = arith.constant 128 : i32
        %mul3A_149 = arith.muli %add3A_12, %mul3A_148 : i32
        "tpu.region"() ({
          %run_scoped3A = tpu.sem_alloc : memref<!tpu.dma_semaphore, #tpu.memory_space<semaphore_mem>>
          %dma_start3A = arith.constant 0 : i32
          %dma_start3A_150 = tpu.memref_slice %arg20[%mul3A_149, %dma_start3A] : memref<10112x128xf32, #tpu.memory_space<vmem_shared>> -> memref<128x128xf32, #tpu.memory_space<vmem_shared>>
          %dma_start3A_151 = arith.constant 0 : i32
          %dma_start3A_152 = tpu.memref_slice %arg20[%mul3A_149, %dma_start3A_151] : memref<10112x128xf32, #tpu.memory_space<vmem_shared>> -> memref<128x128xf32, #tpu.memory_space<vmem_shared>>
          tpu.enqueue_dma source(%arg24 : memref<128x128xf32, #tpu.memory_space<vmem>>) target(%dma_start3A_152 : memref<128x128xf32, #tpu.memory_space<vmem_shared>>) target_semaphore(%run_scoped3A : memref<!tpu.dma_semaphore, #tpu.memory_space<semaphore_mem>>)
          %dma_wait3A = arith.constant 0 : i32
          %dma_wait3A_153 = tpu.memref_slice %arg20[%mul3A_149, %dma_wait3A] : memref<10112x128xf32, #tpu.memory_space<vmem_shared>> -> memref<128x128xf32, #tpu.memory_space<vmem_shared>>
          %dma_wait3A_154 = arith.constant 0 : i32
          %dma_wait3A_155 = tpu.memref_slice %arg20[%mul3A_149, %dma_wait3A_154] : memref<10112x128xf32, #tpu.memory_space<vmem_shared>> -> memref<128x128xf32, #tpu.memory_space<vmem_shared>>
          tpu.wait_dma2 semaphore(%run_scoped3A : memref<!tpu.dma_semaphore, #tpu.memory_space<semaphore_mem>>) src(%arg24 : memref<128x128xf32, #tpu.memory_space<vmem>>) dst(%dma_wait3A_155 : memref<128x128xf32, #tpu.memory_space<vmem_shared>>)
          tpu.yield
        }) : () -> ()
      } else {
      }
      %add3A_17 = arith.constant 16 : i32
      %add3A_18 = arith.addi %arg1, %add3A_17 : i32
      %lt3A_19 = arith.constant 79 : i32
      %lt3A_20 = arith.cmpi slt, %add3A_18, %lt3A_19 : i32
      %convert_element_type3A_21 = arith.extui %lt3A_20 : i1 to i32
      %cond3A_22 = arith.constant 0 : i32
      %cond3A_23 = arith.cmpi ne, %convert_element_type3A_21, %cond3A_22 : i32
      scf.if %cond3A_23 {
        %mul3A_148 = arith.constant 128 : i32
        %mul3A_149 = arith.muli %add3A_18, %mul3A_148 : i32
        "tpu.region"() ({
          %run_scoped3A = tpu.sem_alloc : memref<!tpu.dma_semaphore, #tpu.memory_space<semaphore_mem>>
          %dma_start3A = arith.constant 0 : i32
          %dma_start3A_150 = tpu.memref_slice %arg20[%mul3A_149, %dma_start3A] : memref<10112x128xf32, #tpu.memory_space<vmem_shared>> -> memref<128x128xf32, #tpu.memory_space<vmem_shared>>
          %dma_start3A_151 = arith.constant 0 : i32
          %dma_start3A_152 = tpu.memref_slice %arg20[%mul3A_149, %dma_start3A_151] : memref<10112x128xf32, #tpu.memory_space<vmem_shared>> -> memref<128x128xf32, #tpu.memory_space<vmem_shared>>
          tpu.enqueue_dma source(%arg24 : memref<128x128xf32, #tpu.memory_space<vmem>>) target(%dma_start3A_152 : memref<128x128xf32, #tpu.memory_space<vmem_shared>>) target_semaphore(%run_scoped3A : memref<!tpu.dma_semaphore, #tpu.memory_space<semaphore_mem>>)
          %dma_wait3A = arith.constant 0 : i32
          %dma_wait3A_153 = tpu.memref_slice %arg20[%mul3A_149, %dma_wait3A] : memref<10112x128xf32, #tpu.memory_space<vmem_shared>> -> memref<128x128xf32, #tpu.memory_space<vmem_shared>>
          %dma_wait3A_154 = arith.constant 0 : i32
          %dma_wait3A_155 = tpu.memref_slice %arg20[%mul3A_149, %dma_wait3A_154] : memref<10112x128xf32, #tpu.memory_space<vmem_shared>> -> memref<128x128xf32, #tpu.memory_space<vmem_shared>>
          tpu.wait_dma2 semaphore(%run_scoped3A : memref<!tpu.dma_semaphore, #tpu.memory_space<semaphore_mem>>) src(%arg24 : memref<128x128xf32, #tpu.memory_space<vmem>>) dst(%dma_wait3A_155 : memref<128x128xf32, #tpu.memory_space<vmem_shared>>)
          tpu.yield
        }) : () -> ()
      } else {
      }
      %add3A_24 = arith.constant 32 : i32
      %add3A_25 = arith.addi %arg1, %add3A_24 : i32
      %lt3A_26 = arith.constant 79 : i32
      %lt3A_27 = arith.cmpi slt, %add3A_25, %lt3A_26 : i32
      %convert_element_type3A_28 = arith.extui %lt3A_27 : i1 to i32
      %cond3A_29 = arith.constant 0 : i32
      %cond3A_30 = arith.cmpi ne, %convert_element_type3A_28, %cond3A_29 : i32
      scf.if %cond3A_30 {
        %mul3A_148 = arith.constant 128 : i32
        %mul3A_149 = arith.muli %add3A_25, %mul3A_148 : i32
        "tpu.region"() ({
          %run_scoped3A = tpu.sem_alloc : memref<!tpu.dma_semaphore, #tpu.memory_space<semaphore_mem>>
          %dma_start3A = arith.constant 0 : i32
          %dma_start3A_150 = tpu.memref_slice %arg20[%mul3A_149, %dma_start3A] : memref<10112x128xf32, #tpu.memory_space<vmem_shared>> -> memref<128x128xf32, #tpu.memory_space<vmem_shared>>
          %dma_start3A_151 = arith.constant 0 : i32
          %dma_start3A_152 = tpu.memref_slice %arg20[%mul3A_149, %dma_start3A_151] : memref<10112x128xf32, #tpu.memory_space<vmem_shared>> -> memref<128x128xf32, #tpu.memory_space<vmem_shared>>
          tpu.enqueue_dma source(%arg24 : memref<128x128xf32, #tpu.memory_space<vmem>>) target(%dma_start3A_152 : memref<128x128xf32, #tpu.memory_space<vmem_shared>>) target_semaphore(%run_scoped3A : memref<!tpu.dma_semaphore, #tpu.memory_space<semaphore_mem>>)
          %dma_wait3A = arith.constant 0 : i32
          %dma_wait3A_153 = tpu.memref_slice %arg20[%mul3A_149, %dma_wait3A] : memref<10112x128xf32, #tpu.memory_space<vmem_shared>> -> memref<128x128xf32, #tpu.memory_space<vmem_shared>>
          %dma_wait3A_154 = arith.constant 0 : i32
          %dma_wait3A_155 = tpu.memref_slice %arg20[%mul3A_149, %dma_wait3A_154] : memref<10112x128xf32, #tpu.memory_space<vmem_shared>> -> memref<128x128xf32, #tpu.memory_space<vmem_shared>>
          tpu.wait_dma2 semaphore(%run_scoped3A : memref<!tpu.dma_semaphore, #tpu.memory_space<semaphore_mem>>) src(%arg24 : memref<128x128xf32, #tpu.memory_space<vmem>>) dst(%dma_wait3A_155 : memref<128x128xf32, #tpu.memory_space<vmem_shared>>)
          tpu.yield
        }) : () -> ()
      } else {
      }
      %add3A_31 = arith.constant 48 : i32
      %add3A_32 = arith.addi %arg1, %add3A_31 : i32
      %lt3A_33 = arith.constant 79 : i32
      %lt3A_34 = arith.cmpi slt, %add3A_32, %lt3A_33 : i32
      %convert_element_type3A_35 = arith.extui %lt3A_34 : i1 to i32
      %cond3A_36 = arith.constant 0 : i32
      %cond3A_37 = arith.cmpi ne, %convert_element_type3A_35, %cond3A_36 : i32
      scf.if %cond3A_37 {
        %mul3A_148 = arith.constant 128 : i32
        %mul3A_149 = arith.muli %add3A_32, %mul3A_148 : i32
        "tpu.region"() ({
          %run_scoped3A = tpu.sem_alloc : memref<!tpu.dma_semaphore, #tpu.memory_space<semaphore_mem>>
          %dma_start3A = arith.constant 0 : i32
          %dma_start3A_150 = tpu.memref_slice %arg20[%mul3A_149, %dma_start3A] : memref<10112x128xf32, #tpu.memory_space<vmem_shared>> -> memref<128x128xf32, #tpu.memory_space<vmem_shared>>
          %dma_start3A_151 = arith.constant 0 : i32
          %dma_start3A_152 = tpu.memref_slice %arg20[%mul3A_149, %dma_start3A_151] : memref<10112x128xf32, #tpu.memory_space<vmem_shared>> -> memref<128x128xf32, #tpu.memory_space<vmem_shared>>
          tpu.enqueue_dma source(%arg24 : memref<128x128xf32, #tpu.memory_space<vmem>>) target(%dma_start3A_152 : memref<128x128xf32, #tpu.memory_space<vmem_shared>>) target_semaphore(%run_scoped3A : memref<!tpu.dma_semaphore, #tpu.memory_space<semaphore_mem>>)
          %dma_wait3A = arith.constant 0 : i32
          %dma_wait3A_153 = tpu.memref_slice %arg20[%mul3A_149, %dma_wait3A] : memref<10112x128xf32, #tpu.memory_space<vmem_shared>> -> memref<128x128xf32, #tpu.memory_space<vmem_shared>>
          %dma_wait3A_154 = arith.constant 0 : i32
          %dma_wait3A_155 = tpu.memref_slice %arg20[%mul3A_149, %dma_wait3A_154] : memref<10112x128xf32, #tpu.memory_space<vmem_shared>> -> memref<128x128xf32, #tpu.memory_space<vmem_shared>>
          tpu.wait_dma2 semaphore(%run_scoped3A : memref<!tpu.dma_semaphore, #tpu.memory_space<semaphore_mem>>) src(%arg24 : memref<128x128xf32, #tpu.memory_space<vmem>>) dst(%dma_wait3A_155 : memref<128x128xf32, #tpu.memory_space<vmem_shared>>)
          tpu.yield
        }) : () -> ()
      } else {
      }
      %add3A_38 = arith.constant 64 : i32
      %add3A_39 = arith.addi %arg1, %add3A_38 : i32
      %lt3A_40 = arith.constant 79 : i32
      %lt3A_41 = arith.cmpi slt, %add3A_39, %lt3A_40 : i32
      %convert_element_type3A_42 = arith.extui %lt3A_41 : i1 to i32
      %cond3A_43 = arith.constant 0 : i32
      %cond3A_44 = arith.cmpi ne, %convert_element_type3A_42, %cond3A_43 : i32
      scf.if %cond3A_44 {
        %mul3A_148 = arith.constant 128 : i32
        %mul3A_149 = arith.muli %add3A_39, %mul3A_148 : i32
        "tpu.region"() ({
          %run_scoped3A = tpu.sem_alloc : memref<!tpu.dma_semaphore, #tpu.memory_space<semaphore_mem>>
          %dma_start3A = arith.constant 0 : i32
          %dma_start3A_150 = tpu.memref_slice %arg20[%mul3A_149, %dma_start3A] : memref<10112x128xf32, #tpu.memory_space<vmem_shared>> -> memref<128x128xf32, #tpu.memory_space<vmem_shared>>
          %dma_start3A_151 = arith.constant 0 : i32
          %dma_start3A_152 = tpu.memref_slice %arg20[%mul3A_149, %dma_start3A_151] : memref<10112x128xf32, #tpu.memory_space<vmem_shared>> -> memref<128x128xf32, #tpu.memory_space<vmem_shared>>
          tpu.enqueue_dma source(%arg24 : memref<128x128xf32, #tpu.memory_space<vmem>>) target(%dma_start3A_152 : memref<128x128xf32, #tpu.memory_space<vmem_shared>>) target_semaphore(%run_scoped3A : memref<!tpu.dma_semaphore, #tpu.memory_space<semaphore_mem>>)
          %dma_wait3A = arith.constant 0 : i32
          %dma_wait3A_153 = tpu.memref_slice %arg20[%mul3A_149, %dma_wait3A] : memref<10112x128xf32, #tpu.memory_space<vmem_shared>> -> memref<128x128xf32, #tpu.memory_space<vmem_shared>>
          %dma_wait3A_154 = arith.constant 0 : i32
          %dma_wait3A_155 = tpu.memref_slice %arg20[%mul3A_149, %dma_wait3A_154] : memref<10112x128xf32, #tpu.memory_space<vmem_shared>> -> memref<128x128xf32, #tpu.memory_space<vmem_shared>>
          tpu.wait_dma2 semaphore(%run_scoped3A : memref<!tpu.dma_semaphore, #tpu.memory_space<semaphore_mem>>) src(%arg24 : memref<128x128xf32, #tpu.memory_space<vmem>>) dst(%dma_wait3A_155 : memref<128x128xf32, #tpu.memory_space<vmem_shared>>)
          tpu.yield
        }) : () -> ()
      } else {
      }
      %barrier3A = arith.constant 0 : index
      tpu.barrier barrier_id(%barrier3A)
      %mul3A = arith.constant 20096 : i32
      %mul3A_45 = arith.muli %arg1, %mul3A : i32
      %scan3A_46 = arith.constant 0 : i32
      %scan3A_47 = arith.constant 0 : i32
      %scan3A_48 = arith.constant 157 : i32
      %scan3A_49 = arith.addi %scan3A_47, %scan3A_48 : i32
      %scan3A_50 = arith.constant 1 : i32
      scf.for %scan3A_148 = %scan3A_47 to %scan3A_49 step %scan3A_50  : i32 {
        %mul3A_149 = arith.constant 128 : i32
        %mul3A_150 = arith.muli %scan3A_148, %mul3A_149 : i32
        %add3A_151 = arith.addi %mul3A_45, %mul3A_150 : i32
        "tpu.region"() ({
          %run_scoped3A = tpu.sem_alloc : memref<!tpu.dma_semaphore, #tpu.memory_space<semaphore_mem>>
          %dma_start3A_162 = tpu.memref_slice %arg4[%add3A_151] : memref<321536xi32, #tpu.memory_space<hbm>> -> memref<128xi32, #tpu.memory_space<hbm>>
          %dma_start3A_163 = tpu.memref_slice %arg4[%add3A_151] : memref<321536xi32, #tpu.memory_space<hbm>> -> memref<128xi32, #tpu.memory_space<hbm>>
          tpu.enqueue_dma source(%dma_start3A_163 : memref<128xi32, #tpu.memory_space<hbm>>) target(%arg21 : memref<128xi32, #tpu.memory_space<vmem>>) target_semaphore(%run_scoped3A : memref<!tpu.dma_semaphore, #tpu.memory_space<semaphore_mem>>)
          %dma_wait3A_164 = tpu.memref_slice %arg4[%add3A_151] : memref<321536xi32, #tpu.memory_space<hbm>> -> memref<128xi32, #tpu.memory_space<hbm>>
          %dma_wait3A_165 = tpu.memref_slice %arg4[%add3A_151] : memref<321536xi32, #tpu.memory_space<hbm>> -> memref<128xi32, #tpu.memory_space<hbm>>
          tpu.wait_dma2 semaphore(%run_scoped3A : memref<!tpu.dma_semaphore, #tpu.memory_space<semaphore_mem>>) src(%dma_wait3A_165 : memref<128xi32, #tpu.memory_space<hbm>>) dst(%arg21 : memref<128xi32, #tpu.memory_space<vmem>>)
          tpu.yield
        }) : () -> ()
        "tpu.region"() ({
          %run_scoped3A = tpu.sem_alloc : memref<!tpu.dma_semaphore, #tpu.memory_space<semaphore_mem>>
          %dma_start3A_162 = tpu.memref_slice %arg5[%add3A_151] : memref<321536xi32, #tpu.memory_space<hbm>> -> memref<128xi32, #tpu.memory_space<hbm>>
          %dma_start3A_163 = tpu.memref_slice %arg5[%add3A_151] : memref<321536xi32, #tpu.memory_space<hbm>> -> memref<128xi32, #tpu.memory_space<hbm>>
          tpu.enqueue_dma source(%dma_start3A_163 : memref<128xi32, #tpu.memory_space<hbm>>) target(%arg22 : memref<128xi32, #tpu.memory_space<vmem>>) target_semaphore(%run_scoped3A : memref<!tpu.dma_semaphore, #tpu.memory_space<semaphore_mem>>)
          %dma_wait3A_164 = tpu.memref_slice %arg5[%add3A_151] : memref<321536xi32, #tpu.memory_space<hbm>> -> memref<128xi32, #tpu.memory_space<hbm>>
          %dma_wait3A_165 = tpu.memref_slice %arg5[%add3A_151] : memref<321536xi32, #tpu.memory_space<hbm>> -> memref<128xi32, #tpu.memory_space<hbm>>
          tpu.wait_dma2 semaphore(%run_scoped3A : memref<!tpu.dma_semaphore, #tpu.memory_space<semaphore_mem>>) src(%dma_wait3A_165 : memref<128xi32, #tpu.memory_space<hbm>>) dst(%arg22 : memref<128xi32, #tpu.memory_space<vmem>>)
          tpu.yield
        }) : () -> ()
        "tpu.region"() ({
          %run_scoped3A = tpu.sem_alloc : memref<!tpu.dma_semaphore, #tpu.memory_space<semaphore_mem>>
          %dma_start3A_162 = tpu.memref_slice %arg6[%add3A_151] : memref<321536xf32, #tpu.memory_space<hbm>> -> memref<128xf32, #tpu.memory_space<hbm>>
          %dma_start3A_163 = tpu.memref_slice %arg6[%add3A_151] : memref<321536xf32, #tpu.memory_space<hbm>> -> memref<128xf32, #tpu.memory_space<hbm>>
          tpu.enqueue_dma source(%dma_start3A_163 : memref<128xf32, #tpu.memory_space<hbm>>) target(%arg23 : memref<128xf32, #tpu.memory_space<vmem>>) target_semaphore(%run_scoped3A : memref<!tpu.dma_semaphore, #tpu.memory_space<semaphore_mem>>)
          %dma_wait3A_164 = tpu.memref_slice %arg6[%add3A_151] : memref<321536xf32, #tpu.memory_space<hbm>> -> memref<128xf32, #tpu.memory_space<hbm>>
          %dma_wait3A_165 = tpu.memref_slice %arg6[%add3A_151] : memref<321536xf32, #tpu.memory_space<hbm>> -> memref<128xf32, #tpu.memory_space<hbm>>
          tpu.wait_dma2 semaphore(%run_scoped3A : memref<!tpu.dma_semaphore, #tpu.memory_space<semaphore_mem>>) src(%dma_wait3A_165 : memref<128xf32, #tpu.memory_space<hbm>>) dst(%arg23 : memref<128xf32, #tpu.memory_space<vmem>>)
          tpu.yield
        }) : () -> ()
        %dma_start3A = arith.constant 0 : i32
        %dma_start3A_152 = arith.constant 0 : i32
        %dma_start3A_153 = tpu.memref_slice %arg2[%dma_start3A, %dma_start3A_152] : memref<10000x128xf32, #tpu.memory_space<hbm>> -> memref<10000x128xf32, #tpu.memory_space<hbm>>
        tpu.enqueue_indirect_dma source(%dma_start3A_153 : memref<10000x128xf32, #tpu.memory_space<hbm>>) target(%arg24 : memref<128x128xf32, #tpu.memory_space<vmem>>) offsets(%arg22 : memref<128xi32, #tpu.memory_space<vmem>>) semaphore(%arg25 : memref<!tpu.dma_semaphore, #tpu.memory_space<semaphore_mem>>)
        %dma_wait3A = arith.constant 0 : i32
        %dma_wait3A_154 = arith.constant 0 : i32
        %dma_wait3A_155 = tpu.memref_slice %arg2[%dma_wait3A, %dma_wait3A_154] : memref<10000x128xf32, #tpu.memory_space<hbm>> -> memref<10000x128xf32, #tpu.memory_space<hbm>>
        tpu.wait_indirect_dma semaphore(%arg25 : memref<!tpu.dma_semaphore, #tpu.memory_space<semaphore_mem>>) src(%dma_wait3A_155 : memref<10000x128xf32, #tpu.memory_space<hbm>>) dst(%arg24 : memref<128x128xf32, #tpu.memory_space<vmem>>)
        %scan3A_156 = arith.constant 0 : i32
        %scan3A_157 = arith.constant 0 : i32
        %scan3A_158 = arith.constant 128 : i32
        %scan3A_159 = arith.addi %scan3A_157, %scan3A_158 : i32
        %scan3A_160 = arith.constant 1 : i32
        scf.for %scan3A_162 = %scan3A_157 to %scan3A_159 step %scan3A_160  : i32 {
          %broadcast_in_dim3A = vector.broadcast %scan3A_162 : i32 to vector<16xi32>
          %gather3A = tpu.vector_load_idx %arg23[%broadcast_in_dim3A] : memref<128xf32, #tpu.memory_space<vmem>>[vector<16xi32>], vector<16xf32>,
          %get3A = arith.index_cast %scan3A_162 : i32 to index
          %get3A_163 = arith.constant 0 : index
          %get3A_164 = tpu.vector_load %arg24[%get3A, %get3A_163] {strides = array<i32>} : memref<128x128xf32, #tpu.memory_space<vmem>>, vector<16xf32>,
          %mul3A_165 = arith.mulf %get3A_164, %gather3A : vector<16xf32>
          %swap3A = arith.index_cast %scan3A_162 : i32 to index
          %swap3A_166 = arith.constant 0 : index
          %swap3A_167 = tpu.vector_load %arg24[%swap3A, %swap3A_166] {strides = array<i32>} : memref<128x128xf32, #tpu.memory_space<vmem>>, vector<16xf32>,
          tpu.vector_store %arg24[%swap3A, %swap3A_166], %mul3A_165 {strides = array<i32>} : memref<128x128xf32, #tpu.memory_space<vmem>>, vector<16xf32>,
          %get3A_168 = arith.index_cast %scan3A_162 : i32 to index
          %get3A_169 = arith.constant 16 : index
          %get3A_170 = tpu.vector_load %arg24[%get3A_168, %get3A_169] {strides = array<i32>} : memref<128x128xf32, #tpu.memory_space<vmem>>, vector<16xf32>,
          %mul3A_171 = arith.mulf %get3A_170, %gather3A : vector<16xf32>
          %swap3A_172 = arith.index_cast %scan3A_162 : i32 to index
          %swap3A_173 = arith.constant 16 : index
          %swap3A_174 = tpu.vector_load %arg24[%swap3A_172, %swap3A_173] {strides = array<i32>} : memref<128x128xf32, #tpu.memory_space<vmem>>, vector<16xf32>,
          tpu.vector_store %arg24[%swap3A_172, %swap3A_173], %mul3A_171 {strides = array<i32>} : memref<128x128xf32, #tpu.memory_space<vmem>>, vector<16xf32>,
          %get3A_175 = arith.index_cast %scan3A_162 : i32 to index
          %get3A_176 = arith.constant 32 : index
          %get3A_177 = tpu.vector_load %arg24[%get3A_175, %get3A_176] {strides = array<i32>} : memref<128x128xf32, #tpu.memory_space<vmem>>, vector<16xf32>,
          %mul3A_178 = arith.mulf %get3A_177, %gather3A : vector<16xf32>
          %swap3A_179 = arith.index_cast %scan3A_162 : i32 to index
          %swap3A_180 = arith.constant 32 : index
          %swap3A_181 = tpu.vector_load %arg24[%swap3A_179, %swap3A_180] {strides = array<i32>} : memref<128x128xf32, #tpu.memory_space<vmem>>, vector<16xf32>,
          tpu.vector_store %arg24[%swap3A_179, %swap3A_180], %mul3A_178 {strides = array<i32>} : memref<128x128xf32, #tpu.memory_space<vmem>>, vector<16xf32>,
          %get3A_182 = arith.index_cast %scan3A_162 : i32 to index
          %get3A_183 = arith.constant 48 : index
          %get3A_184 = tpu.vector_load %arg24[%get3A_182, %get3A_183] {strides = array<i32>} : memref<128x128xf32, #tpu.memory_space<vmem>>, vector<16xf32>,
          %mul3A_185 = arith.mulf %get3A_184, %gather3A : vector<16xf32>
          %swap3A_186 = arith.index_cast %scan3A_162 : i32 to index
          %swap3A_187 = arith.constant 48 : index
          %swap3A_188 = tpu.vector_load %arg24[%swap3A_186, %swap3A_187] {strides = array<i32>} : memref<128x128xf32, #tpu.memory_space<vmem>>, vector<16xf32>,
          tpu.vector_store %arg24[%swap3A_186, %swap3A_187], %mul3A_185 {strides = array<i32>} : memref<128x128xf32, #tpu.memory_space<vmem>>, vector<16xf32>,
          %get3A_189 = arith.index_cast %scan3A_162 : i32 to index
          %get3A_190 = arith.constant 64 : index
          %get3A_191 = tpu.vector_load %arg24[%get3A_189, %get3A_190] {strides = array<i32>} : memref<128x128xf32, #tpu.memory_space<vmem>>, vector<16xf32>,
          %mul3A_192 = arith.mulf %get3A_191, %gather3A : vector<16xf32>
          %swap3A_193 = arith.index_cast %scan3A_162 : i32 to index
          %swap3A_194 = arith.constant 64 : index
          %swap3A_195 = tpu.vector_load %arg24[%swap3A_193, %swap3A_194] {strides = array<i32>} : memref<128x128xf32, #tpu.memory_space<vmem>>, vector<16xf32>,
          tpu.vector_store %arg24[%swap3A_193, %swap3A_194], %mul3A_192 {strides = array<i32>} : memref<128x128xf32, #tpu.memory_space<vmem>>, vector<16xf32>,
          %get3A_196 = arith.index_cast %scan3A_162 : i32 to index
          %get3A_197 = arith.constant 80 : index
          %get3A_198 = tpu.vector_load %arg24[%get3A_196, %get3A_197] {strides = array<i32>} : memref<128x128xf32, #tpu.memory_space<vmem>>, vector<16xf32>,
          %mul3A_199 = arith.mulf %get3A_198, %gather3A : vector<16xf32>
          %swap3A_200 = arith.index_cast %scan3A_162 : i32 to index
          %swap3A_201 = arith.constant 80 : index
          %swap3A_202 = tpu.vector_load %arg24[%swap3A_200, %swap3A_201] {strides = array<i32>} : memref<128x128xf32, #tpu.memory_space<vmem>>, vector<16xf32>,
          tpu.vector_store %arg24[%swap3A_200, %swap3A_201], %mul3A_199 {strides = array<i32>} : memref<128x128xf32, #tpu.memory_space<vmem>>, vector<16xf32>,
          %get3A_203 = arith.index_cast %scan3A_162 : i32 to index
          %get3A_204 = arith.constant 96 : index
          %get3A_205 = tpu.vector_load %arg24[%get3A_203, %get3A_204] {strides = array<i32>} : memref<128x128xf32, #tpu.memory_space<vmem>>, vector<16xf32>,
          %mul3A_206 = arith.mulf %get3A_205, %gather3A : vector<16xf32>
          %swap3A_207 = arith.index_cast %scan3A_162 : i32 to index
          %swap3A_208 = arith.constant 96 : index
          %swap3A_209 = tpu.vector_load %arg24[%swap3A_207, %swap3A_208] {strides = array<i32>} : memref<128x128xf32, #tpu.memory_space<vmem>>, vector<16xf32>,
          tpu.vector_store %arg24[%swap3A_207, %swap3A_208], %mul3A_206 {strides = array<i32>} : memref<128x128xf32, #tpu.memory_space<vmem>>, vector<16xf32>,
          %get3A_210 = arith.index_cast %scan3A_162 : i32 to index
          %get3A_211 = arith.constant 112 : index
          %get3A_212 = tpu.vector_load %arg24[%get3A_210, %get3A_211] {strides = array<i32>} : memref<128x128xf32, #tpu.memory_space<vmem>>, vector<16xf32>,
          %mul3A_213 = arith.mulf %get3A_212, %gather3A : vector<16xf32>
          %swap3A_214 = arith.index_cast %scan3A_162 : i32 to index
          %swap3A_215 = arith.constant 112 : index
          %swap3A_216 = tpu.vector_load %arg24[%swap3A_214, %swap3A_215] {strides = array<i32>} : memref<128x128xf32, #tpu.memory_space<vmem>>, vector<16xf32>,
          tpu.vector_store %arg24[%swap3A_214, %swap3A_215], %mul3A_213 {strides = array<i32>} : memref<128x128xf32, #tpu.memory_space<vmem>>, vector<16xf32>,
        }
        %scan3A_161 = arith.constant 128 : i32
        "tpu.region"() ({
          %run_scoped3A = tpu.sem_alloc : memref<!tpu.dma_semaphore, #tpu.memory_space<semaphore_mem>>
          %dma_start3A_162 = arith.constant 0 : i32
          %dma_start3A_163 = arith.constant 0 : i32
          %dma_start3A_164 = tpu.memref_slice %arg20[%dma_start3A_162, %dma_start3A_163] : memref<10112x128xf32, #tpu.memory_space<vmem_shared>> -> memref<10112x128xf32, #tpu.memory_space<vmem_shared>>
          tpu.enqueue_indirect_dma source(%arg24 : memref<128x128xf32, #tpu.memory_space<vmem>>) target(%dma_start3A_164 : memref<10112x128xf32, #tpu.memory_space<vmem_shared>>) offsets(%arg21 : memref<128xi32, #tpu.memory_space<vmem>>) semaphore(%run_scoped3A : memref<!tpu.dma_semaphore, #tpu.memory_space<semaphore_mem>>) {add = true}
          %dma_wait3A_165 = arith.constant 0 : i32
          %dma_wait3A_166 = arith.constant 0 : i32
          %dma_wait3A_167 = tpu.memref_slice %arg20[%dma_wait3A_165, %dma_wait3A_166] : memref<10112x128xf32, #tpu.memory_space<vmem_shared>> -> memref<10112x128xf32, #tpu.memory_space<vmem_shared>>
          tpu.wait_indirect_dma semaphore(%run_scoped3A : memref<!tpu.dma_semaphore, #tpu.memory_space<semaphore_mem>>) src(%arg24 : memref<128x128xf32, #tpu.memory_space<vmem>>) dst(%dma_wait3A_167 : memref<10112x128xf32, #tpu.memory_space<vmem_shared>>)
          tpu.yield
        }) : () -> ()
      }
      %scan3A_51 = arith.constant 157 : i32
      %barrier3A_52 = arith.constant 0 : index
      tpu.barrier barrier_id(%barrier3A_52)
      %add3A_53 = arith.constant 0 : i32
      %add3A_54 = arith.addi %arg1, %add3A_53 : i32
      %lt3A_55 = arith.constant 79 : i32
      %lt3A_56 = arith.cmpi slt, %add3A_54, %lt3A_55 : i32
      %convert_element_type3A_57 = arith.extui %lt3A_56 : i1 to i32
      %cond3A_58 = arith.constant 0 : i32
      %cond3A_59 = arith.cmpi ne, %convert_element_type3A_57, %cond3A_58 : i32
      scf.if %cond3A_59 {
        %mul3A_148 = arith.constant 128 : i32
        %mul3A_149 = arith.muli %add3A_54, %mul3A_148 : i32
        %mul3A_150 = arith.constant 128 : i32
        %mul3A_151 = arith.muli %add3A_54, %mul3A_150 : i32
        "tpu.region"() ({
          %run_scoped3A = tpu.sem_alloc : memref<!tpu.dma_semaphore, #tpu.memory_space<semaphore_mem>>
          %dma_start3A = arith.constant 0 : i32
          %dma_start3A_152 = tpu.memref_slice %arg16[%mul3A_151, %dma_start3A] : memref<10112x128xf32, #tpu.memory_space<hbm>> -> memref<128x128xf32, #tpu.memory_space<hbm>>
          %dma_start3A_153 = arith.constant 0 : i32
          %dma_start3A_154 = tpu.memref_slice %arg20[%mul3A_149, %dma_start3A_153] : memref<10112x128xf32, #tpu.memory_space<vmem_shared>> -> memref<128x128xf32, #tpu.memory_space<vmem_shared>>
          tpu.enqueue_dma source(%dma_start3A_154 : memref<128x128xf32, #tpu.memory_space<vmem_shared>>) target(%dma_start3A_152 : memref<128x128xf32, #tpu.memory_space<hbm>>) target_semaphore(%run_scoped3A : memref<!tpu.dma_semaphore, #tpu.memory_space<semaphore_mem>>)
          %dma_wait3A = arith.constant 0 : i32
          %dma_wait3A_155 = tpu.memref_slice %arg16[%mul3A_151, %dma_wait3A] : memref<10112x128xf32, #tpu.memory_space<hbm>> -> memref<128x128xf32, #tpu.memory_space<hbm>>
          %dma_wait3A_156 = arith.constant 0 : i32
          %dma_wait3A_157 = tpu.memref_slice %arg20[%mul3A_149, %dma_wait3A_156] : memref<10112x128xf32, #tpu.memory_space<vmem_shared>> -> memref<128x128xf32, #tpu.memory_space<vmem_shared>>
          tpu.wait_dma2 semaphore(%run_scoped3A : memref<!tpu.dma_semaphore, #tpu.memory_space<semaphore_mem>>) src(%dma_wait3A_157 : memref<128x128xf32, #tpu.memory_space<vmem_shared>>) dst(%dma_wait3A_155 : memref<128x128xf32, #tpu.memory_space<hbm>>)
          tpu.yield
        }) : () -> ()
      } else {
      }
      %add3A_60 = arith.constant 16 : i32
      %add3A_61 = arith.addi %arg1, %add3A_60 : i32
      %lt3A_62 = arith.constant 79 : i32
      %lt3A_63 = arith.cmpi slt, %add3A_61, %lt3A_62 : i32
      %convert_element_type3A_64 = arith.extui %lt3A_63 : i1 to i32
      %cond3A_65 = arith.constant 0 : i32
      %cond3A_66 = arith.cmpi ne, %convert_element_type3A_64, %cond3A_65 : i32
      scf.if %cond3A_66 {
        %mul3A_148 = arith.constant 128 : i32
        %mul3A_149 = arith.muli %add3A_61, %mul3A_148 : i32
        %mul3A_150 = arith.constant 128 : i32
        %mul3A_151 = arith.muli %add3A_61, %mul3A_150 : i32
        "tpu.region"() ({
          %run_scoped3A = tpu.sem_alloc : memref<!tpu.dma_semaphore, #tpu.memory_space<semaphore_mem>>
          %dma_start3A = arith.constant 0 : i32
          %dma_start3A_152 = tpu.memref_slice %arg16[%mul3A_151, %dma_start3A] : memref<10112x128xf32, #tpu.memory_space<hbm>> -> memref<128x128xf32, #tpu.memory_space<hbm>>
          %dma_start3A_153 = arith.constant 0 : i32
          %dma_start3A_154 = tpu.memref_slice %arg20[%mul3A_149, %dma_start3A_153] : memref<10112x128xf32, #tpu.memory_space<vmem_shared>> -> memref<128x128xf32, #tpu.memory_space<vmem_shared>>
          tpu.enqueue_dma source(%dma_start3A_154 : memref<128x128xf32, #tpu.memory_space<vmem_shared>>) target(%dma_start3A_152 : memref<128x128xf32, #tpu.memory_space<hbm>>) target_semaphore(%run_scoped3A : memref<!tpu.dma_semaphore, #tpu.memory_space<semaphore_mem>>)
          %dma_wait3A = arith.constant 0 : i32
          %dma_wait3A_155 = tpu.memref_slice %arg16[%mul3A_151, %dma_wait3A] : memref<10112x128xf32, #tpu.memory_space<hbm>> -> memref<128x128xf32, #tpu.memory_space<hbm>>
          %dma_wait3A_156 = arith.constant 0 : i32
          %dma_wait3A_157 = tpu.memref_slice %arg20[%mul3A_149, %dma_wait3A_156] : memref<10112x128xf32, #tpu.memory_space<vmem_shared>> -> memref<128x128xf32, #tpu.memory_space<vmem_shared>>
          tpu.wait_dma2 semaphore(%run_scoped3A : memref<!tpu.dma_semaphore, #tpu.memory_space<semaphore_mem>>) src(%dma_wait3A_157 : memref<128x128xf32, #tpu.memory_space<vmem_shared>>) dst(%dma_wait3A_155 : memref<128x128xf32, #tpu.memory_space<hbm>>)
          tpu.yield
        }) : () -> ()
      } else {
      }
      %add3A_67 = arith.constant 32 : i32
      %add3A_68 = arith.addi %arg1, %add3A_67 : i32
      %lt3A_69 = arith.constant 79 : i32
      %lt3A_70 = arith.cmpi slt, %add3A_68, %lt3A_69 : i32
      %convert_element_type3A_71 = arith.extui %lt3A_70 : i1 to i32
      %cond3A_72 = arith.constant 0 : i32
      %cond3A_73 = arith.cmpi ne, %convert_element_type3A_71, %cond3A_72 : i32
      scf.if %cond3A_73 {
        %mul3A_148 = arith.constant 128 : i32
        %mul3A_149 = arith.muli %add3A_68, %mul3A_148 : i32
        %mul3A_150 = arith.constant 128 : i32
        %mul3A_151 = arith.muli %add3A_68, %mul3A_150 : i32
        "tpu.region"() ({
          %run_scoped3A = tpu.sem_alloc : memref<!tpu.dma_semaphore, #tpu.memory_space<semaphore_mem>>
          %dma_start3A = arith.constant 0 : i32
          %dma_start3A_152 = tpu.memref_slice %arg16[%mul3A_151, %dma_start3A] : memref<10112x128xf32, #tpu.memory_space<hbm>> -> memref<128x128xf32, #tpu.memory_space<hbm>>
          %dma_start3A_153 = arith.constant 0 : i32
          %dma_start3A_154 = tpu.memref_slice %arg20[%mul3A_149, %dma_start3A_153] : memref<10112x128xf32, #tpu.memory_space<vmem_shared>> -> memref<128x128xf32, #tpu.memory_space<vmem_shared>>
          tpu.enqueue_dma source(%dma_start3A_154 : memref<128x128xf32, #tpu.memory_space<vmem_shared>>) target(%dma_start3A_152 : memref<128x128xf32, #tpu.memory_space<hbm>>) target_semaphore(%run_scoped3A : memref<!tpu.dma_semaphore, #tpu.memory_space<semaphore_mem>>)
          %dma_wait3A = arith.constant 0 : i32
          %dma_wait3A_155 = tpu.memref_slice %arg16[%mul3A_151, %dma_wait3A] : memref<10112x128xf32, #tpu.memory_space<hbm>> -> memref<128x128xf32, #tpu.memory_space<hbm>>
          %dma_wait3A_156 = arith.constant 0 : i32
          %dma_wait3A_157 = tpu.memref_slice %arg20[%mul3A_149, %dma_wait3A_156] : memref<10112x128xf32, #tpu.memory_space<vmem_shared>> -> memref<128x128xf32, #tpu.memory_space<vmem_shared>>
          tpu.wait_dma2 semaphore(%run_scoped3A : memref<!tpu.dma_semaphore, #tpu.memory_space<semaphore_mem>>) src(%dma_wait3A_157 : memref<128x128xf32, #tpu.memory_space<vmem_shared>>) dst(%dma_wait3A_155 : memref<128x128xf32, #tpu.memory_space<hbm>>)
          tpu.yield
        }) : () -> ()
      } else {
      }
      %add3A_74 = arith.constant 48 : i32
      %add3A_75 = arith.addi %arg1, %add3A_74 : i32
      %lt3A_76 = arith.constant 79 : i32
      %lt3A_77 = arith.cmpi slt, %add3A_75, %lt3A_76 : i32
      %convert_element_type3A_78 = arith.extui %lt3A_77 : i1 to i32
      %cond3A_79 = arith.constant 0 : i32
      %cond3A_80 = arith.cmpi ne, %convert_element_type3A_78, %cond3A_79 : i32
      scf.if %cond3A_80 {
        %mul3A_148 = arith.constant 128 : i32
        %mul3A_149 = arith.muli %add3A_75, %mul3A_148 : i32
        %mul3A_150 = arith.constant 128 : i32
        %mul3A_151 = arith.muli %add3A_75, %mul3A_150 : i32
        "tpu.region"() ({
          %run_scoped3A = tpu.sem_alloc : memref<!tpu.dma_semaphore, #tpu.memory_space<semaphore_mem>>
          %dma_start3A = arith.constant 0 : i32
          %dma_start3A_152 = tpu.memref_slice %arg16[%mul3A_151, %dma_start3A] : memref<10112x128xf32, #tpu.memory_space<hbm>> -> memref<128x128xf32, #tpu.memory_space<hbm>>
          %dma_start3A_153 = arith.constant 0 : i32
          %dma_start3A_154 = tpu.memref_slice %arg20[%mul3A_149, %dma_start3A_153] : memref<10112x128xf32, #tpu.memory_space<vmem_shared>> -> memref<128x128xf32, #tpu.memory_space<vmem_shared>>
          tpu.enqueue_dma source(%dma_start3A_154 : memref<128x128xf32, #tpu.memory_space<vmem_shared>>) target(%dma_start3A_152 : memref<128x128xf32, #tpu.memory_space<hbm>>) target_semaphore(%run_scoped3A : memref<!tpu.dma_semaphore, #tpu.memory_space<semaphore_mem>>)
          %dma_wait3A = arith.constant 0 : i32
          %dma_wait3A_155 = tpu.memref_slice %arg16[%mul3A_151, %dma_wait3A] : memref<10112x128xf32, #tpu.memory_space<hbm>> -> memref<128x128xf32, #tpu.memory_space<hbm>>
          %dma_wait3A_156 = arith.constant 0 : i32
          %dma_wait3A_157 = tpu.memref_slice %arg20[%mul3A_149, %dma_wait3A_156] : memref<10112x128xf32, #tpu.memory_space<vmem_shared>> -> memref<128x128xf32, #tpu.memory_space<vmem_shared>>
          tpu.wait_dma2 semaphore(%run_scoped3A : memref<!tpu.dma_semaphore, #tpu.memory_space<semaphore_mem>>) src(%dma_wait3A_157 : memref<128x128xf32, #tpu.memory_space<vmem_shared>>) dst(%dma_wait3A_155 : memref<128x128xf32, #tpu.memory_space<hbm>>)
          tpu.yield
        }) : () -> ()
      } else {
      }
      %add3A_81 = arith.constant 64 : i32
      %add3A_82 = arith.addi %arg1, %add3A_81 : i32
      %lt3A_83 = arith.constant 79 : i32
      %lt3A_84 = arith.cmpi slt, %add3A_82, %lt3A_83 : i32
      %convert_element_type3A_85 = arith.extui %lt3A_84 : i1 to i32
      %cond3A_86 = arith.constant 0 : i32
      %cond3A_87 = arith.cmpi ne, %convert_element_type3A_85, %cond3A_86 : i32
      scf.if %cond3A_87 {
        %mul3A_148 = arith.constant 128 : i32
        %mul3A_149 = arith.muli %add3A_82, %mul3A_148 : i32
        %mul3A_150 = arith.constant 128 : i32
        %mul3A_151 = arith.muli %add3A_82, %mul3A_150 : i32
        "tpu.region"() ({
          %run_scoped3A = tpu.sem_alloc : memref<!tpu.dma_semaphore, #tpu.memory_space<semaphore_mem>>
          %dma_start3A = arith.constant 0 : i32
          %dma_start3A_152 = tpu.memref_slice %arg16[%mul3A_151, %dma_start3A] : memref<10112x128xf32, #tpu.memory_space<hbm>> -> memref<128x128xf32, #tpu.memory_space<hbm>>
          %dma_start3A_153 = arith.constant 0 : i32
          %dma_start3A_154 = tpu.memref_slice %arg20[%mul3A_149, %dma_start3A_153] : memref<10112x128xf32, #tpu.memory_space<vmem_shared>> -> memref<128x128xf32, #tpu.memory_space<vmem_shared>>
          tpu.enqueue_dma source(%dma_start3A_154 : memref<128x128xf32, #tpu.memory_space<vmem_shared>>) target(%dma_start3A_152 : memref<128x128xf32, #tpu.memory_space<hbm>>) target_semaphore(%run_scoped3A : memref<!tpu.dma_semaphore, #tpu.memory_space<semaphore_mem>>)
          %dma_wait3A = arith.constant 0 : i32
          %dma_wait3A_155 = tpu.memref_slice %arg16[%mul3A_151, %dma_wait3A] : memref<10112x128xf32, #tpu.memory_space<hbm>> -> memref<128x128xf32, #tpu.memory_space<hbm>>
          %dma_wait3A_156 = arith.constant 0 : i32
          %dma_wait3A_157 = tpu.memref_slice %arg20[%mul3A_149, %dma_wait3A_156] : memref<10112x128xf32, #tpu.memory_space<vmem_shared>> -> memref<128x128xf32, #tpu.memory_space<vmem_shared>>
          tpu.wait_dma2 semaphore(%run_scoped3A : memref<!tpu.dma_semaphore, #tpu.memory_space<semaphore_mem>>) src(%dma_wait3A_157 : memref<128x128xf32, #tpu.memory_space<vmem_shared>>) dst(%dma_wait3A_155 : memref<128x128xf32, #tpu.memory_space<hbm>>)
          tpu.yield
        }) : () -> ()
      } else {
      }
      %barrier3A_88 = arith.constant 0 : index
      tpu.barrier barrier_id(%barrier3A_88)
      %scan3A_89 = arith.constant 0 : i32
      %scan3A_90 = arith.constant 0 : i32
      %scan3A_91 = arith.constant 128 : i32
      %scan3A_92 = arith.addi %scan3A_90, %scan3A_91 : i32
      %scan3A_93 = arith.constant 1 : i32
      scf.for %scan3A_148 = %scan3A_90 to %scan3A_92 step %scan3A_93  : i32 {
        %broadcast_in_dim3A = arith.constant 0.000000e+00 : f32
        %broadcast_in_dim3A_149 = vector.broadcast %broadcast_in_dim3A : f32 to vector<16xf32>
        %swap3A = arith.index_cast %scan3A_148 : i32 to index
        %swap3A_150 = arith.constant 0 : index
        %swap3A_151 = tpu.vector_load %arg24[%swap3A, %swap3A_150] {strides = array<i32>} : memref<128x128xf32, #tpu.memory_space<vmem>>, vector<16xf32>,
        tpu.vector_store %arg24[%swap3A, %swap3A_150], %broadcast_in_dim3A_149 {strides = array<i32>} : memref<128x128xf32, #tpu.memory_space<vmem>>, vector<16xf32>,
        %broadcast_in_dim3A_152 = arith.constant 0.000000e+00 : f32
        %broadcast_in_dim3A_153 = vector.broadcast %broadcast_in_dim3A_152 : f32 to vector<16xf32>
        %swap3A_154 = arith.index_cast %scan3A_148 : i32 to index
        %swap3A_155 = arith.constant 16 : index
        %swap3A_156 = tpu.vector_load %arg24[%swap3A_154, %swap3A_155] {strides = array<i32>} : memref<128x128xf32, #tpu.memory_space<vmem>>, vector<16xf32>,
        tpu.vector_store %arg24[%swap3A_154, %swap3A_155], %broadcast_in_dim3A_153 {strides = array<i32>} : memref<128x128xf32, #tpu.memory_space<vmem>>, vector<16xf32>,
        %broadcast_in_dim3A_157 = arith.constant 0.000000e+00 : f32
        %broadcast_in_dim3A_158 = vector.broadcast %broadcast_in_dim3A_157 : f32 to vector<16xf32>
        %swap3A_159 = arith.index_cast %scan3A_148 : i32 to index
        %swap3A_160 = arith.constant 32 : index
        %swap3A_161 = tpu.vector_load %arg24[%swap3A_159, %swap3A_160] {strides = array<i32>} : memref<128x128xf32, #tpu.memory_space<vmem>>, vector<16xf32>,
        tpu.vector_store %arg24[%swap3A_159, %swap3A_160], %broadcast_in_dim3A_158 {strides = array<i32>} : memref<128x128xf32, #tpu.memory_space<vmem>>, vector<16xf32>,
        %broadcast_in_dim3A_162 = arith.constant 0.000000e+00 : f32
        %broadcast_in_dim3A_163 = vector.broadcast %broadcast_in_dim3A_162 : f32 to vector<16xf32>
        %swap3A_164 = arith.index_cast %scan3A_148 : i32 to index
        %swap3A_165 = arith.constant 48 : index
        %swap3A_166 = tpu.vector_load %arg24[%swap3A_164, %swap3A_165] {strides = array<i32>} : memref<128x128xf32, #tpu.memory_space<vmem>>, vector<16xf32>,
        tpu.vector_store %arg24[%swap3A_164, %swap3A_165], %broadcast_in_dim3A_163 {strides = array<i32>} : memref<128x128xf32, #tpu.memory_space<vmem>>, vector<16xf32>,
        %broadcast_in_dim3A_167 = arith.constant 0.000000e+00 : f32
        %broadcast_in_dim3A_168 = vector.broadcast %broadcast_in_dim3A_167 : f32 to vector<16xf32>
        %swap3A_169 = arith.index_cast %scan3A_148 : i32 to index
        %swap3A_170 = arith.constant 64 : index
        %swap3A_171 = tpu.vector_load %arg24[%swap3A_169, %swap3A_170] {strides = array<i32>} : memref<128x128xf32, #tpu.memory_space<vmem>>, vector<16xf32>,
        tpu.vector_store %arg24[%swap3A_169, %swap3A_170], %broadcast_in_dim3A_168 {strides = array<i32>} : memref<128x128xf32, #tpu.memory_space<vmem>>, vector<16xf32>,
        %broadcast_in_dim3A_172 = arith.constant 0.000000e+00 : f32
        %broadcast_in_dim3A_173 = vector.broadcast %broadcast_in_dim3A_172 : f32 to vector<16xf32>
        %swap3A_174 = arith.index_cast %scan3A_148 : i32 to index
        %swap3A_175 = arith.constant 80 : index
        %swap3A_176 = tpu.vector_load %arg24[%swap3A_174, %swap3A_175] {strides = array<i32>} : memref<128x128xf32, #tpu.memory_space<vmem>>, vector<16xf32>,
        tpu.vector_store %arg24[%swap3A_174, %swap3A_175], %broadcast_in_dim3A_173 {strides = array<i32>} : memref<128x128xf32, #tpu.memory_space<vmem>>, vector<16xf32>,
        %broadcast_in_dim3A_177 = arith.constant 0.000000e+00 : f32
        %broadcast_in_dim3A_178 = vector.broadcast %broadcast_in_dim3A_177 : f32 to vector<16xf32>
        %swap3A_179 = arith.index_cast %scan3A_148 : i32 to index
        %swap3A_180 = arith.constant 96 : index
        %swap3A_181 = tpu.vector_load %arg24[%swap3A_179, %swap3A_180] {strides = array<i32>} : memref<128x128xf32, #tpu.memory_space<vmem>>, vector<16xf32>,
        tpu.vector_store %arg24[%swap3A_179, %swap3A_180], %broadcast_in_dim3A_178 {strides = array<i32>} : memref<128x128xf32, #tpu.memory_space<vmem>>, vector<16xf32>,
        %broadcast_in_dim3A_182 = arith.constant 0.000000e+00 : f32
        %broadcast_in_dim3A_183 = vector.broadcast %broadcast_in_dim3A_182 : f32 to vector<16xf32>
        %swap3A_184 = arith.index_cast %scan3A_148 : i32 to index
        %swap3A_185 = arith.constant 112 : index
        %swap3A_186 = tpu.vector_load %arg24[%swap3A_184, %swap3A_185] {strides = array<i32>} : memref<128x128xf32, #tpu.memory_space<vmem>>, vector<16xf32>,
        tpu.vector_store %arg24[%swap3A_184, %swap3A_185], %broadcast_in_dim3A_183 {strides = array<i32>} : memref<128x128xf32, #tpu.memory_space<vmem>>, vector<16xf32>,
      }
      %scan3A_94 = arith.constant 128 : i32
      %add3A_95 = arith.constant 0 : i32
      %add3A_96 = arith.addi %arg1, %add3A_95 : i32
      %lt3A_97 = arith.constant 40 : i32
      %lt3A_98 = arith.cmpi slt, %add3A_96, %lt3A_97 : i32
      %convert_element_type3A_99 = arith.extui %lt3A_98 : i1 to i32
      %cond3A_100 = arith.constant 0 : i32
      %cond3A_101 = arith.cmpi ne, %convert_element_type3A_99, %cond3A_100 : i32
      scf.if %cond3A_101 {
        %mul3A_148 = arith.constant 128 : i32
        %mul3A_149 = arith.muli %add3A_96, %mul3A_148 : i32
        "tpu.region"() ({
          %run_scoped3A = tpu.sem_alloc : memref<!tpu.dma_semaphore, #tpu.memory_space<semaphore_mem>>
          %dma_start3A = arith.constant 0 : i32
          %dma_start3A_150 = tpu.memref_slice %arg20[%mul3A_149, %dma_start3A] : memref<10112x128xf32, #tpu.memory_space<vmem_shared>> -> memref<128x128xf32, #tpu.memory_space<vmem_shared>>
          %dma_start3A_151 = arith.constant 0 : i32
          %dma_start3A_152 = tpu.memref_slice %arg20[%mul3A_149, %dma_start3A_151] : memref<10112x128xf32, #tpu.memory_space<vmem_shared>> -> memref<128x128xf32, #tpu.memory_space<vmem_shared>>
          tpu.enqueue_dma source(%arg24 : memref<128x128xf32, #tpu.memory_space<vmem>>) target(%dma_start3A_152 : memref<128x128xf32, #tpu.memory_space<vmem_shared>>) target_semaphore(%run_scoped3A : memref<!tpu.dma_semaphore, #tpu.memory_space<semaphore_mem>>)
          %dma_wait3A = arith.constant 0 : i32
          %dma_wait3A_153 = tpu.memref_slice %arg20[%mul3A_149, %dma_wait3A] : memref<10112x128xf32, #tpu.memory_space<vmem_shared>> -> memref<128x128xf32, #tpu.memory_space<vmem_shared>>
          %dma_wait3A_154 = arith.constant 0 : i32
          %dma_wait3A_155 = tpu.memref_slice %arg20[%mul3A_149, %dma_wait3A_154] : memref<10112x128xf32, #tpu.memory_space<vmem_shared>> -> memref<128x128xf32, #tpu.memory_space<vmem_shared>>
          tpu.wait_dma2 semaphore(%run_scoped3A : memref<!tpu.dma_semaphore, #tpu.memory_space<semaphore_mem>>) src(%arg24 : memref<128x128xf32, #tpu.memory_space<vmem>>) dst(%dma_wait3A_155 : memref<128x128xf32, #tpu.memory_space<vmem_shared>>)
          tpu.yield
        }) : () -> ()
      } else {
      }
      %add3A_102 = arith.constant 16 : i32
      %add3A_103 = arith.addi %arg1, %add3A_102 : i32
      %lt3A_104 = arith.constant 40 : i32
      %lt3A_105 = arith.cmpi slt, %add3A_103, %lt3A_104 : i32
      %convert_element_type3A_106 = arith.extui %lt3A_105 : i1 to i32
      %cond3A_107 = arith.constant 0 : i32
      %cond3A_108 = arith.cmpi ne, %convert_element_type3A_106, %cond3A_107 : i32
      scf.if %cond3A_108 {
        %mul3A_148 = arith.constant 128 : i32
        %mul3A_149 = arith.muli %add3A_103, %mul3A_148 : i32
        "tpu.region"() ({
          %run_scoped3A = tpu.sem_alloc : memref<!tpu.dma_semaphore, #tpu.memory_space<semaphore_mem>>
          %dma_start3A = arith.constant 0 : i32
          %dma_start3A_150 = tpu.memref_slice %arg20[%mul3A_149, %dma_start3A] : memref<10112x128xf32, #tpu.memory_space<vmem_shared>> -> memref<128x128xf32, #tpu.memory_space<vmem_shared>>
          %dma_start3A_151 = arith.constant 0 : i32
          %dma_start3A_152 = tpu.memref_slice %arg20[%mul3A_149, %dma_start3A_151] : memref<10112x128xf32, #tpu.memory_space<vmem_shared>> -> memref<128x128xf32, #tpu.memory_space<vmem_shared>>
          tpu.enqueue_dma source(%arg24 : memref<128x128xf32, #tpu.memory_space<vmem>>) target(%dma_start3A_152 : memref<128x128xf32, #tpu.memory_space<vmem_shared>>) target_semaphore(%run_scoped3A : memref<!tpu.dma_semaphore, #tpu.memory_space<semaphore_mem>>)
          %dma_wait3A = arith.constant 0 : i32
          %dma_wait3A_153 = tpu.memref_slice %arg20[%mul3A_149, %dma_wait3A] : memref<10112x128xf32, #tpu.memory_space<vmem_shared>> -> memref<128x128xf32, #tpu.memory_space<vmem_shared>>
          %dma_wait3A_154 = arith.constant 0 : i32
          %dma_wait3A_155 = tpu.memref_slice %arg20[%mul3A_149, %dma_wait3A_154] : memref<10112x128xf32, #tpu.memory_space<vmem_shared>> -> memref<128x128xf32, #tpu.memory_space<vmem_shared>>
          tpu.wait_dma2 semaphore(%run_scoped3A : memref<!tpu.dma_semaphore, #tpu.memory_space<semaphore_mem>>) src(%arg24 : memref<128x128xf32, #tpu.memory_space<vmem>>) dst(%dma_wait3A_155 : memref<128x128xf32, #tpu.memory_space<vmem_shared>>)
          tpu.yield
        }) : () -> ()
      } else {
      }
      %add3A_109 = arith.constant 32 : i32
      %add3A_110 = arith.addi %arg1, %add3A_109 : i32
      %lt3A_111 = arith.constant 40 : i32
      %lt3A_112 = arith.cmpi slt, %add3A_110, %lt3A_111 : i32
      %convert_element_type3A_113 = arith.extui %lt3A_112 : i1 to i32
      %cond3A_114 = arith.constant 0 : i32
      %cond3A_115 = arith.cmpi ne, %convert_element_type3A_113, %cond3A_114 : i32
      scf.if %cond3A_115 {
        %mul3A_148 = arith.constant 128 : i32
        %mul3A_149 = arith.muli %add3A_110, %mul3A_148 : i32
        "tpu.region"() ({
          %run_scoped3A = tpu.sem_alloc : memref<!tpu.dma_semaphore, #tpu.memory_space<semaphore_mem>>
          %dma_start3A = arith.constant 0 : i32
          %dma_start3A_150 = tpu.memref_slice %arg20[%mul3A_149, %dma_start3A] : memref<10112x128xf32, #tpu.memory_space<vmem_shared>> -> memref<128x128xf32, #tpu.memory_space<vmem_shared>>
          %dma_start3A_151 = arith.constant 0 : i32
          %dma_start3A_152 = tpu.memref_slice %arg20[%mul3A_149, %dma_start3A_151] : memref<10112x128xf32, #tpu.memory_space<vmem_shared>> -> memref<128x128xf32, #tpu.memory_space<vmem_shared>>
          tpu.enqueue_dma source(%arg24 : memref<128x128xf32, #tpu.memory_space<vmem>>) target(%dma_start3A_152 : memref<128x128xf32, #tpu.memory_space<vmem_shared>>) target_semaphore(%run_scoped3A : memref<!tpu.dma_semaphore, #tpu.memory_space<semaphore_mem>>)
          %dma_wait3A = arith.constant 0 : i32
          %dma_wait3A_153 = tpu.memref_slice %arg20[%mul3A_149, %dma_wait3A] : memref<10112x128xf32, #tpu.memory_space<vmem_shared>> -> memref<128x128xf32, #tpu.memory_space<vmem_shared>>
          %dma_wait3A_154 = arith.constant 0 : i32
          %dma_wait3A_155 = tpu.memref_slice %arg20[%mul3A_149, %dma_wait3A_154] : memref<10112x128xf32, #tpu.memory_space<vmem_shared>> -> memref<128x128xf32, #tpu.memory_space<vmem_shared>>
          tpu.wait_dma2 semaphore(%run_scoped3A : memref<!tpu.dma_semaphore, #tpu.memory_space<semaphore_mem>>) src(%arg24 : memref<128x128xf32, #tpu.memory_space<vmem>>) dst(%dma_wait3A_155 : memref<128x128xf32, #tpu.memory_space<vmem_shared>>)
          tpu.yield
        }) : () -> ()
      } else {
      }
      %barrier3A_116 = arith.constant 0 : index
      tpu.barrier barrier_id(%barrier3A_116)
      %mul3A_117 = arith.constant 10112 : i32
      %mul3A_118 = arith.muli %arg1, %mul3A_117 : i32
      %scan3A_119 = arith.constant 0 : i32
      %scan3A_120 = arith.constant 0 : i32
      %scan3A_121 = arith.constant 79 : i32
      %scan3A_122 = arith.addi %scan3A_120, %scan3A_121 : i32
      %scan3A_123 = arith.constant 1 : i32
      scf.for %scan3A_148 = %scan3A_120 to %scan3A_122 step %scan3A_123  : i32 {
        %mul3A_149 = arith.constant 128 : i32
        %mul3A_150 = arith.muli %scan3A_148, %mul3A_149 : i32
        %add3A_151 = arith.addi %mul3A_118, %mul3A_150 : i32
        "tpu.region"() ({
          %run_scoped3A = tpu.sem_alloc : memref<!tpu.dma_semaphore, #tpu.memory_space<semaphore_mem>>
          %dma_start3A_162 = tpu.memref_slice %arg13[%add3A_151] : memref<161792xi32, #tpu.memory_space<hbm>> -> memref<128xi32, #tpu.memory_space<hbm>>
          %dma_start3A_163 = tpu.memref_slice %arg13[%add3A_151] : memref<161792xi32, #tpu.memory_space<hbm>> -> memref<128xi32, #tpu.memory_space<hbm>>
          tpu.enqueue_dma source(%dma_start3A_163 : memref<128xi32, #tpu.memory_space<hbm>>) target(%arg21 : memref<128xi32, #tpu.memory_space<vmem>>) target_semaphore(%run_scoped3A : memref<!tpu.dma_semaphore, #tpu.memory_space<semaphore_mem>>)
          %dma_wait3A_164 = tpu.memref_slice %arg13[%add3A_151] : memref<161792xi32, #tpu.memory_space<hbm>> -> memref<128xi32, #tpu.memory_space<hbm>>
          %dma_wait3A_165 = tpu.memref_slice %arg13[%add3A_151] : memref<161792xi32, #tpu.memory_space<hbm>> -> memref<128xi32, #tpu.memory_space<hbm>>
          tpu.wait_dma2 semaphore(%run_scoped3A : memref<!tpu.dma_semaphore, #tpu.memory_space<semaphore_mem>>) src(%dma_wait3A_165 : memref<128xi32, #tpu.memory_space<hbm>>) dst(%arg21 : memref<128xi32, #tpu.memory_space<vmem>>)
          tpu.yield
        }) : () -> ()
        "tpu.region"() ({
          %run_scoped3A = tpu.sem_alloc : memref<!tpu.dma_semaphore, #tpu.memory_space<semaphore_mem>>
          %dma_start3A_162 = tpu.memref_slice %arg14[%add3A_151] : memref<161792xi32, #tpu.memory_space<hbm>> -> memref<128xi32, #tpu.memory_space<hbm>>
          %dma_start3A_163 = tpu.memref_slice %arg14[%add3A_151] : memref<161792xi32, #tpu.memory_space<hbm>> -> memref<128xi32, #tpu.memory_space<hbm>>
          tpu.enqueue_dma source(%dma_start3A_163 : memref<128xi32, #tpu.memory_space<hbm>>) target(%arg22 : memref<128xi32, #tpu.memory_space<vmem>>) target_semaphore(%run_scoped3A : memref<!tpu.dma_semaphore, #tpu.memory_space<semaphore_mem>>)
          %dma_wait3A_164 = tpu.memref_slice %arg14[%add3A_151] : memref<161792xi32, #tpu.memory_space<hbm>> -> memref<128xi32, #tpu.memory_space<hbm>>
          %dma_wait3A_165 = tpu.memref_slice %arg14[%add3A_151] : memref<161792xi32, #tpu.memory_space<hbm>> -> memref<128xi32, #tpu.memory_space<hbm>>
          tpu.wait_dma2 semaphore(%run_scoped3A : memref<!tpu.dma_semaphore, #tpu.memory_space<semaphore_mem>>) src(%dma_wait3A_165 : memref<128xi32, #tpu.memory_space<hbm>>) dst(%arg22 : memref<128xi32, #tpu.memory_space<vmem>>)
          tpu.yield
        }) : () -> ()
        "tpu.region"() ({
          %run_scoped3A = tpu.sem_alloc : memref<!tpu.dma_semaphore, #tpu.memory_space<semaphore_mem>>
          %dma_start3A_162 = tpu.memref_slice %arg15[%add3A_151] : memref<161792xf32, #tpu.memory_space<hbm>> -> memref<128xf32, #tpu.memory_space<hbm>>
          %dma_start3A_163 = tpu.memref_slice %arg15[%add3A_151] : memref<161792xf32, #tpu.memory_space<hbm>> -> memref<128xf32, #tpu.memory_space<hbm>>
          tpu.enqueue_dma source(%dma_start3A_163 : memref<128xf32, #tpu.memory_space<hbm>>) target(%arg23 : memref<128xf32, #tpu.memory_space<vmem>>) target_semaphore(%run_scoped3A : memref<!tpu.dma_semaphore, #tpu.memory_space<semaphore_mem>>)
          %dma_wait3A_164 = tpu.memref_slice %arg15[%add3A_151] : memref<161792xf32, #tpu.memory_space<hbm>> -> memref<128xf32, #tpu.memory_space<hbm>>
          %dma_wait3A_165 = tpu.memref_slice %arg15[%add3A_151] : memref<161792xf32, #tpu.memory_space<hbm>> -> memref<128xf32, #tpu.memory_space<hbm>>
          tpu.wait_dma2 semaphore(%run_scoped3A : memref<!tpu.dma_semaphore, #tpu.memory_space<semaphore_mem>>) src(%dma_wait3A_165 : memref<128xf32, #tpu.memory_space<hbm>>) dst(%arg23 : memref<128xf32, #tpu.memory_space<vmem>>)
          tpu.yield
        }) : () -> ()
        %dma_start3A = arith.constant 0 : i32
        %dma_start3A_152 = arith.constant 0 : i32
        %dma_start3A_153 = tpu.memref_slice %arg3[%dma_start3A, %dma_start3A_152] : memref<5000x128xf32, #tpu.memory_space<hbm>> -> memref<5000x128xf32, #tpu.memory_space<hbm>>
        tpu.enqueue_indirect_dma source(%dma_start3A_153 : memref<5000x128xf32, #tpu.memory_space<hbm>>) target(%arg24 : memref<128x128xf32, #tpu.memory_space<vmem>>) offsets(%arg22 : memref<128xi32, #tpu.memory_space<vmem>>) semaphore(%arg25 : memref<!tpu.dma_semaphore, #tpu.memory_space<semaphore_mem>>)
        %dma_wait3A = arith.constant 0 : i32
        %dma_wait3A_154 = arith.constant 0 : i32
        %dma_wait3A_155 = tpu.memref_slice %arg3[%dma_wait3A, %dma_wait3A_154] : memref<5000x128xf32, #tpu.memory_space<hbm>> -> memref<5000x128xf32, #tpu.memory_space<hbm>>
        tpu.wait_indirect_dma semaphore(%arg25 : memref<!tpu.dma_semaphore, #tpu.memory_space<semaphore_mem>>) src(%dma_wait3A_155 : memref<5000x128xf32, #tpu.memory_space<hbm>>) dst(%arg24 : memref<128x128xf32, #tpu.memory_space<vmem>>)
        %scan3A_156 = arith.constant 0 : i32
        %scan3A_157 = arith.constant 0 : i32
        %scan3A_158 = arith.constant 128 : i32
        %scan3A_159 = arith.addi %scan3A_157, %scan3A_158 : i32
        %scan3A_160 = arith.constant 1 : i32
        scf.for %scan3A_162 = %scan3A_157 to %scan3A_159 step %scan3A_160  : i32 {
          %broadcast_in_dim3A = vector.broadcast %scan3A_162 : i32 to vector<16xi32>
          %gather3A = tpu.vector_load_idx %arg23[%broadcast_in_dim3A] : memref<128xf32, #tpu.memory_space<vmem>>[vector<16xi32>], vector<16xf32>,
          %get3A = arith.index_cast %scan3A_162 : i32 to index
          %get3A_163 = arith.constant 0 : index
          %get3A_164 = tpu.vector_load %arg24[%get3A, %get3A_163] {strides = array<i32>} : memref<128x128xf32, #tpu.memory_space<vmem>>, vector<16xf32>,
          %mul3A_165 = arith.mulf %get3A_164, %gather3A : vector<16xf32>
          %swap3A = arith.index_cast %scan3A_162 : i32 to index
          %swap3A_166 = arith.constant 0 : index
          %swap3A_167 = tpu.vector_load %arg24[%swap3A, %swap3A_166] {strides = array<i32>} : memref<128x128xf32, #tpu.memory_space<vmem>>, vector<16xf32>,
          tpu.vector_store %arg24[%swap3A, %swap3A_166], %mul3A_165 {strides = array<i32>} : memref<128x128xf32, #tpu.memory_space<vmem>>, vector<16xf32>,
          %get3A_168 = arith.index_cast %scan3A_162 : i32 to index
          %get3A_169 = arith.constant 16 : index
          %get3A_170 = tpu.vector_load %arg24[%get3A_168, %get3A_169] {strides = array<i32>} : memref<128x128xf32, #tpu.memory_space<vmem>>, vector<16xf32>,
          %mul3A_171 = arith.mulf %get3A_170, %gather3A : vector<16xf32>
          %swap3A_172 = arith.index_cast %scan3A_162 : i32 to index
          %swap3A_173 = arith.constant 16 : index
          %swap3A_174 = tpu.vector_load %arg24[%swap3A_172, %swap3A_173] {strides = array<i32>} : memref<128x128xf32, #tpu.memory_space<vmem>>, vector<16xf32>,
          tpu.vector_store %arg24[%swap3A_172, %swap3A_173], %mul3A_171 {strides = array<i32>} : memref<128x128xf32, #tpu.memory_space<vmem>>, vector<16xf32>,
          %get3A_175 = arith.index_cast %scan3A_162 : i32 to index
          %get3A_176 = arith.constant 32 : index
          %get3A_177 = tpu.vector_load %arg24[%get3A_175, %get3A_176] {strides = array<i32>} : memref<128x128xf32, #tpu.memory_space<vmem>>, vector<16xf32>,
          %mul3A_178 = arith.mulf %get3A_177, %gather3A : vector<16xf32>
          %swap3A_179 = arith.index_cast %scan3A_162 : i32 to index
          %swap3A_180 = arith.constant 32 : index
          %swap3A_181 = tpu.vector_load %arg24[%swap3A_179, %swap3A_180] {strides = array<i32>} : memref<128x128xf32, #tpu.memory_space<vmem>>, vector<16xf32>,
          tpu.vector_store %arg24[%swap3A_179, %swap3A_180], %mul3A_178 {strides = array<i32>} : memref<128x128xf32, #tpu.memory_space<vmem>>, vector<16xf32>,
          %get3A_182 = arith.index_cast %scan3A_162 : i32 to index
          %get3A_183 = arith.constant 48 : index
          %get3A_184 = tpu.vector_load %arg24[%get3A_182, %get3A_183] {strides = array<i32>} : memref<128x128xf32, #tpu.memory_space<vmem>>, vector<16xf32>,
          %mul3A_185 = arith.mulf %get3A_184, %gather3A : vector<16xf32>
          %swap3A_186 = arith.index_cast %scan3A_162 : i32 to index
          %swap3A_187 = arith.constant 48 : index
          %swap3A_188 = tpu.vector_load %arg24[%swap3A_186, %swap3A_187] {strides = array<i32>} : memref<128x128xf32, #tpu.memory_space<vmem>>, vector<16xf32>,
          tpu.vector_store %arg24[%swap3A_186, %swap3A_187], %mul3A_185 {strides = array<i32>} : memref<128x128xf32, #tpu.memory_space<vmem>>, vector<16xf32>,
          %get3A_189 = arith.index_cast %scan3A_162 : i32 to index
          %get3A_190 = arith.constant 64 : index
          %get3A_191 = tpu.vector_load %arg24[%get3A_189, %get3A_190] {strides = array<i32>} : memref<128x128xf32, #tpu.memory_space<vmem>>, vector<16xf32>,
          %mul3A_192 = arith.mulf %get3A_191, %gather3A : vector<16xf32>
          %swap3A_193 = arith.index_cast %scan3A_162 : i32 to index
          %swap3A_194 = arith.constant 64 : index
          %swap3A_195 = tpu.vector_load %arg24[%swap3A_193, %swap3A_194] {strides = array<i32>} : memref<128x128xf32, #tpu.memory_space<vmem>>, vector<16xf32>,
          tpu.vector_store %arg24[%swap3A_193, %swap3A_194], %mul3A_192 {strides = array<i32>} : memref<128x128xf32, #tpu.memory_space<vmem>>, vector<16xf32>,
          %get3A_196 = arith.index_cast %scan3A_162 : i32 to index
          %get3A_197 = arith.constant 80 : index
          %get3A_198 = tpu.vector_load %arg24[%get3A_196, %get3A_197] {strides = array<i32>} : memref<128x128xf32, #tpu.memory_space<vmem>>, vector<16xf32>,
          %mul3A_199 = arith.mulf %get3A_198, %gather3A : vector<16xf32>
          %swap3A_200 = arith.index_cast %scan3A_162 : i32 to index
          %swap3A_201 = arith.constant 80 : index
          %swap3A_202 = tpu.vector_load %arg24[%swap3A_200, %swap3A_201] {strides = array<i32>} : memref<128x128xf32, #tpu.memory_space<vmem>>, vector<16xf32>,
          tpu.vector_store %arg24[%swap3A_200, %swap3A_201], %mul3A_199 {strides = array<i32>} : memref<128x128xf32, #tpu.memory_space<vmem>>, vector<16xf32>,
          %get3A_203 = arith.index_cast %scan3A_162 : i32 to index
          %get3A_204 = arith.constant 96 : index
          %get3A_205 = tpu.vector_load %arg24[%get3A_203, %get3A_204] {strides = array<i32>} : memref<128x128xf32, #tpu.memory_space<vmem>>, vector<16xf32>,
          %mul3A_206 = arith.mulf %get3A_205, %gather3A : vector<16xf32>
          %swap3A_207 = arith.index_cast %scan3A_162 : i32 to index
          %swap3A_208 = arith.constant 96 : index
          %swap3A_209 = tpu.vector_load %arg24[%swap3A_207, %swap3A_208] {strides = array<i32>} : memref<128x128xf32, #tpu.memory_space<vmem>>, vector<16xf32>,
          tpu.vector_store %arg24[%swap3A_207, %swap3A_208], %mul3A_206 {strides = array<i32>} : memref<128x128xf32, #tpu.memory_space<vmem>>, vector<16xf32>,
          %get3A_210 = arith.index_cast %scan3A_162 : i32 to index
          %get3A_211 = arith.constant 112 : index
          %get3A_212 = tpu.vector_load %arg24[%get3A_210, %get3A_211] {strides = array<i32>} : memref<128x128xf32, #tpu.memory_space<vmem>>, vector<16xf32>,
          %mul3A_213 = arith.mulf %get3A_212, %gather3A : vector<16xf32>
          %swap3A_214 = arith.index_cast %scan3A_162 : i32 to index
          %swap3A_215 = arith.constant 112 : index
          %swap3A_216 = tpu.vector_load %arg24[%swap3A_214, %swap3A_215] {strides = array<i32>} : memref<128x128xf32, #tpu.memory_space<vmem>>, vector<16xf32>,
          tpu.vector_store %arg24[%swap3A_214, %swap3A_215], %mul3A_213 {strides = array<i32>} : memref<128x128xf32, #tpu.memory_space<vmem>>, vector<16xf32>,
        }
        %scan3A_161 = arith.constant 128 : i32
        "tpu.region"() ({
          %run_scoped3A = tpu.sem_alloc : memref<!tpu.dma_semaphore, #tpu.memory_space<semaphore_mem>>
          %dma_start3A_162 = arith.constant 0 : i32
          %dma_start3A_163 = arith.constant 0 : i32
          %dma_start3A_164 = tpu.memref_slice %arg20[%dma_start3A_162, %dma_start3A_163] : memref<10112x128xf32, #tpu.memory_space<vmem_shared>> -> memref<10112x128xf32, #tpu.memory_space<vmem_shared>>
          tpu.enqueue_indirect_dma source(%arg24 : memref<128x128xf32, #tpu.memory_space<vmem>>) target(%dma_start3A_164 : memref<10112x128xf32, #tpu.memory_space<vmem_shared>>) offsets(%arg21 : memref<128xi32, #tpu.memory_space<vmem>>) semaphore(%run_scoped3A : memref<!tpu.dma_semaphore, #tpu.memory_space<semaphore_mem>>) {add = true}
          %dma_wait3A_165 = arith.constant 0 : i32
          %dma_wait3A_166 = arith.constant 0 : i32
          %dma_wait3A_167 = tpu.memref_slice %arg20[%dma_wait3A_165, %dma_wait3A_166] : memref<10112x128xf32, #tpu.memory_space<vmem_shared>> -> memref<10112x128xf32, #tpu.memory_space<vmem_shared>>
          tpu.wait_indirect_dma semaphore(%run_scoped3A : memref<!tpu.dma_semaphore, #tpu.memory_space<semaphore_mem>>) src(%arg24 : memref<128x128xf32, #tpu.memory_space<vmem>>) dst(%dma_wait3A_167 : memref<10112x128xf32, #tpu.memory_space<vmem_shared>>)
          tpu.yield
        }) : () -> ()
      }
      %scan3A_124 = arith.constant 79 : i32
      %barrier3A_125 = arith.constant 0 : index
      tpu.barrier barrier_id(%barrier3A_125)
      %add3A_126 = arith.constant 0 : i32
      %add3A_127 = arith.addi %arg1, %add3A_126 : i32
      %lt3A_128 = arith.constant 40 : i32
      %lt3A_129 = arith.cmpi slt, %add3A_127, %lt3A_128 : i32
      %convert_element_type3A_130 = arith.extui %lt3A_129 : i1 to i32
      %cond3A_131 = arith.constant 0 : i32
      %cond3A_132 = arith.cmpi ne, %convert_element_type3A_130, %cond3A_131 : i32
      scf.if %cond3A_132 {
        %mul3A_148 = arith.constant 128 : i32
        %mul3A_149 = arith.muli %add3A_127, %mul3A_148 : i32
        %mul3A_150 = arith.constant 128 : i32
        %mul3A_151 = arith.muli %add3A_127, %mul3A_150 : i32
        "tpu.region"() ({
          %run_scoped3A = tpu.sem_alloc : memref<!tpu.dma_semaphore, #tpu.memory_space<semaphore_mem>>
          %dma_start3A = arith.constant 0 : i32
          %dma_start3A_152 = tpu.memref_slice %arg19[%mul3A_151, %dma_start3A] : memref<5120x128xf32, #tpu.memory_space<hbm>> -> memref<128x128xf32, #tpu.memory_space<hbm>>
          %dma_start3A_153 = arith.constant 0 : i32
          %dma_start3A_154 = tpu.memref_slice %arg20[%mul3A_149, %dma_start3A_153] : memref<10112x128xf32, #tpu.memory_space<vmem_shared>> -> memref<128x128xf32, #tpu.memory_space<vmem_shared>>
          tpu.enqueue_dma source(%dma_start3A_154 : memref<128x128xf32, #tpu.memory_space<vmem_shared>>) target(%dma_start3A_152 : memref<128x128xf32, #tpu.memory_space<hbm>>) target_semaphore(%run_scoped3A : memref<!tpu.dma_semaphore, #tpu.memory_space<semaphore_mem>>)
          %dma_wait3A = arith.constant 0 : i32
          %dma_wait3A_155 = tpu.memref_slice %arg19[%mul3A_151, %dma_wait3A] : memref<5120x128xf32, #tpu.memory_space<hbm>> -> memref<128x128xf32, #tpu.memory_space<hbm>>
          %dma_wait3A_156 = arith.constant 0 : i32
          %dma_wait3A_157 = tpu.memref_slice %arg20[%mul3A_149, %dma_wait3A_156] : memref<10112x128xf32, #tpu.memory_space<vmem_shared>> -> memref<128x128xf32, #tpu.memory_space<vmem_shared>>
          tpu.wait_dma2 semaphore(%run_scoped3A : memref<!tpu.dma_semaphore, #tpu.memory_space<semaphore_mem>>) src(%dma_wait3A_157 : memref<128x128xf32, #tpu.memory_space<vmem_shared>>) dst(%dma_wait3A_155 : memref<128x128xf32, #tpu.memory_space<hbm>>)
          tpu.yield
        }) : () -> ()
      } else {
      }
      %add3A_133 = arith.constant 16 : i32
      %add3A_134 = arith.addi %arg1, %add3A_133 : i32
      %lt3A_135 = arith.constant 40 : i32
      %lt3A_136 = arith.cmpi slt, %add3A_134, %lt3A_135 : i32
      %convert_element_type3A_137 = arith.extui %lt3A_136 : i1 to i32
      %cond3A_138 = arith.constant 0 : i32
      %cond3A_139 = arith.cmpi ne, %convert_element_type3A_137, %cond3A_138 : i32
      scf.if %cond3A_139 {
        %mul3A_148 = arith.constant 128 : i32
        %mul3A_149 = arith.muli %add3A_134, %mul3A_148 : i32
        %mul3A_150 = arith.constant 128 : i32
        %mul3A_151 = arith.muli %add3A_134, %mul3A_150 : i32
        "tpu.region"() ({
          %run_scoped3A = tpu.sem_alloc : memref<!tpu.dma_semaphore, #tpu.memory_space<semaphore_mem>>
          %dma_start3A = arith.constant 0 : i32
          %dma_start3A_152 = tpu.memref_slice %arg19[%mul3A_151, %dma_start3A] : memref<5120x128xf32, #tpu.memory_space<hbm>> -> memref<128x128xf32, #tpu.memory_space<hbm>>
          %dma_start3A_153 = arith.constant 0 : i32
          %dma_start3A_154 = tpu.memref_slice %arg20[%mul3A_149, %dma_start3A_153] : memref<10112x128xf32, #tpu.memory_space<vmem_shared>> -> memref<128x128xf32, #tpu.memory_space<vmem_shared>>
          tpu.enqueue_dma source(%dma_start3A_154 : memref<128x128xf32, #tpu.memory_space<vmem_shared>>) target(%dma_start3A_152 : memref<128x128xf32, #tpu.memory_space<hbm>>) target_semaphore(%run_scoped3A : memref<!tpu.dma_semaphore, #tpu.memory_space<semaphore_mem>>)
          %dma_wait3A = arith.constant 0 : i32
          %dma_wait3A_155 = tpu.memref_slice %arg19[%mul3A_151, %dma_wait3A] : memref<5120x128xf32, #tpu.memory_space<hbm>> -> memref<128x128xf32, #tpu.memory_space<hbm>>
          %dma_wait3A_156 = arith.constant 0 : i32
          %dma_wait3A_157 = tpu.memref_slice %arg20[%mul3A_149, %dma_wait3A_156] : memref<10112x128xf32, #tpu.memory_space<vmem_shared>> -> memref<128x128xf32, #tpu.memory_space<vmem_shared>>
          tpu.wait_dma2 semaphore(%run_scoped3A : memref<!tpu.dma_semaphore, #tpu.memory_space<semaphore_mem>>) src(%dma_wait3A_157 : memref<128x128xf32, #tpu.memory_space<vmem_shared>>) dst(%dma_wait3A_155 : memref<128x128xf32, #tpu.memory_space<hbm>>)
          tpu.yield
        }) : () -> ()
      } else {
      }
      %add3A_140 = arith.constant 32 : i32
      %add3A_141 = arith.addi %arg1, %add3A_140 : i32
      %lt3A_142 = arith.constant 40 : i32
      %lt3A_143 = arith.cmpi slt, %add3A_141, %lt3A_142 : i32
      %convert_element_type3A_144 = arith.extui %lt3A_143 : i1 to i32
      %cond3A_145 = arith.constant 0 : i32
      %cond3A_146 = arith.cmpi ne, %convert_element_type3A_144, %cond3A_145 : i32
      scf.if %cond3A_146 {
        %mul3A_148 = arith.constant 128 : i32
        %mul3A_149 = arith.muli %add3A_141, %mul3A_148 : i32
        %mul3A_150 = arith.constant 128 : i32
        %mul3A_151 = arith.muli %add3A_141, %mul3A_150 : i32
        "tpu.region"() ({
          %run_scoped3A = tpu.sem_alloc : memref<!tpu.dma_semaphore, #tpu.memory_space<semaphore_mem>>
          %dma_start3A = arith.constant 0 : i32
          %dma_start3A_152 = tpu.memref_slice %arg19[%mul3A_151, %dma_start3A] : memref<5120x128xf32, #tpu.memory_space<hbm>> -> memref<128x128xf32, #tpu.memory_space<hbm>>
          %dma_start3A_153 = arith.constant 0 : i32
          %dma_start3A_154 = tpu.memref_slice %arg20[%mul3A_149, %dma_start3A_153] : memref<10112x128xf32, #tpu.memory_space<vmem_shared>> -> memref<128x128xf32, #tpu.memory_space<vmem_shared>>
          tpu.enqueue_dma source(%dma_start3A_154 : memref<128x128xf32, #tpu.memory_space<vmem_shared>>) target(%dma_start3A_152 : memref<128x128xf32, #tpu.memory_space<hbm>>) target_semaphore(%run_scoped3A : memref<!tpu.dma_semaphore, #tpu.memory_space<semaphore_mem>>)
          %dma_wait3A = arith.constant 0 : i32
          %dma_wait3A_155 = tpu.memref_slice %arg19[%mul3A_151, %dma_wait3A] : memref<5120x128xf32, #tpu.memory_space<hbm>> -> memref<128x128xf32, #tpu.memory_space<hbm>>
          %dma_wait3A_156 = arith.constant 0 : i32
          %dma_wait3A_157 = tpu.memref_slice %arg20[%mul3A_149, %dma_wait3A_156] : memref<10112x128xf32, #tpu.memory_space<vmem_shared>> -> memref<128x128xf32, #tpu.memory_space<vmem_shared>>
          tpu.wait_dma2 semaphore(%run_scoped3A : memref<!tpu.dma_semaphore, #tpu.memory_space<semaphore_mem>>) src(%dma_wait3A_157 : memref<128x128xf32, #tpu.memory_space<vmem_shared>>) dst(%dma_wait3A_155 : memref<128x128xf32, #tpu.memory_space<hbm>>)
          tpu.yield
        }) : () -> ()
      } else {
      }
      %barrier3A_147 = arith.constant 0 : index
      tpu.barrier barrier_id(%barrier3A_147)
    } else {
    }
    %eq3A_2 = arith.constant 1 : i32
    %eq3A_3 = arith.cmpi eq, %arg0, %eq3A_2 : i32
    %convert_element_type3A_4 = arith.extui %eq3A_3 : i1 to i32
    %cond3A_5 = arith.constant 0 : i32
    %cond3A_6 = arith.cmpi ne, %convert_element_type3A_4, %cond3A_5 : i32
    scf.if %cond3A_6 {
      %scan3A = arith.constant 0 : i32
      %scan3A_7 = arith.constant 0 : i32
      %scan3A_8 = arith.constant 128 : i32
      %scan3A_9 = arith.addi %scan3A_7, %scan3A_8 : i32
      %scan3A_10 = arith.constant 1 : i32
      scf.for %scan3A_148 = %scan3A_7 to %scan3A_9 step %scan3A_10  : i32 {
        %broadcast_in_dim3A = arith.constant 0.000000e+00 : f32
        %broadcast_in_dim3A_149 = vector.broadcast %broadcast_in_dim3A : f32 to vector<16xf32>
        %swap3A = arith.index_cast %scan3A_148 : i32 to index
        %swap3A_150 = arith.constant 0 : index
        %swap3A_151 = tpu.vector_load %arg24[%swap3A, %swap3A_150] {strides = array<i32>} : memref<128x128xf32, #tpu.memory_space<vmem>>, vector<16xf32>,
        tpu.vector_store %arg24[%swap3A, %swap3A_150], %broadcast_in_dim3A_149 {strides = array<i32>} : memref<128x128xf32, #tpu.memory_space<vmem>>, vector<16xf32>,
        %broadcast_in_dim3A_152 = arith.constant 0.000000e+00 : f32
        %broadcast_in_dim3A_153 = vector.broadcast %broadcast_in_dim3A_152 : f32 to vector<16xf32>
        %swap3A_154 = arith.index_cast %scan3A_148 : i32 to index
        %swap3A_155 = arith.constant 16 : index
        %swap3A_156 = tpu.vector_load %arg24[%swap3A_154, %swap3A_155] {strides = array<i32>} : memref<128x128xf32, #tpu.memory_space<vmem>>, vector<16xf32>,
        tpu.vector_store %arg24[%swap3A_154, %swap3A_155], %broadcast_in_dim3A_153 {strides = array<i32>} : memref<128x128xf32, #tpu.memory_space<vmem>>, vector<16xf32>,
        %broadcast_in_dim3A_157 = arith.constant 0.000000e+00 : f32
        %broadcast_in_dim3A_158 = vector.broadcast %broadcast_in_dim3A_157 : f32 to vector<16xf32>
        %swap3A_159 = arith.index_cast %scan3A_148 : i32 to index
        %swap3A_160 = arith.constant 32 : index
        %swap3A_161 = tpu.vector_load %arg24[%swap3A_159, %swap3A_160] {strides = array<i32>} : memref<128x128xf32, #tpu.memory_space<vmem>>, vector<16xf32>,
        tpu.vector_store %arg24[%swap3A_159, %swap3A_160], %broadcast_in_dim3A_158 {strides = array<i32>} : memref<128x128xf32, #tpu.memory_space<vmem>>, vector<16xf32>,
        %broadcast_in_dim3A_162 = arith.constant 0.000000e+00 : f32
        %broadcast_in_dim3A_163 = vector.broadcast %broadcast_in_dim3A_162 : f32 to vector<16xf32>
        %swap3A_164 = arith.index_cast %scan3A_148 : i32 to index
        %swap3A_165 = arith.constant 48 : index
        %swap3A_166 = tpu.vector_load %arg24[%swap3A_164, %swap3A_165] {strides = array<i32>} : memref<128x128xf32, #tpu.memory_space<vmem>>, vector<16xf32>,
        tpu.vector_store %arg24[%swap3A_164, %swap3A_165], %broadcast_in_dim3A_163 {strides = array<i32>} : memref<128x128xf32, #tpu.memory_space<vmem>>, vector<16xf32>,
        %broadcast_in_dim3A_167 = arith.constant 0.000000e+00 : f32
        %broadcast_in_dim3A_168 = vector.broadcast %broadcast_in_dim3A_167 : f32 to vector<16xf32>
        %swap3A_169 = arith.index_cast %scan3A_148 : i32 to index
        %swap3A_170 = arith.constant 64 : index
        %swap3A_171 = tpu.vector_load %arg24[%swap3A_169, %swap3A_170] {strides = array<i32>} : memref<128x128xf32, #tpu.memory_space<vmem>>, vector<16xf32>,
        tpu.vector_store %arg24[%swap3A_169, %swap3A_170], %broadcast_in_dim3A_168 {strides = array<i32>} : memref<128x128xf32, #tpu.memory_space<vmem>>, vector<16xf32>,
        %broadcast_in_dim3A_172 = arith.constant 0.000000e+00 : f32
        %broadcast_in_dim3A_173 = vector.broadcast %broadcast_in_dim3A_172 : f32 to vector<16xf32>
        %swap3A_174 = arith.index_cast %scan3A_148 : i32 to index
        %swap3A_175 = arith.constant 80 : index
        %swap3A_176 = tpu.vector_load %arg24[%swap3A_174, %swap3A_175] {strides = array<i32>} : memref<128x128xf32, #tpu.memory_space<vmem>>, vector<16xf32>,
        tpu.vector_store %arg24[%swap3A_174, %swap3A_175], %broadcast_in_dim3A_173 {strides = array<i32>} : memref<128x128xf32, #tpu.memory_space<vmem>>, vector<16xf32>,
        %broadcast_in_dim3A_177 = arith.constant 0.000000e+00 : f32
        %broadcast_in_dim3A_178 = vector.broadcast %broadcast_in_dim3A_177 : f32 to vector<16xf32>
        %swap3A_179 = arith.index_cast %scan3A_148 : i32 to index
        %swap3A_180 = arith.constant 96 : index
        %swap3A_181 = tpu.vector_load %arg24[%swap3A_179, %swap3A_180] {strides = array<i32>} : memref<128x128xf32, #tpu.memory_space<vmem>>, vector<16xf32>,
        tpu.vector_store %arg24[%swap3A_179, %swap3A_180], %broadcast_in_dim3A_178 {strides = array<i32>} : memref<128x128xf32, #tpu.memory_space<vmem>>, vector<16xf32>,
        %broadcast_in_dim3A_182 = arith.constant 0.000000e+00 : f32
        %broadcast_in_dim3A_183 = vector.broadcast %broadcast_in_dim3A_182 : f32 to vector<16xf32>
        %swap3A_184 = arith.index_cast %scan3A_148 : i32 to index
        %swap3A_185 = arith.constant 112 : index
        %swap3A_186 = tpu.vector_load %arg24[%swap3A_184, %swap3A_185] {strides = array<i32>} : memref<128x128xf32, #tpu.memory_space<vmem>>, vector<16xf32>,
        tpu.vector_store %arg24[%swap3A_184, %swap3A_185], %broadcast_in_dim3A_183 {strides = array<i32>} : memref<128x128xf32, #tpu.memory_space<vmem>>, vector<16xf32>,
      }
      %scan3A_11 = arith.constant 128 : i32
      %add3A = arith.constant 0 : i32
      %add3A_12 = arith.addi %arg1, %add3A : i32
      %lt3A = arith.constant 79 : i32
      %lt3A_13 = arith.cmpi slt, %add3A_12, %lt3A : i32
      %convert_element_type3A_14 = arith.extui %lt3A_13 : i1 to i32
      %cond3A_15 = arith.constant 0 : i32
      %cond3A_16 = arith.cmpi ne, %convert_element_type3A_14, %cond3A_15 : i32
      scf.if %cond3A_16 {
        %mul3A_148 = arith.constant 128 : i32
        %mul3A_149 = arith.muli %add3A_12, %mul3A_148 : i32
        "tpu.region"() ({
          %run_scoped3A = tpu.sem_alloc : memref<!tpu.dma_semaphore, #tpu.memory_space<semaphore_mem>>
          %dma_start3A = arith.constant 0 : i32
          %dma_start3A_150 = tpu.memref_slice %arg20[%mul3A_149, %dma_start3A] : memref<10112x128xf32, #tpu.memory_space<vmem_shared>> -> memref<128x128xf32, #tpu.memory_space<vmem_shared>>
          %dma_start3A_151 = arith.constant 0 : i32
          %dma_start3A_152 = tpu.memref_slice %arg20[%mul3A_149, %dma_start3A_151] : memref<10112x128xf32, #tpu.memory_space<vmem_shared>> -> memref<128x128xf32, #tpu.memory_space<vmem_shared>>
          tpu.enqueue_dma source(%arg24 : memref<128x128xf32, #tpu.memory_space<vmem>>) target(%dma_start3A_152 : memref<128x128xf32, #tpu.memory_space<vmem_shared>>) target_semaphore(%run_scoped3A : memref<!tpu.dma_semaphore, #tpu.memory_space<semaphore_mem>>)
          %dma_wait3A = arith.constant 0 : i32
          %dma_wait3A_153 = tpu.memref_slice %arg20[%mul3A_149, %dma_wait3A] : memref<10112x128xf32, #tpu.memory_space<vmem_shared>> -> memref<128x128xf32, #tpu.memory_space<vmem_shared>>
          %dma_wait3A_154 = arith.constant 0 : i32
          %dma_wait3A_155 = tpu.memref_slice %arg20[%mul3A_149, %dma_wait3A_154] : memref<10112x128xf32, #tpu.memory_space<vmem_shared>> -> memref<128x128xf32, #tpu.memory_space<vmem_shared>>
          tpu.wait_dma2 semaphore(%run_scoped3A : memref<!tpu.dma_semaphore, #tpu.memory_space<semaphore_mem>>) src(%arg24 : memref<128x128xf32, #tpu.memory_space<vmem>>) dst(%dma_wait3A_155 : memref<128x128xf32, #tpu.memory_space<vmem_shared>>)
          tpu.yield
        }) : () -> ()
      } else {
      }
      %add3A_17 = arith.constant 16 : i32
      %add3A_18 = arith.addi %arg1, %add3A_17 : i32
      %lt3A_19 = arith.constant 79 : i32
      %lt3A_20 = arith.cmpi slt, %add3A_18, %lt3A_19 : i32
      %convert_element_type3A_21 = arith.extui %lt3A_20 : i1 to i32
      %cond3A_22 = arith.constant 0 : i32
      %cond3A_23 = arith.cmpi ne, %convert_element_type3A_21, %cond3A_22 : i32
      scf.if %cond3A_23 {
        %mul3A_148 = arith.constant 128 : i32
        %mul3A_149 = arith.muli %add3A_18, %mul3A_148 : i32
        "tpu.region"() ({
          %run_scoped3A = tpu.sem_alloc : memref<!tpu.dma_semaphore, #tpu.memory_space<semaphore_mem>>
          %dma_start3A = arith.constant 0 : i32
          %dma_start3A_150 = tpu.memref_slice %arg20[%mul3A_149, %dma_start3A] : memref<10112x128xf32, #tpu.memory_space<vmem_shared>> -> memref<128x128xf32, #tpu.memory_space<vmem_shared>>
          %dma_start3A_151 = arith.constant 0 : i32
          %dma_start3A_152 = tpu.memref_slice %arg20[%mul3A_149, %dma_start3A_151] : memref<10112x128xf32, #tpu.memory_space<vmem_shared>> -> memref<128x128xf32, #tpu.memory_space<vmem_shared>>
          tpu.enqueue_dma source(%arg24 : memref<128x128xf32, #tpu.memory_space<vmem>>) target(%dma_start3A_152 : memref<128x128xf32, #tpu.memory_space<vmem_shared>>) target_semaphore(%run_scoped3A : memref<!tpu.dma_semaphore, #tpu.memory_space<semaphore_mem>>)
          %dma_wait3A = arith.constant 0 : i32
          %dma_wait3A_153 = tpu.memref_slice %arg20[%mul3A_149, %dma_wait3A] : memref<10112x128xf32, #tpu.memory_space<vmem_shared>> -> memref<128x128xf32, #tpu.memory_space<vmem_shared>>
          %dma_wait3A_154 = arith.constant 0 : i32
          %dma_wait3A_155 = tpu.memref_slice %arg20[%mul3A_149, %dma_wait3A_154] : memref<10112x128xf32, #tpu.memory_space<vmem_shared>> -> memref<128x128xf32, #tpu.memory_space<vmem_shared>>
          tpu.wait_dma2 semaphore(%run_scoped3A : memref<!tpu.dma_semaphore, #tpu.memory_space<semaphore_mem>>) src(%arg24 : memref<128x128xf32, #tpu.memory_space<vmem>>) dst(%dma_wait3A_155 : memref<128x128xf32, #tpu.memory_space<vmem_shared>>)
          tpu.yield
        }) : () -> ()
      } else {
      }
      %add3A_24 = arith.constant 32 : i32
      %add3A_25 = arith.addi %arg1, %add3A_24 : i32
      %lt3A_26 = arith.constant 79 : i32
      %lt3A_27 = arith.cmpi slt, %add3A_25, %lt3A_26 : i32
      %convert_element_type3A_28 = arith.extui %lt3A_27 : i1 to i32
      %cond3A_29 = arith.constant 0 : i32
      %cond3A_30 = arith.cmpi ne, %convert_element_type3A_28, %cond3A_29 : i32
      scf.if %cond3A_30 {
        %mul3A_148 = arith.constant 128 : i32
        %mul3A_149 = arith.muli %add3A_25, %mul3A_148 : i32
        "tpu.region"() ({
          %run_scoped3A = tpu.sem_alloc : memref<!tpu.dma_semaphore, #tpu.memory_space<semaphore_mem>>
          %dma_start3A = arith.constant 0 : i32
          %dma_start3A_150 = tpu.memref_slice %arg20[%mul3A_149, %dma_start3A] : memref<10112x128xf32, #tpu.memory_space<vmem_shared>> -> memref<128x128xf32, #tpu.memory_space<vmem_shared>>
          %dma_start3A_151 = arith.constant 0 : i32
          %dma_start3A_152 = tpu.memref_slice %arg20[%mul3A_149, %dma_start3A_151] : memref<10112x128xf32, #tpu.memory_space<vmem_shared>> -> memref<128x128xf32, #tpu.memory_space<vmem_shared>>
          tpu.enqueue_dma source(%arg24 : memref<128x128xf32, #tpu.memory_space<vmem>>) target(%dma_start3A_152 : memref<128x128xf32, #tpu.memory_space<vmem_shared>>) target_semaphore(%run_scoped3A : memref<!tpu.dma_semaphore, #tpu.memory_space<semaphore_mem>>)
          %dma_wait3A = arith.constant 0 : i32
          %dma_wait3A_153 = tpu.memref_slice %arg20[%mul3A_149, %dma_wait3A] : memref<10112x128xf32, #tpu.memory_space<vmem_shared>> -> memref<128x128xf32, #tpu.memory_space<vmem_shared>>
          %dma_wait3A_154 = arith.constant 0 : i32
          %dma_wait3A_155 = tpu.memref_slice %arg20[%mul3A_149, %dma_wait3A_154] : memref<10112x128xf32, #tpu.memory_space<vmem_shared>> -> memref<128x128xf32, #tpu.memory_space<vmem_shared>>
          tpu.wait_dma2 semaphore(%run_scoped3A : memref<!tpu.dma_semaphore, #tpu.memory_space<semaphore_mem>>) src(%arg24 : memref<128x128xf32, #tpu.memory_space<vmem>>) dst(%dma_wait3A_155 : memref<128x128xf32, #tpu.memory_space<vmem_shared>>)
          tpu.yield
        }) : () -> ()
      } else {
      }
      %add3A_31 = arith.constant 48 : i32
      %add3A_32 = arith.addi %arg1, %add3A_31 : i32
      %lt3A_33 = arith.constant 79 : i32
      %lt3A_34 = arith.cmpi slt, %add3A_32, %lt3A_33 : i32
      %convert_element_type3A_35 = arith.extui %lt3A_34 : i1 to i32
      %cond3A_36 = arith.constant 0 : i32
      %cond3A_37 = arith.cmpi ne, %convert_element_type3A_35, %cond3A_36 : i32
      scf.if %cond3A_37 {
        %mul3A_148 = arith.constant 128 : i32
        %mul3A_149 = arith.muli %add3A_32, %mul3A_148 : i32
        "tpu.region"() ({
          %run_scoped3A = tpu.sem_alloc : memref<!tpu.dma_semaphore, #tpu.memory_space<semaphore_mem>>
          %dma_start3A = arith.constant 0 : i32
          %dma_start3A_150 = tpu.memref_slice %arg20[%mul3A_149, %dma_start3A] : memref<10112x128xf32, #tpu.memory_space<vmem_shared>> -> memref<128x128xf32, #tpu.memory_space<vmem_shared>>
          %dma_start3A_151 = arith.constant 0 : i32
          %dma_start3A_152 = tpu.memref_slice %arg20[%mul3A_149, %dma_start3A_151] : memref<10112x128xf32, #tpu.memory_space<vmem_shared>> -> memref<128x128xf32, #tpu.memory_space<vmem_shared>>
          tpu.enqueue_dma source(%arg24 : memref<128x128xf32, #tpu.memory_space<vmem>>) target(%dma_start3A_152 : memref<128x128xf32, #tpu.memory_space<vmem_shared>>) target_semaphore(%run_scoped3A : memref<!tpu.dma_semaphore, #tpu.memory_space<semaphore_mem>>)
          %dma_wait3A = arith.constant 0 : i32
          %dma_wait3A_153 = tpu.memref_slice %arg20[%mul3A_149, %dma_wait3A] : memref<10112x128xf32, #tpu.memory_space<vmem_shared>> -> memref<128x128xf32, #tpu.memory_space<vmem_shared>>
          %dma_wait3A_154 = arith.constant 0 : i32
          %dma_wait3A_155 = tpu.memref_slice %arg20[%mul3A_149, %dma_wait3A_154] : memref<10112x128xf32, #tpu.memory_space<vmem_shared>> -> memref<128x128xf32, #tpu.memory_space<vmem_shared>>
          tpu.wait_dma2 semaphore(%run_scoped3A : memref<!tpu.dma_semaphore, #tpu.memory_space<semaphore_mem>>) src(%arg24 : memref<128x128xf32, #tpu.memory_space<vmem>>) dst(%dma_wait3A_155 : memref<128x128xf32, #tpu.memory_space<vmem_shared>>)
          tpu.yield
        }) : () -> ()
      } else {
      }
      %add3A_38 = arith.constant 64 : i32
      %add3A_39 = arith.addi %arg1, %add3A_38 : i32
      %lt3A_40 = arith.constant 79 : i32
      %lt3A_41 = arith.cmpi slt, %add3A_39, %lt3A_40 : i32
      %convert_element_type3A_42 = arith.extui %lt3A_41 : i1 to i32
      %cond3A_43 = arith.constant 0 : i32
      %cond3A_44 = arith.cmpi ne, %convert_element_type3A_42, %cond3A_43 : i32
      scf.if %cond3A_44 {
        %mul3A_148 = arith.constant 128 : i32
        %mul3A_149 = arith.muli %add3A_39, %mul3A_148 : i32
        "tpu.region"() ({
          %run_scoped3A = tpu.sem_alloc : memref<!tpu.dma_semaphore, #tpu.memory_space<semaphore_mem>>
          %dma_start3A = arith.constant 0 : i32
          %dma_start3A_150 = tpu.memref_slice %arg20[%mul3A_149, %dma_start3A] : memref<10112x128xf32, #tpu.memory_space<vmem_shared>> -> memref<128x128xf32, #tpu.memory_space<vmem_shared>>
          %dma_start3A_151 = arith.constant 0 : i32
          %dma_start3A_152 = tpu.memref_slice %arg20[%mul3A_149, %dma_start3A_151] : memref<10112x128xf32, #tpu.memory_space<vmem_shared>> -> memref<128x128xf32, #tpu.memory_space<vmem_shared>>
          tpu.enqueue_dma source(%arg24 : memref<128x128xf32, #tpu.memory_space<vmem>>) target(%dma_start3A_152 : memref<128x128xf32, #tpu.memory_space<vmem_shared>>) target_semaphore(%run_scoped3A : memref<!tpu.dma_semaphore, #tpu.memory_space<semaphore_mem>>)
          %dma_wait3A = arith.constant 0 : i32
          %dma_wait3A_153 = tpu.memref_slice %arg20[%mul3A_149, %dma_wait3A] : memref<10112x128xf32, #tpu.memory_space<vmem_shared>> -> memref<128x128xf32, #tpu.memory_space<vmem_shared>>
          %dma_wait3A_154 = arith.constant 0 : i32
          %dma_wait3A_155 = tpu.memref_slice %arg20[%mul3A_149, %dma_wait3A_154] : memref<10112x128xf32, #tpu.memory_space<vmem_shared>> -> memref<128x128xf32, #tpu.memory_space<vmem_shared>>
          tpu.wait_dma2 semaphore(%run_scoped3A : memref<!tpu.dma_semaphore, #tpu.memory_space<semaphore_mem>>) src(%arg24 : memref<128x128xf32, #tpu.memory_space<vmem>>) dst(%dma_wait3A_155 : memref<128x128xf32, #tpu.memory_space<vmem_shared>>)
          tpu.yield
        }) : () -> ()
      } else {
      }
      %barrier3A = arith.constant 0 : index
      tpu.barrier barrier_id(%barrier3A)
      %mul3A = arith.constant 20096 : i32
      %mul3A_45 = arith.muli %arg1, %mul3A : i32
      %scan3A_46 = arith.constant 0 : i32
      %scan3A_47 = arith.constant 0 : i32
      %scan3A_48 = arith.constant 157 : i32
      %scan3A_49 = arith.addi %scan3A_47, %scan3A_48 : i32
      %scan3A_50 = arith.constant 1 : i32
      scf.for %scan3A_148 = %scan3A_47 to %scan3A_49 step %scan3A_50  : i32 {
        %mul3A_149 = arith.constant 128 : i32
        %mul3A_150 = arith.muli %scan3A_148, %mul3A_149 : i32
        %add3A_151 = arith.addi %mul3A_45, %mul3A_150 : i32
        "tpu.region"() ({
          %run_scoped3A = tpu.sem_alloc : memref<!tpu.dma_semaphore, #tpu.memory_space<semaphore_mem>>
          %dma_start3A_162 = tpu.memref_slice %arg7[%add3A_151] : memref<321536xi32, #tpu.memory_space<hbm>> -> memref<128xi32, #tpu.memory_space<hbm>>
          %dma_start3A_163 = tpu.memref_slice %arg7[%add3A_151] : memref<321536xi32, #tpu.memory_space<hbm>> -> memref<128xi32, #tpu.memory_space<hbm>>
          tpu.enqueue_dma source(%dma_start3A_163 : memref<128xi32, #tpu.memory_space<hbm>>) target(%arg21 : memref<128xi32, #tpu.memory_space<vmem>>) target_semaphore(%run_scoped3A : memref<!tpu.dma_semaphore, #tpu.memory_space<semaphore_mem>>)
          %dma_wait3A_164 = tpu.memref_slice %arg7[%add3A_151] : memref<321536xi32, #tpu.memory_space<hbm>> -> memref<128xi32, #tpu.memory_space<hbm>>
          %dma_wait3A_165 = tpu.memref_slice %arg7[%add3A_151] : memref<321536xi32, #tpu.memory_space<hbm>> -> memref<128xi32, #tpu.memory_space<hbm>>
          tpu.wait_dma2 semaphore(%run_scoped3A : memref<!tpu.dma_semaphore, #tpu.memory_space<semaphore_mem>>) src(%dma_wait3A_165 : memref<128xi32, #tpu.memory_space<hbm>>) dst(%arg21 : memref<128xi32, #tpu.memory_space<vmem>>)
          tpu.yield
        }) : () -> ()
        "tpu.region"() ({
          %run_scoped3A = tpu.sem_alloc : memref<!tpu.dma_semaphore, #tpu.memory_space<semaphore_mem>>
          %dma_start3A_162 = tpu.memref_slice %arg8[%add3A_151] : memref<321536xi32, #tpu.memory_space<hbm>> -> memref<128xi32, #tpu.memory_space<hbm>>
          %dma_start3A_163 = tpu.memref_slice %arg8[%add3A_151] : memref<321536xi32, #tpu.memory_space<hbm>> -> memref<128xi32, #tpu.memory_space<hbm>>
          tpu.enqueue_dma source(%dma_start3A_163 : memref<128xi32, #tpu.memory_space<hbm>>) target(%arg22 : memref<128xi32, #tpu.memory_space<vmem>>) target_semaphore(%run_scoped3A : memref<!tpu.dma_semaphore, #tpu.memory_space<semaphore_mem>>)
          %dma_wait3A_164 = tpu.memref_slice %arg8[%add3A_151] : memref<321536xi32, #tpu.memory_space<hbm>> -> memref<128xi32, #tpu.memory_space<hbm>>
          %dma_wait3A_165 = tpu.memref_slice %arg8[%add3A_151] : memref<321536xi32, #tpu.memory_space<hbm>> -> memref<128xi32, #tpu.memory_space<hbm>>
          tpu.wait_dma2 semaphore(%run_scoped3A : memref<!tpu.dma_semaphore, #tpu.memory_space<semaphore_mem>>) src(%dma_wait3A_165 : memref<128xi32, #tpu.memory_space<hbm>>) dst(%arg22 : memref<128xi32, #tpu.memory_space<vmem>>)
          tpu.yield
        }) : () -> ()
        "tpu.region"() ({
          %run_scoped3A = tpu.sem_alloc : memref<!tpu.dma_semaphore, #tpu.memory_space<semaphore_mem>>
          %dma_start3A_162 = tpu.memref_slice %arg9[%add3A_151] : memref<321536xf32, #tpu.memory_space<hbm>> -> memref<128xf32, #tpu.memory_space<hbm>>
          %dma_start3A_163 = tpu.memref_slice %arg9[%add3A_151] : memref<321536xf32, #tpu.memory_space<hbm>> -> memref<128xf32, #tpu.memory_space<hbm>>
          tpu.enqueue_dma source(%dma_start3A_163 : memref<128xf32, #tpu.memory_space<hbm>>) target(%arg23 : memref<128xf32, #tpu.memory_space<vmem>>) target_semaphore(%run_scoped3A : memref<!tpu.dma_semaphore, #tpu.memory_space<semaphore_mem>>)
          %dma_wait3A_164 = tpu.memref_slice %arg9[%add3A_151] : memref<321536xf32, #tpu.memory_space<hbm>> -> memref<128xf32, #tpu.memory_space<hbm>>
          %dma_wait3A_165 = tpu.memref_slice %arg9[%add3A_151] : memref<321536xf32, #tpu.memory_space<hbm>> -> memref<128xf32, #tpu.memory_space<hbm>>
          tpu.wait_dma2 semaphore(%run_scoped3A : memref<!tpu.dma_semaphore, #tpu.memory_space<semaphore_mem>>) src(%dma_wait3A_165 : memref<128xf32, #tpu.memory_space<hbm>>) dst(%arg23 : memref<128xf32, #tpu.memory_space<vmem>>)
          tpu.yield
        }) : () -> ()
        %dma_start3A = arith.constant 0 : i32
        %dma_start3A_152 = arith.constant 0 : i32
        %dma_start3A_153 = tpu.memref_slice %arg3[%dma_start3A, %dma_start3A_152] : memref<5000x128xf32, #tpu.memory_space<hbm>> -> memref<5000x128xf32, #tpu.memory_space<hbm>>
        tpu.enqueue_indirect_dma source(%dma_start3A_153 : memref<5000x128xf32, #tpu.memory_space<hbm>>) target(%arg24 : memref<128x128xf32, #tpu.memory_space<vmem>>) offsets(%arg22 : memref<128xi32, #tpu.memory_space<vmem>>) semaphore(%arg25 : memref<!tpu.dma_semaphore, #tpu.memory_space<semaphore_mem>>)
        %dma_wait3A = arith.constant 0 : i32
        %dma_wait3A_154 = arith.constant 0 : i32
        %dma_wait3A_155 = tpu.memref_slice %arg3[%dma_wait3A, %dma_wait3A_154] : memref<5000x128xf32, #tpu.memory_space<hbm>> -> memref<5000x128xf32, #tpu.memory_space<hbm>>
        tpu.wait_indirect_dma semaphore(%arg25 : memref<!tpu.dma_semaphore, #tpu.memory_space<semaphore_mem>>) src(%dma_wait3A_155 : memref<5000x128xf32, #tpu.memory_space<hbm>>) dst(%arg24 : memref<128x128xf32, #tpu.memory_space<vmem>>)
        %scan3A_156 = arith.constant 0 : i32
        %scan3A_157 = arith.constant 0 : i32
        %scan3A_158 = arith.constant 128 : i32
        %scan3A_159 = arith.addi %scan3A_157, %scan3A_158 : i32
        %scan3A_160 = arith.constant 1 : i32
        scf.for %scan3A_162 = %scan3A_157 to %scan3A_159 step %scan3A_160  : i32 {
          %broadcast_in_dim3A = vector.broadcast %scan3A_162 : i32 to vector<16xi32>
          %gather3A = tpu.vector_load_idx %arg23[%broadcast_in_dim3A] : memref<128xf32, #tpu.memory_space<vmem>>[vector<16xi32>], vector<16xf32>,
          %get3A = arith.index_cast %scan3A_162 : i32 to index
          %get3A_163 = arith.constant 0 : index
          %get3A_164 = tpu.vector_load %arg24[%get3A, %get3A_163] {strides = array<i32>} : memref<128x128xf32, #tpu.memory_space<vmem>>, vector<16xf32>,
          %mul3A_165 = arith.mulf %get3A_164, %gather3A : vector<16xf32>
          %swap3A = arith.index_cast %scan3A_162 : i32 to index
          %swap3A_166 = arith.constant 0 : index
          %swap3A_167 = tpu.vector_load %arg24[%swap3A, %swap3A_166] {strides = array<i32>} : memref<128x128xf32, #tpu.memory_space<vmem>>, vector<16xf32>,
          tpu.vector_store %arg24[%swap3A, %swap3A_166], %mul3A_165 {strides = array<i32>} : memref<128x128xf32, #tpu.memory_space<vmem>>, vector<16xf32>,
          %get3A_168 = arith.index_cast %scan3A_162 : i32 to index
          %get3A_169 = arith.constant 16 : index
          %get3A_170 = tpu.vector_load %arg24[%get3A_168, %get3A_169] {strides = array<i32>} : memref<128x128xf32, #tpu.memory_space<vmem>>, vector<16xf32>,
          %mul3A_171 = arith.mulf %get3A_170, %gather3A : vector<16xf32>
          %swap3A_172 = arith.index_cast %scan3A_162 : i32 to index
          %swap3A_173 = arith.constant 16 : index
          %swap3A_174 = tpu.vector_load %arg24[%swap3A_172, %swap3A_173] {strides = array<i32>} : memref<128x128xf32, #tpu.memory_space<vmem>>, vector<16xf32>,
          tpu.vector_store %arg24[%swap3A_172, %swap3A_173], %mul3A_171 {strides = array<i32>} : memref<128x128xf32, #tpu.memory_space<vmem>>, vector<16xf32>,
          %get3A_175 = arith.index_cast %scan3A_162 : i32 to index
          %get3A_176 = arith.constant 32 : index
          %get3A_177 = tpu.vector_load %arg24[%get3A_175, %get3A_176] {strides = array<i32>} : memref<128x128xf32, #tpu.memory_space<vmem>>, vector<16xf32>,
          %mul3A_178 = arith.mulf %get3A_177, %gather3A : vector<16xf32>
          %swap3A_179 = arith.index_cast %scan3A_162 : i32 to index
          %swap3A_180 = arith.constant 32 : index
          %swap3A_181 = tpu.vector_load %arg24[%swap3A_179, %swap3A_180] {strides = array<i32>} : memref<128x128xf32, #tpu.memory_space<vmem>>, vector<16xf32>,
          tpu.vector_store %arg24[%swap3A_179, %swap3A_180], %mul3A_178 {strides = array<i32>} : memref<128x128xf32, #tpu.memory_space<vmem>>, vector<16xf32>,
          %get3A_182 = arith.index_cast %scan3A_162 : i32 to index
          %get3A_183 = arith.constant 48 : index
          %get3A_184 = tpu.vector_load %arg24[%get3A_182, %get3A_183] {strides = array<i32>} : memref<128x128xf32, #tpu.memory_space<vmem>>, vector<16xf32>,
          %mul3A_185 = arith.mulf %get3A_184, %gather3A : vector<16xf32>
          %swap3A_186 = arith.index_cast %scan3A_162 : i32 to index
          %swap3A_187 = arith.constant 48 : index
          %swap3A_188 = tpu.vector_load %arg24[%swap3A_186, %swap3A_187] {strides = array<i32>} : memref<128x128xf32, #tpu.memory_space<vmem>>, vector<16xf32>,
          tpu.vector_store %arg24[%swap3A_186, %swap3A_187], %mul3A_185 {strides = array<i32>} : memref<128x128xf32, #tpu.memory_space<vmem>>, vector<16xf32>,
          %get3A_189 = arith.index_cast %scan3A_162 : i32 to index
          %get3A_190 = arith.constant 64 : index
          %get3A_191 = tpu.vector_load %arg24[%get3A_189, %get3A_190] {strides = array<i32>} : memref<128x128xf32, #tpu.memory_space<vmem>>, vector<16xf32>,
          %mul3A_192 = arith.mulf %get3A_191, %gather3A : vector<16xf32>
          %swap3A_193 = arith.index_cast %scan3A_162 : i32 to index
          %swap3A_194 = arith.constant 64 : index
          %swap3A_195 = tpu.vector_load %arg24[%swap3A_193, %swap3A_194] {strides = array<i32>} : memref<128x128xf32, #tpu.memory_space<vmem>>, vector<16xf32>,
          tpu.vector_store %arg24[%swap3A_193, %swap3A_194], %mul3A_192 {strides = array<i32>} : memref<128x128xf32, #tpu.memory_space<vmem>>, vector<16xf32>,
          %get3A_196 = arith.index_cast %scan3A_162 : i32 to index
          %get3A_197 = arith.constant 80 : index
          %get3A_198 = tpu.vector_load %arg24[%get3A_196, %get3A_197] {strides = array<i32>} : memref<128x128xf32, #tpu.memory_space<vmem>>, vector<16xf32>,
          %mul3A_199 = arith.mulf %get3A_198, %gather3A : vector<16xf32>
          %swap3A_200 = arith.index_cast %scan3A_162 : i32 to index
          %swap3A_201 = arith.constant 80 : index
          %swap3A_202 = tpu.vector_load %arg24[%swap3A_200, %swap3A_201] {strides = array<i32>} : memref<128x128xf32, #tpu.memory_space<vmem>>, vector<16xf32>,
          tpu.vector_store %arg24[%swap3A_200, %swap3A_201], %mul3A_199 {strides = array<i32>} : memref<128x128xf32, #tpu.memory_space<vmem>>, vector<16xf32>,
          %get3A_203 = arith.index_cast %scan3A_162 : i32 to index
          %get3A_204 = arith.constant 96 : index
          %get3A_205 = tpu.vector_load %arg24[%get3A_203, %get3A_204] {strides = array<i32>} : memref<128x128xf32, #tpu.memory_space<vmem>>, vector<16xf32>,
          %mul3A_206 = arith.mulf %get3A_205, %gather3A : vector<16xf32>
          %swap3A_207 = arith.index_cast %scan3A_162 : i32 to index
          %swap3A_208 = arith.constant 96 : index
          %swap3A_209 = tpu.vector_load %arg24[%swap3A_207, %swap3A_208] {strides = array<i32>} : memref<128x128xf32, #tpu.memory_space<vmem>>, vector<16xf32>,
          tpu.vector_store %arg24[%swap3A_207, %swap3A_208], %mul3A_206 {strides = array<i32>} : memref<128x128xf32, #tpu.memory_space<vmem>>, vector<16xf32>,
          %get3A_210 = arith.index_cast %scan3A_162 : i32 to index
          %get3A_211 = arith.constant 112 : index
          %get3A_212 = tpu.vector_load %arg24[%get3A_210, %get3A_211] {strides = array<i32>} : memref<128x128xf32, #tpu.memory_space<vmem>>, vector<16xf32>,
          %mul3A_213 = arith.mulf %get3A_212, %gather3A : vector<16xf32>
          %swap3A_214 = arith.index_cast %scan3A_162 : i32 to index
          %swap3A_215 = arith.constant 112 : index
          %swap3A_216 = tpu.vector_load %arg24[%swap3A_214, %swap3A_215] {strides = array<i32>} : memref<128x128xf32, #tpu.memory_space<vmem>>, vector<16xf32>,
          tpu.vector_store %arg24[%swap3A_214, %swap3A_215], %mul3A_213 {strides = array<i32>} : memref<128x128xf32, #tpu.memory_space<vmem>>, vector<16xf32>,
        }
        %scan3A_161 = arith.constant 128 : i32
        "tpu.region"() ({
          %run_scoped3A = tpu.sem_alloc : memref<!tpu.dma_semaphore, #tpu.memory_space<semaphore_mem>>
          %dma_start3A_162 = arith.constant 0 : i32
          %dma_start3A_163 = arith.constant 0 : i32
          %dma_start3A_164 = tpu.memref_slice %arg20[%dma_start3A_162, %dma_start3A_163] : memref<10112x128xf32, #tpu.memory_space<vmem_shared>> -> memref<10112x128xf32, #tpu.memory_space<vmem_shared>>
          tpu.enqueue_indirect_dma source(%arg24 : memref<128x128xf32, #tpu.memory_space<vmem>>) target(%dma_start3A_164 : memref<10112x128xf32, #tpu.memory_space<vmem_shared>>) offsets(%arg21 : memref<128xi32, #tpu.memory_space<vmem>>) semaphore(%run_scoped3A : memref<!tpu.dma_semaphore, #tpu.memory_space<semaphore_mem>>) {add = true}
          %dma_wait3A_165 = arith.constant 0 : i32
          %dma_wait3A_166 = arith.constant 0 : i32
          %dma_wait3A_167 = tpu.memref_slice %arg20[%dma_wait3A_165, %dma_wait3A_166] : memref<10112x128xf32, #tpu.memory_space<vmem_shared>> -> memref<10112x128xf32, #tpu.memory_space<vmem_shared>>
          tpu.wait_indirect_dma semaphore(%run_scoped3A : memref<!tpu.dma_semaphore, #tpu.memory_space<semaphore_mem>>) src(%arg24 : memref<128x128xf32, #tpu.memory_space<vmem>>) dst(%dma_wait3A_167 : memref<10112x128xf32, #tpu.memory_space<vmem_shared>>)
          tpu.yield
        }) : () -> ()
      }
      %scan3A_51 = arith.constant 157 : i32
      %barrier3A_52 = arith.constant 0 : index
      tpu.barrier barrier_id(%barrier3A_52)
      %add3A_53 = arith.constant 0 : i32
      %add3A_54 = arith.addi %arg1, %add3A_53 : i32
      %lt3A_55 = arith.constant 79 : i32
      %lt3A_56 = arith.cmpi slt, %add3A_54, %lt3A_55 : i32
      %convert_element_type3A_57 = arith.extui %lt3A_56 : i1 to i32
      %cond3A_58 = arith.constant 0 : i32
      %cond3A_59 = arith.cmpi ne, %convert_element_type3A_57, %cond3A_58 : i32
      scf.if %cond3A_59 {
        %mul3A_148 = arith.constant 128 : i32
        %mul3A_149 = arith.muli %add3A_54, %mul3A_148 : i32
        %mul3A_150 = arith.constant 128 : i32
        %mul3A_151 = arith.muli %add3A_54, %mul3A_150 : i32
        "tpu.region"() ({
          %run_scoped3A = tpu.sem_alloc : memref<!tpu.dma_semaphore, #tpu.memory_space<semaphore_mem>>
          %dma_start3A = arith.constant 0 : i32
          %dma_start3A_152 = tpu.memref_slice %arg17[%mul3A_151, %dma_start3A] : memref<10112x128xf32, #tpu.memory_space<hbm>> -> memref<128x128xf32, #tpu.memory_space<hbm>>
          %dma_start3A_153 = arith.constant 0 : i32
          %dma_start3A_154 = tpu.memref_slice %arg20[%mul3A_149, %dma_start3A_153] : memref<10112x128xf32, #tpu.memory_space<vmem_shared>> -> memref<128x128xf32, #tpu.memory_space<vmem_shared>>
          tpu.enqueue_dma source(%dma_start3A_154 : memref<128x128xf32, #tpu.memory_space<vmem_shared>>) target(%dma_start3A_152 : memref<128x128xf32, #tpu.memory_space<hbm>>) target_semaphore(%run_scoped3A : memref<!tpu.dma_semaphore, #tpu.memory_space<semaphore_mem>>)
          %dma_wait3A = arith.constant 0 : i32
          %dma_wait3A_155 = tpu.memref_slice %arg17[%mul3A_151, %dma_wait3A] : memref<10112x128xf32, #tpu.memory_space<hbm>> -> memref<128x128xf32, #tpu.memory_space<hbm>>
          %dma_wait3A_156 = arith.constant 0 : i32
          %dma_wait3A_157 = tpu.memref_slice %arg20[%mul3A_149, %dma_wait3A_156] : memref<10112x128xf32, #tpu.memory_space<vmem_shared>> -> memref<128x128xf32, #tpu.memory_space<vmem_shared>>
          tpu.wait_dma2 semaphore(%run_scoped3A : memref<!tpu.dma_semaphore, #tpu.memory_space<semaphore_mem>>) src(%dma_wait3A_157 : memref<128x128xf32, #tpu.memory_space<vmem_shared>>) dst(%dma_wait3A_155 : memref<128x128xf32, #tpu.memory_space<hbm>>)
          tpu.yield
        }) : () -> ()
      } else {
      }
      %add3A_60 = arith.constant 16 : i32
      %add3A_61 = arith.addi %arg1, %add3A_60 : i32
      %lt3A_62 = arith.constant 79 : i32
      %lt3A_63 = arith.cmpi slt, %add3A_61, %lt3A_62 : i32
      %convert_element_type3A_64 = arith.extui %lt3A_63 : i1 to i32
      %cond3A_65 = arith.constant 0 : i32
      %cond3A_66 = arith.cmpi ne, %convert_element_type3A_64, %cond3A_65 : i32
      scf.if %cond3A_66 {
        %mul3A_148 = arith.constant 128 : i32
        %mul3A_149 = arith.muli %add3A_61, %mul3A_148 : i32
        %mul3A_150 = arith.constant 128 : i32
        %mul3A_151 = arith.muli %add3A_61, %mul3A_150 : i32
        "tpu.region"() ({
          %run_scoped3A = tpu.sem_alloc : memref<!tpu.dma_semaphore, #tpu.memory_space<semaphore_mem>>
          %dma_start3A = arith.constant 0 : i32
          %dma_start3A_152 = tpu.memref_slice %arg17[%mul3A_151, %dma_start3A] : memref<10112x128xf32, #tpu.memory_space<hbm>> -> memref<128x128xf32, #tpu.memory_space<hbm>>
          %dma_start3A_153 = arith.constant 0 : i32
          %dma_start3A_154 = tpu.memref_slice %arg20[%mul3A_149, %dma_start3A_153] : memref<10112x128xf32, #tpu.memory_space<vmem_shared>> -> memref<128x128xf32, #tpu.memory_space<vmem_shared>>
          tpu.enqueue_dma source(%dma_start3A_154 : memref<128x128xf32, #tpu.memory_space<vmem_shared>>) target(%dma_start3A_152 : memref<128x128xf32, #tpu.memory_space<hbm>>) target_semaphore(%run_scoped3A : memref<!tpu.dma_semaphore, #tpu.memory_space<semaphore_mem>>)
          %dma_wait3A = arith.constant 0 : i32
          %dma_wait3A_155 = tpu.memref_slice %arg17[%mul3A_151, %dma_wait3A] : memref<10112x128xf32, #tpu.memory_space<hbm>> -> memref<128x128xf32, #tpu.memory_space<hbm>>
          %dma_wait3A_156 = arith.constant 0 : i32
          %dma_wait3A_157 = tpu.memref_slice %arg20[%mul3A_149, %dma_wait3A_156] : memref<10112x128xf32, #tpu.memory_space<vmem_shared>> -> memref<128x128xf32, #tpu.memory_space<vmem_shared>>
          tpu.wait_dma2 semaphore(%run_scoped3A : memref<!tpu.dma_semaphore, #tpu.memory_space<semaphore_mem>>) src(%dma_wait3A_157 : memref<128x128xf32, #tpu.memory_space<vmem_shared>>) dst(%dma_wait3A_155 : memref<128x128xf32, #tpu.memory_space<hbm>>)
          tpu.yield
        }) : () -> ()
      } else {
      }
      %add3A_67 = arith.constant 32 : i32
      %add3A_68 = arith.addi %arg1, %add3A_67 : i32
      %lt3A_69 = arith.constant 79 : i32
      %lt3A_70 = arith.cmpi slt, %add3A_68, %lt3A_69 : i32
      %convert_element_type3A_71 = arith.extui %lt3A_70 : i1 to i32
      %cond3A_72 = arith.constant 0 : i32
      %cond3A_73 = arith.cmpi ne, %convert_element_type3A_71, %cond3A_72 : i32
      scf.if %cond3A_73 {
        %mul3A_148 = arith.constant 128 : i32
        %mul3A_149 = arith.muli %add3A_68, %mul3A_148 : i32
        %mul3A_150 = arith.constant 128 : i32
        %mul3A_151 = arith.muli %add3A_68, %mul3A_150 : i32
        "tpu.region"() ({
          %run_scoped3A = tpu.sem_alloc : memref<!tpu.dma_semaphore, #tpu.memory_space<semaphore_mem>>
          %dma_start3A = arith.constant 0 : i32
          %dma_start3A_152 = tpu.memref_slice %arg17[%mul3A_151, %dma_start3A] : memref<10112x128xf32, #tpu.memory_space<hbm>> -> memref<128x128xf32, #tpu.memory_space<hbm>>
          %dma_start3A_153 = arith.constant 0 : i32
          %dma_start3A_154 = tpu.memref_slice %arg20[%mul3A_149, %dma_start3A_153] : memref<10112x128xf32, #tpu.memory_space<vmem_shared>> -> memref<128x128xf32, #tpu.memory_space<vmem_shared>>
          tpu.enqueue_dma source(%dma_start3A_154 : memref<128x128xf32, #tpu.memory_space<vmem_shared>>) target(%dma_start3A_152 : memref<128x128xf32, #tpu.memory_space<hbm>>) target_semaphore(%run_scoped3A : memref<!tpu.dma_semaphore, #tpu.memory_space<semaphore_mem>>)
          %dma_wait3A = arith.constant 0 : i32
          %dma_wait3A_155 = tpu.memref_slice %arg17[%mul3A_151, %dma_wait3A] : memref<10112x128xf32, #tpu.memory_space<hbm>> -> memref<128x128xf32, #tpu.memory_space<hbm>>
          %dma_wait3A_156 = arith.constant 0 : i32
          %dma_wait3A_157 = tpu.memref_slice %arg20[%mul3A_149, %dma_wait3A_156] : memref<10112x128xf32, #tpu.memory_space<vmem_shared>> -> memref<128x128xf32, #tpu.memory_space<vmem_shared>>
          tpu.wait_dma2 semaphore(%run_scoped3A : memref<!tpu.dma_semaphore, #tpu.memory_space<semaphore_mem>>) src(%dma_wait3A_157 : memref<128x128xf32, #tpu.memory_space<vmem_shared>>) dst(%dma_wait3A_155 : memref<128x128xf32, #tpu.memory_space<hbm>>)
          tpu.yield
        }) : () -> ()
      } else {
      }
      %add3A_74 = arith.constant 48 : i32
      %add3A_75 = arith.addi %arg1, %add3A_74 : i32
      %lt3A_76 = arith.constant 79 : i32
      %lt3A_77 = arith.cmpi slt, %add3A_75, %lt3A_76 : i32
      %convert_element_type3A_78 = arith.extui %lt3A_77 : i1 to i32
      %cond3A_79 = arith.constant 0 : i32
      %cond3A_80 = arith.cmpi ne, %convert_element_type3A_78, %cond3A_79 : i32
      scf.if %cond3A_80 {
        %mul3A_148 = arith.constant 128 : i32
        %mul3A_149 = arith.muli %add3A_75, %mul3A_148 : i32
        %mul3A_150 = arith.constant 128 : i32
        %mul3A_151 = arith.muli %add3A_75, %mul3A_150 : i32
        "tpu.region"() ({
          %run_scoped3A = tpu.sem_alloc : memref<!tpu.dma_semaphore, #tpu.memory_space<semaphore_mem>>
          %dma_start3A = arith.constant 0 : i32
          %dma_start3A_152 = tpu.memref_slice %arg17[%mul3A_151, %dma_start3A] : memref<10112x128xf32, #tpu.memory_space<hbm>> -> memref<128x128xf32, #tpu.memory_space<hbm>>
          %dma_start3A_153 = arith.constant 0 : i32
          %dma_start3A_154 = tpu.memref_slice %arg20[%mul3A_149, %dma_start3A_153] : memref<10112x128xf32, #tpu.memory_space<vmem_shared>> -> memref<128x128xf32, #tpu.memory_space<vmem_shared>>
          tpu.enqueue_dma source(%dma_start3A_154 : memref<128x128xf32, #tpu.memory_space<vmem_shared>>) target(%dma_start3A_152 : memref<128x128xf32, #tpu.memory_space<hbm>>) target_semaphore(%run_scoped3A : memref<!tpu.dma_semaphore, #tpu.memory_space<semaphore_mem>>)
          %dma_wait3A = arith.constant 0 : i32
          %dma_wait3A_155 = tpu.memref_slice %arg17[%mul3A_151, %dma_wait3A] : memref<10112x128xf32, #tpu.memory_space<hbm>> -> memref<128x128xf32, #tpu.memory_space<hbm>>
          %dma_wait3A_156 = arith.constant 0 : i32
          %dma_wait3A_157 = tpu.memref_slice %arg20[%mul3A_149, %dma_wait3A_156] : memref<10112x128xf32, #tpu.memory_space<vmem_shared>> -> memref<128x128xf32, #tpu.memory_space<vmem_shared>>
          tpu.wait_dma2 semaphore(%run_scoped3A : memref<!tpu.dma_semaphore, #tpu.memory_space<semaphore_mem>>) src(%dma_wait3A_157 : memref<128x128xf32, #tpu.memory_space<vmem_shared>>) dst(%dma_wait3A_155 : memref<128x128xf32, #tpu.memory_space<hbm>>)
          tpu.yield
        }) : () -> ()
      } else {
      }
      %add3A_81 = arith.constant 64 : i32
      %add3A_82 = arith.addi %arg1, %add3A_81 : i32
      %lt3A_83 = arith.constant 79 : i32
      %lt3A_84 = arith.cmpi slt, %add3A_82, %lt3A_83 : i32
      %convert_element_type3A_85 = arith.extui %lt3A_84 : i1 to i32
      %cond3A_86 = arith.constant 0 : i32
      %cond3A_87 = arith.cmpi ne, %convert_element_type3A_85, %cond3A_86 : i32
      scf.if %cond3A_87 {
        %mul3A_148 = arith.constant 128 : i32
        %mul3A_149 = arith.muli %add3A_82, %mul3A_148 : i32
        %mul3A_150 = arith.constant 128 : i32
        %mul3A_151 = arith.muli %add3A_82, %mul3A_150 : i32
        "tpu.region"() ({
          %run_scoped3A = tpu.sem_alloc : memref<!tpu.dma_semaphore, #tpu.memory_space<semaphore_mem>>
          %dma_start3A = arith.constant 0 : i32
          %dma_start3A_152 = tpu.memref_slice %arg17[%mul3A_151, %dma_start3A] : memref<10112x128xf32, #tpu.memory_space<hbm>> -> memref<128x128xf32, #tpu.memory_space<hbm>>
          %dma_start3A_153 = arith.constant 0 : i32
          %dma_start3A_154 = tpu.memref_slice %arg20[%mul3A_149, %dma_start3A_153] : memref<10112x128xf32, #tpu.memory_space<vmem_shared>> -> memref<128x128xf32, #tpu.memory_space<vmem_shared>>
          tpu.enqueue_dma source(%dma_start3A_154 : memref<128x128xf32, #tpu.memory_space<vmem_shared>>) target(%dma_start3A_152 : memref<128x128xf32, #tpu.memory_space<hbm>>) target_semaphore(%run_scoped3A : memref<!tpu.dma_semaphore, #tpu.memory_space<semaphore_mem>>)
          %dma_wait3A = arith.constant 0 : i32
          %dma_wait3A_155 = tpu.memref_slice %arg17[%mul3A_151, %dma_wait3A] : memref<10112x128xf32, #tpu.memory_space<hbm>> -> memref<128x128xf32, #tpu.memory_space<hbm>>
          %dma_wait3A_156 = arith.constant 0 : i32
          %dma_wait3A_157 = tpu.memref_slice %arg20[%mul3A_149, %dma_wait3A_156] : memref<10112x128xf32, #tpu.memory_space<vmem_shared>> -> memref<128x128xf32, #tpu.memory_space<vmem_shared>>
          tpu.wait_dma2 semaphore(%run_scoped3A : memref<!tpu.dma_semaphore, #tpu.memory_space<semaphore_mem>>) src(%dma_wait3A_157 : memref<128x128xf32, #tpu.memory_space<vmem_shared>>) dst(%dma_wait3A_155 : memref<128x128xf32, #tpu.memory_space<hbm>>)
          tpu.yield
        }) : () -> ()
      } else {
      }
      %barrier3A_88 = arith.constant 0 : index
      tpu.barrier barrier_id(%barrier3A_88)
      %scan3A_89 = arith.constant 0 : i32
      %scan3A_90 = arith.constant 0 : i32
      %scan3A_91 = arith.constant 128 : i32
      %scan3A_92 = arith.addi %scan3A_90, %scan3A_91 : i32
      %scan3A_93 = arith.constant 1 : i32
      scf.for %scan3A_148 = %scan3A_90 to %scan3A_92 step %scan3A_93  : i32 {
        %broadcast_in_dim3A = arith.constant 0.000000e+00 : f32
        %broadcast_in_dim3A_149 = vector.broadcast %broadcast_in_dim3A : f32 to vector<16xf32>
        %swap3A = arith.index_cast %scan3A_148 : i32 to index
        %swap3A_150 = arith.constant 0 : index
        %swap3A_151 = tpu.vector_load %arg24[%swap3A, %swap3A_150] {strides = array<i32>} : memref<128x128xf32, #tpu.memory_space<vmem>>, vector<16xf32>,
        tpu.vector_store %arg24[%swap3A, %swap3A_150], %broadcast_in_dim3A_149 {strides = array<i32>} : memref<128x128xf32, #tpu.memory_space<vmem>>, vector<16xf32>,
        %broadcast_in_dim3A_152 = arith.constant 0.000000e+00 : f32
        %broadcast_in_dim3A_153 = vector.broadcast %broadcast_in_dim3A_152 : f32 to vector<16xf32>
        %swap3A_154 = arith.index_cast %scan3A_148 : i32 to index
        %swap3A_155 = arith.constant 16 : index
        %swap3A_156 = tpu.vector_load %arg24[%swap3A_154, %swap3A_155] {strides = array<i32>} : memref<128x128xf32, #tpu.memory_space<vmem>>, vector<16xf32>,
        tpu.vector_store %arg24[%swap3A_154, %swap3A_155], %broadcast_in_dim3A_153 {strides = array<i32>} : memref<128x128xf32, #tpu.memory_space<vmem>>, vector<16xf32>,
        %broadcast_in_dim3A_157 = arith.constant 0.000000e+00 : f32
        %broadcast_in_dim3A_158 = vector.broadcast %broadcast_in_dim3A_157 : f32 to vector<16xf32>
        %swap3A_159 = arith.index_cast %scan3A_148 : i32 to index
        %swap3A_160 = arith.constant 32 : index
        %swap3A_161 = tpu.vector_load %arg24[%swap3A_159, %swap3A_160] {strides = array<i32>} : memref<128x128xf32, #tpu.memory_space<vmem>>, vector<16xf32>,
        tpu.vector_store %arg24[%swap3A_159, %swap3A_160], %broadcast_in_dim3A_158 {strides = array<i32>} : memref<128x128xf32, #tpu.memory_space<vmem>>, vector<16xf32>,
        %broadcast_in_dim3A_162 = arith.constant 0.000000e+00 : f32
        %broadcast_in_dim3A_163 = vector.broadcast %broadcast_in_dim3A_162 : f32 to vector<16xf32>
        %swap3A_164 = arith.index_cast %scan3A_148 : i32 to index
        %swap3A_165 = arith.constant 48 : index
        %swap3A_166 = tpu.vector_load %arg24[%swap3A_164, %swap3A_165] {strides = array<i32>} : memref<128x128xf32, #tpu.memory_space<vmem>>, vector<16xf32>,
        tpu.vector_store %arg24[%swap3A_164, %swap3A_165], %broadcast_in_dim3A_163 {strides = array<i32>} : memref<128x128xf32, #tpu.memory_space<vmem>>, vector<16xf32>,
        %broadcast_in_dim3A_167 = arith.constant 0.000000e+00 : f32
        %broadcast_in_dim3A_168 = vector.broadcast %broadcast_in_dim3A_167 : f32 to vector<16xf32>
        %swap3A_169 = arith.index_cast %scan3A_148 : i32 to index
        %swap3A_170 = arith.constant 64 : index
        %swap3A_171 = tpu.vector_load %arg24[%swap3A_169, %swap3A_170] {strides = array<i32>} : memref<128x128xf32, #tpu.memory_space<vmem>>, vector<16xf32>,
        tpu.vector_store %arg24[%swap3A_169, %swap3A_170], %broadcast_in_dim3A_168 {strides = array<i32>} : memref<128x128xf32, #tpu.memory_space<vmem>>, vector<16xf32>,
        %broadcast_in_dim3A_172 = arith.constant 0.000000e+00 : f32
        %broadcast_in_dim3A_173 = vector.broadcast %broadcast_in_dim3A_172 : f32 to vector<16xf32>
        %swap3A_174 = arith.index_cast %scan3A_148 : i32 to index
        %swap3A_175 = arith.constant 80 : index
        %swap3A_176 = tpu.vector_load %arg24[%swap3A_174, %swap3A_175] {strides = array<i32>} : memref<128x128xf32, #tpu.memory_space<vmem>>, vector<16xf32>,
        tpu.vector_store %arg24[%swap3A_174, %swap3A_175], %broadcast_in_dim3A_173 {strides = array<i32>} : memref<128x128xf32, #tpu.memory_space<vmem>>, vector<16xf32>,
        %broadcast_in_dim3A_177 = arith.constant 0.000000e+00 : f32
        %broadcast_in_dim3A_178 = vector.broadcast %broadcast_in_dim3A_177 : f32 to vector<16xf32>
        %swap3A_179 = arith.index_cast %scan3A_148 : i32 to index
        %swap3A_180 = arith.constant 96 : index
        %swap3A_181 = tpu.vector_load %arg24[%swap3A_179, %swap3A_180] {strides = array<i32>} : memref<128x128xf32, #tpu.memory_space<vmem>>, vector<16xf32>,
        tpu.vector_store %arg24[%swap3A_179, %swap3A_180], %broadcast_in_dim3A_178 {strides = array<i32>} : memref<128x128xf32, #tpu.memory_space<vmem>>, vector<16xf32>,
        %broadcast_in_dim3A_182 = arith.constant 0.000000e+00 : f32
        %broadcast_in_dim3A_183 = vector.broadcast %broadcast_in_dim3A_182 : f32 to vector<16xf32>
        %swap3A_184 = arith.index_cast %scan3A_148 : i32 to index
        %swap3A_185 = arith.constant 112 : index
        %swap3A_186 = tpu.vector_load %arg24[%swap3A_184, %swap3A_185] {strides = array<i32>} : memref<128x128xf32, #tpu.memory_space<vmem>>, vector<16xf32>,
        tpu.vector_store %arg24[%swap3A_184, %swap3A_185], %broadcast_in_dim3A_183 {strides = array<i32>} : memref<128x128xf32, #tpu.memory_space<vmem>>, vector<16xf32>,
      }
      %scan3A_94 = arith.constant 128 : i32
      %add3A_95 = arith.constant 0 : i32
      %add3A_96 = arith.addi %arg1, %add3A_95 : i32
      %lt3A_97 = arith.constant 40 : i32
      %lt3A_98 = arith.cmpi slt, %add3A_96, %lt3A_97 : i32
      %convert_element_type3A_99 = arith.extui %lt3A_98 : i1 to i32
      %cond3A_100 = arith.constant 0 : i32
      %cond3A_101 = arith.cmpi ne, %convert_element_type3A_99, %cond3A_100 : i32
      scf.if %cond3A_101 {
        %mul3A_148 = arith.constant 128 : i32
        %mul3A_149 = arith.muli %add3A_96, %mul3A_148 : i32
        "tpu.region"() ({
          %run_scoped3A = tpu.sem_alloc : memref<!tpu.dma_semaphore, #tpu.memory_space<semaphore_mem>>
          %dma_start3A = arith.constant 0 : i32
          %dma_start3A_150 = tpu.memref_slice %arg20[%mul3A_149, %dma_start3A] : memref<10112x128xf32, #tpu.memory_space<vmem_shared>> -> memref<128x128xf32, #tpu.memory_space<vmem_shared>>
          %dma_start3A_151 = arith.constant 0 : i32
          %dma_start3A_152 = tpu.memref_slice %arg20[%mul3A_149, %dma_start3A_151] : memref<10112x128xf32, #tpu.memory_space<vmem_shared>> -> memref<128x128xf32, #tpu.memory_space<vmem_shared>>
          tpu.enqueue_dma source(%arg24 : memref<128x128xf32, #tpu.memory_space<vmem>>) target(%dma_start3A_152 : memref<128x128xf32, #tpu.memory_space<vmem_shared>>) target_semaphore(%run_scoped3A : memref<!tpu.dma_semaphore, #tpu.memory_space<semaphore_mem>>)
          %dma_wait3A = arith.constant 0 : i32
          %dma_wait3A_153 = tpu.memref_slice %arg20[%mul3A_149, %dma_wait3A] : memref<10112x128xf32, #tpu.memory_space<vmem_shared>> -> memref<128x128xf32, #tpu.memory_space<vmem_shared>>
          %dma_wait3A_154 = arith.constant 0 : i32
          %dma_wait3A_155 = tpu.memref_slice %arg20[%mul3A_149, %dma_wait3A_154] : memref<10112x128xf32, #tpu.memory_space<vmem_shared>> -> memref<128x128xf32, #tpu.memory_space<vmem_shared>>
          tpu.wait_dma2 semaphore(%run_scoped3A : memref<!tpu.dma_semaphore, #tpu.memory_space<semaphore_mem>>) src(%arg24 : memref<128x128xf32, #tpu.memory_space<vmem>>) dst(%dma_wait3A_155 : memref<128x128xf32, #tpu.memory_space<vmem_shared>>)
          tpu.yield
        }) : () -> ()
      } else {
      }
      %add3A_102 = arith.constant 16 : i32
      %add3A_103 = arith.addi %arg1, %add3A_102 : i32
      %lt3A_104 = arith.constant 40 : i32
      %lt3A_105 = arith.cmpi slt, %add3A_103, %lt3A_104 : i32
      %convert_element_type3A_106 = arith.extui %lt3A_105 : i1 to i32
      %cond3A_107 = arith.constant 0 : i32
      %cond3A_108 = arith.cmpi ne, %convert_element_type3A_106, %cond3A_107 : i32
      scf.if %cond3A_108 {
        %mul3A_148 = arith.constant 128 : i32
        %mul3A_149 = arith.muli %add3A_103, %mul3A_148 : i32
        "tpu.region"() ({
          %run_scoped3A = tpu.sem_alloc : memref<!tpu.dma_semaphore, #tpu.memory_space<semaphore_mem>>
          %dma_start3A = arith.constant 0 : i32
          %dma_start3A_150 = tpu.memref_slice %arg20[%mul3A_149, %dma_start3A] : memref<10112x128xf32, #tpu.memory_space<vmem_shared>> -> memref<128x128xf32, #tpu.memory_space<vmem_shared>>
          %dma_start3A_151 = arith.constant 0 : i32
          %dma_start3A_152 = tpu.memref_slice %arg20[%mul3A_149, %dma_start3A_151] : memref<10112x128xf32, #tpu.memory_space<vmem_shared>> -> memref<128x128xf32, #tpu.memory_space<vmem_shared>>
          tpu.enqueue_dma source(%arg24 : memref<128x128xf32, #tpu.memory_space<vmem>>) target(%dma_start3A_152 : memref<128x128xf32, #tpu.memory_space<vmem_shared>>) target_semaphore(%run_scoped3A : memref<!tpu.dma_semaphore, #tpu.memory_space<semaphore_mem>>)
          %dma_wait3A = arith.constant 0 : i32
          %dma_wait3A_153 = tpu.memref_slice %arg20[%mul3A_149, %dma_wait3A] : memref<10112x128xf32, #tpu.memory_space<vmem_shared>> -> memref<128x128xf32, #tpu.memory_space<vmem_shared>>
          %dma_wait3A_154 = arith.constant 0 : i32
          %dma_wait3A_155 = tpu.memref_slice %arg20[%mul3A_149, %dma_wait3A_154] : memref<10112x128xf32, #tpu.memory_space<vmem_shared>> -> memref<128x128xf32, #tpu.memory_space<vmem_shared>>
          tpu.wait_dma2 semaphore(%run_scoped3A : memref<!tpu.dma_semaphore, #tpu.memory_space<semaphore_mem>>) src(%arg24 : memref<128x128xf32, #tpu.memory_space<vmem>>) dst(%dma_wait3A_155 : memref<128x128xf32, #tpu.memory_space<vmem_shared>>)
          tpu.yield
        }) : () -> ()
      } else {
      }
      %add3A_109 = arith.constant 32 : i32
      %add3A_110 = arith.addi %arg1, %add3A_109 : i32
      %lt3A_111 = arith.constant 40 : i32
      %lt3A_112 = arith.cmpi slt, %add3A_110, %lt3A_111 : i32
      %convert_element_type3A_113 = arith.extui %lt3A_112 : i1 to i32
      %cond3A_114 = arith.constant 0 : i32
      %cond3A_115 = arith.cmpi ne, %convert_element_type3A_113, %cond3A_114 : i32
      scf.if %cond3A_115 {
        %mul3A_148 = arith.constant 128 : i32
        %mul3A_149 = arith.muli %add3A_110, %mul3A_148 : i32
        "tpu.region"() ({
          %run_scoped3A = tpu.sem_alloc : memref<!tpu.dma_semaphore, #tpu.memory_space<semaphore_mem>>
          %dma_start3A = arith.constant 0 : i32
          %dma_start3A_150 = tpu.memref_slice %arg20[%mul3A_149, %dma_start3A] : memref<10112x128xf32, #tpu.memory_space<vmem_shared>> -> memref<128x128xf32, #tpu.memory_space<vmem_shared>>
          %dma_start3A_151 = arith.constant 0 : i32
          %dma_start3A_152 = tpu.memref_slice %arg20[%mul3A_149, %dma_start3A_151] : memref<10112x128xf32, #tpu.memory_space<vmem_shared>> -> memref<128x128xf32, #tpu.memory_space<vmem_shared>>
          tpu.enqueue_dma source(%arg24 : memref<128x128xf32, #tpu.memory_space<vmem>>) target(%dma_start3A_152 : memref<128x128xf32, #tpu.memory_space<vmem_shared>>) target_semaphore(%run_scoped3A : memref<!tpu.dma_semaphore, #tpu.memory_space<semaphore_mem>>)
          %dma_wait3A = arith.constant 0 : i32
          %dma_wait3A_153 = tpu.memref_slice %arg20[%mul3A_149, %dma_wait3A] : memref<10112x128xf32, #tpu.memory_space<vmem_shared>> -> memref<128x128xf32, #tpu.memory_space<vmem_shared>>
          %dma_wait3A_154 = arith.constant 0 : i32
          %dma_wait3A_155 = tpu.memref_slice %arg20[%mul3A_149, %dma_wait3A_154] : memref<10112x128xf32, #tpu.memory_space<vmem_shared>> -> memref<128x128xf32, #tpu.memory_space<vmem_shared>>
          tpu.wait_dma2 semaphore(%run_scoped3A : memref<!tpu.dma_semaphore, #tpu.memory_space<semaphore_mem>>) src(%arg24 : memref<128x128xf32, #tpu.memory_space<vmem>>) dst(%dma_wait3A_155 : memref<128x128xf32, #tpu.memory_space<vmem_shared>>)
          tpu.yield
        }) : () -> ()
      } else {
      }
      %barrier3A_116 = arith.constant 0 : index
      tpu.barrier barrier_id(%barrier3A_116)
      %mul3A_117 = arith.constant 20096 : i32
      %mul3A_118 = arith.muli %arg1, %mul3A_117 : i32
      %scan3A_119 = arith.constant 0 : i32
      %scan3A_120 = arith.constant 0 : i32
      %scan3A_121 = arith.constant 157 : i32
      %scan3A_122 = arith.addi %scan3A_120, %scan3A_121 : i32
      %scan3A_123 = arith.constant 1 : i32
      scf.for %scan3A_148 = %scan3A_120 to %scan3A_122 step %scan3A_123  : i32 {
        %mul3A_149 = arith.constant 128 : i32
        %mul3A_150 = arith.muli %scan3A_148, %mul3A_149 : i32
        %add3A_151 = arith.addi %mul3A_118, %mul3A_150 : i32
        "tpu.region"() ({
          %run_scoped3A = tpu.sem_alloc : memref<!tpu.dma_semaphore, #tpu.memory_space<semaphore_mem>>
          %dma_start3A_162 = tpu.memref_slice %arg10[%add3A_151] : memref<321536xi32, #tpu.memory_space<hbm>> -> memref<128xi32, #tpu.memory_space<hbm>>
          %dma_start3A_163 = tpu.memref_slice %arg10[%add3A_151] : memref<321536xi32, #tpu.memory_space<hbm>> -> memref<128xi32, #tpu.memory_space<hbm>>
          tpu.enqueue_dma source(%dma_start3A_163 : memref<128xi32, #tpu.memory_space<hbm>>) target(%arg21 : memref<128xi32, #tpu.memory_space<vmem>>) target_semaphore(%run_scoped3A : memref<!tpu.dma_semaphore, #tpu.memory_space<semaphore_mem>>)
          %dma_wait3A_164 = tpu.memref_slice %arg10[%add3A_151] : memref<321536xi32, #tpu.memory_space<hbm>> -> memref<128xi32, #tpu.memory_space<hbm>>
          %dma_wait3A_165 = tpu.memref_slice %arg10[%add3A_151] : memref<321536xi32, #tpu.memory_space<hbm>> -> memref<128xi32, #tpu.memory_space<hbm>>
          tpu.wait_dma2 semaphore(%run_scoped3A : memref<!tpu.dma_semaphore, #tpu.memory_space<semaphore_mem>>) src(%dma_wait3A_165 : memref<128xi32, #tpu.memory_space<hbm>>) dst(%arg21 : memref<128xi32, #tpu.memory_space<vmem>>)
          tpu.yield
        }) : () -> ()
        "tpu.region"() ({
          %run_scoped3A = tpu.sem_alloc : memref<!tpu.dma_semaphore, #tpu.memory_space<semaphore_mem>>
          %dma_start3A_162 = tpu.memref_slice %arg11[%add3A_151] : memref<321536xi32, #tpu.memory_space<hbm>> -> memref<128xi32, #tpu.memory_space<hbm>>
          %dma_start3A_163 = tpu.memref_slice %arg11[%add3A_151] : memref<321536xi32, #tpu.memory_space<hbm>> -> memref<128xi32, #tpu.memory_space<hbm>>
          tpu.enqueue_dma source(%dma_start3A_163 : memref<128xi32, #tpu.memory_space<hbm>>) target(%arg22 : memref<128xi32, #tpu.memory_space<vmem>>) target_semaphore(%run_scoped3A : memref<!tpu.dma_semaphore, #tpu.memory_space<semaphore_mem>>)
          %dma_wait3A_164 = tpu.memref_slice %arg11[%add3A_151] : memref<321536xi32, #tpu.memory_space<hbm>> -> memref<128xi32, #tpu.memory_space<hbm>>
          %dma_wait3A_165 = tpu.memref_slice %arg11[%add3A_151] : memref<321536xi32, #tpu.memory_space<hbm>> -> memref<128xi32, #tpu.memory_space<hbm>>
          tpu.wait_dma2 semaphore(%run_scoped3A : memref<!tpu.dma_semaphore, #tpu.memory_space<semaphore_mem>>) src(%dma_wait3A_165 : memref<128xi32, #tpu.memory_space<hbm>>) dst(%arg22 : memref<128xi32, #tpu.memory_space<vmem>>)
          tpu.yield
        }) : () -> ()
        "tpu.region"() ({
          %run_scoped3A = tpu.sem_alloc : memref<!tpu.dma_semaphore, #tpu.memory_space<semaphore_mem>>
          %dma_start3A_162 = tpu.memref_slice %arg12[%add3A_151] : memref<321536xf32, #tpu.memory_space<hbm>> -> memref<128xf32, #tpu.memory_space<hbm>>
          %dma_start3A_163 = tpu.memref_slice %arg12[%add3A_151] : memref<321536xf32, #tpu.memory_space<hbm>> -> memref<128xf32, #tpu.memory_space<hbm>>
          tpu.enqueue_dma source(%dma_start3A_163 : memref<128xf32, #tpu.memory_space<hbm>>) target(%arg23 : memref<128xf32, #tpu.memory_space<vmem>>) target_semaphore(%run_scoped3A : memref<!tpu.dma_semaphore, #tpu.memory_space<semaphore_mem>>)
          %dma_wait3A_164 = tpu.memref_slice %arg12[%add3A_151] : memref<321536xf32, #tpu.memory_space<hbm>> -> memref<128xf32, #tpu.memory_space<hbm>>
          %dma_wait3A_165 = tpu.memref_slice %arg12[%add3A_151] : memref<321536xf32, #tpu.memory_space<hbm>> -> memref<128xf32, #tpu.memory_space<hbm>>
          tpu.wait_dma2 semaphore(%run_scoped3A : memref<!tpu.dma_semaphore, #tpu.memory_space<semaphore_mem>>) src(%dma_wait3A_165 : memref<128xf32, #tpu.memory_space<hbm>>) dst(%arg23 : memref<128xf32, #tpu.memory_space<vmem>>)
          tpu.yield
        }) : () -> ()
        %dma_start3A = arith.constant 0 : i32
        %dma_start3A_152 = arith.constant 0 : i32
        %dma_start3A_153 = tpu.memref_slice %arg2[%dma_start3A, %dma_start3A_152] : memref<10000x128xf32, #tpu.memory_space<hbm>> -> memref<10000x128xf32, #tpu.memory_space<hbm>>
        tpu.enqueue_indirect_dma source(%dma_start3A_153 : memref<10000x128xf32, #tpu.memory_space<hbm>>) target(%arg24 : memref<128x128xf32, #tpu.memory_space<vmem>>) offsets(%arg22 : memref<128xi32, #tpu.memory_space<vmem>>) semaphore(%arg25 : memref<!tpu.dma_semaphore, #tpu.memory_space<semaphore_mem>>)
        %dma_wait3A = arith.constant 0 : i32
        %dma_wait3A_154 = arith.constant 0 : i32
        %dma_wait3A_155 = tpu.memref_slice %arg2[%dma_wait3A, %dma_wait3A_154] : memref<10000x128xf32, #tpu.memory_space<hbm>> -> memref<10000x128xf32, #tpu.memory_space<hbm>>
        tpu.wait_indirect_dma semaphore(%arg25 : memref<!tpu.dma_semaphore, #tpu.memory_space<semaphore_mem>>) src(%dma_wait3A_155 : memref<10000x128xf32, #tpu.memory_space<hbm>>) dst(%arg24 : memref<128x128xf32, #tpu.memory_space<vmem>>)
        %scan3A_156 = arith.constant 0 : i32
        %scan3A_157 = arith.constant 0 : i32
        %scan3A_158 = arith.constant 128 : i32
        %scan3A_159 = arith.addi %scan3A_157, %scan3A_158 : i32
        %scan3A_160 = arith.constant 1 : i32
        scf.for %scan3A_162 = %scan3A_157 to %scan3A_159 step %scan3A_160  : i32 {
          %broadcast_in_dim3A = vector.broadcast %scan3A_162 : i32 to vector<16xi32>
          %gather3A = tpu.vector_load_idx %arg23[%broadcast_in_dim3A] : memref<128xf32, #tpu.memory_space<vmem>>[vector<16xi32>], vector<16xf32>,
          %get3A = arith.index_cast %scan3A_162 : i32 to index
          %get3A_163 = arith.constant 0 : index
          %get3A_164 = tpu.vector_load %arg24[%get3A, %get3A_163] {strides = array<i32>} : memref<128x128xf32, #tpu.memory_space<vmem>>, vector<16xf32>,
          %mul3A_165 = arith.mulf %get3A_164, %gather3A : vector<16xf32>
          %swap3A = arith.index_cast %scan3A_162 : i32 to index
          %swap3A_166 = arith.constant 0 : index
          %swap3A_167 = tpu.vector_load %arg24[%swap3A, %swap3A_166] {strides = array<i32>} : memref<128x128xf32, #tpu.memory_space<vmem>>, vector<16xf32>,
          tpu.vector_store %arg24[%swap3A, %swap3A_166], %mul3A_165 {strides = array<i32>} : memref<128x128xf32, #tpu.memory_space<vmem>>, vector<16xf32>,
          %get3A_168 = arith.index_cast %scan3A_162 : i32 to index
          %get3A_169 = arith.constant 16 : index
          %get3A_170 = tpu.vector_load %arg24[%get3A_168, %get3A_169] {strides = array<i32>} : memref<128x128xf32, #tpu.memory_space<vmem>>, vector<16xf32>,
          %mul3A_171 = arith.mulf %get3A_170, %gather3A : vector<16xf32>
          %swap3A_172 = arith.index_cast %scan3A_162 : i32 to index
          %swap3A_173 = arith.constant 16 : index
          %swap3A_174 = tpu.vector_load %arg24[%swap3A_172, %swap3A_173] {strides = array<i32>} : memref<128x128xf32, #tpu.memory_space<vmem>>, vector<16xf32>,
          tpu.vector_store %arg24[%swap3A_172, %swap3A_173], %mul3A_171 {strides = array<i32>} : memref<128x128xf32, #tpu.memory_space<vmem>>, vector<16xf32>,
          %get3A_175 = arith.index_cast %scan3A_162 : i32 to index
          %get3A_176 = arith.constant 32 : index
          %get3A_177 = tpu.vector_load %arg24[%get3A_175, %get3A_176] {strides = array<i32>} : memref<128x128xf32, #tpu.memory_space<vmem>>, vector<16xf32>,
          %mul3A_178 = arith.mulf %get3A_177, %gather3A : vector<16xf32>
          %swap3A_179 = arith.index_cast %scan3A_162 : i32 to index
          %swap3A_180 = arith.constant 32 : index
          %swap3A_181 = tpu.vector_load %arg24[%swap3A_179, %swap3A_180] {strides = array<i32>} : memref<128x128xf32, #tpu.memory_space<vmem>>, vector<16xf32>,
          tpu.vector_store %arg24[%swap3A_179, %swap3A_180], %mul3A_178 {strides = array<i32>} : memref<128x128xf32, #tpu.memory_space<vmem>>, vector<16xf32>,
          %get3A_182 = arith.index_cast %scan3A_162 : i32 to index
          %get3A_183 = arith.constant 48 : index
          %get3A_184 = tpu.vector_load %arg24[%get3A_182, %get3A_183] {strides = array<i32>} : memref<128x128xf32, #tpu.memory_space<vmem>>, vector<16xf32>,
          %mul3A_185 = arith.mulf %get3A_184, %gather3A : vector<16xf32>
          %swap3A_186 = arith.index_cast %scan3A_162 : i32 to index
          %swap3A_187 = arith.constant 48 : index
          %swap3A_188 = tpu.vector_load %arg24[%swap3A_186, %swap3A_187] {strides = array<i32>} : memref<128x128xf32, #tpu.memory_space<vmem>>, vector<16xf32>,
          tpu.vector_store %arg24[%swap3A_186, %swap3A_187], %mul3A_185 {strides = array<i32>} : memref<128x128xf32, #tpu.memory_space<vmem>>, vector<16xf32>,
          %get3A_189 = arith.index_cast %scan3A_162 : i32 to index
          %get3A_190 = arith.constant 64 : index
          %get3A_191 = tpu.vector_load %arg24[%get3A_189, %get3A_190] {strides = array<i32>} : memref<128x128xf32, #tpu.memory_space<vmem>>, vector<16xf32>,
          %mul3A_192 = arith.mulf %get3A_191, %gather3A : vector<16xf32>
          %swap3A_193 = arith.index_cast %scan3A_162 : i32 to index
          %swap3A_194 = arith.constant 64 : index
          %swap3A_195 = tpu.vector_load %arg24[%swap3A_193, %swap3A_194] {strides = array<i32>} : memref<128x128xf32, #tpu.memory_space<vmem>>, vector<16xf32>,
          tpu.vector_store %arg24[%swap3A_193, %swap3A_194], %mul3A_192 {strides = array<i32>} : memref<128x128xf32, #tpu.memory_space<vmem>>, vector<16xf32>,
          %get3A_196 = arith.index_cast %scan3A_162 : i32 to index
          %get3A_197 = arith.constant 80 : index
          %get3A_198 = tpu.vector_load %arg24[%get3A_196, %get3A_197] {strides = array<i32>} : memref<128x128xf32, #tpu.memory_space<vmem>>, vector<16xf32>,
          %mul3A_199 = arith.mulf %get3A_198, %gather3A : vector<16xf32>
          %swap3A_200 = arith.index_cast %scan3A_162 : i32 to index
          %swap3A_201 = arith.constant 80 : index
          %swap3A_202 = tpu.vector_load %arg24[%swap3A_200, %swap3A_201] {strides = array<i32>} : memref<128x128xf32, #tpu.memory_space<vmem>>, vector<16xf32>,
          tpu.vector_store %arg24[%swap3A_200, %swap3A_201], %mul3A_199 {strides = array<i32>} : memref<128x128xf32, #tpu.memory_space<vmem>>, vector<16xf32>,
          %get3A_203 = arith.index_cast %scan3A_162 : i32 to index
          %get3A_204 = arith.constant 96 : index
          %get3A_205 = tpu.vector_load %arg24[%get3A_203, %get3A_204] {strides = array<i32>} : memref<128x128xf32, #tpu.memory_space<vmem>>, vector<16xf32>,
          %mul3A_206 = arith.mulf %get3A_205, %gather3A : vector<16xf32>
          %swap3A_207 = arith.index_cast %scan3A_162 : i32 to index
          %swap3A_208 = arith.constant 96 : index
          %swap3A_209 = tpu.vector_load %arg24[%swap3A_207, %swap3A_208] {strides = array<i32>} : memref<128x128xf32, #tpu.memory_space<vmem>>, vector<16xf32>,
          tpu.vector_store %arg24[%swap3A_207, %swap3A_208], %mul3A_206 {strides = array<i32>} : memref<128x128xf32, #tpu.memory_space<vmem>>, vector<16xf32>,
          %get3A_210 = arith.index_cast %scan3A_162 : i32 to index
          %get3A_211 = arith.constant 112 : index
          %get3A_212 = tpu.vector_load %arg24[%get3A_210, %get3A_211] {strides = array<i32>} : memref<128x128xf32, #tpu.memory_space<vmem>>, vector<16xf32>,
          %mul3A_213 = arith.mulf %get3A_212, %gather3A : vector<16xf32>
          %swap3A_214 = arith.index_cast %scan3A_162 : i32 to index
          %swap3A_215 = arith.constant 112 : index
          %swap3A_216 = tpu.vector_load %arg24[%swap3A_214, %swap3A_215] {strides = array<i32>} : memref<128x128xf32, #tpu.memory_space<vmem>>, vector<16xf32>,
          tpu.vector_store %arg24[%swap3A_214, %swap3A_215], %mul3A_213 {strides = array<i32>} : memref<128x128xf32, #tpu.memory_space<vmem>>, vector<16xf32>,
        }
        %scan3A_161 = arith.constant 128 : i32
        "tpu.region"() ({
          %run_scoped3A = tpu.sem_alloc : memref<!tpu.dma_semaphore, #tpu.memory_space<semaphore_mem>>
          %dma_start3A_162 = arith.constant 0 : i32
          %dma_start3A_163 = arith.constant 0 : i32
          %dma_start3A_164 = tpu.memref_slice %arg20[%dma_start3A_162, %dma_start3A_163] : memref<10112x128xf32, #tpu.memory_space<vmem_shared>> -> memref<10112x128xf32, #tpu.memory_space<vmem_shared>>
          tpu.enqueue_indirect_dma source(%arg24 : memref<128x128xf32, #tpu.memory_space<vmem>>) target(%dma_start3A_164 : memref<10112x128xf32, #tpu.memory_space<vmem_shared>>) offsets(%arg21 : memref<128xi32, #tpu.memory_space<vmem>>) semaphore(%run_scoped3A : memref<!tpu.dma_semaphore, #tpu.memory_space<semaphore_mem>>) {add = true}
          %dma_wait3A_165 = arith.constant 0 : i32
          %dma_wait3A_166 = arith.constant 0 : i32
          %dma_wait3A_167 = tpu.memref_slice %arg20[%dma_wait3A_165, %dma_wait3A_166] : memref<10112x128xf32, #tpu.memory_space<vmem_shared>> -> memref<10112x128xf32, #tpu.memory_space<vmem_shared>>
          tpu.wait_indirect_dma semaphore(%run_scoped3A : memref<!tpu.dma_semaphore, #tpu.memory_space<semaphore_mem>>) src(%arg24 : memref<128x128xf32, #tpu.memory_space<vmem>>) dst(%dma_wait3A_167 : memref<10112x128xf32, #tpu.memory_space<vmem_shared>>)
          tpu.yield
        }) : () -> ()
      }
      %scan3A_124 = arith.constant 157 : i32
      %barrier3A_125 = arith.constant 0 : index
      tpu.barrier barrier_id(%barrier3A_125)
      %add3A_126 = arith.constant 0 : i32
      %add3A_127 = arith.addi %arg1, %add3A_126 : i32
      %lt3A_128 = arith.constant 40 : i32
      %lt3A_129 = arith.cmpi slt, %add3A_127, %lt3A_128 : i32
      %convert_element_type3A_130 = arith.extui %lt3A_129 : i1 to i32
      %cond3A_131 = arith.constant 0 : i32
      %cond3A_132 = arith.cmpi ne, %convert_element_type3A_130, %cond3A_131 : i32
      scf.if %cond3A_132 {
        %mul3A_148 = arith.constant 128 : i32
        %mul3A_149 = arith.muli %add3A_127, %mul3A_148 : i32
        %mul3A_150 = arith.constant 128 : i32
        %mul3A_151 = arith.muli %add3A_127, %mul3A_150 : i32
        "tpu.region"() ({
          %run_scoped3A = tpu.sem_alloc : memref<!tpu.dma_semaphore, #tpu.memory_space<semaphore_mem>>
          %dma_start3A = arith.constant 0 : i32
          %dma_start3A_152 = tpu.memref_slice %arg18[%mul3A_151, %dma_start3A] : memref<5120x128xf32, #tpu.memory_space<hbm>> -> memref<128x128xf32, #tpu.memory_space<hbm>>
          %dma_start3A_153 = arith.constant 0 : i32
          %dma_start3A_154 = tpu.memref_slice %arg20[%mul3A_149, %dma_start3A_153] : memref<10112x128xf32, #tpu.memory_space<vmem_shared>> -> memref<128x128xf32, #tpu.memory_space<vmem_shared>>
          tpu.enqueue_dma source(%dma_start3A_154 : memref<128x128xf32, #tpu.memory_space<vmem_shared>>) target(%dma_start3A_152 : memref<128x128xf32, #tpu.memory_space<hbm>>) target_semaphore(%run_scoped3A : memref<!tpu.dma_semaphore, #tpu.memory_space<semaphore_mem>>)
          %dma_wait3A = arith.constant 0 : i32
          %dma_wait3A_155 = tpu.memref_slice %arg18[%mul3A_151, %dma_wait3A] : memref<5120x128xf32, #tpu.memory_space<hbm>> -> memref<128x128xf32, #tpu.memory_space<hbm>>
          %dma_wait3A_156 = arith.constant 0 : i32
          %dma_wait3A_157 = tpu.memref_slice %arg20[%mul3A_149, %dma_wait3A_156] : memref<10112x128xf32, #tpu.memory_space<vmem_shared>> -> memref<128x128xf32, #tpu.memory_space<vmem_shared>>
          tpu.wait_dma2 semaphore(%run_scoped3A : memref<!tpu.dma_semaphore, #tpu.memory_space<semaphore_mem>>) src(%dma_wait3A_157 : memref<128x128xf32, #tpu.memory_space<vmem_shared>>) dst(%dma_wait3A_155 : memref<128x128xf32, #tpu.memory_space<hbm>>)
          tpu.yield
        }) : () -> ()
      } else {
      }
      %add3A_133 = arith.constant 16 : i32
      %add3A_134 = arith.addi %arg1, %add3A_133 : i32
      %lt3A_135 = arith.constant 40 : i32
      %lt3A_136 = arith.cmpi slt, %add3A_134, %lt3A_135 : i32
      %convert_element_type3A_137 = arith.extui %lt3A_136 : i1 to i32
      %cond3A_138 = arith.constant 0 : i32
      %cond3A_139 = arith.cmpi ne, %convert_element_type3A_137, %cond3A_138 : i32
      scf.if %cond3A_139 {
        %mul3A_148 = arith.constant 128 : i32
        %mul3A_149 = arith.muli %add3A_134, %mul3A_148 : i32
        %mul3A_150 = arith.constant 128 : i32
        %mul3A_151 = arith.muli %add3A_134, %mul3A_150 : i32
        "tpu.region"() ({
          %run_scoped3A = tpu.sem_alloc : memref<!tpu.dma_semaphore, #tpu.memory_space<semaphore_mem>>
          %dma_start3A = arith.constant 0 : i32
          %dma_start3A_152 = tpu.memref_slice %arg18[%mul3A_151, %dma_start3A] : memref<5120x128xf32, #tpu.memory_space<hbm>> -> memref<128x128xf32, #tpu.memory_space<hbm>>
          %dma_start3A_153 = arith.constant 0 : i32
          %dma_start3A_154 = tpu.memref_slice %arg20[%mul3A_149, %dma_start3A_153] : memref<10112x128xf32, #tpu.memory_space<vmem_shared>> -> memref<128x128xf32, #tpu.memory_space<vmem_shared>>
          tpu.enqueue_dma source(%dma_start3A_154 : memref<128x128xf32, #tpu.memory_space<vmem_shared>>) target(%dma_start3A_152 : memref<128x128xf32, #tpu.memory_space<hbm>>) target_semaphore(%run_scoped3A : memref<!tpu.dma_semaphore, #tpu.memory_space<semaphore_mem>>)
          %dma_wait3A = arith.constant 0 : i32
          %dma_wait3A_155 = tpu.memref_slice %arg18[%mul3A_151, %dma_wait3A] : memref<5120x128xf32, #tpu.memory_space<hbm>> -> memref<128x128xf32, #tpu.memory_space<hbm>>
          %dma_wait3A_156 = arith.constant 0 : i32
          %dma_wait3A_157 = tpu.memref_slice %arg20[%mul3A_149, %dma_wait3A_156] : memref<10112x128xf32, #tpu.memory_space<vmem_shared>> -> memref<128x128xf32, #tpu.memory_space<vmem_shared>>
          tpu.wait_dma2 semaphore(%run_scoped3A : memref<!tpu.dma_semaphore, #tpu.memory_space<semaphore_mem>>) src(%dma_wait3A_157 : memref<128x128xf32, #tpu.memory_space<vmem_shared>>) dst(%dma_wait3A_155 : memref<128x128xf32, #tpu.memory_space<hbm>>)
          tpu.yield
        }) : () -> ()
      } else {
      }
      %add3A_140 = arith.constant 32 : i32
      %add3A_141 = arith.addi %arg1, %add3A_140 : i32
      %lt3A_142 = arith.constant 40 : i32
      %lt3A_143 = arith.cmpi slt, %add3A_141, %lt3A_142 : i32
      %convert_element_type3A_144 = arith.extui %lt3A_143 : i1 to i32
      %cond3A_145 = arith.constant 0 : i32
      %cond3A_146 = arith.cmpi ne, %convert_element_type3A_144, %cond3A_145 : i32
      scf.if %cond3A_146 {
        %mul3A_148 = arith.constant 128 : i32
        %mul3A_149 = arith.muli %add3A_141, %mul3A_148 : i32
        %mul3A_150 = arith.constant 128 : i32
        %mul3A_151 = arith.muli %add3A_141, %mul3A_150 : i32
        "tpu.region"() ({
          %run_scoped3A = tpu.sem_alloc : memref<!tpu.dma_semaphore, #tpu.memory_space<semaphore_mem>>
          %dma_start3A = arith.constant 0 : i32
          %dma_start3A_152 = tpu.memref_slice %arg18[%mul3A_151, %dma_start3A] : memref<5120x128xf32, #tpu.memory_space<hbm>> -> memref<128x128xf32, #tpu.memory_space<hbm>>
          %dma_start3A_153 = arith.constant 0 : i32
          %dma_start3A_154 = tpu.memref_slice %arg20[%mul3A_149, %dma_start3A_153] : memref<10112x128xf32, #tpu.memory_space<vmem_shared>> -> memref<128x128xf32, #tpu.memory_space<vmem_shared>>
          tpu.enqueue_dma source(%dma_start3A_154 : memref<128x128xf32, #tpu.memory_space<vmem_shared>>) target(%dma_start3A_152 : memref<128x128xf32, #tpu.memory_space<hbm>>) target_semaphore(%run_scoped3A : memref<!tpu.dma_semaphore, #tpu.memory_space<semaphore_mem>>)
          %dma_wait3A = arith.constant 0 : i32
          %dma_wait3A_155 = tpu.memref_slice %arg18[%mul3A_151, %dma_wait3A] : memref<5120x128xf32, #tpu.memory_space<hbm>> -> memref<128x128xf32, #tpu.memory_space<hbm>>
          %dma_wait3A_156 = arith.constant 0 : i32
          %dma_wait3A_157 = tpu.memref_slice %arg20[%mul3A_149, %dma_wait3A_156] : memref<10112x128xf32, #tpu.memory_space<vmem_shared>> -> memref<128x128xf32, #tpu.memory_space<vmem_shared>>
          tpu.wait_dma2 semaphore(%run_scoped3A : memref<!tpu.dma_semaphore, #tpu.memory_space<semaphore_mem>>) src(%dma_wait3A_157 : memref<128x128xf32, #tpu.memory_space<vmem_shared>>) dst(%dma_wait3A_155 : memref<128x128xf32, #tpu.memory_space<hbm>>)
          tpu.yield
        }) : () -> ()
      } else {
      }
      %barrier3A_147 = arith.constant 0 : index
      tpu.barrier barrier_id(%barrier3A_147)
    } else {
    }
    return
  }
}

#map = affine_map<(d0, d1) -> (0, 0)>
#map1 = affine_map<(d0, d1) -> (0)>
module attributes {stable_mosaic.version = 14 : i64} {
  func.func @body(%arg0: i32, %arg1: i32, %arg2: memref<10112x64xf32, #tpu.memory_space<hbm>>, %arg3: memref<5120x64xf32, #tpu.memory_space<hbm>>, %arg4: memref<321536xi32, #tpu.memory_space<hbm>>, %arg5: memref<321536xi32, #tpu.memory_space<hbm>>, %arg6: memref<321536xf32, #tpu.memory_space<hbm>>, %arg7: memref<321536xi32, #tpu.memory_space<hbm>>, %arg8: memref<321536xi32, #tpu.memory_space<hbm>>, %arg9: memref<321536xf32, #tpu.memory_space<hbm>>, %arg10: memref<321536xi32, #tpu.memory_space<hbm>>, %arg11: memref<321536xi32, #tpu.memory_space<hbm>>, %arg12: memref<321536xf32, #tpu.memory_space<hbm>>, %arg13: memref<161792xi32, #tpu.memory_space<hbm>>, %arg14: memref<161792xi32, #tpu.memory_space<hbm>>, %arg15: memref<161792xf32, #tpu.memory_space<hbm>>, %arg16: memref<10112x64xf32, #tpu.memory_space<hbm>>, %arg17: memref<10112x64xf32, #tpu.memory_space<hbm>>, %arg18: memref<5120x64xf32, #tpu.memory_space<hbm>>, %arg19: memref<5120x64xf32, #tpu.memory_space<hbm>>, %arg20: memref<10112x64xf32, #tpu.memory_space<vmem_shared>>, %arg21: memref<128xi32, #tpu.memory_space<vmem>>, %arg22: memref<128xi32, #tpu.memory_space<vmem>>, %arg23: memref<128xf32, #tpu.memory_space<vmem>>, %arg24: memref<128x64xf32, #tpu.memory_space<vmem>>, %arg25: memref<!tpu.dma_semaphore, #tpu.memory_space<semaphore_mem>>) attributes {dimension_semantics = [#tpu.dimension_semantics<core_parallel>, #tpu.dimension_semantics<subcore_parallel>], iteration_bounds = array<i64: 2, 16>, scalar_prefetch = 0 : i64, scratch_operands = 6 : i64, tpu.core_type = #tpu.core_type<sc_vector_subcore>, window_params = [{transform_indices = #map}, {transform_indices = #map}, {transform_indices = #map1}, {transform_indices = #map1}, {transform_indices = #map1}, {transform_indices = #map1}, {transform_indices = #map1}, {transform_indices = #map1}, {transform_indices = #map1}, {transform_indices = #map1}, {transform_indices = #map1}, {transform_indices = #map1}, {transform_indices = #map1}, {transform_indices = #map1}, {transform_indices = #map}, {transform_indices = #map}, {transform_indices = #map}, {transform_indices = #map}]} {
    %eq3A = arith.constant 0 : i32
    %eq3A_0 = arith.cmpi eq, %arg0, %eq3A : i32
    %convert_element_type3A = arith.extui %eq3A_0 : i1 to i32
    %cond3A = arith.constant 0 : i32
    %cond3A_1 = arith.cmpi ne, %convert_element_type3A, %cond3A : i32
    scf.if %cond3A_1 {
      %scan3A = arith.constant 0 : i32
      %scan3A_7 = arith.constant 0 : i32
      %scan3A_8 = arith.constant 128 : i32
      %scan3A_9 = arith.addi %scan3A_7, %scan3A_8 : i32
      %scan3A_10 = arith.constant 1 : i32
      scf.for %scan3A_148 = %scan3A_7 to %scan3A_9 step %scan3A_10  : i32 {
        %broadcast_in_dim3A = arith.constant 0.000000e+00 : f32
        %broadcast_in_dim3A_149 = vector.broadcast %broadcast_in_dim3A : f32 to vector<16xf32>
        %swap3A = arith.index_cast %scan3A_148 : i32 to index
        %swap3A_150 = arith.constant 0 : index
        %swap3A_151 = tpu.vector_load %arg24[%swap3A, %swap3A_150] {strides = array<i32>} : memref<128x64xf32, #tpu.memory_space<vmem>>, vector<16xf32>,
        tpu.vector_store %arg24[%swap3A, %swap3A_150], %broadcast_in_dim3A_149 {strides = array<i32>} : memref<128x64xf32, #tpu.memory_space<vmem>>, vector<16xf32>,
        %broadcast_in_dim3A_152 = arith.constant 0.000000e+00 : f32
        %broadcast_in_dim3A_153 = vector.broadcast %broadcast_in_dim3A_152 : f32 to vector<16xf32>
        %swap3A_154 = arith.index_cast %scan3A_148 : i32 to index
        %swap3A_155 = arith.constant 16 : index
        %swap3A_156 = tpu.vector_load %arg24[%swap3A_154, %swap3A_155] {strides = array<i32>} : memref<128x64xf32, #tpu.memory_space<vmem>>, vector<16xf32>,
        tpu.vector_store %arg24[%swap3A_154, %swap3A_155], %broadcast_in_dim3A_153 {strides = array<i32>} : memref<128x64xf32, #tpu.memory_space<vmem>>, vector<16xf32>,
        %broadcast_in_dim3A_157 = arith.constant 0.000000e+00 : f32
        %broadcast_in_dim3A_158 = vector.broadcast %broadcast_in_dim3A_157 : f32 to vector<16xf32>
        %swap3A_159 = arith.index_cast %scan3A_148 : i32 to index
        %swap3A_160 = arith.constant 32 : index
        %swap3A_161 = tpu.vector_load %arg24[%swap3A_159, %swap3A_160] {strides = array<i32>} : memref<128x64xf32, #tpu.memory_space<vmem>>, vector<16xf32>,
        tpu.vector_store %arg24[%swap3A_159, %swap3A_160], %broadcast_in_dim3A_158 {strides = array<i32>} : memref<128x64xf32, #tpu.memory_space<vmem>>, vector<16xf32>,
        %broadcast_in_dim3A_162 = arith.constant 0.000000e+00 : f32
        %broadcast_in_dim3A_163 = vector.broadcast %broadcast_in_dim3A_162 : f32 to vector<16xf32>
        %swap3A_164 = arith.index_cast %scan3A_148 : i32 to index
        %swap3A_165 = arith.constant 48 : index
        %swap3A_166 = tpu.vector_load %arg24[%swap3A_164, %swap3A_165] {strides = array<i32>} : memref<128x64xf32, #tpu.memory_space<vmem>>, vector<16xf32>,
        tpu.vector_store %arg24[%swap3A_164, %swap3A_165], %broadcast_in_dim3A_163 {strides = array<i32>} : memref<128x64xf32, #tpu.memory_space<vmem>>, vector<16xf32>,
      }
      %scan3A_11 = arith.constant 128 : i32
      %add3A = arith.constant 0 : i32
      %add3A_12 = arith.addi %arg1, %add3A : i32
      %lt3A = arith.constant 79 : i32
      %lt3A_13 = arith.cmpi slt, %add3A_12, %lt3A : i32
      %convert_element_type3A_14 = arith.extui %lt3A_13 : i1 to i32
      %cond3A_15 = arith.constant 0 : i32
      %cond3A_16 = arith.cmpi ne, %convert_element_type3A_14, %cond3A_15 : i32
      scf.if %cond3A_16 {
        %mul3A_148 = arith.constant 128 : i32
        %mul3A_149 = arith.muli %add3A_12, %mul3A_148 : i32
        "tpu.region"() ({
          %run_scoped3A = tpu.sem_alloc : memref<!tpu.dma_semaphore, #tpu.memory_space<semaphore_mem>>
          %dma_start3A = arith.constant 0 : i32
          %dma_start3A_150 = tpu.memref_slice %arg20[%mul3A_149, %dma_start3A] : memref<10112x64xf32, #tpu.memory_space<vmem_shared>> -> memref<128x64xf32, #tpu.memory_space<vmem_shared>>
          %dma_start3A_151 = arith.constant 0 : i32
          %dma_start3A_152 = tpu.memref_slice %arg20[%mul3A_149, %dma_start3A_151] : memref<10112x64xf32, #tpu.memory_space<vmem_shared>> -> memref<128x64xf32, #tpu.memory_space<vmem_shared>>
          tpu.enqueue_dma source(%arg24 : memref<128x64xf32, #tpu.memory_space<vmem>>) target(%dma_start3A_152 : memref<128x64xf32, #tpu.memory_space<vmem_shared>>) target_semaphore(%run_scoped3A : memref<!tpu.dma_semaphore, #tpu.memory_space<semaphore_mem>>)
          %dma_wait3A = arith.constant 0 : i32
          %dma_wait3A_153 = tpu.memref_slice %arg20[%mul3A_149, %dma_wait3A] : memref<10112x64xf32, #tpu.memory_space<vmem_shared>> -> memref<128x64xf32, #tpu.memory_space<vmem_shared>>
          %dma_wait3A_154 = arith.constant 0 : i32
          %dma_wait3A_155 = tpu.memref_slice %arg20[%mul3A_149, %dma_wait3A_154] : memref<10112x64xf32, #tpu.memory_space<vmem_shared>> -> memref<128x64xf32, #tpu.memory_space<vmem_shared>>
          tpu.wait_dma2 semaphore(%run_scoped3A : memref<!tpu.dma_semaphore, #tpu.memory_space<semaphore_mem>>) src(%arg24 : memref<128x64xf32, #tpu.memory_space<vmem>>) dst(%dma_wait3A_155 : memref<128x64xf32, #tpu.memory_space<vmem_shared>>)
          tpu.yield
        }) : () -> ()
      } else {
      }
      %add3A_17 = arith.constant 16 : i32
      %add3A_18 = arith.addi %arg1, %add3A_17 : i32
      %lt3A_19 = arith.constant 79 : i32
      %lt3A_20 = arith.cmpi slt, %add3A_18, %lt3A_19 : i32
      %convert_element_type3A_21 = arith.extui %lt3A_20 : i1 to i32
      %cond3A_22 = arith.constant 0 : i32
      %cond3A_23 = arith.cmpi ne, %convert_element_type3A_21, %cond3A_22 : i32
      scf.if %cond3A_23 {
        %mul3A_148 = arith.constant 128 : i32
        %mul3A_149 = arith.muli %add3A_18, %mul3A_148 : i32
        "tpu.region"() ({
          %run_scoped3A = tpu.sem_alloc : memref<!tpu.dma_semaphore, #tpu.memory_space<semaphore_mem>>
          %dma_start3A = arith.constant 0 : i32
          %dma_start3A_150 = tpu.memref_slice %arg20[%mul3A_149, %dma_start3A] : memref<10112x64xf32, #tpu.memory_space<vmem_shared>> -> memref<128x64xf32, #tpu.memory_space<vmem_shared>>
          %dma_start3A_151 = arith.constant 0 : i32
          %dma_start3A_152 = tpu.memref_slice %arg20[%mul3A_149, %dma_start3A_151] : memref<10112x64xf32, #tpu.memory_space<vmem_shared>> -> memref<128x64xf32, #tpu.memory_space<vmem_shared>>
          tpu.enqueue_dma source(%arg24 : memref<128x64xf32, #tpu.memory_space<vmem>>) target(%dma_start3A_152 : memref<128x64xf32, #tpu.memory_space<vmem_shared>>) target_semaphore(%run_scoped3A : memref<!tpu.dma_semaphore, #tpu.memory_space<semaphore_mem>>)
          %dma_wait3A = arith.constant 0 : i32
          %dma_wait3A_153 = tpu.memref_slice %arg20[%mul3A_149, %dma_wait3A] : memref<10112x64xf32, #tpu.memory_space<vmem_shared>> -> memref<128x64xf32, #tpu.memory_space<vmem_shared>>
          %dma_wait3A_154 = arith.constant 0 : i32
          %dma_wait3A_155 = tpu.memref_slice %arg20[%mul3A_149, %dma_wait3A_154] : memref<10112x64xf32, #tpu.memory_space<vmem_shared>> -> memref<128x64xf32, #tpu.memory_space<vmem_shared>>
          tpu.wait_dma2 semaphore(%run_scoped3A : memref<!tpu.dma_semaphore, #tpu.memory_space<semaphore_mem>>) src(%arg24 : memref<128x64xf32, #tpu.memory_space<vmem>>) dst(%dma_wait3A_155 : memref<128x64xf32, #tpu.memory_space<vmem_shared>>)
          tpu.yield
        }) : () -> ()
      } else {
      }
      %add3A_24 = arith.constant 32 : i32
      %add3A_25 = arith.addi %arg1, %add3A_24 : i32
      %lt3A_26 = arith.constant 79 : i32
      %lt3A_27 = arith.cmpi slt, %add3A_25, %lt3A_26 : i32
      %convert_element_type3A_28 = arith.extui %lt3A_27 : i1 to i32
      %cond3A_29 = arith.constant 0 : i32
      %cond3A_30 = arith.cmpi ne, %convert_element_type3A_28, %cond3A_29 : i32
      scf.if %cond3A_30 {
        %mul3A_148 = arith.constant 128 : i32
        %mul3A_149 = arith.muli %add3A_25, %mul3A_148 : i32
        "tpu.region"() ({
          %run_scoped3A = tpu.sem_alloc : memref<!tpu.dma_semaphore, #tpu.memory_space<semaphore_mem>>
          %dma_start3A = arith.constant 0 : i32
          %dma_start3A_150 = tpu.memref_slice %arg20[%mul3A_149, %dma_start3A] : memref<10112x64xf32, #tpu.memory_space<vmem_shared>> -> memref<128x64xf32, #tpu.memory_space<vmem_shared>>
          %dma_start3A_151 = arith.constant 0 : i32
          %dma_start3A_152 = tpu.memref_slice %arg20[%mul3A_149, %dma_start3A_151] : memref<10112x64xf32, #tpu.memory_space<vmem_shared>> -> memref<128x64xf32, #tpu.memory_space<vmem_shared>>
          tpu.enqueue_dma source(%arg24 : memref<128x64xf32, #tpu.memory_space<vmem>>) target(%dma_start3A_152 : memref<128x64xf32, #tpu.memory_space<vmem_shared>>) target_semaphore(%run_scoped3A : memref<!tpu.dma_semaphore, #tpu.memory_space<semaphore_mem>>)
          %dma_wait3A = arith.constant 0 : i32
          %dma_wait3A_153 = tpu.memref_slice %arg20[%mul3A_149, %dma_wait3A] : memref<10112x64xf32, #tpu.memory_space<vmem_shared>> -> memref<128x64xf32, #tpu.memory_space<vmem_shared>>
          %dma_wait3A_154 = arith.constant 0 : i32
          %dma_wait3A_155 = tpu.memref_slice %arg20[%mul3A_149, %dma_wait3A_154] : memref<10112x64xf32, #tpu.memory_space<vmem_shared>> -> memref<128x64xf32, #tpu.memory_space<vmem_shared>>
          tpu.wait_dma2 semaphore(%run_scoped3A : memref<!tpu.dma_semaphore, #tpu.memory_space<semaphore_mem>>) src(%arg24 : memref<128x64xf32, #tpu.memory_space<vmem>>) dst(%dma_wait3A_155 : memref<128x64xf32, #tpu.memory_space<vmem_shared>>)
          tpu.yield
        }) : () -> ()
      } else {
      }
      %add3A_31 = arith.constant 48 : i32
      %add3A_32 = arith.addi %arg1, %add3A_31 : i32
      %lt3A_33 = arith.constant 79 : i32
      %lt3A_34 = arith.cmpi slt, %add3A_32, %lt3A_33 : i32
      %convert_element_type3A_35 = arith.extui %lt3A_34 : i1 to i32
      %cond3A_36 = arith.constant 0 : i32
      %cond3A_37 = arith.cmpi ne, %convert_element_type3A_35, %cond3A_36 : i32
      scf.if %cond3A_37 {
        %mul3A_148 = arith.constant 128 : i32
        %mul3A_149 = arith.muli %add3A_32, %mul3A_148 : i32
        "tpu.region"() ({
          %run_scoped3A = tpu.sem_alloc : memref<!tpu.dma_semaphore, #tpu.memory_space<semaphore_mem>>
          %dma_start3A = arith.constant 0 : i32
          %dma_start3A_150 = tpu.memref_slice %arg20[%mul3A_149, %dma_start3A] : memref<10112x64xf32, #tpu.memory_space<vmem_shared>> -> memref<128x64xf32, #tpu.memory_space<vmem_shared>>
          %dma_start3A_151 = arith.constant 0 : i32
          %dma_start3A_152 = tpu.memref_slice %arg20[%mul3A_149, %dma_start3A_151] : memref<10112x64xf32, #tpu.memory_space<vmem_shared>> -> memref<128x64xf32, #tpu.memory_space<vmem_shared>>
          tpu.enqueue_dma source(%arg24 : memref<128x64xf32, #tpu.memory_space<vmem>>) target(%dma_start3A_152 : memref<128x64xf32, #tpu.memory_space<vmem_shared>>) target_semaphore(%run_scoped3A : memref<!tpu.dma_semaphore, #tpu.memory_space<semaphore_mem>>)
          %dma_wait3A = arith.constant 0 : i32
          %dma_wait3A_153 = tpu.memref_slice %arg20[%mul3A_149, %dma_wait3A] : memref<10112x64xf32, #tpu.memory_space<vmem_shared>> -> memref<128x64xf32, #tpu.memory_space<vmem_shared>>
          %dma_wait3A_154 = arith.constant 0 : i32
          %dma_wait3A_155 = tpu.memref_slice %arg20[%mul3A_149, %dma_wait3A_154] : memref<10112x64xf32, #tpu.memory_space<vmem_shared>> -> memref<128x64xf32, #tpu.memory_space<vmem_shared>>
          tpu.wait_dma2 semaphore(%run_scoped3A : memref<!tpu.dma_semaphore, #tpu.memory_space<semaphore_mem>>) src(%arg24 : memref<128x64xf32, #tpu.memory_space<vmem>>) dst(%dma_wait3A_155 : memref<128x64xf32, #tpu.memory_space<vmem_shared>>)
          tpu.yield
        }) : () -> ()
      } else {
      }
      %add3A_38 = arith.constant 64 : i32
      %add3A_39 = arith.addi %arg1, %add3A_38 : i32
      %lt3A_40 = arith.constant 79 : i32
      %lt3A_41 = arith.cmpi slt, %add3A_39, %lt3A_40 : i32
      %convert_element_type3A_42 = arith.extui %lt3A_41 : i1 to i32
      %cond3A_43 = arith.constant 0 : i32
      %cond3A_44 = arith.cmpi ne, %convert_element_type3A_42, %cond3A_43 : i32
      scf.if %cond3A_44 {
        %mul3A_148 = arith.constant 128 : i32
        %mul3A_149 = arith.muli %add3A_39, %mul3A_148 : i32
        "tpu.region"() ({
          %run_scoped3A = tpu.sem_alloc : memref<!tpu.dma_semaphore, #tpu.memory_space<semaphore_mem>>
          %dma_start3A = arith.constant 0 : i32
          %dma_start3A_150 = tpu.memref_slice %arg20[%mul3A_149, %dma_start3A] : memref<10112x64xf32, #tpu.memory_space<vmem_shared>> -> memref<128x64xf32, #tpu.memory_space<vmem_shared>>
          %dma_start3A_151 = arith.constant 0 : i32
          %dma_start3A_152 = tpu.memref_slice %arg20[%mul3A_149, %dma_start3A_151] : memref<10112x64xf32, #tpu.memory_space<vmem_shared>> -> memref<128x64xf32, #tpu.memory_space<vmem_shared>>
          tpu.enqueue_dma source(%arg24 : memref<128x64xf32, #tpu.memory_space<vmem>>) target(%dma_start3A_152 : memref<128x64xf32, #tpu.memory_space<vmem_shared>>) target_semaphore(%run_scoped3A : memref<!tpu.dma_semaphore, #tpu.memory_space<semaphore_mem>>)
          %dma_wait3A = arith.constant 0 : i32
          %dma_wait3A_153 = tpu.memref_slice %arg20[%mul3A_149, %dma_wait3A] : memref<10112x64xf32, #tpu.memory_space<vmem_shared>> -> memref<128x64xf32, #tpu.memory_space<vmem_shared>>
          %dma_wait3A_154 = arith.constant 0 : i32
          %dma_wait3A_155 = tpu.memref_slice %arg20[%mul3A_149, %dma_wait3A_154] : memref<10112x64xf32, #tpu.memory_space<vmem_shared>> -> memref<128x64xf32, #tpu.memory_space<vmem_shared>>
          tpu.wait_dma2 semaphore(%run_scoped3A : memref<!tpu.dma_semaphore, #tpu.memory_space<semaphore_mem>>) src(%arg24 : memref<128x64xf32, #tpu.memory_space<vmem>>) dst(%dma_wait3A_155 : memref<128x64xf32, #tpu.memory_space<vmem_shared>>)
          tpu.yield
        }) : () -> ()
      } else {
      }
      %barrier3A = arith.constant 0 : index
      tpu.barrier barrier_id(%barrier3A)
      %mul3A = arith.constant 20096 : i32
      %mul3A_45 = arith.muli %arg1, %mul3A : i32
      %scan3A_46 = arith.constant 0 : i32
      %scan3A_47 = arith.constant 0 : i32
      %scan3A_48 = arith.constant 157 : i32
      %scan3A_49 = arith.addi %scan3A_47, %scan3A_48 : i32
      %scan3A_50 = arith.constant 1 : i32
      scf.for %scan3A_148 = %scan3A_47 to %scan3A_49 step %scan3A_50  : i32 {
        %mul3A_149 = arith.constant 128 : i32
        %mul3A_150 = arith.muli %scan3A_148, %mul3A_149 : i32
        %add3A_151 = arith.addi %mul3A_45, %mul3A_150 : i32
        "tpu.region"() ({
          %run_scoped3A = tpu.sem_alloc : memref<!tpu.dma_semaphore, #tpu.memory_space<semaphore_mem>>
          %dma_start3A_162 = tpu.memref_slice %arg4[%add3A_151] : memref<321536xi32, #tpu.memory_space<hbm>> -> memref<128xi32, #tpu.memory_space<hbm>>
          %dma_start3A_163 = tpu.memref_slice %arg4[%add3A_151] : memref<321536xi32, #tpu.memory_space<hbm>> -> memref<128xi32, #tpu.memory_space<hbm>>
          tpu.enqueue_dma source(%dma_start3A_163 : memref<128xi32, #tpu.memory_space<hbm>>) target(%arg21 : memref<128xi32, #tpu.memory_space<vmem>>) target_semaphore(%run_scoped3A : memref<!tpu.dma_semaphore, #tpu.memory_space<semaphore_mem>>)
          %dma_wait3A_164 = tpu.memref_slice %arg4[%add3A_151] : memref<321536xi32, #tpu.memory_space<hbm>> -> memref<128xi32, #tpu.memory_space<hbm>>
          %dma_wait3A_165 = tpu.memref_slice %arg4[%add3A_151] : memref<321536xi32, #tpu.memory_space<hbm>> -> memref<128xi32, #tpu.memory_space<hbm>>
          tpu.wait_dma2 semaphore(%run_scoped3A : memref<!tpu.dma_semaphore, #tpu.memory_space<semaphore_mem>>) src(%dma_wait3A_165 : memref<128xi32, #tpu.memory_space<hbm>>) dst(%arg21 : memref<128xi32, #tpu.memory_space<vmem>>)
          tpu.yield
        }) : () -> ()
        "tpu.region"() ({
          %run_scoped3A = tpu.sem_alloc : memref<!tpu.dma_semaphore, #tpu.memory_space<semaphore_mem>>
          %dma_start3A_162 = tpu.memref_slice %arg5[%add3A_151] : memref<321536xi32, #tpu.memory_space<hbm>> -> memref<128xi32, #tpu.memory_space<hbm>>
          %dma_start3A_163 = tpu.memref_slice %arg5[%add3A_151] : memref<321536xi32, #tpu.memory_space<hbm>> -> memref<128xi32, #tpu.memory_space<hbm>>
          tpu.enqueue_dma source(%dma_start3A_163 : memref<128xi32, #tpu.memory_space<hbm>>) target(%arg22 : memref<128xi32, #tpu.memory_space<vmem>>) target_semaphore(%run_scoped3A : memref<!tpu.dma_semaphore, #tpu.memory_space<semaphore_mem>>)
          %dma_wait3A_164 = tpu.memref_slice %arg5[%add3A_151] : memref<321536xi32, #tpu.memory_space<hbm>> -> memref<128xi32, #tpu.memory_space<hbm>>
          %dma_wait3A_165 = tpu.memref_slice %arg5[%add3A_151] : memref<321536xi32, #tpu.memory_space<hbm>> -> memref<128xi32, #tpu.memory_space<hbm>>
          tpu.wait_dma2 semaphore(%run_scoped3A : memref<!tpu.dma_semaphore, #tpu.memory_space<semaphore_mem>>) src(%dma_wait3A_165 : memref<128xi32, #tpu.memory_space<hbm>>) dst(%arg22 : memref<128xi32, #tpu.memory_space<vmem>>)
          tpu.yield
        }) : () -> ()
        "tpu.region"() ({
          %run_scoped3A = tpu.sem_alloc : memref<!tpu.dma_semaphore, #tpu.memory_space<semaphore_mem>>
          %dma_start3A_162 = tpu.memref_slice %arg6[%add3A_151] : memref<321536xf32, #tpu.memory_space<hbm>> -> memref<128xf32, #tpu.memory_space<hbm>>
          %dma_start3A_163 = tpu.memref_slice %arg6[%add3A_151] : memref<321536xf32, #tpu.memory_space<hbm>> -> memref<128xf32, #tpu.memory_space<hbm>>
          tpu.enqueue_dma source(%dma_start3A_163 : memref<128xf32, #tpu.memory_space<hbm>>) target(%arg23 : memref<128xf32, #tpu.memory_space<vmem>>) target_semaphore(%run_scoped3A : memref<!tpu.dma_semaphore, #tpu.memory_space<semaphore_mem>>)
          %dma_wait3A_164 = tpu.memref_slice %arg6[%add3A_151] : memref<321536xf32, #tpu.memory_space<hbm>> -> memref<128xf32, #tpu.memory_space<hbm>>
          %dma_wait3A_165 = tpu.memref_slice %arg6[%add3A_151] : memref<321536xf32, #tpu.memory_space<hbm>> -> memref<128xf32, #tpu.memory_space<hbm>>
          tpu.wait_dma2 semaphore(%run_scoped3A : memref<!tpu.dma_semaphore, #tpu.memory_space<semaphore_mem>>) src(%dma_wait3A_165 : memref<128xf32, #tpu.memory_space<hbm>>) dst(%arg23 : memref<128xf32, #tpu.memory_space<vmem>>)
          tpu.yield
        }) : () -> ()
        %dma_start3A = arith.constant 0 : i32
        %dma_start3A_152 = arith.constant 0 : i32
        %dma_start3A_153 = tpu.memref_slice %arg2[%dma_start3A, %dma_start3A_152] : memref<10112x64xf32, #tpu.memory_space<hbm>> -> memref<10112x64xf32, #tpu.memory_space<hbm>>
        tpu.enqueue_indirect_dma source(%dma_start3A_153 : memref<10112x64xf32, #tpu.memory_space<hbm>>) target(%arg24 : memref<128x64xf32, #tpu.memory_space<vmem>>) offsets(%arg22 : memref<128xi32, #tpu.memory_space<vmem>>) semaphore(%arg25 : memref<!tpu.dma_semaphore, #tpu.memory_space<semaphore_mem>>)
        %dma_wait3A = arith.constant 0 : i32
        %dma_wait3A_154 = arith.constant 0 : i32
        %dma_wait3A_155 = tpu.memref_slice %arg2[%dma_wait3A, %dma_wait3A_154] : memref<10112x64xf32, #tpu.memory_space<hbm>> -> memref<10112x64xf32, #tpu.memory_space<hbm>>
        tpu.wait_indirect_dma semaphore(%arg25 : memref<!tpu.dma_semaphore, #tpu.memory_space<semaphore_mem>>) src(%dma_wait3A_155 : memref<10112x64xf32, #tpu.memory_space<hbm>>) dst(%arg24 : memref<128x64xf32, #tpu.memory_space<vmem>>)
        %scan3A_156 = arith.constant 0 : i32
        %scan3A_157 = arith.constant 0 : i32
        %scan3A_158 = arith.constant 128 : i32
        %scan3A_159 = arith.addi %scan3A_157, %scan3A_158 : i32
        %scan3A_160 = arith.constant 1 : i32
        scf.for %scan3A_162 = %scan3A_157 to %scan3A_159 step %scan3A_160  : i32 {
          %broadcast_in_dim3A = vector.broadcast %scan3A_162 : i32 to vector<16xi32>
          %gather3A = tpu.vector_load_idx %arg23[%broadcast_in_dim3A] : memref<128xf32, #tpu.memory_space<vmem>>[vector<16xi32>], vector<16xf32>,
          %get3A = arith.index_cast %scan3A_162 : i32 to index
          %get3A_163 = arith.constant 0 : index
          %get3A_164 = tpu.vector_load %arg24[%get3A, %get3A_163] {strides = array<i32>} : memref<128x64xf32, #tpu.memory_space<vmem>>, vector<16xf32>,
          %mul3A_165 = arith.mulf %get3A_164, %gather3A : vector<16xf32>
          %swap3A = arith.index_cast %scan3A_162 : i32 to index
          %swap3A_166 = arith.constant 0 : index
          %swap3A_167 = tpu.vector_load %arg24[%swap3A, %swap3A_166] {strides = array<i32>} : memref<128x64xf32, #tpu.memory_space<vmem>>, vector<16xf32>,
          tpu.vector_store %arg24[%swap3A, %swap3A_166], %mul3A_165 {strides = array<i32>} : memref<128x64xf32, #tpu.memory_space<vmem>>, vector<16xf32>,
          %get3A_168 = arith.index_cast %scan3A_162 : i32 to index
          %get3A_169 = arith.constant 16 : index
          %get3A_170 = tpu.vector_load %arg24[%get3A_168, %get3A_169] {strides = array<i32>} : memref<128x64xf32, #tpu.memory_space<vmem>>, vector<16xf32>,
          %mul3A_171 = arith.mulf %get3A_170, %gather3A : vector<16xf32>
          %swap3A_172 = arith.index_cast %scan3A_162 : i32 to index
          %swap3A_173 = arith.constant 16 : index
          %swap3A_174 = tpu.vector_load %arg24[%swap3A_172, %swap3A_173] {strides = array<i32>} : memref<128x64xf32, #tpu.memory_space<vmem>>, vector<16xf32>,
          tpu.vector_store %arg24[%swap3A_172, %swap3A_173], %mul3A_171 {strides = array<i32>} : memref<128x64xf32, #tpu.memory_space<vmem>>, vector<16xf32>,
          %get3A_175 = arith.index_cast %scan3A_162 : i32 to index
          %get3A_176 = arith.constant 32 : index
          %get3A_177 = tpu.vector_load %arg24[%get3A_175, %get3A_176] {strides = array<i32>} : memref<128x64xf32, #tpu.memory_space<vmem>>, vector<16xf32>,
          %mul3A_178 = arith.mulf %get3A_177, %gather3A : vector<16xf32>
          %swap3A_179 = arith.index_cast %scan3A_162 : i32 to index
          %swap3A_180 = arith.constant 32 : index
          %swap3A_181 = tpu.vector_load %arg24[%swap3A_179, %swap3A_180] {strides = array<i32>} : memref<128x64xf32, #tpu.memory_space<vmem>>, vector<16xf32>,
          tpu.vector_store %arg24[%swap3A_179, %swap3A_180], %mul3A_178 {strides = array<i32>} : memref<128x64xf32, #tpu.memory_space<vmem>>, vector<16xf32>,
          %get3A_182 = arith.index_cast %scan3A_162 : i32 to index
          %get3A_183 = arith.constant 48 : index
          %get3A_184 = tpu.vector_load %arg24[%get3A_182, %get3A_183] {strides = array<i32>} : memref<128x64xf32, #tpu.memory_space<vmem>>, vector<16xf32>,
          %mul3A_185 = arith.mulf %get3A_184, %gather3A : vector<16xf32>
          %swap3A_186 = arith.index_cast %scan3A_162 : i32 to index
          %swap3A_187 = arith.constant 48 : index
          %swap3A_188 = tpu.vector_load %arg24[%swap3A_186, %swap3A_187] {strides = array<i32>} : memref<128x64xf32, #tpu.memory_space<vmem>>, vector<16xf32>,
          tpu.vector_store %arg24[%swap3A_186, %swap3A_187], %mul3A_185 {strides = array<i32>} : memref<128x64xf32, #tpu.memory_space<vmem>>, vector<16xf32>,
        }
        %scan3A_161 = arith.constant 128 : i32
        "tpu.region"() ({
          %run_scoped3A = tpu.sem_alloc : memref<!tpu.dma_semaphore, #tpu.memory_space<semaphore_mem>>
          %dma_start3A_162 = arith.constant 0 : i32
          %dma_start3A_163 = arith.constant 0 : i32
          %dma_start3A_164 = tpu.memref_slice %arg20[%dma_start3A_162, %dma_start3A_163] : memref<10112x64xf32, #tpu.memory_space<vmem_shared>> -> memref<10112x64xf32, #tpu.memory_space<vmem_shared>>
          tpu.enqueue_indirect_dma source(%arg24 : memref<128x64xf32, #tpu.memory_space<vmem>>) target(%dma_start3A_164 : memref<10112x64xf32, #tpu.memory_space<vmem_shared>>) offsets(%arg21 : memref<128xi32, #tpu.memory_space<vmem>>) semaphore(%run_scoped3A : memref<!tpu.dma_semaphore, #tpu.memory_space<semaphore_mem>>) {add = true}
          %dma_wait3A_165 = arith.constant 0 : i32
          %dma_wait3A_166 = arith.constant 0 : i32
          %dma_wait3A_167 = tpu.memref_slice %arg20[%dma_wait3A_165, %dma_wait3A_166] : memref<10112x64xf32, #tpu.memory_space<vmem_shared>> -> memref<10112x64xf32, #tpu.memory_space<vmem_shared>>
          tpu.wait_indirect_dma semaphore(%run_scoped3A : memref<!tpu.dma_semaphore, #tpu.memory_space<semaphore_mem>>) src(%arg24 : memref<128x64xf32, #tpu.memory_space<vmem>>) dst(%dma_wait3A_167 : memref<10112x64xf32, #tpu.memory_space<vmem_shared>>)
          tpu.yield
        }) : () -> ()
      }
      %scan3A_51 = arith.constant 157 : i32
      %barrier3A_52 = arith.constant 0 : index
      tpu.barrier barrier_id(%barrier3A_52)
      %add3A_53 = arith.constant 0 : i32
      %add3A_54 = arith.addi %arg1, %add3A_53 : i32
      %lt3A_55 = arith.constant 79 : i32
      %lt3A_56 = arith.cmpi slt, %add3A_54, %lt3A_55 : i32
      %convert_element_type3A_57 = arith.extui %lt3A_56 : i1 to i32
      %cond3A_58 = arith.constant 0 : i32
      %cond3A_59 = arith.cmpi ne, %convert_element_type3A_57, %cond3A_58 : i32
      scf.if %cond3A_59 {
        %mul3A_148 = arith.constant 128 : i32
        %mul3A_149 = arith.muli %add3A_54, %mul3A_148 : i32
        %mul3A_150 = arith.constant 128 : i32
        %mul3A_151 = arith.muli %add3A_54, %mul3A_150 : i32
        "tpu.region"() ({
          %run_scoped3A = tpu.sem_alloc : memref<!tpu.dma_semaphore, #tpu.memory_space<semaphore_mem>>
          %dma_start3A = arith.constant 0 : i32
          %dma_start3A_152 = tpu.memref_slice %arg16[%mul3A_151, %dma_start3A] : memref<10112x64xf32, #tpu.memory_space<hbm>> -> memref<128x64xf32, #tpu.memory_space<hbm>>
          %dma_start3A_153 = arith.constant 0 : i32
          %dma_start3A_154 = tpu.memref_slice %arg20[%mul3A_149, %dma_start3A_153] : memref<10112x64xf32, #tpu.memory_space<vmem_shared>> -> memref<128x64xf32, #tpu.memory_space<vmem_shared>>
          tpu.enqueue_dma source(%dma_start3A_154 : memref<128x64xf32, #tpu.memory_space<vmem_shared>>) target(%dma_start3A_152 : memref<128x64xf32, #tpu.memory_space<hbm>>) target_semaphore(%run_scoped3A : memref<!tpu.dma_semaphore, #tpu.memory_space<semaphore_mem>>)
          %dma_wait3A = arith.constant 0 : i32
          %dma_wait3A_155 = tpu.memref_slice %arg16[%mul3A_151, %dma_wait3A] : memref<10112x64xf32, #tpu.memory_space<hbm>> -> memref<128x64xf32, #tpu.memory_space<hbm>>
          %dma_wait3A_156 = arith.constant 0 : i32
          %dma_wait3A_157 = tpu.memref_slice %arg20[%mul3A_149, %dma_wait3A_156] : memref<10112x64xf32, #tpu.memory_space<vmem_shared>> -> memref<128x64xf32, #tpu.memory_space<vmem_shared>>
          tpu.wait_dma2 semaphore(%run_scoped3A : memref<!tpu.dma_semaphore, #tpu.memory_space<semaphore_mem>>) src(%dma_wait3A_157 : memref<128x64xf32, #tpu.memory_space<vmem_shared>>) dst(%dma_wait3A_155 : memref<128x64xf32, #tpu.memory_space<hbm>>)
          tpu.yield
        }) : () -> ()
      } else {
      }
      %add3A_60 = arith.constant 16 : i32
      %add3A_61 = arith.addi %arg1, %add3A_60 : i32
      %lt3A_62 = arith.constant 79 : i32
      %lt3A_63 = arith.cmpi slt, %add3A_61, %lt3A_62 : i32
      %convert_element_type3A_64 = arith.extui %lt3A_63 : i1 to i32
      %cond3A_65 = arith.constant 0 : i32
      %cond3A_66 = arith.cmpi ne, %convert_element_type3A_64, %cond3A_65 : i32
      scf.if %cond3A_66 {
        %mul3A_148 = arith.constant 128 : i32
        %mul3A_149 = arith.muli %add3A_61, %mul3A_148 : i32
        %mul3A_150 = arith.constant 128 : i32
        %mul3A_151 = arith.muli %add3A_61, %mul3A_150 : i32
        "tpu.region"() ({
          %run_scoped3A = tpu.sem_alloc : memref<!tpu.dma_semaphore, #tpu.memory_space<semaphore_mem>>
          %dma_start3A = arith.constant 0 : i32
          %dma_start3A_152 = tpu.memref_slice %arg16[%mul3A_151, %dma_start3A] : memref<10112x64xf32, #tpu.memory_space<hbm>> -> memref<128x64xf32, #tpu.memory_space<hbm>>
          %dma_start3A_153 = arith.constant 0 : i32
          %dma_start3A_154 = tpu.memref_slice %arg20[%mul3A_149, %dma_start3A_153] : memref<10112x64xf32, #tpu.memory_space<vmem_shared>> -> memref<128x64xf32, #tpu.memory_space<vmem_shared>>
          tpu.enqueue_dma source(%dma_start3A_154 : memref<128x64xf32, #tpu.memory_space<vmem_shared>>) target(%dma_start3A_152 : memref<128x64xf32, #tpu.memory_space<hbm>>) target_semaphore(%run_scoped3A : memref<!tpu.dma_semaphore, #tpu.memory_space<semaphore_mem>>)
          %dma_wait3A = arith.constant 0 : i32
          %dma_wait3A_155 = tpu.memref_slice %arg16[%mul3A_151, %dma_wait3A] : memref<10112x64xf32, #tpu.memory_space<hbm>> -> memref<128x64xf32, #tpu.memory_space<hbm>>
          %dma_wait3A_156 = arith.constant 0 : i32
          %dma_wait3A_157 = tpu.memref_slice %arg20[%mul3A_149, %dma_wait3A_156] : memref<10112x64xf32, #tpu.memory_space<vmem_shared>> -> memref<128x64xf32, #tpu.memory_space<vmem_shared>>
          tpu.wait_dma2 semaphore(%run_scoped3A : memref<!tpu.dma_semaphore, #tpu.memory_space<semaphore_mem>>) src(%dma_wait3A_157 : memref<128x64xf32, #tpu.memory_space<vmem_shared>>) dst(%dma_wait3A_155 : memref<128x64xf32, #tpu.memory_space<hbm>>)
          tpu.yield
        }) : () -> ()
      } else {
      }
      %add3A_67 = arith.constant 32 : i32
      %add3A_68 = arith.addi %arg1, %add3A_67 : i32
      %lt3A_69 = arith.constant 79 : i32
      %lt3A_70 = arith.cmpi slt, %add3A_68, %lt3A_69 : i32
      %convert_element_type3A_71 = arith.extui %lt3A_70 : i1 to i32
      %cond3A_72 = arith.constant 0 : i32
      %cond3A_73 = arith.cmpi ne, %convert_element_type3A_71, %cond3A_72 : i32
      scf.if %cond3A_73 {
        %mul3A_148 = arith.constant 128 : i32
        %mul3A_149 = arith.muli %add3A_68, %mul3A_148 : i32
        %mul3A_150 = arith.constant 128 : i32
        %mul3A_151 = arith.muli %add3A_68, %mul3A_150 : i32
        "tpu.region"() ({
          %run_scoped3A = tpu.sem_alloc : memref<!tpu.dma_semaphore, #tpu.memory_space<semaphore_mem>>
          %dma_start3A = arith.constant 0 : i32
          %dma_start3A_152 = tpu.memref_slice %arg16[%mul3A_151, %dma_start3A] : memref<10112x64xf32, #tpu.memory_space<hbm>> -> memref<128x64xf32, #tpu.memory_space<hbm>>
          %dma_start3A_153 = arith.constant 0 : i32
          %dma_start3A_154 = tpu.memref_slice %arg20[%mul3A_149, %dma_start3A_153] : memref<10112x64xf32, #tpu.memory_space<vmem_shared>> -> memref<128x64xf32, #tpu.memory_space<vmem_shared>>
          tpu.enqueue_dma source(%dma_start3A_154 : memref<128x64xf32, #tpu.memory_space<vmem_shared>>) target(%dma_start3A_152 : memref<128x64xf32, #tpu.memory_space<hbm>>) target_semaphore(%run_scoped3A : memref<!tpu.dma_semaphore, #tpu.memory_space<semaphore_mem>>)
          %dma_wait3A = arith.constant 0 : i32
          %dma_wait3A_155 = tpu.memref_slice %arg16[%mul3A_151, %dma_wait3A] : memref<10112x64xf32, #tpu.memory_space<hbm>> -> memref<128x64xf32, #tpu.memory_space<hbm>>
          %dma_wait3A_156 = arith.constant 0 : i32
          %dma_wait3A_157 = tpu.memref_slice %arg20[%mul3A_149, %dma_wait3A_156] : memref<10112x64xf32, #tpu.memory_space<vmem_shared>> -> memref<128x64xf32, #tpu.memory_space<vmem_shared>>
          tpu.wait_dma2 semaphore(%run_scoped3A : memref<!tpu.dma_semaphore, #tpu.memory_space<semaphore_mem>>) src(%dma_wait3A_157 : memref<128x64xf32, #tpu.memory_space<vmem_shared>>) dst(%dma_wait3A_155 : memref<128x64xf32, #tpu.memory_space<hbm>>)
          tpu.yield
        }) : () -> ()
      } else {
      }
      %add3A_74 = arith.constant 48 : i32
      %add3A_75 = arith.addi %arg1, %add3A_74 : i32
      %lt3A_76 = arith.constant 79 : i32
      %lt3A_77 = arith.cmpi slt, %add3A_75, %lt3A_76 : i32
      %convert_element_type3A_78 = arith.extui %lt3A_77 : i1 to i32
      %cond3A_79 = arith.constant 0 : i32
      %cond3A_80 = arith.cmpi ne, %convert_element_type3A_78, %cond3A_79 : i32
      scf.if %cond3A_80 {
        %mul3A_148 = arith.constant 128 : i32
        %mul3A_149 = arith.muli %add3A_75, %mul3A_148 : i32
        %mul3A_150 = arith.constant 128 : i32
        %mul3A_151 = arith.muli %add3A_75, %mul3A_150 : i32
        "tpu.region"() ({
          %run_scoped3A = tpu.sem_alloc : memref<!tpu.dma_semaphore, #tpu.memory_space<semaphore_mem>>
          %dma_start3A = arith.constant 0 : i32
          %dma_start3A_152 = tpu.memref_slice %arg16[%mul3A_151, %dma_start3A] : memref<10112x64xf32, #tpu.memory_space<hbm>> -> memref<128x64xf32, #tpu.memory_space<hbm>>
          %dma_start3A_153 = arith.constant 0 : i32
          %dma_start3A_154 = tpu.memref_slice %arg20[%mul3A_149, %dma_start3A_153] : memref<10112x64xf32, #tpu.memory_space<vmem_shared>> -> memref<128x64xf32, #tpu.memory_space<vmem_shared>>
          tpu.enqueue_dma source(%dma_start3A_154 : memref<128x64xf32, #tpu.memory_space<vmem_shared>>) target(%dma_start3A_152 : memref<128x64xf32, #tpu.memory_space<hbm>>) target_semaphore(%run_scoped3A : memref<!tpu.dma_semaphore, #tpu.memory_space<semaphore_mem>>)
          %dma_wait3A = arith.constant 0 : i32
          %dma_wait3A_155 = tpu.memref_slice %arg16[%mul3A_151, %dma_wait3A] : memref<10112x64xf32, #tpu.memory_space<hbm>> -> memref<128x64xf32, #tpu.memory_space<hbm>>
          %dma_wait3A_156 = arith.constant 0 : i32
          %dma_wait3A_157 = tpu.memref_slice %arg20[%mul3A_149, %dma_wait3A_156] : memref<10112x64xf32, #tpu.memory_space<vmem_shared>> -> memref<128x64xf32, #tpu.memory_space<vmem_shared>>
          tpu.wait_dma2 semaphore(%run_scoped3A : memref<!tpu.dma_semaphore, #tpu.memory_space<semaphore_mem>>) src(%dma_wait3A_157 : memref<128x64xf32, #tpu.memory_space<vmem_shared>>) dst(%dma_wait3A_155 : memref<128x64xf32, #tpu.memory_space<hbm>>)
          tpu.yield
        }) : () -> ()
      } else {
      }
      %add3A_81 = arith.constant 64 : i32
      %add3A_82 = arith.addi %arg1, %add3A_81 : i32
      %lt3A_83 = arith.constant 79 : i32
      %lt3A_84 = arith.cmpi slt, %add3A_82, %lt3A_83 : i32
      %convert_element_type3A_85 = arith.extui %lt3A_84 : i1 to i32
      %cond3A_86 = arith.constant 0 : i32
      %cond3A_87 = arith.cmpi ne, %convert_element_type3A_85, %cond3A_86 : i32
      scf.if %cond3A_87 {
        %mul3A_148 = arith.constant 128 : i32
        %mul3A_149 = arith.muli %add3A_82, %mul3A_148 : i32
        %mul3A_150 = arith.constant 128 : i32
        %mul3A_151 = arith.muli %add3A_82, %mul3A_150 : i32
        "tpu.region"() ({
          %run_scoped3A = tpu.sem_alloc : memref<!tpu.dma_semaphore, #tpu.memory_space<semaphore_mem>>
          %dma_start3A = arith.constant 0 : i32
          %dma_start3A_152 = tpu.memref_slice %arg16[%mul3A_151, %dma_start3A] : memref<10112x64xf32, #tpu.memory_space<hbm>> -> memref<128x64xf32, #tpu.memory_space<hbm>>
          %dma_start3A_153 = arith.constant 0 : i32
          %dma_start3A_154 = tpu.memref_slice %arg20[%mul3A_149, %dma_start3A_153] : memref<10112x64xf32, #tpu.memory_space<vmem_shared>> -> memref<128x64xf32, #tpu.memory_space<vmem_shared>>
          tpu.enqueue_dma source(%dma_start3A_154 : memref<128x64xf32, #tpu.memory_space<vmem_shared>>) target(%dma_start3A_152 : memref<128x64xf32, #tpu.memory_space<hbm>>) target_semaphore(%run_scoped3A : memref<!tpu.dma_semaphore, #tpu.memory_space<semaphore_mem>>)
          %dma_wait3A = arith.constant 0 : i32
          %dma_wait3A_155 = tpu.memref_slice %arg16[%mul3A_151, %dma_wait3A] : memref<10112x64xf32, #tpu.memory_space<hbm>> -> memref<128x64xf32, #tpu.memory_space<hbm>>
          %dma_wait3A_156 = arith.constant 0 : i32
          %dma_wait3A_157 = tpu.memref_slice %arg20[%mul3A_149, %dma_wait3A_156] : memref<10112x64xf32, #tpu.memory_space<vmem_shared>> -> memref<128x64xf32, #tpu.memory_space<vmem_shared>>
          tpu.wait_dma2 semaphore(%run_scoped3A : memref<!tpu.dma_semaphore, #tpu.memory_space<semaphore_mem>>) src(%dma_wait3A_157 : memref<128x64xf32, #tpu.memory_space<vmem_shared>>) dst(%dma_wait3A_155 : memref<128x64xf32, #tpu.memory_space<hbm>>)
          tpu.yield
        }) : () -> ()
      } else {
      }
      %barrier3A_88 = arith.constant 0 : index
      tpu.barrier barrier_id(%barrier3A_88)
      %scan3A_89 = arith.constant 0 : i32
      %scan3A_90 = arith.constant 0 : i32
      %scan3A_91 = arith.constant 128 : i32
      %scan3A_92 = arith.addi %scan3A_90, %scan3A_91 : i32
      %scan3A_93 = arith.constant 1 : i32
      scf.for %scan3A_148 = %scan3A_90 to %scan3A_92 step %scan3A_93  : i32 {
        %broadcast_in_dim3A = arith.constant 0.000000e+00 : f32
        %broadcast_in_dim3A_149 = vector.broadcast %broadcast_in_dim3A : f32 to vector<16xf32>
        %swap3A = arith.index_cast %scan3A_148 : i32 to index
        %swap3A_150 = arith.constant 0 : index
        %swap3A_151 = tpu.vector_load %arg24[%swap3A, %swap3A_150] {strides = array<i32>} : memref<128x64xf32, #tpu.memory_space<vmem>>, vector<16xf32>,
        tpu.vector_store %arg24[%swap3A, %swap3A_150], %broadcast_in_dim3A_149 {strides = array<i32>} : memref<128x64xf32, #tpu.memory_space<vmem>>, vector<16xf32>,
        %broadcast_in_dim3A_152 = arith.constant 0.000000e+00 : f32
        %broadcast_in_dim3A_153 = vector.broadcast %broadcast_in_dim3A_152 : f32 to vector<16xf32>
        %swap3A_154 = arith.index_cast %scan3A_148 : i32 to index
        %swap3A_155 = arith.constant 16 : index
        %swap3A_156 = tpu.vector_load %arg24[%swap3A_154, %swap3A_155] {strides = array<i32>} : memref<128x64xf32, #tpu.memory_space<vmem>>, vector<16xf32>,
        tpu.vector_store %arg24[%swap3A_154, %swap3A_155], %broadcast_in_dim3A_153 {strides = array<i32>} : memref<128x64xf32, #tpu.memory_space<vmem>>, vector<16xf32>,
        %broadcast_in_dim3A_157 = arith.constant 0.000000e+00 : f32
        %broadcast_in_dim3A_158 = vector.broadcast %broadcast_in_dim3A_157 : f32 to vector<16xf32>
        %swap3A_159 = arith.index_cast %scan3A_148 : i32 to index
        %swap3A_160 = arith.constant 32 : index
        %swap3A_161 = tpu.vector_load %arg24[%swap3A_159, %swap3A_160] {strides = array<i32>} : memref<128x64xf32, #tpu.memory_space<vmem>>, vector<16xf32>,
        tpu.vector_store %arg24[%swap3A_159, %swap3A_160], %broadcast_in_dim3A_158 {strides = array<i32>} : memref<128x64xf32, #tpu.memory_space<vmem>>, vector<16xf32>,
        %broadcast_in_dim3A_162 = arith.constant 0.000000e+00 : f32
        %broadcast_in_dim3A_163 = vector.broadcast %broadcast_in_dim3A_162 : f32 to vector<16xf32>
        %swap3A_164 = arith.index_cast %scan3A_148 : i32 to index
        %swap3A_165 = arith.constant 48 : index
        %swap3A_166 = tpu.vector_load %arg24[%swap3A_164, %swap3A_165] {strides = array<i32>} : memref<128x64xf32, #tpu.memory_space<vmem>>, vector<16xf32>,
        tpu.vector_store %arg24[%swap3A_164, %swap3A_165], %broadcast_in_dim3A_163 {strides = array<i32>} : memref<128x64xf32, #tpu.memory_space<vmem>>, vector<16xf32>,
      }
      %scan3A_94 = arith.constant 128 : i32
      %add3A_95 = arith.constant 0 : i32
      %add3A_96 = arith.addi %arg1, %add3A_95 : i32
      %lt3A_97 = arith.constant 40 : i32
      %lt3A_98 = arith.cmpi slt, %add3A_96, %lt3A_97 : i32
      %convert_element_type3A_99 = arith.extui %lt3A_98 : i1 to i32
      %cond3A_100 = arith.constant 0 : i32
      %cond3A_101 = arith.cmpi ne, %convert_element_type3A_99, %cond3A_100 : i32
      scf.if %cond3A_101 {
        %mul3A_148 = arith.constant 128 : i32
        %mul3A_149 = arith.muli %add3A_96, %mul3A_148 : i32
        "tpu.region"() ({
          %run_scoped3A = tpu.sem_alloc : memref<!tpu.dma_semaphore, #tpu.memory_space<semaphore_mem>>
          %dma_start3A = arith.constant 0 : i32
          %dma_start3A_150 = tpu.memref_slice %arg20[%mul3A_149, %dma_start3A] : memref<10112x64xf32, #tpu.memory_space<vmem_shared>> -> memref<128x64xf32, #tpu.memory_space<vmem_shared>>
          %dma_start3A_151 = arith.constant 0 : i32
          %dma_start3A_152 = tpu.memref_slice %arg20[%mul3A_149, %dma_start3A_151] : memref<10112x64xf32, #tpu.memory_space<vmem_shared>> -> memref<128x64xf32, #tpu.memory_space<vmem_shared>>
          tpu.enqueue_dma source(%arg24 : memref<128x64xf32, #tpu.memory_space<vmem>>) target(%dma_start3A_152 : memref<128x64xf32, #tpu.memory_space<vmem_shared>>) target_semaphore(%run_scoped3A : memref<!tpu.dma_semaphore, #tpu.memory_space<semaphore_mem>>)
          %dma_wait3A = arith.constant 0 : i32
          %dma_wait3A_153 = tpu.memref_slice %arg20[%mul3A_149, %dma_wait3A] : memref<10112x64xf32, #tpu.memory_space<vmem_shared>> -> memref<128x64xf32, #tpu.memory_space<vmem_shared>>
          %dma_wait3A_154 = arith.constant 0 : i32
          %dma_wait3A_155 = tpu.memref_slice %arg20[%mul3A_149, %dma_wait3A_154] : memref<10112x64xf32, #tpu.memory_space<vmem_shared>> -> memref<128x64xf32, #tpu.memory_space<vmem_shared>>
          tpu.wait_dma2 semaphore(%run_scoped3A : memref<!tpu.dma_semaphore, #tpu.memory_space<semaphore_mem>>) src(%arg24 : memref<128x64xf32, #tpu.memory_space<vmem>>) dst(%dma_wait3A_155 : memref<128x64xf32, #tpu.memory_space<vmem_shared>>)
          tpu.yield
        }) : () -> ()
      } else {
      }
      %add3A_102 = arith.constant 16 : i32
      %add3A_103 = arith.addi %arg1, %add3A_102 : i32
      %lt3A_104 = arith.constant 40 : i32
      %lt3A_105 = arith.cmpi slt, %add3A_103, %lt3A_104 : i32
      %convert_element_type3A_106 = arith.extui %lt3A_105 : i1 to i32
      %cond3A_107 = arith.constant 0 : i32
      %cond3A_108 = arith.cmpi ne, %convert_element_type3A_106, %cond3A_107 : i32
      scf.if %cond3A_108 {
        %mul3A_148 = arith.constant 128 : i32
        %mul3A_149 = arith.muli %add3A_103, %mul3A_148 : i32
        "tpu.region"() ({
          %run_scoped3A = tpu.sem_alloc : memref<!tpu.dma_semaphore, #tpu.memory_space<semaphore_mem>>
          %dma_start3A = arith.constant 0 : i32
          %dma_start3A_150 = tpu.memref_slice %arg20[%mul3A_149, %dma_start3A] : memref<10112x64xf32, #tpu.memory_space<vmem_shared>> -> memref<128x64xf32, #tpu.memory_space<vmem_shared>>
          %dma_start3A_151 = arith.constant 0 : i32
          %dma_start3A_152 = tpu.memref_slice %arg20[%mul3A_149, %dma_start3A_151] : memref<10112x64xf32, #tpu.memory_space<vmem_shared>> -> memref<128x64xf32, #tpu.memory_space<vmem_shared>>
          tpu.enqueue_dma source(%arg24 : memref<128x64xf32, #tpu.memory_space<vmem>>) target(%dma_start3A_152 : memref<128x64xf32, #tpu.memory_space<vmem_shared>>) target_semaphore(%run_scoped3A : memref<!tpu.dma_semaphore, #tpu.memory_space<semaphore_mem>>)
          %dma_wait3A = arith.constant 0 : i32
          %dma_wait3A_153 = tpu.memref_slice %arg20[%mul3A_149, %dma_wait3A] : memref<10112x64xf32, #tpu.memory_space<vmem_shared>> -> memref<128x64xf32, #tpu.memory_space<vmem_shared>>
          %dma_wait3A_154 = arith.constant 0 : i32
          %dma_wait3A_155 = tpu.memref_slice %arg20[%mul3A_149, %dma_wait3A_154] : memref<10112x64xf32, #tpu.memory_space<vmem_shared>> -> memref<128x64xf32, #tpu.memory_space<vmem_shared>>
          tpu.wait_dma2 semaphore(%run_scoped3A : memref<!tpu.dma_semaphore, #tpu.memory_space<semaphore_mem>>) src(%arg24 : memref<128x64xf32, #tpu.memory_space<vmem>>) dst(%dma_wait3A_155 : memref<128x64xf32, #tpu.memory_space<vmem_shared>>)
          tpu.yield
        }) : () -> ()
      } else {
      }
      %add3A_109 = arith.constant 32 : i32
      %add3A_110 = arith.addi %arg1, %add3A_109 : i32
      %lt3A_111 = arith.constant 40 : i32
      %lt3A_112 = arith.cmpi slt, %add3A_110, %lt3A_111 : i32
      %convert_element_type3A_113 = arith.extui %lt3A_112 : i1 to i32
      %cond3A_114 = arith.constant 0 : i32
      %cond3A_115 = arith.cmpi ne, %convert_element_type3A_113, %cond3A_114 : i32
      scf.if %cond3A_115 {
        %mul3A_148 = arith.constant 128 : i32
        %mul3A_149 = arith.muli %add3A_110, %mul3A_148 : i32
        "tpu.region"() ({
          %run_scoped3A = tpu.sem_alloc : memref<!tpu.dma_semaphore, #tpu.memory_space<semaphore_mem>>
          %dma_start3A = arith.constant 0 : i32
          %dma_start3A_150 = tpu.memref_slice %arg20[%mul3A_149, %dma_start3A] : memref<10112x64xf32, #tpu.memory_space<vmem_shared>> -> memref<128x64xf32, #tpu.memory_space<vmem_shared>>
          %dma_start3A_151 = arith.constant 0 : i32
          %dma_start3A_152 = tpu.memref_slice %arg20[%mul3A_149, %dma_start3A_151] : memref<10112x64xf32, #tpu.memory_space<vmem_shared>> -> memref<128x64xf32, #tpu.memory_space<vmem_shared>>
          tpu.enqueue_dma source(%arg24 : memref<128x64xf32, #tpu.memory_space<vmem>>) target(%dma_start3A_152 : memref<128x64xf32, #tpu.memory_space<vmem_shared>>) target_semaphore(%run_scoped3A : memref<!tpu.dma_semaphore, #tpu.memory_space<semaphore_mem>>)
          %dma_wait3A = arith.constant 0 : i32
          %dma_wait3A_153 = tpu.memref_slice %arg20[%mul3A_149, %dma_wait3A] : memref<10112x64xf32, #tpu.memory_space<vmem_shared>> -> memref<128x64xf32, #tpu.memory_space<vmem_shared>>
          %dma_wait3A_154 = arith.constant 0 : i32
          %dma_wait3A_155 = tpu.memref_slice %arg20[%mul3A_149, %dma_wait3A_154] : memref<10112x64xf32, #tpu.memory_space<vmem_shared>> -> memref<128x64xf32, #tpu.memory_space<vmem_shared>>
          tpu.wait_dma2 semaphore(%run_scoped3A : memref<!tpu.dma_semaphore, #tpu.memory_space<semaphore_mem>>) src(%arg24 : memref<128x64xf32, #tpu.memory_space<vmem>>) dst(%dma_wait3A_155 : memref<128x64xf32, #tpu.memory_space<vmem_shared>>)
          tpu.yield
        }) : () -> ()
      } else {
      }
      %barrier3A_116 = arith.constant 0 : index
      tpu.barrier barrier_id(%barrier3A_116)
      %mul3A_117 = arith.constant 10112 : i32
      %mul3A_118 = arith.muli %arg1, %mul3A_117 : i32
      %scan3A_119 = arith.constant 0 : i32
      %scan3A_120 = arith.constant 0 : i32
      %scan3A_121 = arith.constant 79 : i32
      %scan3A_122 = arith.addi %scan3A_120, %scan3A_121 : i32
      %scan3A_123 = arith.constant 1 : i32
      scf.for %scan3A_148 = %scan3A_120 to %scan3A_122 step %scan3A_123  : i32 {
        %mul3A_149 = arith.constant 128 : i32
        %mul3A_150 = arith.muli %scan3A_148, %mul3A_149 : i32
        %add3A_151 = arith.addi %mul3A_118, %mul3A_150 : i32
        "tpu.region"() ({
          %run_scoped3A = tpu.sem_alloc : memref<!tpu.dma_semaphore, #tpu.memory_space<semaphore_mem>>
          %dma_start3A_162 = tpu.memref_slice %arg13[%add3A_151] : memref<161792xi32, #tpu.memory_space<hbm>> -> memref<128xi32, #tpu.memory_space<hbm>>
          %dma_start3A_163 = tpu.memref_slice %arg13[%add3A_151] : memref<161792xi32, #tpu.memory_space<hbm>> -> memref<128xi32, #tpu.memory_space<hbm>>
          tpu.enqueue_dma source(%dma_start3A_163 : memref<128xi32, #tpu.memory_space<hbm>>) target(%arg21 : memref<128xi32, #tpu.memory_space<vmem>>) target_semaphore(%run_scoped3A : memref<!tpu.dma_semaphore, #tpu.memory_space<semaphore_mem>>)
          %dma_wait3A_164 = tpu.memref_slice %arg13[%add3A_151] : memref<161792xi32, #tpu.memory_space<hbm>> -> memref<128xi32, #tpu.memory_space<hbm>>
          %dma_wait3A_165 = tpu.memref_slice %arg13[%add3A_151] : memref<161792xi32, #tpu.memory_space<hbm>> -> memref<128xi32, #tpu.memory_space<hbm>>
          tpu.wait_dma2 semaphore(%run_scoped3A : memref<!tpu.dma_semaphore, #tpu.memory_space<semaphore_mem>>) src(%dma_wait3A_165 : memref<128xi32, #tpu.memory_space<hbm>>) dst(%arg21 : memref<128xi32, #tpu.memory_space<vmem>>)
          tpu.yield
        }) : () -> ()
        "tpu.region"() ({
          %run_scoped3A = tpu.sem_alloc : memref<!tpu.dma_semaphore, #tpu.memory_space<semaphore_mem>>
          %dma_start3A_162 = tpu.memref_slice %arg14[%add3A_151] : memref<161792xi32, #tpu.memory_space<hbm>> -> memref<128xi32, #tpu.memory_space<hbm>>
          %dma_start3A_163 = tpu.memref_slice %arg14[%add3A_151] : memref<161792xi32, #tpu.memory_space<hbm>> -> memref<128xi32, #tpu.memory_space<hbm>>
          tpu.enqueue_dma source(%dma_start3A_163 : memref<128xi32, #tpu.memory_space<hbm>>) target(%arg22 : memref<128xi32, #tpu.memory_space<vmem>>) target_semaphore(%run_scoped3A : memref<!tpu.dma_semaphore, #tpu.memory_space<semaphore_mem>>)
          %dma_wait3A_164 = tpu.memref_slice %arg14[%add3A_151] : memref<161792xi32, #tpu.memory_space<hbm>> -> memref<128xi32, #tpu.memory_space<hbm>>
          %dma_wait3A_165 = tpu.memref_slice %arg14[%add3A_151] : memref<161792xi32, #tpu.memory_space<hbm>> -> memref<128xi32, #tpu.memory_space<hbm>>
          tpu.wait_dma2 semaphore(%run_scoped3A : memref<!tpu.dma_semaphore, #tpu.memory_space<semaphore_mem>>) src(%dma_wait3A_165 : memref<128xi32, #tpu.memory_space<hbm>>) dst(%arg22 : memref<128xi32, #tpu.memory_space<vmem>>)
          tpu.yield
        }) : () -> ()
        "tpu.region"() ({
          %run_scoped3A = tpu.sem_alloc : memref<!tpu.dma_semaphore, #tpu.memory_space<semaphore_mem>>
          %dma_start3A_162 = tpu.memref_slice %arg15[%add3A_151] : memref<161792xf32, #tpu.memory_space<hbm>> -> memref<128xf32, #tpu.memory_space<hbm>>
          %dma_start3A_163 = tpu.memref_slice %arg15[%add3A_151] : memref<161792xf32, #tpu.memory_space<hbm>> -> memref<128xf32, #tpu.memory_space<hbm>>
          tpu.enqueue_dma source(%dma_start3A_163 : memref<128xf32, #tpu.memory_space<hbm>>) target(%arg23 : memref<128xf32, #tpu.memory_space<vmem>>) target_semaphore(%run_scoped3A : memref<!tpu.dma_semaphore, #tpu.memory_space<semaphore_mem>>)
          %dma_wait3A_164 = tpu.memref_slice %arg15[%add3A_151] : memref<161792xf32, #tpu.memory_space<hbm>> -> memref<128xf32, #tpu.memory_space<hbm>>
          %dma_wait3A_165 = tpu.memref_slice %arg15[%add3A_151] : memref<161792xf32, #tpu.memory_space<hbm>> -> memref<128xf32, #tpu.memory_space<hbm>>
          tpu.wait_dma2 semaphore(%run_scoped3A : memref<!tpu.dma_semaphore, #tpu.memory_space<semaphore_mem>>) src(%dma_wait3A_165 : memref<128xf32, #tpu.memory_space<hbm>>) dst(%arg23 : memref<128xf32, #tpu.memory_space<vmem>>)
          tpu.yield
        }) : () -> ()
        %dma_start3A = arith.constant 0 : i32
        %dma_start3A_152 = arith.constant 0 : i32
        %dma_start3A_153 = tpu.memref_slice %arg3[%dma_start3A, %dma_start3A_152] : memref<5120x64xf32, #tpu.memory_space<hbm>> -> memref<5120x64xf32, #tpu.memory_space<hbm>>
        tpu.enqueue_indirect_dma source(%dma_start3A_153 : memref<5120x64xf32, #tpu.memory_space<hbm>>) target(%arg24 : memref<128x64xf32, #tpu.memory_space<vmem>>) offsets(%arg22 : memref<128xi32, #tpu.memory_space<vmem>>) semaphore(%arg25 : memref<!tpu.dma_semaphore, #tpu.memory_space<semaphore_mem>>)
        %dma_wait3A = arith.constant 0 : i32
        %dma_wait3A_154 = arith.constant 0 : i32
        %dma_wait3A_155 = tpu.memref_slice %arg3[%dma_wait3A, %dma_wait3A_154] : memref<5120x64xf32, #tpu.memory_space<hbm>> -> memref<5120x64xf32, #tpu.memory_space<hbm>>
        tpu.wait_indirect_dma semaphore(%arg25 : memref<!tpu.dma_semaphore, #tpu.memory_space<semaphore_mem>>) src(%dma_wait3A_155 : memref<5120x64xf32, #tpu.memory_space<hbm>>) dst(%arg24 : memref<128x64xf32, #tpu.memory_space<vmem>>)
        %scan3A_156 = arith.constant 0 : i32
        %scan3A_157 = arith.constant 0 : i32
        %scan3A_158 = arith.constant 128 : i32
        %scan3A_159 = arith.addi %scan3A_157, %scan3A_158 : i32
        %scan3A_160 = arith.constant 1 : i32
        scf.for %scan3A_162 = %scan3A_157 to %scan3A_159 step %scan3A_160  : i32 {
          %broadcast_in_dim3A = vector.broadcast %scan3A_162 : i32 to vector<16xi32>
          %gather3A = tpu.vector_load_idx %arg23[%broadcast_in_dim3A] : memref<128xf32, #tpu.memory_space<vmem>>[vector<16xi32>], vector<16xf32>,
          %get3A = arith.index_cast %scan3A_162 : i32 to index
          %get3A_163 = arith.constant 0 : index
          %get3A_164 = tpu.vector_load %arg24[%get3A, %get3A_163] {strides = array<i32>} : memref<128x64xf32, #tpu.memory_space<vmem>>, vector<16xf32>,
          %mul3A_165 = arith.mulf %get3A_164, %gather3A : vector<16xf32>
          %swap3A = arith.index_cast %scan3A_162 : i32 to index
          %swap3A_166 = arith.constant 0 : index
          %swap3A_167 = tpu.vector_load %arg24[%swap3A, %swap3A_166] {strides = array<i32>} : memref<128x64xf32, #tpu.memory_space<vmem>>, vector<16xf32>,
          tpu.vector_store %arg24[%swap3A, %swap3A_166], %mul3A_165 {strides = array<i32>} : memref<128x64xf32, #tpu.memory_space<vmem>>, vector<16xf32>,
          %get3A_168 = arith.index_cast %scan3A_162 : i32 to index
          %get3A_169 = arith.constant 16 : index
          %get3A_170 = tpu.vector_load %arg24[%get3A_168, %get3A_169] {strides = array<i32>} : memref<128x64xf32, #tpu.memory_space<vmem>>, vector<16xf32>,
          %mul3A_171 = arith.mulf %get3A_170, %gather3A : vector<16xf32>
          %swap3A_172 = arith.index_cast %scan3A_162 : i32 to index
          %swap3A_173 = arith.constant 16 : index
          %swap3A_174 = tpu.vector_load %arg24[%swap3A_172, %swap3A_173] {strides = array<i32>} : memref<128x64xf32, #tpu.memory_space<vmem>>, vector<16xf32>,
          tpu.vector_store %arg24[%swap3A_172, %swap3A_173], %mul3A_171 {strides = array<i32>} : memref<128x64xf32, #tpu.memory_space<vmem>>, vector<16xf32>,
          %get3A_175 = arith.index_cast %scan3A_162 : i32 to index
          %get3A_176 = arith.constant 32 : index
          %get3A_177 = tpu.vector_load %arg24[%get3A_175, %get3A_176] {strides = array<i32>} : memref<128x64xf32, #tpu.memory_space<vmem>>, vector<16xf32>,
          %mul3A_178 = arith.mulf %get3A_177, %gather3A : vector<16xf32>
          %swap3A_179 = arith.index_cast %scan3A_162 : i32 to index
          %swap3A_180 = arith.constant 32 : index
          %swap3A_181 = tpu.vector_load %arg24[%swap3A_179, %swap3A_180] {strides = array<i32>} : memref<128x64xf32, #tpu.memory_space<vmem>>, vector<16xf32>,
          tpu.vector_store %arg24[%swap3A_179, %swap3A_180], %mul3A_178 {strides = array<i32>} : memref<128x64xf32, #tpu.memory_space<vmem>>, vector<16xf32>,
          %get3A_182 = arith.index_cast %scan3A_162 : i32 to index
          %get3A_183 = arith.constant 48 : index
          %get3A_184 = tpu.vector_load %arg24[%get3A_182, %get3A_183] {strides = array<i32>} : memref<128x64xf32, #tpu.memory_space<vmem>>, vector<16xf32>,
          %mul3A_185 = arith.mulf %get3A_184, %gather3A : vector<16xf32>
          %swap3A_186 = arith.index_cast %scan3A_162 : i32 to index
          %swap3A_187 = arith.constant 48 : index
          %swap3A_188 = tpu.vector_load %arg24[%swap3A_186, %swap3A_187] {strides = array<i32>} : memref<128x64xf32, #tpu.memory_space<vmem>>, vector<16xf32>,
          tpu.vector_store %arg24[%swap3A_186, %swap3A_187], %mul3A_185 {strides = array<i32>} : memref<128x64xf32, #tpu.memory_space<vmem>>, vector<16xf32>,
        }
        %scan3A_161 = arith.constant 128 : i32
        "tpu.region"() ({
          %run_scoped3A = tpu.sem_alloc : memref<!tpu.dma_semaphore, #tpu.memory_space<semaphore_mem>>
          %dma_start3A_162 = arith.constant 0 : i32
          %dma_start3A_163 = arith.constant 0 : i32
          %dma_start3A_164 = tpu.memref_slice %arg20[%dma_start3A_162, %dma_start3A_163] : memref<10112x64xf32, #tpu.memory_space<vmem_shared>> -> memref<10112x64xf32, #tpu.memory_space<vmem_shared>>
          tpu.enqueue_indirect_dma source(%arg24 : memref<128x64xf32, #tpu.memory_space<vmem>>) target(%dma_start3A_164 : memref<10112x64xf32, #tpu.memory_space<vmem_shared>>) offsets(%arg21 : memref<128xi32, #tpu.memory_space<vmem>>) semaphore(%run_scoped3A : memref<!tpu.dma_semaphore, #tpu.memory_space<semaphore_mem>>) {add = true}
          %dma_wait3A_165 = arith.constant 0 : i32
          %dma_wait3A_166 = arith.constant 0 : i32
          %dma_wait3A_167 = tpu.memref_slice %arg20[%dma_wait3A_165, %dma_wait3A_166] : memref<10112x64xf32, #tpu.memory_space<vmem_shared>> -> memref<10112x64xf32, #tpu.memory_space<vmem_shared>>
          tpu.wait_indirect_dma semaphore(%run_scoped3A : memref<!tpu.dma_semaphore, #tpu.memory_space<semaphore_mem>>) src(%arg24 : memref<128x64xf32, #tpu.memory_space<vmem>>) dst(%dma_wait3A_167 : memref<10112x64xf32, #tpu.memory_space<vmem_shared>>)
          tpu.yield
        }) : () -> ()
      }
      %scan3A_124 = arith.constant 79 : i32
      %barrier3A_125 = arith.constant 0 : index
      tpu.barrier barrier_id(%barrier3A_125)
      %add3A_126 = arith.constant 0 : i32
      %add3A_127 = arith.addi %arg1, %add3A_126 : i32
      %lt3A_128 = arith.constant 40 : i32
      %lt3A_129 = arith.cmpi slt, %add3A_127, %lt3A_128 : i32
      %convert_element_type3A_130 = arith.extui %lt3A_129 : i1 to i32
      %cond3A_131 = arith.constant 0 : i32
      %cond3A_132 = arith.cmpi ne, %convert_element_type3A_130, %cond3A_131 : i32
      scf.if %cond3A_132 {
        %mul3A_148 = arith.constant 128 : i32
        %mul3A_149 = arith.muli %add3A_127, %mul3A_148 : i32
        %mul3A_150 = arith.constant 128 : i32
        %mul3A_151 = arith.muli %add3A_127, %mul3A_150 : i32
        "tpu.region"() ({
          %run_scoped3A = tpu.sem_alloc : memref<!tpu.dma_semaphore, #tpu.memory_space<semaphore_mem>>
          %dma_start3A = arith.constant 0 : i32
          %dma_start3A_152 = tpu.memref_slice %arg19[%mul3A_151, %dma_start3A] : memref<5120x64xf32, #tpu.memory_space<hbm>> -> memref<128x64xf32, #tpu.memory_space<hbm>>
          %dma_start3A_153 = arith.constant 0 : i32
          %dma_start3A_154 = tpu.memref_slice %arg20[%mul3A_149, %dma_start3A_153] : memref<10112x64xf32, #tpu.memory_space<vmem_shared>> -> memref<128x64xf32, #tpu.memory_space<vmem_shared>>
          tpu.enqueue_dma source(%dma_start3A_154 : memref<128x64xf32, #tpu.memory_space<vmem_shared>>) target(%dma_start3A_152 : memref<128x64xf32, #tpu.memory_space<hbm>>) target_semaphore(%run_scoped3A : memref<!tpu.dma_semaphore, #tpu.memory_space<semaphore_mem>>)
          %dma_wait3A = arith.constant 0 : i32
          %dma_wait3A_155 = tpu.memref_slice %arg19[%mul3A_151, %dma_wait3A] : memref<5120x64xf32, #tpu.memory_space<hbm>> -> memref<128x64xf32, #tpu.memory_space<hbm>>
          %dma_wait3A_156 = arith.constant 0 : i32
          %dma_wait3A_157 = tpu.memref_slice %arg20[%mul3A_149, %dma_wait3A_156] : memref<10112x64xf32, #tpu.memory_space<vmem_shared>> -> memref<128x64xf32, #tpu.memory_space<vmem_shared>>
          tpu.wait_dma2 semaphore(%run_scoped3A : memref<!tpu.dma_semaphore, #tpu.memory_space<semaphore_mem>>) src(%dma_wait3A_157 : memref<128x64xf32, #tpu.memory_space<vmem_shared>>) dst(%dma_wait3A_155 : memref<128x64xf32, #tpu.memory_space<hbm>>)
          tpu.yield
        }) : () -> ()
      } else {
      }
      %add3A_133 = arith.constant 16 : i32
      %add3A_134 = arith.addi %arg1, %add3A_133 : i32
      %lt3A_135 = arith.constant 40 : i32
      %lt3A_136 = arith.cmpi slt, %add3A_134, %lt3A_135 : i32
      %convert_element_type3A_137 = arith.extui %lt3A_136 : i1 to i32
      %cond3A_138 = arith.constant 0 : i32
      %cond3A_139 = arith.cmpi ne, %convert_element_type3A_137, %cond3A_138 : i32
      scf.if %cond3A_139 {
        %mul3A_148 = arith.constant 128 : i32
        %mul3A_149 = arith.muli %add3A_134, %mul3A_148 : i32
        %mul3A_150 = arith.constant 128 : i32
        %mul3A_151 = arith.muli %add3A_134, %mul3A_150 : i32
        "tpu.region"() ({
          %run_scoped3A = tpu.sem_alloc : memref<!tpu.dma_semaphore, #tpu.memory_space<semaphore_mem>>
          %dma_start3A = arith.constant 0 : i32
          %dma_start3A_152 = tpu.memref_slice %arg19[%mul3A_151, %dma_start3A] : memref<5120x64xf32, #tpu.memory_space<hbm>> -> memref<128x64xf32, #tpu.memory_space<hbm>>
          %dma_start3A_153 = arith.constant 0 : i32
          %dma_start3A_154 = tpu.memref_slice %arg20[%mul3A_149, %dma_start3A_153] : memref<10112x64xf32, #tpu.memory_space<vmem_shared>> -> memref<128x64xf32, #tpu.memory_space<vmem_shared>>
          tpu.enqueue_dma source(%dma_start3A_154 : memref<128x64xf32, #tpu.memory_space<vmem_shared>>) target(%dma_start3A_152 : memref<128x64xf32, #tpu.memory_space<hbm>>) target_semaphore(%run_scoped3A : memref<!tpu.dma_semaphore, #tpu.memory_space<semaphore_mem>>)
          %dma_wait3A = arith.constant 0 : i32
          %dma_wait3A_155 = tpu.memref_slice %arg19[%mul3A_151, %dma_wait3A] : memref<5120x64xf32, #tpu.memory_space<hbm>> -> memref<128x64xf32, #tpu.memory_space<hbm>>
          %dma_wait3A_156 = arith.constant 0 : i32
          %dma_wait3A_157 = tpu.memref_slice %arg20[%mul3A_149, %dma_wait3A_156] : memref<10112x64xf32, #tpu.memory_space<vmem_shared>> -> memref<128x64xf32, #tpu.memory_space<vmem_shared>>
          tpu.wait_dma2 semaphore(%run_scoped3A : memref<!tpu.dma_semaphore, #tpu.memory_space<semaphore_mem>>) src(%dma_wait3A_157 : memref<128x64xf32, #tpu.memory_space<vmem_shared>>) dst(%dma_wait3A_155 : memref<128x64xf32, #tpu.memory_space<hbm>>)
          tpu.yield
        }) : () -> ()
      } else {
      }
      %add3A_140 = arith.constant 32 : i32
      %add3A_141 = arith.addi %arg1, %add3A_140 : i32
      %lt3A_142 = arith.constant 40 : i32
      %lt3A_143 = arith.cmpi slt, %add3A_141, %lt3A_142 : i32
      %convert_element_type3A_144 = arith.extui %lt3A_143 : i1 to i32
      %cond3A_145 = arith.constant 0 : i32
      %cond3A_146 = arith.cmpi ne, %convert_element_type3A_144, %cond3A_145 : i32
      scf.if %cond3A_146 {
        %mul3A_148 = arith.constant 128 : i32
        %mul3A_149 = arith.muli %add3A_141, %mul3A_148 : i32
        %mul3A_150 = arith.constant 128 : i32
        %mul3A_151 = arith.muli %add3A_141, %mul3A_150 : i32
        "tpu.region"() ({
          %run_scoped3A = tpu.sem_alloc : memref<!tpu.dma_semaphore, #tpu.memory_space<semaphore_mem>>
          %dma_start3A = arith.constant 0 : i32
          %dma_start3A_152 = tpu.memref_slice %arg19[%mul3A_151, %dma_start3A] : memref<5120x64xf32, #tpu.memory_space<hbm>> -> memref<128x64xf32, #tpu.memory_space<hbm>>
          %dma_start3A_153 = arith.constant 0 : i32
          %dma_start3A_154 = tpu.memref_slice %arg20[%mul3A_149, %dma_start3A_153] : memref<10112x64xf32, #tpu.memory_space<vmem_shared>> -> memref<128x64xf32, #tpu.memory_space<vmem_shared>>
          tpu.enqueue_dma source(%dma_start3A_154 : memref<128x64xf32, #tpu.memory_space<vmem_shared>>) target(%dma_start3A_152 : memref<128x64xf32, #tpu.memory_space<hbm>>) target_semaphore(%run_scoped3A : memref<!tpu.dma_semaphore, #tpu.memory_space<semaphore_mem>>)
          %dma_wait3A = arith.constant 0 : i32
          %dma_wait3A_155 = tpu.memref_slice %arg19[%mul3A_151, %dma_wait3A] : memref<5120x64xf32, #tpu.memory_space<hbm>> -> memref<128x64xf32, #tpu.memory_space<hbm>>
          %dma_wait3A_156 = arith.constant 0 : i32
          %dma_wait3A_157 = tpu.memref_slice %arg20[%mul3A_149, %dma_wait3A_156] : memref<10112x64xf32, #tpu.memory_space<vmem_shared>> -> memref<128x64xf32, #tpu.memory_space<vmem_shared>>
          tpu.wait_dma2 semaphore(%run_scoped3A : memref<!tpu.dma_semaphore, #tpu.memory_space<semaphore_mem>>) src(%dma_wait3A_157 : memref<128x64xf32, #tpu.memory_space<vmem_shared>>) dst(%dma_wait3A_155 : memref<128x64xf32, #tpu.memory_space<hbm>>)
          tpu.yield
        }) : () -> ()
      } else {
      }
      %barrier3A_147 = arith.constant 0 : index
      tpu.barrier barrier_id(%barrier3A_147)
    } else {
    }
    %eq3A_2 = arith.constant 1 : i32
    %eq3A_3 = arith.cmpi eq, %arg0, %eq3A_2 : i32
    %convert_element_type3A_4 = arith.extui %eq3A_3 : i1 to i32
    %cond3A_5 = arith.constant 0 : i32
    %cond3A_6 = arith.cmpi ne, %convert_element_type3A_4, %cond3A_5 : i32
    scf.if %cond3A_6 {
      %scan3A = arith.constant 0 : i32
      %scan3A_7 = arith.constant 0 : i32
      %scan3A_8 = arith.constant 128 : i32
      %scan3A_9 = arith.addi %scan3A_7, %scan3A_8 : i32
      %scan3A_10 = arith.constant 1 : i32
      scf.for %scan3A_148 = %scan3A_7 to %scan3A_9 step %scan3A_10  : i32 {
        %broadcast_in_dim3A = arith.constant 0.000000e+00 : f32
        %broadcast_in_dim3A_149 = vector.broadcast %broadcast_in_dim3A : f32 to vector<16xf32>
        %swap3A = arith.index_cast %scan3A_148 : i32 to index
        %swap3A_150 = arith.constant 0 : index
        %swap3A_151 = tpu.vector_load %arg24[%swap3A, %swap3A_150] {strides = array<i32>} : memref<128x64xf32, #tpu.memory_space<vmem>>, vector<16xf32>,
        tpu.vector_store %arg24[%swap3A, %swap3A_150], %broadcast_in_dim3A_149 {strides = array<i32>} : memref<128x64xf32, #tpu.memory_space<vmem>>, vector<16xf32>,
        %broadcast_in_dim3A_152 = arith.constant 0.000000e+00 : f32
        %broadcast_in_dim3A_153 = vector.broadcast %broadcast_in_dim3A_152 : f32 to vector<16xf32>
        %swap3A_154 = arith.index_cast %scan3A_148 : i32 to index
        %swap3A_155 = arith.constant 16 : index
        %swap3A_156 = tpu.vector_load %arg24[%swap3A_154, %swap3A_155] {strides = array<i32>} : memref<128x64xf32, #tpu.memory_space<vmem>>, vector<16xf32>,
        tpu.vector_store %arg24[%swap3A_154, %swap3A_155], %broadcast_in_dim3A_153 {strides = array<i32>} : memref<128x64xf32, #tpu.memory_space<vmem>>, vector<16xf32>,
        %broadcast_in_dim3A_157 = arith.constant 0.000000e+00 : f32
        %broadcast_in_dim3A_158 = vector.broadcast %broadcast_in_dim3A_157 : f32 to vector<16xf32>
        %swap3A_159 = arith.index_cast %scan3A_148 : i32 to index
        %swap3A_160 = arith.constant 32 : index
        %swap3A_161 = tpu.vector_load %arg24[%swap3A_159, %swap3A_160] {strides = array<i32>} : memref<128x64xf32, #tpu.memory_space<vmem>>, vector<16xf32>,
        tpu.vector_store %arg24[%swap3A_159, %swap3A_160], %broadcast_in_dim3A_158 {strides = array<i32>} : memref<128x64xf32, #tpu.memory_space<vmem>>, vector<16xf32>,
        %broadcast_in_dim3A_162 = arith.constant 0.000000e+00 : f32
        %broadcast_in_dim3A_163 = vector.broadcast %broadcast_in_dim3A_162 : f32 to vector<16xf32>
        %swap3A_164 = arith.index_cast %scan3A_148 : i32 to index
        %swap3A_165 = arith.constant 48 : index
        %swap3A_166 = tpu.vector_load %arg24[%swap3A_164, %swap3A_165] {strides = array<i32>} : memref<128x64xf32, #tpu.memory_space<vmem>>, vector<16xf32>,
        tpu.vector_store %arg24[%swap3A_164, %swap3A_165], %broadcast_in_dim3A_163 {strides = array<i32>} : memref<128x64xf32, #tpu.memory_space<vmem>>, vector<16xf32>,
      }
      %scan3A_11 = arith.constant 128 : i32
      %add3A = arith.constant 0 : i32
      %add3A_12 = arith.addi %arg1, %add3A : i32
      %lt3A = arith.constant 79 : i32
      %lt3A_13 = arith.cmpi slt, %add3A_12, %lt3A : i32
      %convert_element_type3A_14 = arith.extui %lt3A_13 : i1 to i32
      %cond3A_15 = arith.constant 0 : i32
      %cond3A_16 = arith.cmpi ne, %convert_element_type3A_14, %cond3A_15 : i32
      scf.if %cond3A_16 {
        %mul3A_148 = arith.constant 128 : i32
        %mul3A_149 = arith.muli %add3A_12, %mul3A_148 : i32
        "tpu.region"() ({
          %run_scoped3A = tpu.sem_alloc : memref<!tpu.dma_semaphore, #tpu.memory_space<semaphore_mem>>
          %dma_start3A = arith.constant 0 : i32
          %dma_start3A_150 = tpu.memref_slice %arg20[%mul3A_149, %dma_start3A] : memref<10112x64xf32, #tpu.memory_space<vmem_shared>> -> memref<128x64xf32, #tpu.memory_space<vmem_shared>>
          %dma_start3A_151 = arith.constant 0 : i32
          %dma_start3A_152 = tpu.memref_slice %arg20[%mul3A_149, %dma_start3A_151] : memref<10112x64xf32, #tpu.memory_space<vmem_shared>> -> memref<128x64xf32, #tpu.memory_space<vmem_shared>>
          tpu.enqueue_dma source(%arg24 : memref<128x64xf32, #tpu.memory_space<vmem>>) target(%dma_start3A_152 : memref<128x64xf32, #tpu.memory_space<vmem_shared>>) target_semaphore(%run_scoped3A : memref<!tpu.dma_semaphore, #tpu.memory_space<semaphore_mem>>)
          %dma_wait3A = arith.constant 0 : i32
          %dma_wait3A_153 = tpu.memref_slice %arg20[%mul3A_149, %dma_wait3A] : memref<10112x64xf32, #tpu.memory_space<vmem_shared>> -> memref<128x64xf32, #tpu.memory_space<vmem_shared>>
          %dma_wait3A_154 = arith.constant 0 : i32
          %dma_wait3A_155 = tpu.memref_slice %arg20[%mul3A_149, %dma_wait3A_154] : memref<10112x64xf32, #tpu.memory_space<vmem_shared>> -> memref<128x64xf32, #tpu.memory_space<vmem_shared>>
          tpu.wait_dma2 semaphore(%run_scoped3A : memref<!tpu.dma_semaphore, #tpu.memory_space<semaphore_mem>>) src(%arg24 : memref<128x64xf32, #tpu.memory_space<vmem>>) dst(%dma_wait3A_155 : memref<128x64xf32, #tpu.memory_space<vmem_shared>>)
          tpu.yield
        }) : () -> ()
      } else {
      }
      %add3A_17 = arith.constant 16 : i32
      %add3A_18 = arith.addi %arg1, %add3A_17 : i32
      %lt3A_19 = arith.constant 79 : i32
      %lt3A_20 = arith.cmpi slt, %add3A_18, %lt3A_19 : i32
      %convert_element_type3A_21 = arith.extui %lt3A_20 : i1 to i32
      %cond3A_22 = arith.constant 0 : i32
      %cond3A_23 = arith.cmpi ne, %convert_element_type3A_21, %cond3A_22 : i32
      scf.if %cond3A_23 {
        %mul3A_148 = arith.constant 128 : i32
        %mul3A_149 = arith.muli %add3A_18, %mul3A_148 : i32
        "tpu.region"() ({
          %run_scoped3A = tpu.sem_alloc : memref<!tpu.dma_semaphore, #tpu.memory_space<semaphore_mem>>
          %dma_start3A = arith.constant 0 : i32
          %dma_start3A_150 = tpu.memref_slice %arg20[%mul3A_149, %dma_start3A] : memref<10112x64xf32, #tpu.memory_space<vmem_shared>> -> memref<128x64xf32, #tpu.memory_space<vmem_shared>>
          %dma_start3A_151 = arith.constant 0 : i32
          %dma_start3A_152 = tpu.memref_slice %arg20[%mul3A_149, %dma_start3A_151] : memref<10112x64xf32, #tpu.memory_space<vmem_shared>> -> memref<128x64xf32, #tpu.memory_space<vmem_shared>>
          tpu.enqueue_dma source(%arg24 : memref<128x64xf32, #tpu.memory_space<vmem>>) target(%dma_start3A_152 : memref<128x64xf32, #tpu.memory_space<vmem_shared>>) target_semaphore(%run_scoped3A : memref<!tpu.dma_semaphore, #tpu.memory_space<semaphore_mem>>)
          %dma_wait3A = arith.constant 0 : i32
          %dma_wait3A_153 = tpu.memref_slice %arg20[%mul3A_149, %dma_wait3A] : memref<10112x64xf32, #tpu.memory_space<vmem_shared>> -> memref<128x64xf32, #tpu.memory_space<vmem_shared>>
          %dma_wait3A_154 = arith.constant 0 : i32
          %dma_wait3A_155 = tpu.memref_slice %arg20[%mul3A_149, %dma_wait3A_154] : memref<10112x64xf32, #tpu.memory_space<vmem_shared>> -> memref<128x64xf32, #tpu.memory_space<vmem_shared>>
          tpu.wait_dma2 semaphore(%run_scoped3A : memref<!tpu.dma_semaphore, #tpu.memory_space<semaphore_mem>>) src(%arg24 : memref<128x64xf32, #tpu.memory_space<vmem>>) dst(%dma_wait3A_155 : memref<128x64xf32, #tpu.memory_space<vmem_shared>>)
          tpu.yield
        }) : () -> ()
      } else {
      }
      %add3A_24 = arith.constant 32 : i32
      %add3A_25 = arith.addi %arg1, %add3A_24 : i32
      %lt3A_26 = arith.constant 79 : i32
      %lt3A_27 = arith.cmpi slt, %add3A_25, %lt3A_26 : i32
      %convert_element_type3A_28 = arith.extui %lt3A_27 : i1 to i32
      %cond3A_29 = arith.constant 0 : i32
      %cond3A_30 = arith.cmpi ne, %convert_element_type3A_28, %cond3A_29 : i32
      scf.if %cond3A_30 {
        %mul3A_148 = arith.constant 128 : i32
        %mul3A_149 = arith.muli %add3A_25, %mul3A_148 : i32
        "tpu.region"() ({
          %run_scoped3A = tpu.sem_alloc : memref<!tpu.dma_semaphore, #tpu.memory_space<semaphore_mem>>
          %dma_start3A = arith.constant 0 : i32
          %dma_start3A_150 = tpu.memref_slice %arg20[%mul3A_149, %dma_start3A] : memref<10112x64xf32, #tpu.memory_space<vmem_shared>> -> memref<128x64xf32, #tpu.memory_space<vmem_shared>>
          %dma_start3A_151 = arith.constant 0 : i32
          %dma_start3A_152 = tpu.memref_slice %arg20[%mul3A_149, %dma_start3A_151] : memref<10112x64xf32, #tpu.memory_space<vmem_shared>> -> memref<128x64xf32, #tpu.memory_space<vmem_shared>>
          tpu.enqueue_dma source(%arg24 : memref<128x64xf32, #tpu.memory_space<vmem>>) target(%dma_start3A_152 : memref<128x64xf32, #tpu.memory_space<vmem_shared>>) target_semaphore(%run_scoped3A : memref<!tpu.dma_semaphore, #tpu.memory_space<semaphore_mem>>)
          %dma_wait3A = arith.constant 0 : i32
          %dma_wait3A_153 = tpu.memref_slice %arg20[%mul3A_149, %dma_wait3A] : memref<10112x64xf32, #tpu.memory_space<vmem_shared>> -> memref<128x64xf32, #tpu.memory_space<vmem_shared>>
          %dma_wait3A_154 = arith.constant 0 : i32
          %dma_wait3A_155 = tpu.memref_slice %arg20[%mul3A_149, %dma_wait3A_154] : memref<10112x64xf32, #tpu.memory_space<vmem_shared>> -> memref<128x64xf32, #tpu.memory_space<vmem_shared>>
          tpu.wait_dma2 semaphore(%run_scoped3A : memref<!tpu.dma_semaphore, #tpu.memory_space<semaphore_mem>>) src(%arg24 : memref<128x64xf32, #tpu.memory_space<vmem>>) dst(%dma_wait3A_155 : memref<128x64xf32, #tpu.memory_space<vmem_shared>>)
          tpu.yield
        }) : () -> ()
      } else {
      }
      %add3A_31 = arith.constant 48 : i32
      %add3A_32 = arith.addi %arg1, %add3A_31 : i32
      %lt3A_33 = arith.constant 79 : i32
      %lt3A_34 = arith.cmpi slt, %add3A_32, %lt3A_33 : i32
      %convert_element_type3A_35 = arith.extui %lt3A_34 : i1 to i32
      %cond3A_36 = arith.constant 0 : i32
      %cond3A_37 = arith.cmpi ne, %convert_element_type3A_35, %cond3A_36 : i32
      scf.if %cond3A_37 {
        %mul3A_148 = arith.constant 128 : i32
        %mul3A_149 = arith.muli %add3A_32, %mul3A_148 : i32
        "tpu.region"() ({
          %run_scoped3A = tpu.sem_alloc : memref<!tpu.dma_semaphore, #tpu.memory_space<semaphore_mem>>
          %dma_start3A = arith.constant 0 : i32
          %dma_start3A_150 = tpu.memref_slice %arg20[%mul3A_149, %dma_start3A] : memref<10112x64xf32, #tpu.memory_space<vmem_shared>> -> memref<128x64xf32, #tpu.memory_space<vmem_shared>>
          %dma_start3A_151 = arith.constant 0 : i32
          %dma_start3A_152 = tpu.memref_slice %arg20[%mul3A_149, %dma_start3A_151] : memref<10112x64xf32, #tpu.memory_space<vmem_shared>> -> memref<128x64xf32, #tpu.memory_space<vmem_shared>>
          tpu.enqueue_dma source(%arg24 : memref<128x64xf32, #tpu.memory_space<vmem>>) target(%dma_start3A_152 : memref<128x64xf32, #tpu.memory_space<vmem_shared>>) target_semaphore(%run_scoped3A : memref<!tpu.dma_semaphore, #tpu.memory_space<semaphore_mem>>)
          %dma_wait3A = arith.constant 0 : i32
          %dma_wait3A_153 = tpu.memref_slice %arg20[%mul3A_149, %dma_wait3A] : memref<10112x64xf32, #tpu.memory_space<vmem_shared>> -> memref<128x64xf32, #tpu.memory_space<vmem_shared>>
          %dma_wait3A_154 = arith.constant 0 : i32
          %dma_wait3A_155 = tpu.memref_slice %arg20[%mul3A_149, %dma_wait3A_154] : memref<10112x64xf32, #tpu.memory_space<vmem_shared>> -> memref<128x64xf32, #tpu.memory_space<vmem_shared>>
          tpu.wait_dma2 semaphore(%run_scoped3A : memref<!tpu.dma_semaphore, #tpu.memory_space<semaphore_mem>>) src(%arg24 : memref<128x64xf32, #tpu.memory_space<vmem>>) dst(%dma_wait3A_155 : memref<128x64xf32, #tpu.memory_space<vmem_shared>>)
          tpu.yield
        }) : () -> ()
      } else {
      }
      %add3A_38 = arith.constant 64 : i32
      %add3A_39 = arith.addi %arg1, %add3A_38 : i32
      %lt3A_40 = arith.constant 79 : i32
      %lt3A_41 = arith.cmpi slt, %add3A_39, %lt3A_40 : i32
      %convert_element_type3A_42 = arith.extui %lt3A_41 : i1 to i32
      %cond3A_43 = arith.constant 0 : i32
      %cond3A_44 = arith.cmpi ne, %convert_element_type3A_42, %cond3A_43 : i32
      scf.if %cond3A_44 {
        %mul3A_148 = arith.constant 128 : i32
        %mul3A_149 = arith.muli %add3A_39, %mul3A_148 : i32
        "tpu.region"() ({
          %run_scoped3A = tpu.sem_alloc : memref<!tpu.dma_semaphore, #tpu.memory_space<semaphore_mem>>
          %dma_start3A = arith.constant 0 : i32
          %dma_start3A_150 = tpu.memref_slice %arg20[%mul3A_149, %dma_start3A] : memref<10112x64xf32, #tpu.memory_space<vmem_shared>> -> memref<128x64xf32, #tpu.memory_space<vmem_shared>>
          %dma_start3A_151 = arith.constant 0 : i32
          %dma_start3A_152 = tpu.memref_slice %arg20[%mul3A_149, %dma_start3A_151] : memref<10112x64xf32, #tpu.memory_space<vmem_shared>> -> memref<128x64xf32, #tpu.memory_space<vmem_shared>>
          tpu.enqueue_dma source(%arg24 : memref<128x64xf32, #tpu.memory_space<vmem>>) target(%dma_start3A_152 : memref<128x64xf32, #tpu.memory_space<vmem_shared>>) target_semaphore(%run_scoped3A : memref<!tpu.dma_semaphore, #tpu.memory_space<semaphore_mem>>)
          %dma_wait3A = arith.constant 0 : i32
          %dma_wait3A_153 = tpu.memref_slice %arg20[%mul3A_149, %dma_wait3A] : memref<10112x64xf32, #tpu.memory_space<vmem_shared>> -> memref<128x64xf32, #tpu.memory_space<vmem_shared>>
          %dma_wait3A_154 = arith.constant 0 : i32
          %dma_wait3A_155 = tpu.memref_slice %arg20[%mul3A_149, %dma_wait3A_154] : memref<10112x64xf32, #tpu.memory_space<vmem_shared>> -> memref<128x64xf32, #tpu.memory_space<vmem_shared>>
          tpu.wait_dma2 semaphore(%run_scoped3A : memref<!tpu.dma_semaphore, #tpu.memory_space<semaphore_mem>>) src(%arg24 : memref<128x64xf32, #tpu.memory_space<vmem>>) dst(%dma_wait3A_155 : memref<128x64xf32, #tpu.memory_space<vmem_shared>>)
          tpu.yield
        }) : () -> ()
      } else {
      }
      %barrier3A = arith.constant 0 : index
      tpu.barrier barrier_id(%barrier3A)
      %mul3A = arith.constant 20096 : i32
      %mul3A_45 = arith.muli %arg1, %mul3A : i32
      %scan3A_46 = arith.constant 0 : i32
      %scan3A_47 = arith.constant 0 : i32
      %scan3A_48 = arith.constant 157 : i32
      %scan3A_49 = arith.addi %scan3A_47, %scan3A_48 : i32
      %scan3A_50 = arith.constant 1 : i32
      scf.for %scan3A_148 = %scan3A_47 to %scan3A_49 step %scan3A_50  : i32 {
        %mul3A_149 = arith.constant 128 : i32
        %mul3A_150 = arith.muli %scan3A_148, %mul3A_149 : i32
        %add3A_151 = arith.addi %mul3A_45, %mul3A_150 : i32
        "tpu.region"() ({
          %run_scoped3A = tpu.sem_alloc : memref<!tpu.dma_semaphore, #tpu.memory_space<semaphore_mem>>
          %dma_start3A_162 = tpu.memref_slice %arg7[%add3A_151] : memref<321536xi32, #tpu.memory_space<hbm>> -> memref<128xi32, #tpu.memory_space<hbm>>
          %dma_start3A_163 = tpu.memref_slice %arg7[%add3A_151] : memref<321536xi32, #tpu.memory_space<hbm>> -> memref<128xi32, #tpu.memory_space<hbm>>
          tpu.enqueue_dma source(%dma_start3A_163 : memref<128xi32, #tpu.memory_space<hbm>>) target(%arg21 : memref<128xi32, #tpu.memory_space<vmem>>) target_semaphore(%run_scoped3A : memref<!tpu.dma_semaphore, #tpu.memory_space<semaphore_mem>>)
          %dma_wait3A_164 = tpu.memref_slice %arg7[%add3A_151] : memref<321536xi32, #tpu.memory_space<hbm>> -> memref<128xi32, #tpu.memory_space<hbm>>
          %dma_wait3A_165 = tpu.memref_slice %arg7[%add3A_151] : memref<321536xi32, #tpu.memory_space<hbm>> -> memref<128xi32, #tpu.memory_space<hbm>>
          tpu.wait_dma2 semaphore(%run_scoped3A : memref<!tpu.dma_semaphore, #tpu.memory_space<semaphore_mem>>) src(%dma_wait3A_165 : memref<128xi32, #tpu.memory_space<hbm>>) dst(%arg21 : memref<128xi32, #tpu.memory_space<vmem>>)
          tpu.yield
        }) : () -> ()
        "tpu.region"() ({
          %run_scoped3A = tpu.sem_alloc : memref<!tpu.dma_semaphore, #tpu.memory_space<semaphore_mem>>
          %dma_start3A_162 = tpu.memref_slice %arg8[%add3A_151] : memref<321536xi32, #tpu.memory_space<hbm>> -> memref<128xi32, #tpu.memory_space<hbm>>
          %dma_start3A_163 = tpu.memref_slice %arg8[%add3A_151] : memref<321536xi32, #tpu.memory_space<hbm>> -> memref<128xi32, #tpu.memory_space<hbm>>
          tpu.enqueue_dma source(%dma_start3A_163 : memref<128xi32, #tpu.memory_space<hbm>>) target(%arg22 : memref<128xi32, #tpu.memory_space<vmem>>) target_semaphore(%run_scoped3A : memref<!tpu.dma_semaphore, #tpu.memory_space<semaphore_mem>>)
          %dma_wait3A_164 = tpu.memref_slice %arg8[%add3A_151] : memref<321536xi32, #tpu.memory_space<hbm>> -> memref<128xi32, #tpu.memory_space<hbm>>
          %dma_wait3A_165 = tpu.memref_slice %arg8[%add3A_151] : memref<321536xi32, #tpu.memory_space<hbm>> -> memref<128xi32, #tpu.memory_space<hbm>>
          tpu.wait_dma2 semaphore(%run_scoped3A : memref<!tpu.dma_semaphore, #tpu.memory_space<semaphore_mem>>) src(%dma_wait3A_165 : memref<128xi32, #tpu.memory_space<hbm>>) dst(%arg22 : memref<128xi32, #tpu.memory_space<vmem>>)
          tpu.yield
        }) : () -> ()
        "tpu.region"() ({
          %run_scoped3A = tpu.sem_alloc : memref<!tpu.dma_semaphore, #tpu.memory_space<semaphore_mem>>
          %dma_start3A_162 = tpu.memref_slice %arg9[%add3A_151] : memref<321536xf32, #tpu.memory_space<hbm>> -> memref<128xf32, #tpu.memory_space<hbm>>
          %dma_start3A_163 = tpu.memref_slice %arg9[%add3A_151] : memref<321536xf32, #tpu.memory_space<hbm>> -> memref<128xf32, #tpu.memory_space<hbm>>
          tpu.enqueue_dma source(%dma_start3A_163 : memref<128xf32, #tpu.memory_space<hbm>>) target(%arg23 : memref<128xf32, #tpu.memory_space<vmem>>) target_semaphore(%run_scoped3A : memref<!tpu.dma_semaphore, #tpu.memory_space<semaphore_mem>>)
          %dma_wait3A_164 = tpu.memref_slice %arg9[%add3A_151] : memref<321536xf32, #tpu.memory_space<hbm>> -> memref<128xf32, #tpu.memory_space<hbm>>
          %dma_wait3A_165 = tpu.memref_slice %arg9[%add3A_151] : memref<321536xf32, #tpu.memory_space<hbm>> -> memref<128xf32, #tpu.memory_space<hbm>>
          tpu.wait_dma2 semaphore(%run_scoped3A : memref<!tpu.dma_semaphore, #tpu.memory_space<semaphore_mem>>) src(%dma_wait3A_165 : memref<128xf32, #tpu.memory_space<hbm>>) dst(%arg23 : memref<128xf32, #tpu.memory_space<vmem>>)
          tpu.yield
        }) : () -> ()
        %dma_start3A = arith.constant 0 : i32
        %dma_start3A_152 = arith.constant 0 : i32
        %dma_start3A_153 = tpu.memref_slice %arg3[%dma_start3A, %dma_start3A_152] : memref<5120x64xf32, #tpu.memory_space<hbm>> -> memref<5120x64xf32, #tpu.memory_space<hbm>>
        tpu.enqueue_indirect_dma source(%dma_start3A_153 : memref<5120x64xf32, #tpu.memory_space<hbm>>) target(%arg24 : memref<128x64xf32, #tpu.memory_space<vmem>>) offsets(%arg22 : memref<128xi32, #tpu.memory_space<vmem>>) semaphore(%arg25 : memref<!tpu.dma_semaphore, #tpu.memory_space<semaphore_mem>>)
        %dma_wait3A = arith.constant 0 : i32
        %dma_wait3A_154 = arith.constant 0 : i32
        %dma_wait3A_155 = tpu.memref_slice %arg3[%dma_wait3A, %dma_wait3A_154] : memref<5120x64xf32, #tpu.memory_space<hbm>> -> memref<5120x64xf32, #tpu.memory_space<hbm>>
        tpu.wait_indirect_dma semaphore(%arg25 : memref<!tpu.dma_semaphore, #tpu.memory_space<semaphore_mem>>) src(%dma_wait3A_155 : memref<5120x64xf32, #tpu.memory_space<hbm>>) dst(%arg24 : memref<128x64xf32, #tpu.memory_space<vmem>>)
        %scan3A_156 = arith.constant 0 : i32
        %scan3A_157 = arith.constant 0 : i32
        %scan3A_158 = arith.constant 128 : i32
        %scan3A_159 = arith.addi %scan3A_157, %scan3A_158 : i32
        %scan3A_160 = arith.constant 1 : i32
        scf.for %scan3A_162 = %scan3A_157 to %scan3A_159 step %scan3A_160  : i32 {
          %broadcast_in_dim3A = vector.broadcast %scan3A_162 : i32 to vector<16xi32>
          %gather3A = tpu.vector_load_idx %arg23[%broadcast_in_dim3A] : memref<128xf32, #tpu.memory_space<vmem>>[vector<16xi32>], vector<16xf32>,
          %get3A = arith.index_cast %scan3A_162 : i32 to index
          %get3A_163 = arith.constant 0 : index
          %get3A_164 = tpu.vector_load %arg24[%get3A, %get3A_163] {strides = array<i32>} : memref<128x64xf32, #tpu.memory_space<vmem>>, vector<16xf32>,
          %mul3A_165 = arith.mulf %get3A_164, %gather3A : vector<16xf32>
          %swap3A = arith.index_cast %scan3A_162 : i32 to index
          %swap3A_166 = arith.constant 0 : index
          %swap3A_167 = tpu.vector_load %arg24[%swap3A, %swap3A_166] {strides = array<i32>} : memref<128x64xf32, #tpu.memory_space<vmem>>, vector<16xf32>,
          tpu.vector_store %arg24[%swap3A, %swap3A_166], %mul3A_165 {strides = array<i32>} : memref<128x64xf32, #tpu.memory_space<vmem>>, vector<16xf32>,
          %get3A_168 = arith.index_cast %scan3A_162 : i32 to index
          %get3A_169 = arith.constant 16 : index
          %get3A_170 = tpu.vector_load %arg24[%get3A_168, %get3A_169] {strides = array<i32>} : memref<128x64xf32, #tpu.memory_space<vmem>>, vector<16xf32>,
          %mul3A_171 = arith.mulf %get3A_170, %gather3A : vector<16xf32>
          %swap3A_172 = arith.index_cast %scan3A_162 : i32 to index
          %swap3A_173 = arith.constant 16 : index
          %swap3A_174 = tpu.vector_load %arg24[%swap3A_172, %swap3A_173] {strides = array<i32>} : memref<128x64xf32, #tpu.memory_space<vmem>>, vector<16xf32>,
          tpu.vector_store %arg24[%swap3A_172, %swap3A_173], %mul3A_171 {strides = array<i32>} : memref<128x64xf32, #tpu.memory_space<vmem>>, vector<16xf32>,
          %get3A_175 = arith.index_cast %scan3A_162 : i32 to index
          %get3A_176 = arith.constant 32 : index
          %get3A_177 = tpu.vector_load %arg24[%get3A_175, %get3A_176] {strides = array<i32>} : memref<128x64xf32, #tpu.memory_space<vmem>>, vector<16xf32>,
          %mul3A_178 = arith.mulf %get3A_177, %gather3A : vector<16xf32>
          %swap3A_179 = arith.index_cast %scan3A_162 : i32 to index
          %swap3A_180 = arith.constant 32 : index
          %swap3A_181 = tpu.vector_load %arg24[%swap3A_179, %swap3A_180] {strides = array<i32>} : memref<128x64xf32, #tpu.memory_space<vmem>>, vector<16xf32>,
          tpu.vector_store %arg24[%swap3A_179, %swap3A_180], %mul3A_178 {strides = array<i32>} : memref<128x64xf32, #tpu.memory_space<vmem>>, vector<16xf32>,
          %get3A_182 = arith.index_cast %scan3A_162 : i32 to index
          %get3A_183 = arith.constant 48 : index
          %get3A_184 = tpu.vector_load %arg24[%get3A_182, %get3A_183] {strides = array<i32>} : memref<128x64xf32, #tpu.memory_space<vmem>>, vector<16xf32>,
          %mul3A_185 = arith.mulf %get3A_184, %gather3A : vector<16xf32>
          %swap3A_186 = arith.index_cast %scan3A_162 : i32 to index
          %swap3A_187 = arith.constant 48 : index
          %swap3A_188 = tpu.vector_load %arg24[%swap3A_186, %swap3A_187] {strides = array<i32>} : memref<128x64xf32, #tpu.memory_space<vmem>>, vector<16xf32>,
          tpu.vector_store %arg24[%swap3A_186, %swap3A_187], %mul3A_185 {strides = array<i32>} : memref<128x64xf32, #tpu.memory_space<vmem>>, vector<16xf32>,
        }
        %scan3A_161 = arith.constant 128 : i32
        "tpu.region"() ({
          %run_scoped3A = tpu.sem_alloc : memref<!tpu.dma_semaphore, #tpu.memory_space<semaphore_mem>>
          %dma_start3A_162 = arith.constant 0 : i32
          %dma_start3A_163 = arith.constant 0 : i32
          %dma_start3A_164 = tpu.memref_slice %arg20[%dma_start3A_162, %dma_start3A_163] : memref<10112x64xf32, #tpu.memory_space<vmem_shared>> -> memref<10112x64xf32, #tpu.memory_space<vmem_shared>>
          tpu.enqueue_indirect_dma source(%arg24 : memref<128x64xf32, #tpu.memory_space<vmem>>) target(%dma_start3A_164 : memref<10112x64xf32, #tpu.memory_space<vmem_shared>>) offsets(%arg21 : memref<128xi32, #tpu.memory_space<vmem>>) semaphore(%run_scoped3A : memref<!tpu.dma_semaphore, #tpu.memory_space<semaphore_mem>>) {add = true}
          %dma_wait3A_165 = arith.constant 0 : i32
          %dma_wait3A_166 = arith.constant 0 : i32
          %dma_wait3A_167 = tpu.memref_slice %arg20[%dma_wait3A_165, %dma_wait3A_166] : memref<10112x64xf32, #tpu.memory_space<vmem_shared>> -> memref<10112x64xf32, #tpu.memory_space<vmem_shared>>
          tpu.wait_indirect_dma semaphore(%run_scoped3A : memref<!tpu.dma_semaphore, #tpu.memory_space<semaphore_mem>>) src(%arg24 : memref<128x64xf32, #tpu.memory_space<vmem>>) dst(%dma_wait3A_167 : memref<10112x64xf32, #tpu.memory_space<vmem_shared>>)
          tpu.yield
        }) : () -> ()
      }
      %scan3A_51 = arith.constant 157 : i32
      %barrier3A_52 = arith.constant 0 : index
      tpu.barrier barrier_id(%barrier3A_52)
      %add3A_53 = arith.constant 0 : i32
      %add3A_54 = arith.addi %arg1, %add3A_53 : i32
      %lt3A_55 = arith.constant 79 : i32
      %lt3A_56 = arith.cmpi slt, %add3A_54, %lt3A_55 : i32
      %convert_element_type3A_57 = arith.extui %lt3A_56 : i1 to i32
      %cond3A_58 = arith.constant 0 : i32
      %cond3A_59 = arith.cmpi ne, %convert_element_type3A_57, %cond3A_58 : i32
      scf.if %cond3A_59 {
        %mul3A_148 = arith.constant 128 : i32
        %mul3A_149 = arith.muli %add3A_54, %mul3A_148 : i32
        %mul3A_150 = arith.constant 128 : i32
        %mul3A_151 = arith.muli %add3A_54, %mul3A_150 : i32
        "tpu.region"() ({
          %run_scoped3A = tpu.sem_alloc : memref<!tpu.dma_semaphore, #tpu.memory_space<semaphore_mem>>
          %dma_start3A = arith.constant 0 : i32
          %dma_start3A_152 = tpu.memref_slice %arg17[%mul3A_151, %dma_start3A] : memref<10112x64xf32, #tpu.memory_space<hbm>> -> memref<128x64xf32, #tpu.memory_space<hbm>>
          %dma_start3A_153 = arith.constant 0 : i32
          %dma_start3A_154 = tpu.memref_slice %arg20[%mul3A_149, %dma_start3A_153] : memref<10112x64xf32, #tpu.memory_space<vmem_shared>> -> memref<128x64xf32, #tpu.memory_space<vmem_shared>>
          tpu.enqueue_dma source(%dma_start3A_154 : memref<128x64xf32, #tpu.memory_space<vmem_shared>>) target(%dma_start3A_152 : memref<128x64xf32, #tpu.memory_space<hbm>>) target_semaphore(%run_scoped3A : memref<!tpu.dma_semaphore, #tpu.memory_space<semaphore_mem>>)
          %dma_wait3A = arith.constant 0 : i32
          %dma_wait3A_155 = tpu.memref_slice %arg17[%mul3A_151, %dma_wait3A] : memref<10112x64xf32, #tpu.memory_space<hbm>> -> memref<128x64xf32, #tpu.memory_space<hbm>>
          %dma_wait3A_156 = arith.constant 0 : i32
          %dma_wait3A_157 = tpu.memref_slice %arg20[%mul3A_149, %dma_wait3A_156] : memref<10112x64xf32, #tpu.memory_space<vmem_shared>> -> memref<128x64xf32, #tpu.memory_space<vmem_shared>>
          tpu.wait_dma2 semaphore(%run_scoped3A : memref<!tpu.dma_semaphore, #tpu.memory_space<semaphore_mem>>) src(%dma_wait3A_157 : memref<128x64xf32, #tpu.memory_space<vmem_shared>>) dst(%dma_wait3A_155 : memref<128x64xf32, #tpu.memory_space<hbm>>)
          tpu.yield
        }) : () -> ()
      } else {
      }
      %add3A_60 = arith.constant 16 : i32
      %add3A_61 = arith.addi %arg1, %add3A_60 : i32
      %lt3A_62 = arith.constant 79 : i32
      %lt3A_63 = arith.cmpi slt, %add3A_61, %lt3A_62 : i32
      %convert_element_type3A_64 = arith.extui %lt3A_63 : i1 to i32
      %cond3A_65 = arith.constant 0 : i32
      %cond3A_66 = arith.cmpi ne, %convert_element_type3A_64, %cond3A_65 : i32
      scf.if %cond3A_66 {
        %mul3A_148 = arith.constant 128 : i32
        %mul3A_149 = arith.muli %add3A_61, %mul3A_148 : i32
        %mul3A_150 = arith.constant 128 : i32
        %mul3A_151 = arith.muli %add3A_61, %mul3A_150 : i32
        "tpu.region"() ({
          %run_scoped3A = tpu.sem_alloc : memref<!tpu.dma_semaphore, #tpu.memory_space<semaphore_mem>>
          %dma_start3A = arith.constant 0 : i32
          %dma_start3A_152 = tpu.memref_slice %arg17[%mul3A_151, %dma_start3A] : memref<10112x64xf32, #tpu.memory_space<hbm>> -> memref<128x64xf32, #tpu.memory_space<hbm>>
          %dma_start3A_153 = arith.constant 0 : i32
          %dma_start3A_154 = tpu.memref_slice %arg20[%mul3A_149, %dma_start3A_153] : memref<10112x64xf32, #tpu.memory_space<vmem_shared>> -> memref<128x64xf32, #tpu.memory_space<vmem_shared>>
          tpu.enqueue_dma source(%dma_start3A_154 : memref<128x64xf32, #tpu.memory_space<vmem_shared>>) target(%dma_start3A_152 : memref<128x64xf32, #tpu.memory_space<hbm>>) target_semaphore(%run_scoped3A : memref<!tpu.dma_semaphore, #tpu.memory_space<semaphore_mem>>)
          %dma_wait3A = arith.constant 0 : i32
          %dma_wait3A_155 = tpu.memref_slice %arg17[%mul3A_151, %dma_wait3A] : memref<10112x64xf32, #tpu.memory_space<hbm>> -> memref<128x64xf32, #tpu.memory_space<hbm>>
          %dma_wait3A_156 = arith.constant 0 : i32
          %dma_wait3A_157 = tpu.memref_slice %arg20[%mul3A_149, %dma_wait3A_156] : memref<10112x64xf32, #tpu.memory_space<vmem_shared>> -> memref<128x64xf32, #tpu.memory_space<vmem_shared>>
          tpu.wait_dma2 semaphore(%run_scoped3A : memref<!tpu.dma_semaphore, #tpu.memory_space<semaphore_mem>>) src(%dma_wait3A_157 : memref<128x64xf32, #tpu.memory_space<vmem_shared>>) dst(%dma_wait3A_155 : memref<128x64xf32, #tpu.memory_space<hbm>>)
          tpu.yield
        }) : () -> ()
      } else {
      }
      %add3A_67 = arith.constant 32 : i32
      %add3A_68 = arith.addi %arg1, %add3A_67 : i32
      %lt3A_69 = arith.constant 79 : i32
      %lt3A_70 = arith.cmpi slt, %add3A_68, %lt3A_69 : i32
      %convert_element_type3A_71 = arith.extui %lt3A_70 : i1 to i32
      %cond3A_72 = arith.constant 0 : i32
      %cond3A_73 = arith.cmpi ne, %convert_element_type3A_71, %cond3A_72 : i32
      scf.if %cond3A_73 {
        %mul3A_148 = arith.constant 128 : i32
        %mul3A_149 = arith.muli %add3A_68, %mul3A_148 : i32
        %mul3A_150 = arith.constant 128 : i32
        %mul3A_151 = arith.muli %add3A_68, %mul3A_150 : i32
        "tpu.region"() ({
          %run_scoped3A = tpu.sem_alloc : memref<!tpu.dma_semaphore, #tpu.memory_space<semaphore_mem>>
          %dma_start3A = arith.constant 0 : i32
          %dma_start3A_152 = tpu.memref_slice %arg17[%mul3A_151, %dma_start3A] : memref<10112x64xf32, #tpu.memory_space<hbm>> -> memref<128x64xf32, #tpu.memory_space<hbm>>
          %dma_start3A_153 = arith.constant 0 : i32
          %dma_start3A_154 = tpu.memref_slice %arg20[%mul3A_149, %dma_start3A_153] : memref<10112x64xf32, #tpu.memory_space<vmem_shared>> -> memref<128x64xf32, #tpu.memory_space<vmem_shared>>
          tpu.enqueue_dma source(%dma_start3A_154 : memref<128x64xf32, #tpu.memory_space<vmem_shared>>) target(%dma_start3A_152 : memref<128x64xf32, #tpu.memory_space<hbm>>) target_semaphore(%run_scoped3A : memref<!tpu.dma_semaphore, #tpu.memory_space<semaphore_mem>>)
          %dma_wait3A = arith.constant 0 : i32
          %dma_wait3A_155 = tpu.memref_slice %arg17[%mul3A_151, %dma_wait3A] : memref<10112x64xf32, #tpu.memory_space<hbm>> -> memref<128x64xf32, #tpu.memory_space<hbm>>
          %dma_wait3A_156 = arith.constant 0 : i32
          %dma_wait3A_157 = tpu.memref_slice %arg20[%mul3A_149, %dma_wait3A_156] : memref<10112x64xf32, #tpu.memory_space<vmem_shared>> -> memref<128x64xf32, #tpu.memory_space<vmem_shared>>
          tpu.wait_dma2 semaphore(%run_scoped3A : memref<!tpu.dma_semaphore, #tpu.memory_space<semaphore_mem>>) src(%dma_wait3A_157 : memref<128x64xf32, #tpu.memory_space<vmem_shared>>) dst(%dma_wait3A_155 : memref<128x64xf32, #tpu.memory_space<hbm>>)
          tpu.yield
        }) : () -> ()
      } else {
      }
      %add3A_74 = arith.constant 48 : i32
      %add3A_75 = arith.addi %arg1, %add3A_74 : i32
      %lt3A_76 = arith.constant 79 : i32
      %lt3A_77 = arith.cmpi slt, %add3A_75, %lt3A_76 : i32
      %convert_element_type3A_78 = arith.extui %lt3A_77 : i1 to i32
      %cond3A_79 = arith.constant 0 : i32
      %cond3A_80 = arith.cmpi ne, %convert_element_type3A_78, %cond3A_79 : i32
      scf.if %cond3A_80 {
        %mul3A_148 = arith.constant 128 : i32
        %mul3A_149 = arith.muli %add3A_75, %mul3A_148 : i32
        %mul3A_150 = arith.constant 128 : i32
        %mul3A_151 = arith.muli %add3A_75, %mul3A_150 : i32
        "tpu.region"() ({
          %run_scoped3A = tpu.sem_alloc : memref<!tpu.dma_semaphore, #tpu.memory_space<semaphore_mem>>
          %dma_start3A = arith.constant 0 : i32
          %dma_start3A_152 = tpu.memref_slice %arg17[%mul3A_151, %dma_start3A] : memref<10112x64xf32, #tpu.memory_space<hbm>> -> memref<128x64xf32, #tpu.memory_space<hbm>>
          %dma_start3A_153 = arith.constant 0 : i32
          %dma_start3A_154 = tpu.memref_slice %arg20[%mul3A_149, %dma_start3A_153] : memref<10112x64xf32, #tpu.memory_space<vmem_shared>> -> memref<128x64xf32, #tpu.memory_space<vmem_shared>>
          tpu.enqueue_dma source(%dma_start3A_154 : memref<128x64xf32, #tpu.memory_space<vmem_shared>>) target(%dma_start3A_152 : memref<128x64xf32, #tpu.memory_space<hbm>>) target_semaphore(%run_scoped3A : memref<!tpu.dma_semaphore, #tpu.memory_space<semaphore_mem>>)
          %dma_wait3A = arith.constant 0 : i32
          %dma_wait3A_155 = tpu.memref_slice %arg17[%mul3A_151, %dma_wait3A] : memref<10112x64xf32, #tpu.memory_space<hbm>> -> memref<128x64xf32, #tpu.memory_space<hbm>>
          %dma_wait3A_156 = arith.constant 0 : i32
          %dma_wait3A_157 = tpu.memref_slice %arg20[%mul3A_149, %dma_wait3A_156] : memref<10112x64xf32, #tpu.memory_space<vmem_shared>> -> memref<128x64xf32, #tpu.memory_space<vmem_shared>>
          tpu.wait_dma2 semaphore(%run_scoped3A : memref<!tpu.dma_semaphore, #tpu.memory_space<semaphore_mem>>) src(%dma_wait3A_157 : memref<128x64xf32, #tpu.memory_space<vmem_shared>>) dst(%dma_wait3A_155 : memref<128x64xf32, #tpu.memory_space<hbm>>)
          tpu.yield
        }) : () -> ()
      } else {
      }
      %add3A_81 = arith.constant 64 : i32
      %add3A_82 = arith.addi %arg1, %add3A_81 : i32
      %lt3A_83 = arith.constant 79 : i32
      %lt3A_84 = arith.cmpi slt, %add3A_82, %lt3A_83 : i32
      %convert_element_type3A_85 = arith.extui %lt3A_84 : i1 to i32
      %cond3A_86 = arith.constant 0 : i32
      %cond3A_87 = arith.cmpi ne, %convert_element_type3A_85, %cond3A_86 : i32
      scf.if %cond3A_87 {
        %mul3A_148 = arith.constant 128 : i32
        %mul3A_149 = arith.muli %add3A_82, %mul3A_148 : i32
        %mul3A_150 = arith.constant 128 : i32
        %mul3A_151 = arith.muli %add3A_82, %mul3A_150 : i32
        "tpu.region"() ({
          %run_scoped3A = tpu.sem_alloc : memref<!tpu.dma_semaphore, #tpu.memory_space<semaphore_mem>>
          %dma_start3A = arith.constant 0 : i32
          %dma_start3A_152 = tpu.memref_slice %arg17[%mul3A_151, %dma_start3A] : memref<10112x64xf32, #tpu.memory_space<hbm>> -> memref<128x64xf32, #tpu.memory_space<hbm>>
          %dma_start3A_153 = arith.constant 0 : i32
          %dma_start3A_154 = tpu.memref_slice %arg20[%mul3A_149, %dma_start3A_153] : memref<10112x64xf32, #tpu.memory_space<vmem_shared>> -> memref<128x64xf32, #tpu.memory_space<vmem_shared>>
          tpu.enqueue_dma source(%dma_start3A_154 : memref<128x64xf32, #tpu.memory_space<vmem_shared>>) target(%dma_start3A_152 : memref<128x64xf32, #tpu.memory_space<hbm>>) target_semaphore(%run_scoped3A : memref<!tpu.dma_semaphore, #tpu.memory_space<semaphore_mem>>)
          %dma_wait3A = arith.constant 0 : i32
          %dma_wait3A_155 = tpu.memref_slice %arg17[%mul3A_151, %dma_wait3A] : memref<10112x64xf32, #tpu.memory_space<hbm>> -> memref<128x64xf32, #tpu.memory_space<hbm>>
          %dma_wait3A_156 = arith.constant 0 : i32
          %dma_wait3A_157 = tpu.memref_slice %arg20[%mul3A_149, %dma_wait3A_156] : memref<10112x64xf32, #tpu.memory_space<vmem_shared>> -> memref<128x64xf32, #tpu.memory_space<vmem_shared>>
          tpu.wait_dma2 semaphore(%run_scoped3A : memref<!tpu.dma_semaphore, #tpu.memory_space<semaphore_mem>>) src(%dma_wait3A_157 : memref<128x64xf32, #tpu.memory_space<vmem_shared>>) dst(%dma_wait3A_155 : memref<128x64xf32, #tpu.memory_space<hbm>>)
          tpu.yield
        }) : () -> ()
      } else {
      }
      %barrier3A_88 = arith.constant 0 : index
      tpu.barrier barrier_id(%barrier3A_88)
      %scan3A_89 = arith.constant 0 : i32
      %scan3A_90 = arith.constant 0 : i32
      %scan3A_91 = arith.constant 128 : i32
      %scan3A_92 = arith.addi %scan3A_90, %scan3A_91 : i32
      %scan3A_93 = arith.constant 1 : i32
      scf.for %scan3A_148 = %scan3A_90 to %scan3A_92 step %scan3A_93  : i32 {
        %broadcast_in_dim3A = arith.constant 0.000000e+00 : f32
        %broadcast_in_dim3A_149 = vector.broadcast %broadcast_in_dim3A : f32 to vector<16xf32>
        %swap3A = arith.index_cast %scan3A_148 : i32 to index
        %swap3A_150 = arith.constant 0 : index
        %swap3A_151 = tpu.vector_load %arg24[%swap3A, %swap3A_150] {strides = array<i32>} : memref<128x64xf32, #tpu.memory_space<vmem>>, vector<16xf32>,
        tpu.vector_store %arg24[%swap3A, %swap3A_150], %broadcast_in_dim3A_149 {strides = array<i32>} : memref<128x64xf32, #tpu.memory_space<vmem>>, vector<16xf32>,
        %broadcast_in_dim3A_152 = arith.constant 0.000000e+00 : f32
        %broadcast_in_dim3A_153 = vector.broadcast %broadcast_in_dim3A_152 : f32 to vector<16xf32>
        %swap3A_154 = arith.index_cast %scan3A_148 : i32 to index
        %swap3A_155 = arith.constant 16 : index
        %swap3A_156 = tpu.vector_load %arg24[%swap3A_154, %swap3A_155] {strides = array<i32>} : memref<128x64xf32, #tpu.memory_space<vmem>>, vector<16xf32>,
        tpu.vector_store %arg24[%swap3A_154, %swap3A_155], %broadcast_in_dim3A_153 {strides = array<i32>} : memref<128x64xf32, #tpu.memory_space<vmem>>, vector<16xf32>,
        %broadcast_in_dim3A_157 = arith.constant 0.000000e+00 : f32
        %broadcast_in_dim3A_158 = vector.broadcast %broadcast_in_dim3A_157 : f32 to vector<16xf32>
        %swap3A_159 = arith.index_cast %scan3A_148 : i32 to index
        %swap3A_160 = arith.constant 32 : index
        %swap3A_161 = tpu.vector_load %arg24[%swap3A_159, %swap3A_160] {strides = array<i32>} : memref<128x64xf32, #tpu.memory_space<vmem>>, vector<16xf32>,
        tpu.vector_store %arg24[%swap3A_159, %swap3A_160], %broadcast_in_dim3A_158 {strides = array<i32>} : memref<128x64xf32, #tpu.memory_space<vmem>>, vector<16xf32>,
        %broadcast_in_dim3A_162 = arith.constant 0.000000e+00 : f32
        %broadcast_in_dim3A_163 = vector.broadcast %broadcast_in_dim3A_162 : f32 to vector<16xf32>
        %swap3A_164 = arith.index_cast %scan3A_148 : i32 to index
        %swap3A_165 = arith.constant 48 : index
        %swap3A_166 = tpu.vector_load %arg24[%swap3A_164, %swap3A_165] {strides = array<i32>} : memref<128x64xf32, #tpu.memory_space<vmem>>, vector<16xf32>,
        tpu.vector_store %arg24[%swap3A_164, %swap3A_165], %broadcast_in_dim3A_163 {strides = array<i32>} : memref<128x64xf32, #tpu.memory_space<vmem>>, vector<16xf32>,
      }
      %scan3A_94 = arith.constant 128 : i32
      %add3A_95 = arith.constant 0 : i32
      %add3A_96 = arith.addi %arg1, %add3A_95 : i32
      %lt3A_97 = arith.constant 40 : i32
      %lt3A_98 = arith.cmpi slt, %add3A_96, %lt3A_97 : i32
      %convert_element_type3A_99 = arith.extui %lt3A_98 : i1 to i32
      %cond3A_100 = arith.constant 0 : i32
      %cond3A_101 = arith.cmpi ne, %convert_element_type3A_99, %cond3A_100 : i32
      scf.if %cond3A_101 {
        %mul3A_148 = arith.constant 128 : i32
        %mul3A_149 = arith.muli %add3A_96, %mul3A_148 : i32
        "tpu.region"() ({
          %run_scoped3A = tpu.sem_alloc : memref<!tpu.dma_semaphore, #tpu.memory_space<semaphore_mem>>
          %dma_start3A = arith.constant 0 : i32
          %dma_start3A_150 = tpu.memref_slice %arg20[%mul3A_149, %dma_start3A] : memref<10112x64xf32, #tpu.memory_space<vmem_shared>> -> memref<128x64xf32, #tpu.memory_space<vmem_shared>>
          %dma_start3A_151 = arith.constant 0 : i32
          %dma_start3A_152 = tpu.memref_slice %arg20[%mul3A_149, %dma_start3A_151] : memref<10112x64xf32, #tpu.memory_space<vmem_shared>> -> memref<128x64xf32, #tpu.memory_space<vmem_shared>>
          tpu.enqueue_dma source(%arg24 : memref<128x64xf32, #tpu.memory_space<vmem>>) target(%dma_start3A_152 : memref<128x64xf32, #tpu.memory_space<vmem_shared>>) target_semaphore(%run_scoped3A : memref<!tpu.dma_semaphore, #tpu.memory_space<semaphore_mem>>)
          %dma_wait3A = arith.constant 0 : i32
          %dma_wait3A_153 = tpu.memref_slice %arg20[%mul3A_149, %dma_wait3A] : memref<10112x64xf32, #tpu.memory_space<vmem_shared>> -> memref<128x64xf32, #tpu.memory_space<vmem_shared>>
          %dma_wait3A_154 = arith.constant 0 : i32
          %dma_wait3A_155 = tpu.memref_slice %arg20[%mul3A_149, %dma_wait3A_154] : memref<10112x64xf32, #tpu.memory_space<vmem_shared>> -> memref<128x64xf32, #tpu.memory_space<vmem_shared>>
          tpu.wait_dma2 semaphore(%run_scoped3A : memref<!tpu.dma_semaphore, #tpu.memory_space<semaphore_mem>>) src(%arg24 : memref<128x64xf32, #tpu.memory_space<vmem>>) dst(%dma_wait3A_155 : memref<128x64xf32, #tpu.memory_space<vmem_shared>>)
          tpu.yield
        }) : () -> ()
      } else {
      }
      %add3A_102 = arith.constant 16 : i32
      %add3A_103 = arith.addi %arg1, %add3A_102 : i32
      %lt3A_104 = arith.constant 40 : i32
      %lt3A_105 = arith.cmpi slt, %add3A_103, %lt3A_104 : i32
      %convert_element_type3A_106 = arith.extui %lt3A_105 : i1 to i32
      %cond3A_107 = arith.constant 0 : i32
      %cond3A_108 = arith.cmpi ne, %convert_element_type3A_106, %cond3A_107 : i32
      scf.if %cond3A_108 {
        %mul3A_148 = arith.constant 128 : i32
        %mul3A_149 = arith.muli %add3A_103, %mul3A_148 : i32
        "tpu.region"() ({
          %run_scoped3A = tpu.sem_alloc : memref<!tpu.dma_semaphore, #tpu.memory_space<semaphore_mem>>
          %dma_start3A = arith.constant 0 : i32
          %dma_start3A_150 = tpu.memref_slice %arg20[%mul3A_149, %dma_start3A] : memref<10112x64xf32, #tpu.memory_space<vmem_shared>> -> memref<128x64xf32, #tpu.memory_space<vmem_shared>>
          %dma_start3A_151 = arith.constant 0 : i32
          %dma_start3A_152 = tpu.memref_slice %arg20[%mul3A_149, %dma_start3A_151] : memref<10112x64xf32, #tpu.memory_space<vmem_shared>> -> memref<128x64xf32, #tpu.memory_space<vmem_shared>>
          tpu.enqueue_dma source(%arg24 : memref<128x64xf32, #tpu.memory_space<vmem>>) target(%dma_start3A_152 : memref<128x64xf32, #tpu.memory_space<vmem_shared>>) target_semaphore(%run_scoped3A : memref<!tpu.dma_semaphore, #tpu.memory_space<semaphore_mem>>)
          %dma_wait3A = arith.constant 0 : i32
          %dma_wait3A_153 = tpu.memref_slice %arg20[%mul3A_149, %dma_wait3A] : memref<10112x64xf32, #tpu.memory_space<vmem_shared>> -> memref<128x64xf32, #tpu.memory_space<vmem_shared>>
          %dma_wait3A_154 = arith.constant 0 : i32
          %dma_wait3A_155 = tpu.memref_slice %arg20[%mul3A_149, %dma_wait3A_154] : memref<10112x64xf32, #tpu.memory_space<vmem_shared>> -> memref<128x64xf32, #tpu.memory_space<vmem_shared>>
          tpu.wait_dma2 semaphore(%run_scoped3A : memref<!tpu.dma_semaphore, #tpu.memory_space<semaphore_mem>>) src(%arg24 : memref<128x64xf32, #tpu.memory_space<vmem>>) dst(%dma_wait3A_155 : memref<128x64xf32, #tpu.memory_space<vmem_shared>>)
          tpu.yield
        }) : () -> ()
      } else {
      }
      %add3A_109 = arith.constant 32 : i32
      %add3A_110 = arith.addi %arg1, %add3A_109 : i32
      %lt3A_111 = arith.constant 40 : i32
      %lt3A_112 = arith.cmpi slt, %add3A_110, %lt3A_111 : i32
      %convert_element_type3A_113 = arith.extui %lt3A_112 : i1 to i32
      %cond3A_114 = arith.constant 0 : i32
      %cond3A_115 = arith.cmpi ne, %convert_element_type3A_113, %cond3A_114 : i32
      scf.if %cond3A_115 {
        %mul3A_148 = arith.constant 128 : i32
        %mul3A_149 = arith.muli %add3A_110, %mul3A_148 : i32
        "tpu.region"() ({
          %run_scoped3A = tpu.sem_alloc : memref<!tpu.dma_semaphore, #tpu.memory_space<semaphore_mem>>
          %dma_start3A = arith.constant 0 : i32
          %dma_start3A_150 = tpu.memref_slice %arg20[%mul3A_149, %dma_start3A] : memref<10112x64xf32, #tpu.memory_space<vmem_shared>> -> memref<128x64xf32, #tpu.memory_space<vmem_shared>>
          %dma_start3A_151 = arith.constant 0 : i32
          %dma_start3A_152 = tpu.memref_slice %arg20[%mul3A_149, %dma_start3A_151] : memref<10112x64xf32, #tpu.memory_space<vmem_shared>> -> memref<128x64xf32, #tpu.memory_space<vmem_shared>>
          tpu.enqueue_dma source(%arg24 : memref<128x64xf32, #tpu.memory_space<vmem>>) target(%dma_start3A_152 : memref<128x64xf32, #tpu.memory_space<vmem_shared>>) target_semaphore(%run_scoped3A : memref<!tpu.dma_semaphore, #tpu.memory_space<semaphore_mem>>)
          %dma_wait3A = arith.constant 0 : i32
          %dma_wait3A_153 = tpu.memref_slice %arg20[%mul3A_149, %dma_wait3A] : memref<10112x64xf32, #tpu.memory_space<vmem_shared>> -> memref<128x64xf32, #tpu.memory_space<vmem_shared>>
          %dma_wait3A_154 = arith.constant 0 : i32
          %dma_wait3A_155 = tpu.memref_slice %arg20[%mul3A_149, %dma_wait3A_154] : memref<10112x64xf32, #tpu.memory_space<vmem_shared>> -> memref<128x64xf32, #tpu.memory_space<vmem_shared>>
          tpu.wait_dma2 semaphore(%run_scoped3A : memref<!tpu.dma_semaphore, #tpu.memory_space<semaphore_mem>>) src(%arg24 : memref<128x64xf32, #tpu.memory_space<vmem>>) dst(%dma_wait3A_155 : memref<128x64xf32, #tpu.memory_space<vmem_shared>>)
          tpu.yield
        }) : () -> ()
      } else {
      }
      %barrier3A_116 = arith.constant 0 : index
      tpu.barrier barrier_id(%barrier3A_116)
      %mul3A_117 = arith.constant 20096 : i32
      %mul3A_118 = arith.muli %arg1, %mul3A_117 : i32
      %scan3A_119 = arith.constant 0 : i32
      %scan3A_120 = arith.constant 0 : i32
      %scan3A_121 = arith.constant 157 : i32
      %scan3A_122 = arith.addi %scan3A_120, %scan3A_121 : i32
      %scan3A_123 = arith.constant 1 : i32
      scf.for %scan3A_148 = %scan3A_120 to %scan3A_122 step %scan3A_123  : i32 {
        %mul3A_149 = arith.constant 128 : i32
        %mul3A_150 = arith.muli %scan3A_148, %mul3A_149 : i32
        %add3A_151 = arith.addi %mul3A_118, %mul3A_150 : i32
        "tpu.region"() ({
          %run_scoped3A = tpu.sem_alloc : memref<!tpu.dma_semaphore, #tpu.memory_space<semaphore_mem>>
          %dma_start3A_162 = tpu.memref_slice %arg10[%add3A_151] : memref<321536xi32, #tpu.memory_space<hbm>> -> memref<128xi32, #tpu.memory_space<hbm>>
          %dma_start3A_163 = tpu.memref_slice %arg10[%add3A_151] : memref<321536xi32, #tpu.memory_space<hbm>> -> memref<128xi32, #tpu.memory_space<hbm>>
          tpu.enqueue_dma source(%dma_start3A_163 : memref<128xi32, #tpu.memory_space<hbm>>) target(%arg21 : memref<128xi32, #tpu.memory_space<vmem>>) target_semaphore(%run_scoped3A : memref<!tpu.dma_semaphore, #tpu.memory_space<semaphore_mem>>)
          %dma_wait3A_164 = tpu.memref_slice %arg10[%add3A_151] : memref<321536xi32, #tpu.memory_space<hbm>> -> memref<128xi32, #tpu.memory_space<hbm>>
          %dma_wait3A_165 = tpu.memref_slice %arg10[%add3A_151] : memref<321536xi32, #tpu.memory_space<hbm>> -> memref<128xi32, #tpu.memory_space<hbm>>
          tpu.wait_dma2 semaphore(%run_scoped3A : memref<!tpu.dma_semaphore, #tpu.memory_space<semaphore_mem>>) src(%dma_wait3A_165 : memref<128xi32, #tpu.memory_space<hbm>>) dst(%arg21 : memref<128xi32, #tpu.memory_space<vmem>>)
          tpu.yield
        }) : () -> ()
        "tpu.region"() ({
          %run_scoped3A = tpu.sem_alloc : memref<!tpu.dma_semaphore, #tpu.memory_space<semaphore_mem>>
          %dma_start3A_162 = tpu.memref_slice %arg11[%add3A_151] : memref<321536xi32, #tpu.memory_space<hbm>> -> memref<128xi32, #tpu.memory_space<hbm>>
          %dma_start3A_163 = tpu.memref_slice %arg11[%add3A_151] : memref<321536xi32, #tpu.memory_space<hbm>> -> memref<128xi32, #tpu.memory_space<hbm>>
          tpu.enqueue_dma source(%dma_start3A_163 : memref<128xi32, #tpu.memory_space<hbm>>) target(%arg22 : memref<128xi32, #tpu.memory_space<vmem>>) target_semaphore(%run_scoped3A : memref<!tpu.dma_semaphore, #tpu.memory_space<semaphore_mem>>)
          %dma_wait3A_164 = tpu.memref_slice %arg11[%add3A_151] : memref<321536xi32, #tpu.memory_space<hbm>> -> memref<128xi32, #tpu.memory_space<hbm>>
          %dma_wait3A_165 = tpu.memref_slice %arg11[%add3A_151] : memref<321536xi32, #tpu.memory_space<hbm>> -> memref<128xi32, #tpu.memory_space<hbm>>
          tpu.wait_dma2 semaphore(%run_scoped3A : memref<!tpu.dma_semaphore, #tpu.memory_space<semaphore_mem>>) src(%dma_wait3A_165 : memref<128xi32, #tpu.memory_space<hbm>>) dst(%arg22 : memref<128xi32, #tpu.memory_space<vmem>>)
          tpu.yield
        }) : () -> ()
        "tpu.region"() ({
          %run_scoped3A = tpu.sem_alloc : memref<!tpu.dma_semaphore, #tpu.memory_space<semaphore_mem>>
          %dma_start3A_162 = tpu.memref_slice %arg12[%add3A_151] : memref<321536xf32, #tpu.memory_space<hbm>> -> memref<128xf32, #tpu.memory_space<hbm>>
          %dma_start3A_163 = tpu.memref_slice %arg12[%add3A_151] : memref<321536xf32, #tpu.memory_space<hbm>> -> memref<128xf32, #tpu.memory_space<hbm>>
          tpu.enqueue_dma source(%dma_start3A_163 : memref<128xf32, #tpu.memory_space<hbm>>) target(%arg23 : memref<128xf32, #tpu.memory_space<vmem>>) target_semaphore(%run_scoped3A : memref<!tpu.dma_semaphore, #tpu.memory_space<semaphore_mem>>)
          %dma_wait3A_164 = tpu.memref_slice %arg12[%add3A_151] : memref<321536xf32, #tpu.memory_space<hbm>> -> memref<128xf32, #tpu.memory_space<hbm>>
          %dma_wait3A_165 = tpu.memref_slice %arg12[%add3A_151] : memref<321536xf32, #tpu.memory_space<hbm>> -> memref<128xf32, #tpu.memory_space<hbm>>
          tpu.wait_dma2 semaphore(%run_scoped3A : memref<!tpu.dma_semaphore, #tpu.memory_space<semaphore_mem>>) src(%dma_wait3A_165 : memref<128xf32, #tpu.memory_space<hbm>>) dst(%arg23 : memref<128xf32, #tpu.memory_space<vmem>>)
          tpu.yield
        }) : () -> ()
        %dma_start3A = arith.constant 0 : i32
        %dma_start3A_152 = arith.constant 0 : i32
        %dma_start3A_153 = tpu.memref_slice %arg2[%dma_start3A, %dma_start3A_152] : memref<10112x64xf32, #tpu.memory_space<hbm>> -> memref<10112x64xf32, #tpu.memory_space<hbm>>
        tpu.enqueue_indirect_dma source(%dma_start3A_153 : memref<10112x64xf32, #tpu.memory_space<hbm>>) target(%arg24 : memref<128x64xf32, #tpu.memory_space<vmem>>) offsets(%arg22 : memref<128xi32, #tpu.memory_space<vmem>>) semaphore(%arg25 : memref<!tpu.dma_semaphore, #tpu.memory_space<semaphore_mem>>)
        %dma_wait3A = arith.constant 0 : i32
        %dma_wait3A_154 = arith.constant 0 : i32
        %dma_wait3A_155 = tpu.memref_slice %arg2[%dma_wait3A, %dma_wait3A_154] : memref<10112x64xf32, #tpu.memory_space<hbm>> -> memref<10112x64xf32, #tpu.memory_space<hbm>>
        tpu.wait_indirect_dma semaphore(%arg25 : memref<!tpu.dma_semaphore, #tpu.memory_space<semaphore_mem>>) src(%dma_wait3A_155 : memref<10112x64xf32, #tpu.memory_space<hbm>>) dst(%arg24 : memref<128x64xf32, #tpu.memory_space<vmem>>)
        %scan3A_156 = arith.constant 0 : i32
        %scan3A_157 = arith.constant 0 : i32
        %scan3A_158 = arith.constant 128 : i32
        %scan3A_159 = arith.addi %scan3A_157, %scan3A_158 : i32
        %scan3A_160 = arith.constant 1 : i32
        scf.for %scan3A_162 = %scan3A_157 to %scan3A_159 step %scan3A_160  : i32 {
          %broadcast_in_dim3A = vector.broadcast %scan3A_162 : i32 to vector<16xi32>
          %gather3A = tpu.vector_load_idx %arg23[%broadcast_in_dim3A] : memref<128xf32, #tpu.memory_space<vmem>>[vector<16xi32>], vector<16xf32>,
          %get3A = arith.index_cast %scan3A_162 : i32 to index
          %get3A_163 = arith.constant 0 : index
          %get3A_164 = tpu.vector_load %arg24[%get3A, %get3A_163] {strides = array<i32>} : memref<128x64xf32, #tpu.memory_space<vmem>>, vector<16xf32>,
          %mul3A_165 = arith.mulf %get3A_164, %gather3A : vector<16xf32>
          %swap3A = arith.index_cast %scan3A_162 : i32 to index
          %swap3A_166 = arith.constant 0 : index
          %swap3A_167 = tpu.vector_load %arg24[%swap3A, %swap3A_166] {strides = array<i32>} : memref<128x64xf32, #tpu.memory_space<vmem>>, vector<16xf32>,
          tpu.vector_store %arg24[%swap3A, %swap3A_166], %mul3A_165 {strides = array<i32>} : memref<128x64xf32, #tpu.memory_space<vmem>>, vector<16xf32>,
          %get3A_168 = arith.index_cast %scan3A_162 : i32 to index
          %get3A_169 = arith.constant 16 : index
          %get3A_170 = tpu.vector_load %arg24[%get3A_168, %get3A_169] {strides = array<i32>} : memref<128x64xf32, #tpu.memory_space<vmem>>, vector<16xf32>,
          %mul3A_171 = arith.mulf %get3A_170, %gather3A : vector<16xf32>
          %swap3A_172 = arith.index_cast %scan3A_162 : i32 to index
          %swap3A_173 = arith.constant 16 : index
          %swap3A_174 = tpu.vector_load %arg24[%swap3A_172, %swap3A_173] {strides = array<i32>} : memref<128x64xf32, #tpu.memory_space<vmem>>, vector<16xf32>,
          tpu.vector_store %arg24[%swap3A_172, %swap3A_173], %mul3A_171 {strides = array<i32>} : memref<128x64xf32, #tpu.memory_space<vmem>>, vector<16xf32>,
          %get3A_175 = arith.index_cast %scan3A_162 : i32 to index
          %get3A_176 = arith.constant 32 : index
          %get3A_177 = tpu.vector_load %arg24[%get3A_175, %get3A_176] {strides = array<i32>} : memref<128x64xf32, #tpu.memory_space<vmem>>, vector<16xf32>,
          %mul3A_178 = arith.mulf %get3A_177, %gather3A : vector<16xf32>
          %swap3A_179 = arith.index_cast %scan3A_162 : i32 to index
          %swap3A_180 = arith.constant 32 : index
          %swap3A_181 = tpu.vector_load %arg24[%swap3A_179, %swap3A_180] {strides = array<i32>} : memref<128x64xf32, #tpu.memory_space<vmem>>, vector<16xf32>,
          tpu.vector_store %arg24[%swap3A_179, %swap3A_180], %mul3A_178 {strides = array<i32>} : memref<128x64xf32, #tpu.memory_space<vmem>>, vector<16xf32>,
          %get3A_182 = arith.index_cast %scan3A_162 : i32 to index
          %get3A_183 = arith.constant 48 : index
          %get3A_184 = tpu.vector_load %arg24[%get3A_182, %get3A_183] {strides = array<i32>} : memref<128x64xf32, #tpu.memory_space<vmem>>, vector<16xf32>,
          %mul3A_185 = arith.mulf %get3A_184, %gather3A : vector<16xf32>
          %swap3A_186 = arith.index_cast %scan3A_162 : i32 to index
          %swap3A_187 = arith.constant 48 : index
          %swap3A_188 = tpu.vector_load %arg24[%swap3A_186, %swap3A_187] {strides = array<i32>} : memref<128x64xf32, #tpu.memory_space<vmem>>, vector<16xf32>,
          tpu.vector_store %arg24[%swap3A_186, %swap3A_187], %mul3A_185 {strides = array<i32>} : memref<128x64xf32, #tpu.memory_space<vmem>>, vector<16xf32>,
        }
        %scan3A_161 = arith.constant 128 : i32
        "tpu.region"() ({
          %run_scoped3A = tpu.sem_alloc : memref<!tpu.dma_semaphore, #tpu.memory_space<semaphore_mem>>
          %dma_start3A_162 = arith.constant 0 : i32
          %dma_start3A_163 = arith.constant 0 : i32
          %dma_start3A_164 = tpu.memref_slice %arg20[%dma_start3A_162, %dma_start3A_163] : memref<10112x64xf32, #tpu.memory_space<vmem_shared>> -> memref<10112x64xf32, #tpu.memory_space<vmem_shared>>
          tpu.enqueue_indirect_dma source(%arg24 : memref<128x64xf32, #tpu.memory_space<vmem>>) target(%dma_start3A_164 : memref<10112x64xf32, #tpu.memory_space<vmem_shared>>) offsets(%arg21 : memref<128xi32, #tpu.memory_space<vmem>>) semaphore(%run_scoped3A : memref<!tpu.dma_semaphore, #tpu.memory_space<semaphore_mem>>) {add = true}
          %dma_wait3A_165 = arith.constant 0 : i32
          %dma_wait3A_166 = arith.constant 0 : i32
          %dma_wait3A_167 = tpu.memref_slice %arg20[%dma_wait3A_165, %dma_wait3A_166] : memref<10112x64xf32, #tpu.memory_space<vmem_shared>> -> memref<10112x64xf32, #tpu.memory_space<vmem_shared>>
          tpu.wait_indirect_dma semaphore(%run_scoped3A : memref<!tpu.dma_semaphore, #tpu.memory_space<semaphore_mem>>) src(%arg24 : memref<128x64xf32, #tpu.memory_space<vmem>>) dst(%dma_wait3A_167 : memref<10112x64xf32, #tpu.memory_space<vmem_shared>>)
          tpu.yield
        }) : () -> ()
      }
      %scan3A_124 = arith.constant 157 : i32
      %barrier3A_125 = arith.constant 0 : index
      tpu.barrier barrier_id(%barrier3A_125)
      %add3A_126 = arith.constant 0 : i32
      %add3A_127 = arith.addi %arg1, %add3A_126 : i32
      %lt3A_128 = arith.constant 40 : i32
      %lt3A_129 = arith.cmpi slt, %add3A_127, %lt3A_128 : i32
      %convert_element_type3A_130 = arith.extui %lt3A_129 : i1 to i32
      %cond3A_131 = arith.constant 0 : i32
      %cond3A_132 = arith.cmpi ne, %convert_element_type3A_130, %cond3A_131 : i32
      scf.if %cond3A_132 {
        %mul3A_148 = arith.constant 128 : i32
        %mul3A_149 = arith.muli %add3A_127, %mul3A_148 : i32
        %mul3A_150 = arith.constant 128 : i32
        %mul3A_151 = arith.muli %add3A_127, %mul3A_150 : i32
        "tpu.region"() ({
          %run_scoped3A = tpu.sem_alloc : memref<!tpu.dma_semaphore, #tpu.memory_space<semaphore_mem>>
          %dma_start3A = arith.constant 0 : i32
          %dma_start3A_152 = tpu.memref_slice %arg18[%mul3A_151, %dma_start3A] : memref<5120x64xf32, #tpu.memory_space<hbm>> -> memref<128x64xf32, #tpu.memory_space<hbm>>
          %dma_start3A_153 = arith.constant 0 : i32
          %dma_start3A_154 = tpu.memref_slice %arg20[%mul3A_149, %dma_start3A_153] : memref<10112x64xf32, #tpu.memory_space<vmem_shared>> -> memref<128x64xf32, #tpu.memory_space<vmem_shared>>
          tpu.enqueue_dma source(%dma_start3A_154 : memref<128x64xf32, #tpu.memory_space<vmem_shared>>) target(%dma_start3A_152 : memref<128x64xf32, #tpu.memory_space<hbm>>) target_semaphore(%run_scoped3A : memref<!tpu.dma_semaphore, #tpu.memory_space<semaphore_mem>>)
          %dma_wait3A = arith.constant 0 : i32
          %dma_wait3A_155 = tpu.memref_slice %arg18[%mul3A_151, %dma_wait3A] : memref<5120x64xf32, #tpu.memory_space<hbm>> -> memref<128x64xf32, #tpu.memory_space<hbm>>
          %dma_wait3A_156 = arith.constant 0 : i32
          %dma_wait3A_157 = tpu.memref_slice %arg20[%mul3A_149, %dma_wait3A_156] : memref<10112x64xf32, #tpu.memory_space<vmem_shared>> -> memref<128x64xf32, #tpu.memory_space<vmem_shared>>
          tpu.wait_dma2 semaphore(%run_scoped3A : memref<!tpu.dma_semaphore, #tpu.memory_space<semaphore_mem>>) src(%dma_wait3A_157 : memref<128x64xf32, #tpu.memory_space<vmem_shared>>) dst(%dma_wait3A_155 : memref<128x64xf32, #tpu.memory_space<hbm>>)
          tpu.yield
        }) : () -> ()
      } else {
      }
      %add3A_133 = arith.constant 16 : i32
      %add3A_134 = arith.addi %arg1, %add3A_133 : i32
      %lt3A_135 = arith.constant 40 : i32
      %lt3A_136 = arith.cmpi slt, %add3A_134, %lt3A_135 : i32
      %convert_element_type3A_137 = arith.extui %lt3A_136 : i1 to i32
      %cond3A_138 = arith.constant 0 : i32
      %cond3A_139 = arith.cmpi ne, %convert_element_type3A_137, %cond3A_138 : i32
      scf.if %cond3A_139 {
        %mul3A_148 = arith.constant 128 : i32
        %mul3A_149 = arith.muli %add3A_134, %mul3A_148 : i32
        %mul3A_150 = arith.constant 128 : i32
        %mul3A_151 = arith.muli %add3A_134, %mul3A_150 : i32
        "tpu.region"() ({
          %run_scoped3A = tpu.sem_alloc : memref<!tpu.dma_semaphore, #tpu.memory_space<semaphore_mem>>
          %dma_start3A = arith.constant 0 : i32
          %dma_start3A_152 = tpu.memref_slice %arg18[%mul3A_151, %dma_start3A] : memref<5120x64xf32, #tpu.memory_space<hbm>> -> memref<128x64xf32, #tpu.memory_space<hbm>>
          %dma_start3A_153 = arith.constant 0 : i32
          %dma_start3A_154 = tpu.memref_slice %arg20[%mul3A_149, %dma_start3A_153] : memref<10112x64xf32, #tpu.memory_space<vmem_shared>> -> memref<128x64xf32, #tpu.memory_space<vmem_shared>>
          tpu.enqueue_dma source(%dma_start3A_154 : memref<128x64xf32, #tpu.memory_space<vmem_shared>>) target(%dma_start3A_152 : memref<128x64xf32, #tpu.memory_space<hbm>>) target_semaphore(%run_scoped3A : memref<!tpu.dma_semaphore, #tpu.memory_space<semaphore_mem>>)
          %dma_wait3A = arith.constant 0 : i32
          %dma_wait3A_155 = tpu.memref_slice %arg18[%mul3A_151, %dma_wait3A] : memref<5120x64xf32, #tpu.memory_space<hbm>> -> memref<128x64xf32, #tpu.memory_space<hbm>>
          %dma_wait3A_156 = arith.constant 0 : i32
          %dma_wait3A_157 = tpu.memref_slice %arg20[%mul3A_149, %dma_wait3A_156] : memref<10112x64xf32, #tpu.memory_space<vmem_shared>> -> memref<128x64xf32, #tpu.memory_space<vmem_shared>>
          tpu.wait_dma2 semaphore(%run_scoped3A : memref<!tpu.dma_semaphore, #tpu.memory_space<semaphore_mem>>) src(%dma_wait3A_157 : memref<128x64xf32, #tpu.memory_space<vmem_shared>>) dst(%dma_wait3A_155 : memref<128x64xf32, #tpu.memory_space<hbm>>)
          tpu.yield
        }) : () -> ()
      } else {
      }
      %add3A_140 = arith.constant 32 : i32
      %add3A_141 = arith.addi %arg1, %add3A_140 : i32
      %lt3A_142 = arith.constant 40 : i32
      %lt3A_143 = arith.cmpi slt, %add3A_141, %lt3A_142 : i32
      %convert_element_type3A_144 = arith.extui %lt3A_143 : i1 to i32
      %cond3A_145 = arith.constant 0 : i32
      %cond3A_146 = arith.cmpi ne, %convert_element_type3A_144, %cond3A_145 : i32
      scf.if %cond3A_146 {
        %mul3A_148 = arith.constant 128 : i32
        %mul3A_149 = arith.muli %add3A_141, %mul3A_148 : i32
        %mul3A_150 = arith.constant 128 : i32
        %mul3A_151 = arith.muli %add3A_141, %mul3A_150 : i32
        "tpu.region"() ({
          %run_scoped3A = tpu.sem_alloc : memref<!tpu.dma_semaphore, #tpu.memory_space<semaphore_mem>>
          %dma_start3A = arith.constant 0 : i32
          %dma_start3A_152 = tpu.memref_slice %arg18[%mul3A_151, %dma_start3A] : memref<5120x64xf32, #tpu.memory_space<hbm>> -> memref<128x64xf32, #tpu.memory_space<hbm>>
          %dma_start3A_153 = arith.constant 0 : i32
          %dma_start3A_154 = tpu.memref_slice %arg20[%mul3A_149, %dma_start3A_153] : memref<10112x64xf32, #tpu.memory_space<vmem_shared>> -> memref<128x64xf32, #tpu.memory_space<vmem_shared>>
          tpu.enqueue_dma source(%dma_start3A_154 : memref<128x64xf32, #tpu.memory_space<vmem_shared>>) target(%dma_start3A_152 : memref<128x64xf32, #tpu.memory_space<hbm>>) target_semaphore(%run_scoped3A : memref<!tpu.dma_semaphore, #tpu.memory_space<semaphore_mem>>)
          %dma_wait3A = arith.constant 0 : i32
          %dma_wait3A_155 = tpu.memref_slice %arg18[%mul3A_151, %dma_wait3A] : memref<5120x64xf32, #tpu.memory_space<hbm>> -> memref<128x64xf32, #tpu.memory_space<hbm>>
          %dma_wait3A_156 = arith.constant 0 : i32
          %dma_wait3A_157 = tpu.memref_slice %arg20[%mul3A_149, %dma_wait3A_156] : memref<10112x64xf32, #tpu.memory_space<vmem_shared>> -> memref<128x64xf32, #tpu.memory_space<vmem_shared>>
          tpu.wait_dma2 semaphore(%run_scoped3A : memref<!tpu.dma_semaphore, #tpu.memory_space<semaphore_mem>>) src(%dma_wait3A_157 : memref<128x64xf32, #tpu.memory_space<vmem_shared>>) dst(%dma_wait3A_155 : memref<128x64xf32, #tpu.memory_space<hbm>>)
          tpu.yield
        }) : () -> ()
      } else {
      }
      %barrier3A_147 = arith.constant 0 : index
      tpu.barrier barrier_id(%barrier3A_147)
    } else {
    }
    return
  }
}

module attributes {stable_mosaic.version = 14 : i64} {
  func.func @_mm2_body(%arg0: memref<10000x128xf32, #tpu.memory_space<vmem>>, %arg1: memref<5000x128xf32, #tpu.memory_space<vmem>>, %arg2: memref<128x128xf32, #tpu.memory_space<vmem>>, %arg3: memref<10000x128xf32, #tpu.memory_space<vmem>>, %arg4: memref<5000x128xf32, #tpu.memory_space<vmem>>) attributes {dimension_semantics = [], scalar_prefetch = 0 : i64, scratch_operands = 0 : i64, tpu.core_type = #tpu.core_type<tc>} {
    %get3A = arith.constant 0 : index
    %get3A_0 = arith.constant 0 : index
    %get3A_1 = vector.load %arg0[%get3A, %get3A_0] : memref<10000x128xf32, #tpu.memory_space<vmem>>, vector<10000x128xf32>
    %get3A_2 = arith.constant 0 : index
    %get3A_3 = arith.constant 0 : index
    %get3A_4 = vector.load %arg2[%get3A_2, %get3A_3] : memref<128x128xf32, #tpu.memory_space<vmem>>, vector<128x128xf32>
    %dot_general3A = arith.constant dense<0.000000e+00> : vector<10000x128xf32>
    %dot_general3A_5 = tpu.matmul %get3A_1, %get3A_4, %dot_general3A {dimension_numbers = #tpu.dot_dimension_numbers<[1], [0], [0], [1], [0, 0, 1, 1], [], []>, transpose_lhs_hint = false} : vector<10000x128xf32>, vector<128x128xf32>, vector<10000x128xf32> -> vector<10000x128xf32>
    %swap3A = arith.constant 0 : index
    %swap3A_6 = arith.constant 0 : index
    %swap3A_7 = vector.load %arg3[%swap3A, %swap3A_6] : memref<10000x128xf32, #tpu.memory_space<vmem>>, vector<10000x128xf32>
    tpu.vector_store %arg3[%swap3A, %swap3A_6], %dot_general3A_5 {strides = array<i32>} : memref<10000x128xf32, #tpu.memory_space<vmem>>, vector<10000x128xf32>,
    %get3A_8 = arith.constant 0 : index
    %get3A_9 = arith.constant 0 : index
    %get3A_10 = vector.load %arg1[%get3A_8, %get3A_9] : memref<5000x128xf32, #tpu.memory_space<vmem>>, vector<5000x128xf32>
    %get3A_11 = arith.constant 0 : index
    %get3A_12 = arith.constant 0 : index
    %get3A_13 = vector.load %arg2[%get3A_11, %get3A_12] : memref<128x128xf32, #tpu.memory_space<vmem>>, vector<128x128xf32>
    %dot_general3A_14 = arith.constant dense<0.000000e+00> : vector<5000x128xf32>
    %dot_general3A_15 = tpu.matmul %get3A_10, %get3A_13, %dot_general3A_14 {dimension_numbers = #tpu.dot_dimension_numbers<[1], [0], [0], [1], [0, 0, 1, 1], [], []>, transpose_lhs_hint = false} : vector<5000x128xf32>, vector<128x128xf32>, vector<5000x128xf32> -> vector<5000x128xf32>
    %swap3A_16 = arith.constant 0 : index
    %swap3A_17 = arith.constant 0 : index
    %swap3A_18 = vector.load %arg4[%swap3A_16, %swap3A_17] : memref<5000x128xf32, #tpu.memory_space<vmem>>, vector<5000x128xf32>
    tpu.vector_store %arg4[%swap3A_16, %swap3A_17], %dot_general3A_15 {strides = array<i32>} : memref<5000x128xf32, #tpu.memory_space<vmem>>, vector<5000x128xf32>,
    return
  }
}

module attributes {stable_mosaic.version = 14 : i64} {
  func.func @_mid_body(%arg0: memref<10112x128xf32, #tpu.memory_space<vmem>>, %arg1: memref<10112x128xf32, #tpu.memory_space<vmem>>, %arg2: memref<5120x128xf32, #tpu.memory_space<vmem>>, %arg3: memref<5120x128xf32, #tpu.memory_space<vmem>>, %arg4: memref<128x64xf32, #tpu.memory_space<vmem>>, %arg5: memref<10112x64xf32, #tpu.memory_space<vmem>>, %arg6: memref<5120x64xf32, #tpu.memory_space<vmem>>) attributes {dimension_semantics = [], scalar_prefetch = 0 : i64, scratch_operands = 0 : i64, tpu.core_type = #tpu.core_type<tc>} {
    %get3A = arith.constant 0 : index
    %get3A_0 = arith.constant 0 : index
    %get3A_1 = vector.load %arg0[%get3A, %get3A_0] : memref<10112x128xf32, #tpu.memory_space<vmem>>, vector<10112x128xf32>
    %mul3A = arith.constant 2.000000e-01 : f32
    %mul3A_2 = vector.broadcast %mul3A : f32 to vector<10112x128xf32>
    %mul3A_3 = arith.mulf %mul3A_2, %get3A_1 : vector<10112x128xf32>
    %max3A = arith.maximumf %get3A_1, %mul3A_3 : vector<10112x128xf32>
    %get3A_4 = arith.constant 0 : index
    %get3A_5 = arith.constant 0 : index
    %get3A_6 = vector.load %arg1[%get3A_4, %get3A_5] : memref<10112x128xf32, #tpu.memory_space<vmem>>, vector<10112x128xf32>
    %mul3A_7 = arith.constant 2.000000e-01 : f32
    %mul3A_8 = vector.broadcast %mul3A_7 : f32 to vector<10112x128xf32>
    %mul3A_9 = arith.mulf %mul3A_8, %get3A_6 : vector<10112x128xf32>
    %max3A_10 = arith.maximumf %get3A_6, %mul3A_9 : vector<10112x128xf32>
    %add3A = arith.addf %max3A, %max3A_10 : vector<10112x128xf32>
    %get3A_11 = arith.constant 0 : index
    %get3A_12 = arith.constant 0 : index
    %get3A_13 = vector.load %arg4[%get3A_11, %get3A_12] : memref<128x64xf32, #tpu.memory_space<vmem>>, vector<128x64xf32>
    %dot_general3A = arith.constant dense<0.000000e+00> : vector<10112x64xf32>
    %dot_general3A_14 = tpu.matmul %add3A, %get3A_13, %dot_general3A {dimension_numbers = #tpu.dot_dimension_numbers<[1], [0], [0], [1], [0, 0, 1, 1], [], []>, transpose_lhs_hint = false} : vector<10112x128xf32>, vector<128x64xf32>, vector<10112x64xf32> -> vector<10112x64xf32>
    %swap3A = arith.constant 0 : index
    %swap3A_15 = arith.constant 0 : index
    %swap3A_16 = vector.load %arg5[%swap3A, %swap3A_15] : memref<10112x64xf32, #tpu.memory_space<vmem>>, vector<10112x64xf32>
    tpu.vector_store %arg5[%swap3A, %swap3A_15], %dot_general3A_14 {strides = array<i32>} : memref<10112x64xf32, #tpu.memory_space<vmem>>, vector<10112x64xf32>,
    %get3A_17 = arith.constant 0 : index
    %get3A_18 = arith.constant 0 : index
    %get3A_19 = vector.load %arg3[%get3A_17, %get3A_18] : memref<5120x128xf32, #tpu.memory_space<vmem>>, vector<5120x128xf32>
    %mul3A_20 = arith.constant 2.000000e-01 : f32
    %mul3A_21 = vector.broadcast %mul3A_20 : f32 to vector<5120x128xf32>
    %mul3A_22 = arith.mulf %mul3A_21, %get3A_19 : vector<5120x128xf32>
    %max3A_23 = arith.maximumf %get3A_19, %mul3A_22 : vector<5120x128xf32>
    %get3A_24 = arith.constant 0 : index
    %get3A_25 = arith.constant 0 : index
    %get3A_26 = vector.load %arg2[%get3A_24, %get3A_25] : memref<5120x128xf32, #tpu.memory_space<vmem>>, vector<5120x128xf32>
    %mul3A_27 = arith.constant 2.000000e-01 : f32
    %mul3A_28 = vector.broadcast %mul3A_27 : f32 to vector<5120x128xf32>
    %mul3A_29 = arith.mulf %mul3A_28, %get3A_26 : vector<5120x128xf32>
    %max3A_30 = arith.maximumf %get3A_26, %mul3A_29 : vector<5120x128xf32>
    %add3A_31 = arith.addf %max3A_23, %max3A_30 : vector<5120x128xf32>
    %get3A_32 = arith.constant 0 : index
    %get3A_33 = arith.constant 0 : index
    %get3A_34 = vector.load %arg4[%get3A_32, %get3A_33] : memref<128x64xf32, #tpu.memory_space<vmem>>, vector<128x64xf32>
    %dot_general3A_35 = arith.constant dense<0.000000e+00> : vector<5120x64xf32>
    %dot_general3A_36 = tpu.matmul %add3A_31, %get3A_34, %dot_general3A_35 {dimension_numbers = #tpu.dot_dimension_numbers<[1], [0], [0], [1], [0, 0, 1, 1], [], []>, transpose_lhs_hint = false} : vector<5120x128xf32>, vector<128x64xf32>, vector<5120x64xf32> -> vector<5120x64xf32>
    %swap3A_37 = arith.constant 0 : index
    %swap3A_38 = arith.constant 0 : index
    %swap3A_39 = vector.load %arg6[%swap3A_37, %swap3A_38] : memref<5120x64xf32, #tpu.memory_space<vmem>>, vector<5120x64xf32>
    tpu.vector_store %arg6[%swap3A_37, %swap3A_38], %dot_general3A_36 {strides = array<i32>} : memref<5120x64xf32, #tpu.memory_space<vmem>>, vector<5120x64xf32>,
    return
  }
}

module attributes {stable_mosaic.version = 14 : i64} {
  func.func @_fin_body(%arg0: memref<10112x64xf32, #tpu.memory_space<vmem>>, %arg1: memref<10112x64xf32, #tpu.memory_space<vmem>>, %arg2: memref<5120x64xf32, #tpu.memory_space<vmem>>, %arg3: memref<5120x64xf32, #tpu.memory_space<vmem>>, %arg4: memref<10112x64xf32, #tpu.memory_space<vmem>>, %arg5: memref<5120x64xf32, #tpu.memory_space<vmem>>) attributes {dimension_semantics = [], scalar_prefetch = 0 : i64, scratch_operands = 0 : i64, tpu.core_type = #tpu.core_type<tc>} {
    %get3A = arith.constant 0 : index
    %get3A_0 = arith.constant 0 : index
    %get3A_1 = vector.load %arg0[%get3A, %get3A_0] : memref<10112x64xf32, #tpu.memory_space<vmem>>, vector<10112x64xf32>
    %mul3A = arith.constant 2.000000e-01 : f32
    %mul3A_2 = vector.broadcast %mul3A : f32 to vector<10112x64xf32>
    %mul3A_3 = arith.mulf %mul3A_2, %get3A_1 : vector<10112x64xf32>
    %max3A = arith.maximumf %get3A_1, %mul3A_3 : vector<10112x64xf32>
    %get3A_4 = arith.constant 0 : index
    %get3A_5 = arith.constant 0 : index
    %get3A_6 = vector.load %arg1[%get3A_4, %get3A_5] : memref<10112x64xf32, #tpu.memory_space<vmem>>, vector<10112x64xf32>
    %mul3A_7 = arith.constant 2.000000e-01 : f32
    %mul3A_8 = vector.broadcast %mul3A_7 : f32 to vector<10112x64xf32>
    %mul3A_9 = arith.mulf %mul3A_8, %get3A_6 : vector<10112x64xf32>
    %max3A_10 = arith.maximumf %get3A_6, %mul3A_9 : vector<10112x64xf32>
    %add3A = arith.addf %max3A, %max3A_10 : vector<10112x64xf32>
    %swap3A = arith.constant 0 : index
    %swap3A_11 = arith.constant 0 : index
    %swap3A_12 = vector.load %arg4[%swap3A, %swap3A_11] : memref<10112x64xf32, #tpu.memory_space<vmem>>, vector<10112x64xf32>
    tpu.vector_store %arg4[%swap3A, %swap3A_11], %add3A {strides = array<i32>} : memref<10112x64xf32, #tpu.memory_space<vmem>>, vector<10112x64xf32>,
    %get3A_13 = arith.constant 0 : index
    %get3A_14 = arith.constant 0 : index
    %get3A_15 = vector.load %arg3[%get3A_13, %get3A_14] : memref<5120x64xf32, #tpu.memory_space<vmem>>, vector<5120x64xf32>
    %mul3A_16 = arith.constant 2.000000e-01 : f32
    %mul3A_17 = vector.broadcast %mul3A_16 : f32 to vector<5120x64xf32>
    %mul3A_18 = arith.mulf %mul3A_17, %get3A_15 : vector<5120x64xf32>
    %max3A_19 = arith.maximumf %get3A_15, %mul3A_18 : vector<5120x64xf32>
    %get3A_20 = arith.constant 0 : index
    %get3A_21 = arith.constant 0 : index
    %get3A_22 = vector.load %arg2[%get3A_20, %get3A_21] : memref<5120x64xf32, #tpu.memory_space<vmem>>, vector<5120x64xf32>
    %mul3A_23 = arith.constant 2.000000e-01 : f32
    %mul3A_24 = vector.broadcast %mul3A_23 : f32 to vector<5120x64xf32>
    %mul3A_25 = arith.mulf %mul3A_24, %get3A_22 : vector<5120x64xf32>
    %max3A_26 = arith.maximumf %get3A_22, %mul3A_25 : vector<5120x64xf32>
    %add3A_27 = arith.addf %max3A_19, %max3A_26 : vector<5120x64xf32>
    %swap3A_28 = arith.constant 0 : index
    %swap3A_29 = arith.constant 0 : index
    %swap3A_30 = vector.load %arg5[%swap3A_28, %swap3A_29] : memref<5120x64xf32, #tpu.memory_space<vmem>>, vector<5120x64xf32>
    tpu.vector_store %arg5[%swap3A_28, %swap3A_29], %add3A_27 {strides = array<i32>} : memref<5120x64xf32, #tpu.memory_space<vmem>>, vector<5120x64xf32>,
    return
  }
}

</mosaic_0001>

<sc_bundles>
// kernel: kernel.10.cloned.1.call-start
scs
__scs_entry_jumppad:
0x0: {  	(pc) =	sbr.rel $0x88, $3  }
0x1: {  	(tag) =	ssettag $0x0;
	lr =	simm.s32 $0x1  }
0x2: {  	[smem:$0x3F95] =	sst lr;
	_ =	strace $0xD0000000  }
0x3: {  	_ = 	snop  }
0x4: {  	_ = 	snop  }
0x5: {  	_ = 	snop  }
0x6: {  	_ = 	snop  }
0x7: {  	_ = 	snop  }
__scs_overlays_trampoline_lowered:
0x8: {  	[smem:$0x3FA4] =	sst s0  }
0x9: {  	[smem:$0x3FA5] =	sst s1  }
0xa: {  	[smem:$0x3FA6] =	sst s2  }
0xb: {  	[smem:$0x3FA7] =	sst s3  }
0xc: {  	[smem:$0x3FA8] =	sst s4  }
0xd: {  	[smem:$0x3FA9] =	sst s5  }
0xe: {  	[smem:$0x3FAA] =	sst s6  }
0xf: {  	[smem:$0x3FAB] =	sst s7  }
0x10: {  	[smem:$0x3FAC] =	sst s8  }
0x11: {  	[smem:$0x3FAD] =	sst s9;
	s0 =	simm.s32 @!p0 $0x0  }
0x12: {  	s1 =	sld [smem:$0x3F93];
	s0 =	simm.s32 @p0 $0x1  }
0x13: {  	[smem:$0x3FAE] =	sst s0;
	s0 =	simm.s32 @!p1 $0x0  }
0x14: {  	s2 =	sld [smem:$0x3F92];
	s0 =	simm.s32 @p1 $0x1  }
0x15: {  	[smem:$0x3FAF] =	sst s0;
	s0 =	simm.s32 @!p2 $0x0  }
0x16: {  	s3 =	sld [smem:$0x3FDB];
	s0 =	simm.s32 @p2 $0x1  }
0x17: {  	s4 =	simm.s32 $0x1BF5;
	[smem:$0x3FB1] =	sst s0  }
0x18: {  	s0 =	sld [smem:$0x3F94];
	_ =	swait.ge [sflag:s4], $0x0  }
0x19: {  	s7 =	sld [smem:$0x3F95]  }
0x1a: {  	s8 =	sadd.s32 $0xFFFFE003, lr  }
0x1b: {  	s9 =	sadd.s32 $0xFFFFFEF7, lr;
	s5 =	simm.s32 $0xFFFFFFFF;
	p2 =	slt.u32 s8, $0xFFFFF086  }
0x1c: {  	p1 =	slt.u32 s9, $0xF7A;
	s5 =	simm.s32 @!p2 $0x0  }
0x1d: {  	s5 =	simm.s32 @p1 $0x1;
	p0 =	seq.s32 s7, s2  }
0x1e: {  	s7 =	smul.u32 @!p0 $0xF7A, s2;
	p2 =	seq.s32 @!p0 s5, $0x0  }
0x1f: {  	s9 =	smul.u32 $0xF7A, s1;
	s8 =	simm.s32 @!p0 $0x1BF5;
	p2 =	por !p2, p0  }
0x20: {  	[sflag:s8] =	ssyncset.s32 @!p0 $0xFFFFF086;
	s6 =	sadd.s32 @!p0 s3, s7;
	s7 =	simm.s32 @!p0 $0x108  }
0x21: {  	s3 =	sadd.s32 s3, s9;
	s6 =	sadd.s32 @!p0 $0x88, s6;
	s7 =	simm.s32 @p2 $0x1082  }
0x22: {  	[simem:s7], [sflag:s8] =	dma.local @!p0 [hbm:s6], $0xF7A  }
0x23: {  	s9 =	sor.u32 $0xD0000000, s2;
	s6 =	simm.s32 $0x108;
	_ =	swait.ge @!p0 [sflag:s8], $0x0  }
0x24: {  	s3 =	sadd.s32 $0x88, s3;
	s6 =	simm.s32 @!p1 $0x1082;
	[sflag:s4] =	ssyncset.s32 $0xFFFFF086  }
0x25: {  	[simem:s6], [sflag:s4] =	dma.local [hbm:s3], $0xF7A  }
0x26: {  	[smem:$0x3F95] =	sst s1;
	(tag) =	ssettag s2;
	_ =	strace s9  }
0x27: {  	s1 =	sld [smem:$0x3FA5]  }
0x28: {  	s2 =	sld [smem:$0x3FA6]  }
0x29: {  	s4 =	sld [smem:$0x3FA8]  }
0x2a: {  	p0 =	seq.s32 s5, $0x0;
	s5 =	sld [smem:$0x3FA9]  }
0x2b: {  	s6 =	sld [smem:$0x3FAA]  }
0x2c: {  	s7 =	sld [smem:$0x3FAB]  }
0x2d: {  	s3 =	simm.s32 $0x108;
	s8 =	sld [smem:$0x3FAC]  }
0x2e: {  	s3 =	simm.s32 @!p0 $0x1082;
	s9 =	sld [smem:$0x3FAD]  }
0x2f: {  	lr =	sadd.s32 s0, s3;
	s0 =	sld [smem:$0x3FA4]  }
0x30: {  	s3 =	sld [smem:$0x3FA7]  }
0x31: {  	[smem:$0x3FB0] =	sst s10  }
0x32: {  	s10 =	sld [smem:$0x3FAE];
	_ =	sdelay $0x3  }
0x33: {  	p0 =	seq.s32 s10, $0x1;
	s10 =	sld [smem:$0x3FB0];
	_ =	sdelay $0x3  }
0x34: {  	[smem:$0x3FB0] =	sst s10  }
0x35: {  	s10 =	sld [smem:$0x3FAF];
	_ =	sdelay $0x3  }
0x36: {  	p1 =	seq.s32 s10, $0x1;
	s10 =	sld [smem:$0x3FB0];
	_ =	sdelay $0x3  }
0x37: {  	[smem:$0x3FB0] =	sst s10  }
0x38: {  	s10 =	sld [smem:$0x3FB1]  }
0x39: {  	_ = 	snop;
	(pc) =	sbr.ind lr, $3  }
0x3a: {  	_ = 	snop  }
0x3b: {  	_ = 	snop  }
0x3c: {  	p2 =	seq.s32 s10, $0x1;
	s10 =	sld [smem:$0x3FB0]  }
0x3d: {  	_ =	shalt  }
0x3e: {  	_ =	shalt  }
0x3f: {  	_ =	shalt  }
0x40: {  	_ =	shalt  }
0x41: {  	_ =	shalt  }
0x42: {  	_ =	shalt  }
0x43: {  	_ =	shalt  }
0x44: {  	_ =	shalt  }
0x45: {  	_ =	shalt  }
0x46: {  	_ =	shalt  }
0x47: {  	_ =	shalt  }
0x48: {  	_ =	shalt  }
0x49: {  	_ =	shalt  }
0x4a: {  	_ =	shalt  }
0x4b: {  	_ =	shalt  }
0x4c: {  	_ =	shalt  }
0x4d: {  	_ =	shalt  }
0x4e: {  	_ =	shalt  }
0x4f: {  	_ =	shalt  }
0x50: {  	_ =	shalt  }
0x51: {  	_ =	shalt  }
0x52: {  	_ =	shalt  }
0x53: {  	_ =	shalt  }
0x54: {  	_ =	shalt  }
0x55: {  	_ =	shalt  }
0x56: {  	_ =	shalt  }
0x57: {  	_ =	shalt  }
0x58: {  	_ =	shalt  }
0x59: {  	_ =	shalt  }
0x5a: {  	_ =	shalt  }
0x5b: {  	_ =	shalt  }
0x5c: {  	_ =	shalt  }
0x5d: {  	_ =	shalt  }
0x5e: {  	_ =	shalt  }
0x5f: {  	_ =	shalt  }
0x60: {  	_ =	shalt  }
0x61: {  	_ =	shalt  }
0x62: {  	_ =	shalt  }
0x63: {  	_ =	shalt  }
0x64: {  	_ =	shalt  }
0x65: {  	_ =	shalt  }
0x66: {  	_ =	shalt  }
0x67: {  	_ =	shalt  }
0x68: {  	_ =	shalt  }
0x69: {  	_ =	shalt  }
0x6a: {  	_ =	shalt  }
0x6b: {  	_ =	shalt  }
0x6c: {  	_ =	shalt  }
0x6d: {  	_ =	shalt  }
0x6e: {  	_ =	shalt  }
0x6f: {  	_ =	shalt  }
0x70: {  	_ =	shalt  }
0x71: {  	_ =	shalt  }
0x72: {  	_ =	shalt  }
0x73: {  	_ =	shalt  }
0x74: {  	_ =	shalt  }
0x75: {  	_ =	shalt  }
0x76: {  	_ =	shalt  }
0x77: {  	_ =	shalt  }
0x78: {  	_ =	shalt  }
0x79: {  	_ =	shalt  }
0x7a: {  	_ =	shalt  }
0x7b: {  	_ =	shalt  }
0x7c: {  	_ =	shalt  }
0x7d: {  	_ =	shalt  }
0x7e: {  	_ =	shalt  }
0x7f: {  	_ =	shalt  }
0x80: {  	_ =	shalt  }
0x81: {  	_ =	shalt  }
0x82: {  	_ =	shalt  }
0x83: {  	_ =	shalt  }
0x84: {  	_ =	shalt  }
0x85: {  	_ =	shalt  }
0x86: {  	_ =	shalt  }
0x87: {  	_ =	shalt  }
.Lfunc_end0:
.L_simem_size_0:
called_computation.1_lowered:
.L_overlay_start_0:
0x88: {  	s2 =	sld [smem:$0x3FD9]  }
0x89: {  	s3 =	sld [smem:$0x3FFE];
	_ =	sdelay $0x1  }
0x8a: {  	s1 =	srdreg.scid  }
0x8b: {  	s0 =	sand.u32 $0x1, s1  }
0x8c: {  	s14 =	sshll.u32 s0, $0xA;
	s2 =	sadd.s32 s3, s2  }
0x8d: {  	s2 =	sadd.s32 s2, s14  }
0x8e: {  	[smem:$0x3FBC] =	sst s2  }
0x8f: {  	_ = 	snop  }
0x90: {  	s2 =	sld [smem:$0x3FD0];
	_ =	sdelay $0x2  }
0x91: {  	s15 =	simm.s32 $0xA;
	s4 =	simm.s32 $0x10  }
0x92: {  	[smem:s4], [sflag:s15] =	dma.local [hbm:s2], $0x1  }
0x93: {  	_ =	swait.eq [sflag:s15], $0x1  }
0x94: {  	[sflag:s15] =	ssyncset.done $0x0  }
0x95: {  	s16 =	sld [smem:$0x10];
	[sflag:s15] =	ssyncadd.s32 $0xFFFFFFFF  }
0x96: {  	s17 =	sld [smem:$0x11];
	(tm) =	ssettm $0x1  }
0x97: {  	s18 =	sld [smem:$0x3FFB];
	_ =	sdelay $0x3  }
0x98: {  	_ =	strace s18  }
0x99: {  	s4 =	sld [smem:$0x3FFC];
	_ =	sdelay $0x3  }
0x9a: {  	_ =	strace s4  }
0x9b: {  	s4 =	sld [smem:$0x3FFD];
	_ =	sdelay $0x3  }
0x9c: {  	_ =	strace s4  }
0x9d: {  	_ =	strace $0x8FFFFFFF  }
0x9e: {  	s19 =	sld [smem:$0x3FDB];
	_ =	sdelay $0x1  }
0x9f: {  	s5 =	simm.s32 $_scs_section_size  }
0xa0: {  	s6 =	simm.s32 $_size__tile_overlayer_lowered;
	s7 =	simm.s32 $_tile_overlayer_lowered  }
0xa1: {  	s22 =	simm.s32 $0x1BFF;
	s21 =	sshll.u32 s7, $0x1;
	s4 =	sadd.s32 s5, s19  }
0xa2: {  	s8 =	simm.s32 $0x0;
	s20 =	sshll.u32 s6, $0x1;
	s6 =	sadd.s32 s21, s4  }
0xa3: {  	[timem:s8], [sflag:s22] =	dma.local [hbm:s6], s20  }
0xa4: {  	_ =	swait.ge [sflag:s22], s20  }
0xa5: {  	s5 =	ssub.s32 $0x0, s20;
	[sflag:s22] =	ssyncset.done $0x0  }
0xa6: {  	[sflag:s22] =	ssyncadd.s32 s5;
	_ =	sdelay $0x1  }
0xa7: {  	s23 =	simm.s32 $0x1B8B  }
0xa8: {  	_ =	swait.ge [sflag:s23], $0x1  }
0xa9: {  	[sflag:s23] =	ssyncset.done $0x0  }
0xaa: {  	s25 =	simm.s32 $0x1B8E;
	s24 =	sld [smem:$0x3FFE];
	[sflag:s23] =	ssyncadd.s32 $0xFFFFFFFF  }
0xab: {  	s26 =	simm.s32 $execute0_lowered;
	[smem:$0x3FD2] =	sst s25  }
0xac: {  	s6 =	sshll.u32 s26, $0x1;
	_ =	strace $0x80000049;
	[dreg:$0x1] =	wrdreg $0xFFFFFFFF  }
0xad: {  	s28 =	simm.s32 $_size_execute0_lowered;
	s4 =	sadd.s32 s4, s6;
	[dreg:$0x0] =	wrdreg $0x0  }
0xae: {  	s6 =	sshll.u32 s28, $0x1;
	[dreg:$0x2] =	wrdreg s4  }
0xaf: {  	[dreg:$0x3] =	wrdreg s6  }
0xb0: {  	[dreg:$0x4] =	wrdreg $0xC0  }
0xb1: {  	_ =	task [dreg:s8], $0x5FFFF  }
0xb2: {  	[dreg:$0x1] =	wrdreg $0xFFFFFFFF  }
0xb3: {  	[dreg:$0x0] =	wrdreg $0x60  }
0xb4: {  	[dreg:$0x2] =	wrdreg s16  }
0xb5: {  	[dreg:$0x3] =	wrdreg s17  }
0xb6: {  	[dreg:$0x4] =	wrdreg s24  }
0xb7: {  	[dreg:$0x5] =	wrdreg $0x0  }
0xb8: {  	[dreg:$0x6] =	wrdreg $0x9  }
0xb9: {  	_ =	task.clear_ibuf [dreg:s8], $0x7FFFF;
	_ =	strace $0x90000049  }
0xba: {  	s29 =	simm.s32 $0x9;
	_ =	strace $0x8000004B  }
0xbb: {  	_ =	swait.ge [sflag:s29], $0x1  }
0xbc: {  	[sflag:s29] =	ssyncadd.s32 $0xFFFFFFFF  }
0xbd: {  	_ =	strace $0x9000004B  }
0xbe: {  	_ =	sfence  }
0xbf: {  	s30 =	sld [smem:$0x0];
	_ =	sdelay $0x2  }
0xc0: {  	s31 =	sshll.u32 s1, $0xD;
	s1 =	sshrl.u32 s1, $0x2  }
0xc1: {  	s3 =	sand.u32 $0x4000, s31;
	s1 =	sadd.s32 s1, s30  }
0xc2: {  	s0 =	sor.u32 s3, s0;
	s1 =	sshll.u32 s1, $0x11  }
0xc3: {  	s0 =	sor.u32 s1, s0  }
0xc4: {  	s0 =	sadd.s32 $0x8F2B, s0  }
0xc5: {  	[sflag:s0] =	ssyncadd.remote.s32 $0x1  }
0xc6: {  	_ =	sfence.sel $0xFFFF  }
0xc7: {  	[dreg:$0x0] =	wrdreg $0xFFFFFFFF;
	(pc) =	sbr.abs _section_cstart, $3  }
0xc8: {  	[dreg:$0x1] =	wrdreg $0xFFFFFFFF  }
0xc9: {  	_ =	task.clear_ibuf [dreg:s8], $0x2FFFF;
	_ =	strace $0x9FFFFFFF  }
0xca: {  	(tm) =	ssettm $0x7FFFFFFF  }
0xcb: {  	_ =	shalt  }
tec
execute0_lowered:
.L_overlay_start_1:
0x0: {  	(tag) =	ssettag $0x1  }
0x1: {  	s1 =	rddreg [dreg:$0x0]  }
0x2: {  	s2 =	rddreg [dreg:$0x1]  }
0x3: {  	s0 =	rddreg [dreg:$0x2]  }
0x4: {  	s3 =	rddreg [dreg:$0x3];
	s4 =	simm.s32 $0x0;
	s17 =	srdreg.scid  }
0x5: {  	s25 =	stileid.u32;
	[smem:$0x7FF] =	sst s4;
	s5 =	sadd.s32 $0x87000, s0  }
0x6: {  	s6 =	sadd.s32 $0x5F800, s0;
	s7 =	sadd.s32 $0x6E00, s0;
	s8 =	sadd.s32 $0x69600, s0  }
0x7: {  	s9 =	sadd.s32 $0x73400, s0;
	s10 =	sadd.s32 $0x10C00, s0;
	s11 =	sadd.s32 $0x7D200, s0  }
0x8: {  	s12 =	sadd.s32 $0x55A00, s0;
	s13 =	sadd.s32 $0x1AA00, s0;
	s14 =	sadd.s32 $0x29800, s0  }
0x9: {  	s15 =	sadd.s32 $0x24800, s0;
	s16 =	sadd.s32 $0x1E00, s0;
	s18 =	sadd.s32 $0x90E00, s0  }
0xa: {  	s17 =	sand.u32 $0x1, s17;
	s19 =	sadd.s32 $0x2E800, s0;
	s26 =	sadd.s32 $0xA4A00, s0  }
0xb: {  	s28 =	sadd.s32 $0x42400, s0;
	s29 =	sshll.u32 s25, $0xD;
	s21 =	sor.u32 $0x10, s25  }
0xc: {  	_ =	strace $0x8000004A;
	s20 =	ssub.s32 $0x2, s17;
	p0 =	seq.s32 s17, $0x1  }
0xd: {  	s22 =	sshll.u32 s21, $0xD;
	[dreg:$0x7] =	wrdreg s28;
	s24 =	sshrl.u32 s20, $0x1  }
0xe: {  	[dreg:$0x6] =	wrdreg s26;
	s17 =	sadd.s32 s22, s3;
	s0 =	ssub.s32 s20, s24  }
0xf: {  	s20 =	sadd.s32 s29, s3;
	[dreg:$0x9] =	wrdreg s17;
	s17 =	sor.u32 $0x20, s25  }
0x10: {  	s24 =	sor.u32 $0x40, s25;
	[dreg:$0x8] =	wrdreg s20;
	s20 =	sor.u32 $0x30, s25  }
0x11: {  	s22 =	sshll.u32 s17, $0xD;
	s29 =	sshll.u32 s24, $0xD;
	s0 =	smax.u32 s0, $0x1  }
0x12: {  	s23 =	sshll.u32 s20, $0xD;
	s22 =	sadd.s32 s22, s3;
	[dreg:$0x1c] =	wrdreg s0  }
0x13: {  	[dreg:$0xa] =	wrdreg s22;
	s23 =	sadd.s32 s23, s3;
	s22 =	sshll.u32 s25, $0xA  }
0x14: {  	[dreg:$0xb] =	wrdreg s23;
	s23 =	sadd.s32 s29, s3;
	s29 =	sshll.u32 s17, $0xA  }
0x15: {  	s17 =	sshll.u32 s20, $0xA;
	s20 =	sshll.u32 s24, $0xA;
	s24 =	sadd.s32 s18, s22  }
0x16: {  	[dreg:$0xe] =	wrdreg s24  }
0x17: {  	s21 =	sshll.u32 s21, $0xA;
	[dreg:$0xd] =	wrdreg s29  }
0x18: {  	s24 =	sadd.s32 s18, s21;
	[dreg:$0xc] =	wrdreg s23  }
0x19: {  	[dreg:$0xf] =	wrdreg s24;
	s24 =	sadd.s32 s18, s29  }
0x1a: {  	p1 =	seq.s32 s25, $0xF;
	[dreg:$0x10] =	wrdreg s24;
	s24 =	sadd.s32 s18, s17  }
0x1b: {  	p2 =	sgt.u32 s25, $0x7;
	s18 =	sadd.s32 s18, s20;
	[dreg:$0x11] =	wrdreg s24  }
0x1c: {  	s30 =	smul.u32 $0x4E80, s25;
	s17 =	sadd.s32 s19, s17;
	[dreg:$0x12] =	wrdreg s18  }
0x1d: {  	p3 =	slt.u32 s25, $0x8;
	s20 =	sadd.s32 s19, s20;
	[dreg:$0x13] =	wrdreg s17  }
0x1e: {  	s31 =	smul.u32 $0x2780, s25;
	[dreg:$0x14] =	wrdreg s20;
	s24 =	sadd.s32 s19, s22  }
0x1f: {  	s0 =	simm.s32 $0x9F80;
	s18 =	sadd.s32 s19, s21;
	[dreg:$0x15] =	wrdreg s24  }
0x20: {  	s25 =	simm.s32 $0x80;
	s19 =	sadd.s32 s19, s29;
	[dreg:$0x16] =	wrdreg s18  }
.Ltmp0:
0x21: {  	s20 =	sadd.s32 s28, s22;
	[dreg:$0x17] =	wrdreg s19;
	(pc) =	sbr.rel .LBB2_1-.Ltmp0, $4  }
0x22: {  	s22 =	sadd.s32 s26, s22;
	s29 =	sadd.s32 s26, s21;
	[dreg:$0x18] =	wrdreg s20  }
0x23: {  	s26 =	simm.s32 $0x2;
	s17 =	simm.s32 $0x1;
	[dreg:$0x19] =	wrdreg s22  }
0x24: {  	s24 =	sadd.s32 s28, s21;
	[dreg:$0x1b] =	wrdreg s29;
	s28 =	simm.s32 $0x9E00  }
0x25: {  	v0 =	vimm.f32 $0.0e+00;
	s18 =	simm.s32 $0x9E80;
	s19 =	simm.s32 $0x9F00;
	[dreg:$0x1a] =	wrdreg s24  }
.LBB2_26:
0x26: {  	s4 =	rddreg [dreg:$0xd]  }
0x27: {  	s24 =	rddreg [dreg:$0xa]  }
0x28: {  	s4 =	sadd.s32 s20, s4;
	s20 =	sshrl.u32 s24, $0x3  }
0x29: {  	[hbm:s4], [sflag:s29] =	dma.local [spmem:s20], $0x400  }
0x2a: {  	_ =	swait.ge [sflag:s26], $0x400  }
0x2b: {  	[sflag:s26] =	ssyncset.done $0x0  }
0x2c: {  	[sflag:s26] =	ssyncadd.s32 $0xFFFFFC00  }
.LBB2_27:
0x2d: {  	s21 =	sadd.s32 $0x1, s21;
	s4 =	rddreg [dreg:$0x1c]  }
0x2e: {  	p4 =	sne.s32 s21, s4  }
.Ltmp1:
0x2f: {  	_ = 	snop;
	(pc) =	sbr.rel @!p4 .LBB2_28-.Ltmp1, $3  }
0x30: {  	_ =	sdelay $0x1  }
0x31: {  	[bflag:$0x0] =	sbarrier.arrive $0xFFFF  }
0x32: {  	s4 =	smov.u32 s21  }
.LBB2_1:
.Ltmp2:
0x33: {  	(pc) =	sbr.rel @!p0 .LBB2_2-.Ltmp2, $3  }
0x34: {  	_ =	sdelay $0x1  }
0x35: {  	s20 =	sshrl.u32 @!p1 s23, $0x3;
	[dreg:$0x5] =	wrdreg s4  }
0x36: {  	s21 =	simm.s32 $0x100;
	[dreg:$0x1d] =	wrdreg s20;
	s20 =	simm.s32 $0x0  }
.LBB2_14:
0x37: {  	p4 =	sne.s32 s21, $0x7F00;
	[tilespmem:s20+$0x9FB0] =	vst v0;
	s4 =	smov.u32 s21;
	s21 =	sadd.s32 $0x100, s21  }
.Ltmp3:
0x38: {  	[tilespmem:s20+$0x9FA0] =	vst v0;
	(pc) =	sbr.rel @p4 .LBB2_14-.Ltmp3, $3  }
0x39: {  	[tilespmem:s20+$0x9F80] =	vst v0  }
0x3a: {  	[tilespmem:s20+$0x9F90] =	vst v0;
	_ =	sdelay $0x1  }
0x3b: {  	s20 =	sshra.s32 s4, $0x2  }
0x3c: {  	[tilespmem:s20+$0x9FB0] =	vst v0  }
0x3d: {  	[tilespmem:s20+$0x9FA0] =	vst v0  }
0x3e: {  	[tilespmem:s20+$0x9F80] =	vst v0  }
0x3f: {  	[tilespmem:s20+$0x9F90] =	vst v0;
	s4 =	rddreg [dreg:$0x8]  }
0x40: {  	[spmem:s4] =	stream.linear.scatter [tilespmem:s0], [sflag:$0x2], $0x2000, $0x38;
	[tilespmem:$0xBF80] =	vst v63  }
0x41: {  	_ =	swait.ge [sflag:s26], $0x2000  }
0x42: {  	[sflag:s26] =	ssyncset.done $0x0  }
0x43: {  	s22 =	rddreg [dreg:$0x9];
	[sflag:s26] =	ssyncadd.s32 $0xFFFFE000  }
0x44: {  	[spmem:s22] =	stream.linear.scatter [tilespmem:s0], [sflag:$0x2], $0x2000, $0x38;
	[tilespmem:$0xBF80] =	vst v63  }
0x45: {  	_ =	swait.ge [sflag:s26], $0x2000  }
0x46: {  	[sflag:s26] =	ssyncset.done $0x0  }
0x47: {  	s24 =	rddreg [dreg:$0xa];
	[sflag:s26] =	ssyncadd.s32 $0xFFFFE000  }
0x48: {  	[spmem:s24] =	stream.linear.scatter [tilespmem:s0], [sflag:$0x2], $0x2000, $0x38;
	[tilespmem:$0xBF80] =	vst v63  }
0x49: {  	_ =	swait.ge [sflag:s26], $0x2000  }
0x4a: {  	[sflag:s26] =	ssyncset.done $0x0  }
0x4b: {  	s29 =	rddreg [dreg:$0xb];
	[sflag:s26] =	ssyncadd.s32 $0xFFFFE000  }
0x4c: {  	[spmem:s29] =	stream.linear.scatter [tilespmem:s0], [sflag:$0x2], $0x2000, $0x38;
	[tilespmem:$0xBF80] =	vst v63  }
0x4d: {  	_ =	swait.ge [sflag:s26], $0x2000  }
0x4e: {  	[sflag:s26] =	ssyncset.done $0x0  }
0x4f: {  	s4 =	simm.s32 @!p1 $0x9F80;
	[sflag:s26] =	ssyncadd.s32 $0xFFFFE000  }
0x50: {  	[spmem:s23] =	stream.linear.scatter @!p1 [tilespmem:s4], [sflag:$0x2], $0x2000, $0x38;
	[tilespmem:$0xBF80] =	vst v63  }
0x51: {  	s4 =	simm.s32 @!p1 $0x2  }
0x52: {  	_ =	swait.ge @!p1 [sflag:s4], $0x2000  }
0x53: {  	[sflag:s4] =	ssyncset.done @!p1 $0x0  }
0x54: {  	[sflag:s4] =	ssyncadd.s32 @!p1 $0xFFFFE000  }
0x55: {  	s20 =	simm.s32 $0x0;
	s21 =	simm.s32 $0x0;
	[bflag:$0x0] =	sbarrier.arrive $0xFFFF  }
.LBB2_16:
0x56: {  	s4 =	sshll.u32 s21, $0x7  }
0x57: {  	s4 =	sadd.s32 s30, s4  }
0x58: {  	s4 =	sshrl.u32 s4, $0x3  }
0x59: {  	s22 =	sadd.s32 s8, s4  }
0x5a: {  	[tilespmem:s28], [sflag:$0x2] =	stream.linear.gather [hbm4b:s22+s20], $0x80, $0x38;
	[tilespmem:$0xBF80] =	vst v63  }
0x5b: {  	_ =	swait.ge [sflag:s26], $0x80  }
0x5c: {  	[sflag:s26] =	ssyncset.done $0x0  }
0x5d: {  	s24 =	sadd.s32 s9, s4;
	[sflag:s26] =	ssyncadd.s32 $0xFFFFFF80  }
0x5e: {  	[tilespmem:s18], [sflag:$0x2] =	stream.linear.gather [hbm4b:s24+s20], $0x80, $0x38;
	[tilespmem:$0xBF80] =	vst v63  }
0x5f: {  	_ =	swait.ge [sflag:s26], $0x80  }
0x60: {  	[sflag:s26] =	ssyncset.done $0x0  }
0x61: {  	s4 =	sadd.s32 s10, s4;
	[sflag:s26] =	ssyncadd.s32 $0xFFFFFF80  }
0x62: {  	[tilespmem:s19], [sflag:$0x2] =	stream.linear.gather [hbm4b:s4+s20], $0x80, $0x38;
	[tilespmem:$0xBF80] =	vst v63  }
0x63: {  	_ =	swait.ge [sflag:s26], $0x80  }
0x64: {  	[sflag:s26] =	ssyncset.done $0x0  }
0x65: {  	[sflag:s26] =	ssyncadd.s32 $0xFFFFFF80  }
0x66: {  	[tilespmem:s0], [sflag:$0x1] =	stream.indirect.gather [hbm4b:s2+s25], $0x40, s18, s25, $0xb8;
	[tilespmem:$0xBF80] =	vst v63  }
0x67: {  	v1 =	vmov s20;
	_ =	swait.ge [sflag:s17], $0x2000  }
0x68: {  	[sflag:s17] =	ssyncset.done $0x0  }
0x69: {  	s22 =	simm.s32 $0x9FA0;
	[sflag:s17] =	ssyncadd.s32 $0xFFFFE000  }
0x6a: {  	v3 =	vld [tilespmem:s22+$0xFFFFFFF0]  }
0x6b: {  	v4 =	vld [tilespmem:s22+$0x10]  }
0x6c: {  	v6 =	vld.idx.msk [tilespmem:v1+s19+$0x0], $0xffff  }
0x6d: {  	v1 =	vld [tilespmem:s22+$0xFFFFFFE0]  }
0x6e: {  	v7 =	vld [tilespmem:s22+$0x0];
	_ =	sdelay $0x3  }
0x6f: {  	s23 =	simm.s32 $0x1;
	v2 =	vmul.f32 v1, v6;
	v5 =	vmul.f32 v4, v6  }
0x70: {  	s29 =	simm.s32 $0x9FA0;
	s24 =	simm.s32 $0x2;
	v1 =	vmov s23;
	v4 =	vmul.f32 v3, v6;
	v3 =	vmul.f32 v7, v6  }
.LBB2_17:
0x71: {  	p4 =	sne.s32 s24, $0x7F  }
0x72: {  	[tilespmem:s22+$0x10] =	vst v5;
	s29 =	sadd.s32 $0x40, s29;
	s4 =	smov.u32 s24;
	s24 =	sadd.s32 $0x1, s24  }
0x73: {  	[tilespmem:s22+$0xFFFFFFE0] =	vst v2  }
0x74: {  	v6 =	vld [tilespmem:s29+$0xFFFFFFF0];
	[tilespmem:s22+$0xFFFFFFF0] =	vst v4  }
0x75: {  	v4 =	vld [tilespmem:s29+$0x10];
	[tilespmem:s22+$0x0] =	vst v3;
	s22 =	smov.u32 s29  }
0x76: {  	v3 =	vld.idx.msk [tilespmem:v1+s19+$0x0], $0xffff  }
0x77: {  	v1 =	vld [tilespmem:s29+$0xFFFFFFE0]  }
0x78: {  	v7 =	vld [tilespmem:s29+$0x0]  }
.Ltmp4:
0x79: {  	(pc) =	sbr.rel @p4 .LBB2_17-.Ltmp4, $3  }
0x7a: {  	_ =	sdelay $0x1  }
0x7b: {  	v5 =	vmul.f32 v4, v3;
	v2 =	vmul.f32 v1, v3  }
0x7c: {  	v4 =	vmul.f32 v6, v3;
	v1 =	vmov s4;
	v3 =	vmul.f32 v7, v3  }
0x7d: {  	[tilespmem:s22+$0x10] =	vst v5  }
0x7e: {  	s4 =	sadd.s32 $0x40, s29;
	[tilespmem:s22+$0xFFFFFFE0] =	vst v2  }
0x7f: {  	v2 =	vld [tilespmem:s4+$0xFFFFFFF0];
	[tilespmem:s22+$0xFFFFFFF0] =	vst v4  }
0x80: {  	v4 =	vld [tilespmem:s4+$0x10];
	[tilespmem:s22+$0x0] =	vst v3  }
0x81: {  	v1 =	vld.idx.msk [tilespmem:v1+s19+$0x0], $0xffff  }
0x82: {  	v3 =	vld [tilespmem:s4+$0xFFFFFFE0];
	_ =	sdelay $0x1  }
0x83: {  	v5 =	vld [tilespmem:s4+$0x0];
	_ =	sdelay $0x1  }
0x84: {  	v4 =	vmul.f32 v4, v1  }
0x85: {  	v3 =	vmul.f32 v3, v1  }
0x86: {  	v2 =	vmul.f32 v2, v1;
	[tilespmem:s4+$0x10] =	vst v4  }
0x87: {  	s21 =	sadd.s32 $0x1, s21;
	v1 =	vmul.f32 v5, v1;
	[tilespmem:s4+$0xFFFFFFE0] =	vst v3  }
0x88: {  	p4 =	sne.s32 s21, $0x9D;
	[tilespmem:s4+$0xFFFFFFF0] =	vst v2  }
.Ltmp5:
0x89: {  	[tilespmem:s4+$0x0] =	vst v1;
	(pc) =	sbr.rel @p4 .LBB2_16-.Ltmp5, $4  }
0x8a: {  	[spmem:s3] =	stream.indirect.scatter.add.f32 [tilespmem:s0], [sflag:$0x2], $0x40, s28, s25, $0xb8;
	[tilespmem:$0xBF80] =	vst v63  }
0x8b: {  	_ =	swait.ge [sflag:s26], $0x2000  }
0x8c: {  	[sflag:s26] =	ssyncset.done $0x0  }
0x8d: {  	[sflag:s26] =	ssyncadd.s32 $0xFFFFE000  }
0x8e: {  	[bflag:$0x0] =	sbarrier.arrive $0xFFFF  }
0x8f: {  	s4 =	stileid.u32;
	s20 =	rddreg [dreg:$0x8]  }
0x90: {  	s4 =	sshll.u32 s4, $0x6;
	s21 =	rddreg [dreg:$0x15];
	s20 =	sshrl.u32 s20, $0x3  }
0x91: {  	s29 =	sor.u32 $0x1C02, s4;
	[dreg:$0x1f] =	wrdreg s20  }
0x92: {  	[hbm:s21], [sflag:s29] =	dma.local [spmem:s20], $0x400  }
0x93: {  	_ =	swait.ge [sflag:s26], $0x400  }
0x94: {  	s22 =	rddreg [dreg:$0x9]  }
0x95: {  	[sflag:s26] =	ssyncset.done $0x0;
	s24 =	rddreg [dreg:$0x16];
	s23 =	sshrl.u32 s22, $0x3  }
0x96: {  	[sflag:s26] =	ssyncadd.s32 $0xFFFFFC00;
	[smem:$0x7FC] =	sst s23  }
0x97: {  	[hbm:s24], [sflag:s29] =	dma.local [spmem:s23], $0x400  }
0x98: {  	_ =	swait.ge [sflag:s26], $0x400  }
0x99: {  	[sflag:s26] =	ssyncset.done $0x0;
	s21 =	rddreg [dreg:$0xa]  }
0x9a: {  	s22 =	rddreg [dreg:$0x17];
	[sflag:s26] =	ssyncadd.s32 $0xFFFFFC00;
	s4 =	sshrl.u32 s21, $0x3  }
0x9b: {  	[hbm:s22], [sflag:s29] =	dma.local [spmem:s4], $0x400  }
0x9c: {  	_ =	swait.ge [sflag:s26], $0x400  }
0x9d: {  	[sflag:s26] =	ssyncset.done $0x0;
	s23 =	rddreg [dreg:$0xb]  }
0x9e: {  	s24 =	rddreg [dreg:$0x13];
	[sflag:s26] =	ssyncadd.s32 $0xFFFFFC00;
	s4 =	sshrl.u32 s23, $0x3  }
0x9f: {  	[hbm:s24], [sflag:s29] =	dma.local [spmem:s4], $0x400  }
0xa0: {  	_ =	swait.ge [sflag:s26], $0x400  }
0xa1: {  	[sflag:s26] =	ssyncset.done $0x0;
	s4 =	rddreg [dreg:$0x14]  }
0xa2: {  	s20 =	rddreg [dreg:$0x1d];
	[sflag:s26] =	ssyncadd.s32 $0xFFFFFC00  }
0xa3: {  	[hbm:s4], [sflag:s29] =	dma.local @!p1 [spmem:s20], $0x400  }
0xa4: {  	s4 =	simm.s32 @!p1 $0x2  }
0xa5: {  	_ =	swait.ge @!p1 [sflag:s4], $0x400  }
0xa6: {  	[sflag:s4] =	ssyncset.done @!p1 $0x0  }
0xa7: {  	[sflag:s4] =	ssyncadd.s32 @!p1 $0xFFFFFC00  }
0xa8: {  	s21 =	simm.s32 $0x100;
	s20 =	simm.s32 $0x0;
	[bflag:$0x0] =	sbarrier.arrive $0xFFFF  }
.LBB2_20:
0xa9: {  	p4 =	sne.s32 s21, $0x7F00;
	[tilespmem:s20+$0x9FB0] =	vst v0;
	s4 =	smov.u32 s21;
	s21 =	sadd.s32 $0x100, s21  }
.Ltmp6:
0xaa: {  	[tilespmem:s20+$0x9FA0] =	vst v0;
	(pc) =	sbr.rel @p4 .LBB2_20-.Ltmp6, $3  }
0xab: {  	[tilespmem:s20+$0x9F80] =	vst v0  }
0xac: {  	[tilespmem:s20+$0x9F90] =	vst v0;
	_ =	sdelay $0x1  }
0xad: {  	s20 =	sshra.s32 s4, $0x2  }
0xae: {  	[tilespmem:s20+$0x9FB0] =	vst v0  }
0xaf: {  	[tilespmem:s20+$0x9FA0] =	vst v0  }
0xb0: {  	[tilespmem:s20+$0x9F80] =	vst v0  }
0xb1: {  	[tilespmem:s20+$0x9F90] =	vst v0;
	s4 =	rddreg [dreg:$0x8]  }
0xb2: {  	[spmem:s4] =	stream.linear.scatter [tilespmem:s0], [sflag:$0x2], $0x2000, $0x38;
	[tilespmem:$0xBF80] =	vst v63  }
0xb3: {  	_ =	swait.ge [sflag:s26], $0x2000  }
0xb4: {  	[sflag:s26] =	ssyncset.done $0x0  }
0xb5: {  	s24 =	rddreg [dreg:$0x9];
	[sflag:s26] =	ssyncadd.s32 $0xFFFFE000  }
0xb6: {  	[spmem:s24] =	stream.linear.scatter [tilespmem:s0], [sflag:$0x2], $0x2000, $0x38;
	[tilespmem:$0xBF80] =	vst v63  }
0xb7: {  	_ =	swait.ge [sflag:s26], $0x2000  }
0xb8: {  	[sflag:s26] =	ssyncset.done $0x0  }
0xb9: {  	s4 =	simm.s32 @!p2 $0x9F80;
	s20 =	rddreg [dreg:$0xa];
	[sflag:s26] =	ssyncadd.s32 $0xFFFFE000  }
0xba: {  	[spmem:s20] =	stream.linear.scatter @!p2 [tilespmem:s4], [sflag:$0x2], $0x2000, $0x38;
	[tilespmem:$0xBF80] =	vst v63  }
0xbb: {  	s4 =	simm.s32 @!p2 $0x2  }
0xbc: {  	_ =	swait.ge @!p2 [sflag:s4], $0x2000  }
0xbd: {  	[sflag:s4] =	ssyncset.done @!p2 $0x0  }
0xbe: {  	[sflag:s4] =	ssyncadd.s32 @!p2 $0xFFFFE000  }
0xbf: {  	s23 =	simm.s32 $0x0;
	s21 =	simm.s32 $0x0;
	[bflag:$0x0] =	sbarrier.arrive $0xFFFF  }
.LBB2_22:
0xc0: {  	s4 =	sshll.u32 s21, $0x7  }
0xc1: {  	s4 =	sadd.s32 s30, s4  }
0xc2: {  	s4 =	sshrl.u32 s4, $0x3  }
0xc3: {  	s20 =	sadd.s32 s11, s4  }
0xc4: {  	[tilespmem:s28], [sflag:$0x2] =	stream.linear.gather [hbm4b:s20+s23], $0x80, $0x38;
	[tilespmem:$0xBF80] =	vst v63  }
0xc5: {  	_ =	swait.ge [sflag:s26], $0x80  }
0xc6: {  	[sflag:s26] =	ssyncset.done $0x0  }
0xc7: {  	s24 =	sadd.s32 s12, s4;
	[sflag:s26] =	ssyncadd.s32 $0xFFFFFF80  }
0xc8: {  	[tilespmem:s18], [sflag:$0x2] =	stream.linear.gather [hbm4b:s24+s23], $0x80, $0x38;
	[tilespmem:$0xBF80] =	vst v63  }
0xc9: {  	_ =	swait.ge [sflag:s26], $0x80  }
0xca: {  	[sflag:s26] =	ssyncset.done $0x0  }
0xcb: {  	s4 =	sadd.s32 s13, s4;
	[sflag:s26] =	ssyncadd.s32 $0xFFFFFF80  }
0xcc: {  	[tilespmem:s19], [sflag:$0x2] =	stream.linear.gather [hbm4b:s4+s23], $0x80, $0x38;
	[tilespmem:$0xBF80] =	vst v63  }
0xcd: {  	_ =	swait.ge [sflag:s26], $0x80  }
0xce: {  	[sflag:s26] =	ssyncset.done $0x0  }
0xcf: {  	[sflag:s26] =	ssyncadd.s32 $0xFFFFFF80  }
0xd0: {  	[tilespmem:s0], [sflag:$0x1] =	stream.indirect.gather [hbm4b:s1+s25], $0x40, s18, s25, $0xb8;
	[tilespmem:$0xBF80] =	vst v63  }
0xd1: {  	v1 =	vmov s23;
	_ =	swait.ge [sflag:s17], $0x2000  }
0xd2: {  	[sflag:s17] =	ssyncset.done $0x0  }
0xd3: {  	s22 =	simm.s32 $0x9FA0;
	[sflag:s17] =	ssyncadd.s32 $0xFFFFE000  }
0xd4: {  	v3 =	vld [tilespmem:s22+$0xFFFFFFF0]  }
0xd5: {  	v4 =	vld [tilespmem:s22+$0x10]  }
0xd6: {  	v6 =	vld.idx.msk [tilespmem:v1+s19+$0x0], $0xffff  }
0xd7: {  	v1 =	vld [tilespmem:s22+$0xFFFFFFE0]  }
0xd8: {  	v7 =	vld [tilespmem:s22+$0x0];
	_ =	sdelay $0x3  }
0xd9: {  	s20 =	simm.s32 $0x1;
	v2 =	vmul.f32 v1, v6;
	v5 =	vmul.f32 v4, v6  }
0xda: {  	s24 =	simm.s32 $0x2;
	v1 =	vmov s20;
	v4 =	vmul.f32 v3, v6;
	v3 =	vmul.f32 v7, v6;
	s20 =	simm.s32 $0x9FA0  }
.LBB2_23:
0xdb: {  	p4 =	sne.s32 s24, $0x7F  }
0xdc: {  	[tilespmem:s22+$0x10] =	vst v5;
	s20 =	sadd.s32 $0x40, s20;
	s4 =	smov.u32 s24;
	s24 =	sadd.s32 $0x1, s24  }
0xdd: {  	[tilespmem:s22+$0xFFFFFFE0] =	vst v2  }
0xde: {  	v6 =	vld [tilespmem:s20+$0xFFFFFFF0];
	[tilespmem:s22+$0xFFFFFFF0] =	vst v4  }
0xdf: {  	v4 =	vld [tilespmem:s20+$0x10];
	[tilespmem:s22+$0x0] =	vst v3;
	s22 =	smov.u32 s20  }
0xe0: {  	v3 =	vld.idx.msk [tilespmem:v1+s19+$0x0], $0xffff  }
0xe1: {  	v1 =	vld [tilespmem:s20+$0xFFFFFFE0]  }
0xe2: {  	v7 =	vld [tilespmem:s20+$0x0]  }
.Ltmp7:
0xe3: {  	(pc) =	sbr.rel @p4 .LBB2_23-.Ltmp7, $3  }
0xe4: {  	_ =	sdelay $0x1  }
0xe5: {  	v5 =	vmul.f32 v4, v3;
	v2 =	vmul.f32 v1, v3  }
0xe6: {  	v4 =	vmul.f32 v6, v3;
	v1 =	vmov s4;
	v3 =	vmul.f32 v7, v3  }
0xe7: {  	[tilespmem:s22+$0x10] =	vst v5  }
0xe8: {  	s4 =	sadd.s32 $0x40, s20;
	[tilespmem:s22+$0xFFFFFFE0] =	vst v2  }
0xe9: {  	v2 =	vld [tilespmem:s4+$0xFFFFFFF0];
	[tilespmem:s22+$0xFFFFFFF0] =	vst v4  }
0xea: {  	v4 =	vld [tilespmem:s4+$0x10];
	[tilespmem:s22+$0x0] =	vst v3  }
0xeb: {  	v1 =	vld.idx.msk [tilespmem:v1+s19+$0x0], $0xffff  }
0xec: {  	v3 =	vld [tilespmem:s4+$0xFFFFFFE0];
	_ =	sdelay $0x1  }
0xed: {  	v5 =	vld [tilespmem:s4+$0x0];
	_ =	sdelay $0x1  }
0xee: {  	v4 =	vmul.f32 v4, v1  }
0xef: {  	v3 =	vmul.f32 v3, v1  }
0xf0: {  	v2 =	vmul.f32 v2, v1;
	[tilespmem:s4+$0x10] =	vst v4  }
0xf1: {  	s21 =	sadd.s32 $0x1, s21;
	v1 =	vmul.f32 v5, v1;
	[tilespmem:s4+$0xFFFFFFE0] =	vst v3  }
0xf2: {  	p4 =	sne.s32 s21, $0x9D;
	[tilespmem:s4+$0xFFFFFFF0] =	vst v2  }
.Ltmp8:
0xf3: {  	[tilespmem:s4+$0x0] =	vst v1;
	(pc) =	sbr.rel @p4 .LBB2_22-.Ltmp8, $4  }
0xf4: {  	[spmem:s3] =	stream.indirect.scatter.add.f32 [tilespmem:s0], [sflag:$0x2], $0x40, s28, s25, $0xb8;
	[tilespmem:$0xBF80] =	vst v63  }
0xf5: {  	_ =	swait.ge [sflag:s26], $0x2000  }
0xf6: {  	[sflag:s26] =	ssyncset.done $0x0  }
0xf7: {  	[sflag:s26] =	ssyncadd.s32 $0xFFFFE000  }
0xf8: {  	[bflag:$0x0] =	sbarrier.arrive $0xFFFF  }
0xf9: {  	s4 =	rddreg [dreg:$0x19]  }
0xfa: {  	s20 =	rddreg [dreg:$0x1f]  }
0xfb: {  	[hbm:s4], [sflag:s29] =	dma.local [spmem:s20], $0x400  }
0xfc: {  	_ =	swait.ge [sflag:s26], $0x400  }
0xfd: {  	s24 =	sld [smem:$0x7FC]  }
0xfe: {  	[sflag:s26] =	ssyncset.done $0x0  }
0xff: {  	s23 =	rddreg [dreg:$0x1b];
	[sflag:s26] =	ssyncadd.s32 $0xFFFFFC00  }
0x100: {  	[hbm:s23], [sflag:s29] =	dma.local [spmem:s24], $0x400  }
.Ltmp9:
0x101: {  	_ = 	snop;
	(pc) =	sbr.rel @p2 .LBB2_27-.Ltmp9, $4  }
.Ltmp10:
0x102: {  	_ =	swait.ge [sflag:s26], $0x400;
	(pc) =	sbr.rel @!p2 .LBB2_26-.Ltmp10, $4  }
0x103: {  	s20 =	rddreg [dreg:$0x6]  }
0x104: {  	[sflag:s26] =	ssyncset.done $0x0;
	s21 =	rddreg [dreg:$0x5]  }
0x105: {  	s23 =	rddreg [dreg:$0xc];
	[sflag:s26] =	ssyncadd.s32 $0xFFFFFC00  }
0x106: {  	_ = 	snop  }
.LBB2_2:
0x107: {  	p4 =	sne.s32 s21, $0x7F00;
	[tilespmem:s20+$0x9FB0] =	vst v0;
	s22 =	smov.u32 s21;
	s21 =	sadd.s32 $0x100, s21  }
.Ltmp11:
0x108: {  	[tilespmem:s20+$0x9FA0] =	vst v0;
	(pc) =	sbr.rel @p4 .LBB2_2-.Ltmp11, $3  }
0x109: {  	[tilespmem:s20+$0x9F80] =	vst v0  }
0x10a: {  	[tilespmem:s20+$0x9F90] =	vst v0;
	_ =	sdelay $0x1  }
0x10b: {  	s20 =	sshra.s32 s22, $0x2  }
0x10c: {  	[tilespmem:s20+$0x9FB0] =	vst v0  }
0x10d: {  	[tilespmem:s20+$0x9FA0] =	vst v0  }
0x10e: {  	[tilespmem:s20+$0x9F80] =	vst v0  }
0x10f: {  	[tilespmem:s20+$0x9F90] =	vst v0;
	s4 =	rddreg [dreg:$0x8]  }
0x110: {  	[spmem:s4] =	stream.linear.scatter [tilespmem:s0], [sflag:$0x2], $0x2000, $0x38;
	[tilespmem:$0xBF80] =	vst v63  }
0x111: {  	_ =	swait.ge [sflag:s26], $0x2000  }
0x112: {  	[sflag:s26] =	ssyncset.done $0x0  }
0x113: {  	s22 =	rddreg [dreg:$0x9];
	[sflag:s26] =	ssyncadd.s32 $0xFFFFE000  }
0x114: {  	[spmem:s22] =	stream.linear.scatter [tilespmem:s0], [sflag:$0x2], $0x2000, $0x38;
	[tilespmem:$0xBF80] =	vst v63  }
0x115: {  	_ =	swait.ge [sflag:s26], $0x2000  }
0x116: {  	[sflag:s26] =	ssyncset.done $0x0  }
0x117: {  	s24 =	rddreg [dreg:$0xa];
	[sflag:s26] =	ssyncadd.s32 $0xFFFFE000  }
0x118: {  	[spmem:s24] =	stream.linear.scatter [tilespmem:s0], [sflag:$0x2], $0x2000, $0x38;
	[tilespmem:$0xBF80] =	vst v63  }
0x119: {  	_ =	swait.ge [sflag:s26], $0x2000  }
0x11a: {  	[sflag:s26] =	ssyncset.done $0x0  }
0x11b: {  	s29 =	rddreg [dreg:$0xb];
	[sflag:s26] =	ssyncadd.s32 $0xFFFFE000  }
0x11c: {  	[spmem:s29] =	stream.linear.scatter [tilespmem:s0], [sflag:$0x2], $0x2000, $0x38;
	[tilespmem:$0xBF80] =	vst v63  }
0x11d: {  	_ =	swait.ge [sflag:s26], $0x2000  }
0x11e: {  	[sflag:s26] =	ssyncset.done $0x0  }
0x11f: {  	s20 =	simm.s32 @!p1 $0x9F80;
	[sflag:s26] =	ssyncadd.s32 $0xFFFFE000  }
0x120: {  	[spmem:s23] =	stream.linear.scatter @!p1 [tilespmem:s20], [sflag:$0x2], $0x2000, $0x38;
	[tilespmem:$0xBF80] =	vst v63  }
0x121: {  	s20 =	simm.s32 @!p1 $0x2  }
0x122: {  	_ =	swait.ge @!p1 [sflag:s20], $0x2000  }
0x123: {  	[sflag:s20] =	ssyncset.done @!p1 $0x0  }
0x124: {  	[sflag:s20] =	ssyncadd.s32 @!p1 $0xFFFFE000  }
0x125: {  	s24 =	simm.s32 $0x0;
	s20 =	simm.s32 $0x0;
	[bflag:$0x0] =	sbarrier.arrive $0xFFFF  }
.LBB2_4:
0x126: {  	s21 =	sshll.u32 s24, $0x7  }
0x127: {  	s21 =	sadd.s32 s30, s21  }
0x128: {  	s21 =	sshrl.u32 s21, $0x3  }
0x129: {  	s22 =	sadd.s32 s5, s21  }
0x12a: {  	[tilespmem:s28], [sflag:$0x2] =	stream.linear.gather [hbm4b:s22+s20], $0x80, $0x38;
	[tilespmem:$0xBF80] =	vst v63  }
0x12b: {  	_ =	swait.ge [sflag:s26], $0x80  }
0x12c: {  	[sflag:s26] =	ssyncset.done $0x0  }
0x12d: {  	s23 =	sadd.s32 s6, s21;
	[sflag:s26] =	ssyncadd.s32 $0xFFFFFF80  }
0x12e: {  	[tilespmem:s18], [sflag:$0x2] =	stream.linear.gather [hbm4b:s23+s20], $0x80, $0x38;
	[tilespmem:$0xBF80] =	vst v63  }
0x12f: {  	_ =	swait.ge [sflag:s26], $0x80  }
0x130: {  	[sflag:s26] =	ssyncset.done $0x0  }
0x131: {  	s21 =	sadd.s32 s7, s21;
	[sflag:s26] =	ssyncadd.s32 $0xFFFFFF80  }
0x132: {  	[tilespmem:s19], [sflag:$0x2] =	stream.linear.gather [hbm4b:s21+s20], $0x80, $0x38;
	[tilespmem:$0xBF80] =	vst v63  }
0x133: {  	_ =	swait.ge [sflag:s26], $0x80  }
0x134: {  	[sflag:s26] =	ssyncset.done $0x0  }
0x135: {  	[sflag:s26] =	ssyncadd.s32 $0xFFFFFF80  }
0x136: {  	[tilespmem:s0], [sflag:$0x1] =	stream.indirect.gather [hbm4b:s1+s25], $0x40, s18, s25, $0xb8;
	[tilespmem:$0xBF80] =	vst v63  }
0x137: {  	v1 =	vmov s20;
	_ =	swait.ge [sflag:s17], $0x2000  }
0x138: {  	[sflag:s17] =	ssyncset.done $0x0  }
0x139: {  	s21 =	simm.s32 $0x9FA0;
	[sflag:s17] =	ssyncadd.s32 $0xFFFFE000  }
0x13a: {  	v3 =	vld [tilespmem:s21+$0xFFFFFFF0]  }
0x13b: {  	v4 =	vld [tilespmem:s21+$0x10]  }
0x13c: {  	v6 =	vld.idx.msk [tilespmem:v1+s19+$0x0], $0xffff  }
0x13d: {  	v1 =	vld [tilespmem:s21+$0xFFFFFFE0]  }
0x13e: {  	v7 =	vld [tilespmem:s21+$0x0];
	_ =	sdelay $0x3  }
0x13f: {  	s29 =	simm.s32 $0x1;
	v2 =	vmul.f32 v1, v6;
	v5 =	vmul.f32 v4, v6  }
0x140: {  	s22 =	simm.s32 $0x2;
	v1 =	vmov s29;
	v4 =	vmul.f32 v3, v6;
	v3 =	vmul.f32 v7, v6;
	s29 =	simm.s32 $0x9FA0  }
.LBB2_5:
0x141: {  	p4 =	sne.s32 s22, $0x7F  }
0x142: {  	[tilespmem:s21+$0x10] =	vst v5;
	s29 =	sadd.s32 $0x40, s29;
	s23 =	smov.u32 s22;
	s22 =	sadd.s32 $0x1, s22  }
0x143: {  	[tilespmem:s21+$0xFFFFFFE0] =	vst v2  }
0x144: {  	v6 =	vld [tilespmem:s29+$0xFFFFFFF0];
	[tilespmem:s21+$0xFFFFFFF0] =	vst v4  }
0x145: {  	v4 =	vld [tilespmem:s29+$0x10];
	[tilespmem:s21+$0x0] =	vst v3;
	s21 =	smov.u32 s29  }
0x146: {  	v3 =	vld.idx.msk [tilespmem:v1+s19+$0x0], $0xffff  }
0x147: {  	v1 =	vld [tilespmem:s29+$0xFFFFFFE0]  }
0x148: {  	v7 =	vld [tilespmem:s29+$0x0]  }
.Ltmp12:
0x149: {  	(pc) =	sbr.rel @p4 .LBB2_5-.Ltmp12, $3  }
0x14a: {  	_ =	sdelay $0x1  }
0x14b: {  	v5 =	vmul.f32 v4, v3;
	v2 =	vmul.f32 v1, v3  }
0x14c: {  	v4 =	vmul.f32 v6, v3;
	v1 =	vmov s23;
	v3 =	vmul.f32 v7, v3  }
0x14d: {  	[tilespmem:s21+$0x10] =	vst v5  }
0x14e: {  	s22 =	sadd.s32 $0x40, s29;
	[tilespmem:s21+$0xFFFFFFE0] =	vst v2  }
0x14f: {  	v2 =	vld [tilespmem:s22+$0xFFFFFFF0];
	[tilespmem:s21+$0xFFFFFFF0] =	vst v4  }
0x150: {  	v4 =	vld [tilespmem:s22+$0x10];
	[tilespmem:s21+$0x0] =	vst v3  }
0x151: {  	v1 =	vld.idx.msk [tilespmem:v1+s19+$0x0], $0xffff  }
0x152: {  	v3 =	vld [tilespmem:s22+$0xFFFFFFE0];
	_ =	sdelay $0x1  }
0x153: {  	v5 =	vld [tilespmem:s22+$0x0];
	_ =	sdelay $0x1  }
0x154: {  	v4 =	vmul.f32 v4, v1  }
0x155: {  	v3 =	vmul.f32 v3, v1  }
0x156: {  	v2 =	vmul.f32 v2, v1;
	[tilespmem:s22+$0x10] =	vst v4  }
0x157: {  	s24 =	sadd.s32 $0x1, s24;
	v1 =	vmul.f32 v5, v1;
	[tilespmem:s22+$0xFFFFFFE0] =	vst v3  }
0x158: {  	p4 =	sne.s32 s24, $0x9D;
	[tilespmem:s22+$0xFFFFFFF0] =	vst v2  }
.Ltmp13:
0x159: {  	[tilespmem:s22+$0x0] =	vst v1;
	(pc) =	sbr.rel @p4 .LBB2_4-.Ltmp13, $4  }
0x15a: {  	[spmem:s3] =	stream.indirect.scatter.add.f32 [tilespmem:s0], [sflag:$0x2], $0x40, s28, s25, $0xb8;
	[tilespmem:$0xBF80] =	vst v63  }
0x15b: {  	_ =	swait.ge [sflag:s26], $0x2000  }
0x15c: {  	[sflag:s26] =	ssyncset.done $0x0  }
0x15d: {  	[sflag:s26] =	ssyncadd.s32 $0xFFFFE000  }
0x15e: {  	[bflag:$0x0] =	sbarrier.arrive $0xFFFF  }
0x15f: {  	s4 =	stileid.u32;
	s22 =	rddreg [dreg:$0x8]  }
0x160: {  	s20 =	sshll.u32 s4, $0x6;
	s24 =	rddreg [dreg:$0xe];
	s23 =	sshrl.u32 s22, $0x3  }
0x161: {  	s29 =	sor.u32 $0x1C02, s20;
	[dreg:$0x1e] =	wrdreg s23  }
0x162: {  	[hbm:s24], [sflag:s29] =	dma.local [spmem:s23], $0x400  }
0x163: {  	_ =	swait.ge [sflag:s26], $0x400  }
0x164: {  	s21 =	rddreg [dreg:$0x9]  }
0x165: {  	[sflag:s26] =	ssyncset.done $0x0;
	s23 =	rddreg [dreg:$0xf];
	s22 =	sshrl.u32 s21, $0x3  }
0x166: {  	[sflag:s26] =	ssyncadd.s32 $0xFFFFFC00;
	[smem:$0x7FD] =	sst s22  }
0x167: {  	[hbm:s23], [sflag:s29] =	dma.local [spmem:s22], $0x400  }
0x168: {  	_ =	swait.ge [sflag:s26], $0x400  }
0x169: {  	[sflag:s26] =	ssyncset.done $0x0;
	s24 =	rddreg [dreg:$0xa]  }
0x16a: {  	s21 =	rddreg [dreg:$0x10];
	[sflag:s26] =	ssyncadd.s32 $0xFFFFFC00;
	s4 =	sshrl.u32 s24, $0x3  }
0x16b: {  	[hbm:s21], [sflag:s29] =	dma.local [spmem:s4], $0x400  }
0x16c: {  	_ =	swait.ge [sflag:s26], $0x400  }
0x16d: {  	[sflag:s26] =	ssyncset.done $0x0;
	s22 =	rddreg [dreg:$0xb]  }
0x16e: {  	s24 =	rddreg [dreg:$0x11];
	[sflag:s26] =	ssyncadd.s32 $0xFFFFFC00;
	s23 =	sshrl.u32 s22, $0x3  }
0x16f: {  	[hbm:s24], [sflag:s29] =	dma.local [spmem:s23], $0x400  }
0x170: {  	_ =	swait.ge [sflag:s26], $0x400  }
0x171: {  	[sflag:s26] =	ssyncset.done $0x0;
	s4 =	rddreg [dreg:$0x12]  }
0x172: {  	s20 =	rddreg [dreg:$0x1d];
	[sflag:s26] =	ssyncadd.s32 $0xFFFFFC00  }
0x173: {  	[hbm:s4], [sflag:s29] =	dma.local @!p1 [spmem:s20], $0x400  }
0x174: {  	s20 =	simm.s32 @!p1 $0x2  }
0x175: {  	_ =	swait.ge @!p1 [sflag:s20], $0x400  }
0x176: {  	[sflag:s20] =	ssyncset.done @!p1 $0x0  }
0x177: {  	[sflag:s20] =	ssyncadd.s32 @!p1 $0xFFFFFC00  }
0x178: {  	s21 =	simm.s32 $0x100;
	s20 =	simm.s32 $0x0;
	[bflag:$0x0] =	sbarrier.arrive $0xFFFF  }
.LBB2_8:
0x179: {  	p4 =	sne.s32 s21, $0x7F00;
	[tilespmem:s20+$0x9FB0] =	vst v0;
	s22 =	smov.u32 s21;
	s21 =	sadd.s32 $0x100, s21  }
.Ltmp14:
0x17a: {  	[tilespmem:s20+$0x9FA0] =	vst v0;
	(pc) =	sbr.rel @p4 .LBB2_8-.Ltmp14, $3  }
0x17b: {  	[tilespmem:s20+$0x9F80] =	vst v0  }
0x17c: {  	[tilespmem:s20+$0x9F90] =	vst v0;
	_ =	sdelay $0x1  }
0x17d: {  	s20 =	sshra.s32 s22, $0x2  }
0x17e: {  	[tilespmem:s20+$0x9FB0] =	vst v0  }
0x17f: {  	[tilespmem:s20+$0x9FA0] =	vst v0  }
0x180: {  	[tilespmem:s20+$0x9F80] =	vst v0  }
0x181: {  	[tilespmem:s20+$0x9F90] =	vst v0;
	s4 =	rddreg [dreg:$0x8]  }
0x182: {  	[spmem:s4] =	stream.linear.scatter [tilespmem:s0], [sflag:$0x2], $0x2000, $0x38;
	[tilespmem:$0xBF80] =	vst v63  }
0x183: {  	_ =	swait.ge [sflag:s26], $0x2000  }
0x184: {  	[sflag:s26] =	ssyncset.done $0x0  }
0x185: {  	s24 =	rddreg [dreg:$0x9];
	[sflag:s26] =	ssyncadd.s32 $0xFFFFE000  }
0x186: {  	[spmem:s24] =	stream.linear.scatter [tilespmem:s0], [sflag:$0x2], $0x2000, $0x38;
	[tilespmem:$0xBF80] =	vst v63  }
0x187: {  	_ =	swait.ge [sflag:s26], $0x2000  }
0x188: {  	[sflag:s26] =	ssyncset.done $0x0  }
0x189: {  	s20 =	simm.s32 @!p2 $0x9F80;
	s4 =	rddreg [dreg:$0xa];
	[sflag:s26] =	ssyncadd.s32 $0xFFFFE000  }
0x18a: {  	[spmem:s4] =	stream.linear.scatter @!p2 [tilespmem:s20], [sflag:$0x2], $0x2000, $0x38;
	[tilespmem:$0xBF80] =	vst v63  }
0x18b: {  	s20 =	simm.s32 @!p2 $0x2  }
0x18c: {  	_ =	swait.ge @!p2 [sflag:s20], $0x2000  }
0x18d: {  	[sflag:s20] =	ssyncset.done @!p2 $0x0  }
0x18e: {  	[sflag:s20] =	ssyncadd.s32 @!p2 $0xFFFFE000  }
0x18f: {  	s23 =	simm.s32 $0x0;
	s21 =	simm.s32 $0x0;
	[bflag:$0x0] =	sbarrier.arrive $0xFFFF  }
.LBB2_10:
0x190: {  	s20 =	sshll.u32 s21, $0x7  }
0x191: {  	s20 =	sadd.s32 s31, s20  }
0x192: {  	s20 =	sshrl.u32 s20, $0x3  }
0x193: {  	s22 =	sadd.s32 s14, s20  }
0x194: {  	[tilespmem:s28], [sflag:$0x2] =	stream.linear.gather [hbm4b:s22+s23], $0x80, $0x38;
	[tilespmem:$0xBF80] =	vst v63  }
0x195: {  	_ =	swait.ge [sflag:s26], $0x80  }
0x196: {  	[sflag:s26] =	ssyncset.done $0x0  }
0x197: {  	s24 =	sadd.s32 s15, s20;
	[sflag:s26] =	ssyncadd.s32 $0xFFFFFF80  }
0x198: {  	[tilespmem:s18], [sflag:$0x2] =	stream.linear.gather [hbm4b:s24+s23], $0x80, $0x38;
	[tilespmem:$0xBF80] =	vst v63  }
0x199: {  	_ =	swait.ge [sflag:s26], $0x80  }
0x19a: {  	[sflag:s26] =	ssyncset.done $0x0  }
0x19b: {  	s20 =	sadd.s32 s16, s20;
	[sflag:s26] =	ssyncadd.s32 $0xFFFFFF80  }
0x19c: {  	[tilespmem:s19], [sflag:$0x2] =	stream.linear.gather [hbm4b:s20+s23], $0x80, $0x38;
	[tilespmem:$0xBF80] =	vst v63  }
0x19d: {  	_ =	swait.ge [sflag:s26], $0x80  }
0x19e: {  	[sflag:s26] =	ssyncset.done $0x0  }
0x19f: {  	[sflag:s26] =	ssyncadd.s32 $0xFFFFFF80  }
0x1a0: {  	[tilespmem:s0], [sflag:$0x1] =	stream.indirect.gather [hbm4b:s2+s25], $0x40, s18, s25, $0xb8;
	[tilespmem:$0xBF80] =	vst v63  }
0x1a1: {  	v1 =	vmov s23;
	_ =	swait.ge [sflag:s17], $0x2000  }
0x1a2: {  	[sflag:s17] =	ssyncset.done $0x0  }
0x1a3: {  	s22 =	simm.s32 $0x9FA0;
	[sflag:s17] =	ssyncadd.s32 $0xFFFFE000  }
0x1a4: {  	v3 =	vld [tilespmem:s22+$0xFFFFFFF0]  }
0x1a5: {  	v4 =	vld [tilespmem:s22+$0x10]  }
0x1a6: {  	v6 =	vld.idx.msk [tilespmem:v1+s19+$0x0], $0xffff  }
0x1a7: {  	v1 =	vld [tilespmem:s22+$0xFFFFFFE0]  }
0x1a8: {  	v7 =	vld [tilespmem:s22+$0x0];
	_ =	sdelay $0x3  }
0x1a9: {  	s4 =	simm.s32 $0x1;
	v2 =	vmul.f32 v1, v6;
	v5 =	vmul.f32 v4, v6  }
0x1aa: {  	s24 =	simm.s32 $0x2;
	s20 =	simm.s32 $0x9FA0;
	v1 =	vmov s4;
	v4 =	vmul.f32 v3, v6;
	v3 =	vmul.f32 v7, v6  }
.LBB2_11:
0x1ab: {  	p4 =	sne.s32 s24, $0x7F  }
0x1ac: {  	[tilespmem:s22+$0x10] =	vst v5;
	s20 =	sadd.s32 $0x40, s20;
	s4 =	smov.u32 s24;
	s24 =	sadd.s32 $0x1, s24  }
0x1ad: {  	[tilespmem:s22+$0xFFFFFFE0] =	vst v2  }
0x1ae: {  	v6 =	vld [tilespmem:s20+$0xFFFFFFF0];
	[tilespmem:s22+$0xFFFFFFF0] =	vst v4  }
0x1af: {  	v4 =	vld [tilespmem:s20+$0x10];
	[tilespmem:s22+$0x0] =	vst v3;
	s22 =	smov.u32 s20  }
0x1b0: {  	v3 =	vld.idx.msk [tilespmem:v1+s19+$0x0], $0xffff  }
0x1b1: {  	v1 =	vld [tilespmem:s20+$0xFFFFFFE0]  }
0x1b2: {  	v7 =	vld [tilespmem:s20+$0x0]  }
.Ltmp15:
0x1b3: {  	(pc) =	sbr.rel @p4 .LBB2_11-.Ltmp15, $3  }
0x1b4: {  	_ =	sdelay $0x1  }
0x1b5: {  	v5 =	vmul.f32 v4, v3;
	v2 =	vmul.f32 v1, v3  }
0x1b6: {  	v4 =	vmul.f32 v6, v3;
	v1 =	vmov s4;
	v3 =	vmul.f32 v7, v3  }
0x1b7: {  	[tilespmem:s22+$0x10] =	vst v5  }
0x1b8: {  	s4 =	sadd.s32 $0x40, s20;
	[tilespmem:s22+$0xFFFFFFE0] =	vst v2  }
0x1b9: {  	v2 =	vld [tilespmem:s4+$0xFFFFFFF0];
	[tilespmem:s22+$0xFFFFFFF0] =	vst v4  }
0x1ba: {  	v4 =	vld [tilespmem:s4+$0x10];
	[tilespmem:s22+$0x0] =	vst v3  }
0x1bb: {  	v1 =	vld.idx.msk [tilespmem:v1+s19+$0x0], $0xffff  }
0x1bc: {  	v3 =	vld [tilespmem:s4+$0xFFFFFFE0];
	_ =	sdelay $0x1  }
0x1bd: {  	v5 =	vld [tilespmem:s4+$0x0];
	_ =	sdelay $0x1  }
0x1be: {  	v4 =	vmul.f32 v4, v1  }
0x1bf: {  	v3 =	vmul.f32 v3, v1  }
0x1c0: {  	v2 =	vmul.f32 v2, v1;
	[tilespmem:s4+$0x10] =	vst v4  }
0x1c1: {  	s21 =	sadd.s32 $0x1, s21;
	v1 =	vmul.f32 v5, v1;
	[tilespmem:s4+$0xFFFFFFE0] =	vst v3  }
0x1c2: {  	p4 =	sne.s32 s21, $0x4F;
	[tilespmem:s4+$0xFFFFFFF0] =	vst v2  }
.Ltmp16:
0x1c3: {  	[tilespmem:s4+$0x0] =	vst v1;
	(pc) =	sbr.rel @p4 .LBB2_10-.Ltmp16, $4  }
0x1c4: {  	[spmem:s3] =	stream.indirect.scatter.add.f32 [tilespmem:s0], [sflag:$0x2], $0x40, s28, s25, $0xb8;
	[tilespmem:$0xBF80] =	vst v63  }
0x1c5: {  	_ =	swait.ge [sflag:s26], $0x2000  }
0x1c6: {  	[sflag:s26] =	ssyncset.done $0x0  }
0x1c7: {  	[sflag:s26] =	ssyncadd.s32 $0xFFFFE000  }
0x1c8: {  	[bflag:$0x0] =	sbarrier.arrive $0xFFFF  }
0x1c9: {  	s4 =	rddreg [dreg:$0x18]  }
0x1ca: {  	s20 =	rddreg [dreg:$0x1e]  }
0x1cb: {  	[hbm:s4], [sflag:s29] =	dma.local [spmem:s20], $0x400  }
0x1cc: {  	_ =	swait.ge [sflag:s26], $0x400  }
0x1cd: {  	s24 =	sld [smem:$0x7FD]  }
0x1ce: {  	[sflag:s26] =	ssyncset.done $0x0  }
0x1cf: {  	s23 =	rddreg [dreg:$0x1a];
	[sflag:s26] =	ssyncadd.s32 $0xFFFFFC00  }
0x1d0: {  	[hbm:s23], [sflag:s29] =	dma.local [spmem:s24], $0x400  }
.Ltmp17:
0x1d1: {  	_ = 	snop;
	(pc) =	sbr.rel @p3 .LBB2_26-.Ltmp17, $4  }
.Ltmp18:
0x1d2: {  	_ =	swait.ge [sflag:s26], $0x400;
	(pc) =	sbr.rel @!p3 .LBB2_27-.Ltmp18, $4  }
0x1d3: {  	s20 =	rddreg [dreg:$0x7]  }
0x1d4: {  	[sflag:s26] =	ssyncset.done $0x0;
	s21 =	rddreg [dreg:$0x5]  }
0x1d5: {  	s23 =	rddreg [dreg:$0xc];
	[sflag:s26] =	ssyncadd.s32 $0xFFFFFC00  }
0x1d6: {  	_ = 	snop  }
.LBB2_28:
0x1d7: {  	_ =	sfence.sel $0x180000  }
0x1d8: {  	[bflag:$0x0] =	sbarrier.arrive $0xFFFF  }
0x1d9: {  	_ =	strace $0x9000004A  }
0x1da: {  	s0 =	stileid.u32;
	[bflag:$0x2] =	sbarrier.arrive $0xFFFF  }
0x1db: {  	p0 =	sne.s32 s0, $0x0;
	s0 =	rddreg [dreg:$0x4]  }
0x1dc: {  	s0 =	sadd.s32 @!p0 $0x100000, s0  }
0x1dd: {  	[sflag:s0] =	ssyncadd.tile.s32 @!p0 $0x1;
	_ =	shalt  }
.Lfunc_end2:
_tile_overlayer_lowered:
.L_overlay_start_2:
0x1de: {  	(tag) =	ssettag $0x2  }
0x1df: {  	s0 =	rddreg [dreg:$0x0];
	s2 =	stileid.u32  }
0x1e0: {  	s1 =	rddreg [dreg:$0x1];
	p0 =	sne.s32 s2, $0x0  }
0x1e1: {  	s3 =	rddreg [dreg:$0x2];
	[bflag:$0x3] =	sbarrier.arrive $0xFFFF;
	s2 =	simm.s32 @!p0 $0x1C02  }
0x1e2: {  	[timem:s3], [sflag:s2] =	dma.local @!p0 [hbm:s0], s1  }
0x1e3: {  	s0 =	simm.s32 @!p0 $0x2  }
0x1e4: {  	_ =	swait.ge @!p0 [sflag:s0], s1  }
0x1e5: {  	s1 =	ssub.s32 @!p0 $0x0, s1;
	[sflag:s0] =	ssyncset.done @!p0 $0x0  }
0x1e6: {  	[sflag:s0] =	ssyncadd.s32 @!p0 s1  }
0x1e7: {  	[bflag:$0x3] =	sbarrier.arrive $0xFFFF  }
0x1e8: {  	_ =	shalt  }

// kernel: kernel.7.cloned.1.call-start
scs
__scs_entry_jumppad:
0x0: {  	(pc) =	sbr.rel $0x88, $3  }
0x1: {  	(tag) =	ssettag $0x0;
	lr =	simm.s32 $0x1  }
0x2: {  	[smem:$0x3F95] =	sst lr;
	_ =	strace $0xD0000000  }
0x3: {  	_ = 	snop  }
0x4: {  	_ = 	snop  }
0x5: {  	_ = 	snop  }
0x6: {  	_ = 	snop  }
0x7: {  	_ = 	snop  }
__scs_overlays_trampoline_lowered:
0x8: {  	[smem:$0x3FA4] =	sst s0  }
0x9: {  	[smem:$0x3FA5] =	sst s1  }
0xa: {  	[smem:$0x3FA6] =	sst s2  }
0xb: {  	[smem:$0x3FA7] =	sst s3  }
0xc: {  	[smem:$0x3FA8] =	sst s4  }
0xd: {  	[smem:$0x3FA9] =	sst s5  }
0xe: {  	[smem:$0x3FAA] =	sst s6  }
0xf: {  	[smem:$0x3FAB] =	sst s7  }
0x10: {  	[smem:$0x3FAC] =	sst s8  }
0x11: {  	[smem:$0x3FAD] =	sst s9;
	s0 =	simm.s32 @!p0 $0x0  }
0x12: {  	s1 =	sld [smem:$0x3F93];
	s0 =	simm.s32 @p0 $0x1  }
0x13: {  	[smem:$0x3FAE] =	sst s0;
	s0 =	simm.s32 @!p1 $0x0  }
0x14: {  	s2 =	sld [smem:$0x3F92];
	s0 =	simm.s32 @p1 $0x1  }
0x15: {  	[smem:$0x3FAF] =	sst s0;
	s0 =	simm.s32 @!p2 $0x0  }
0x16: {  	s3 =	sld [smem:$0x3FDB];
	s0 =	simm.s32 @p2 $0x1  }
0x17: {  	s4 =	simm.s32 $0x1BF5;
	[smem:$0x3FB1] =	sst s0  }
0x18: {  	s0 =	sld [smem:$0x3F94];
	_ =	swait.ge [sflag:s4], $0x0  }
0x19: {  	s7 =	sld [smem:$0x3F95]  }
0x1a: {  	s8 =	sadd.s32 $0xFFFFE003, lr  }
0x1b: {  	s9 =	sadd.s32 $0xFFFFFEF7, lr;
	s5 =	simm.s32 $0xFFFFFFFF;
	p2 =	slt.u32 s8, $0xFFFFF086  }
0x1c: {  	p1 =	slt.u32 s9, $0xF7A;
	s5 =	simm.s32 @!p2 $0x0  }
0x1d: {  	s5 =	simm.s32 @p1 $0x1;
	p0 =	seq.s32 s7, s2  }
0x1e: {  	s7 =	smul.u32 @!p0 $0xF7A, s2;
	p2 =	seq.s32 @!p0 s5, $0x0  }
0x1f: {  	s9 =	smul.u32 $0xF7A, s1;
	s8 =	simm.s32 @!p0 $0x1BF5;
	p2 =	por !p2, p0  }
0x20: {  	[sflag:s8] =	ssyncset.s32 @!p0 $0xFFFFF086;
	s6 =	sadd.s32 @!p0 s3, s7;
	s7 =	simm.s32 @!p0 $0x108  }
0x21: {  	s3 =	sadd.s32 s3, s9;
	s6 =	sadd.s32 @!p0 $0x88, s6;
	s7 =	simm.s32 @p2 $0x1082  }
0x22: {  	[simem:s7], [sflag:s8] =	dma.local @!p0 [hbm:s6], $0xF7A  }
0x23: {  	s9 =	sor.u32 $0xD0000000, s2;
	s6 =	simm.s32 $0x108;
	_ =	swait.ge @!p0 [sflag:s8], $0x0  }
0x24: {  	s3 =	sadd.s32 $0x88, s3;
	s6 =	simm.s32 @!p1 $0x1082;
	[sflag:s4] =	ssyncset.s32 $0xFFFFF086  }
0x25: {  	[simem:s6], [sflag:s4] =	dma.local [hbm:s3], $0xF7A  }
0x26: {  	[smem:$0x3F95] =	sst s1;
	(tag) =	ssettag s2;
	_ =	strace s9  }
0x27: {  	s1 =	sld [smem:$0x3FA5]  }
0x28: {  	s2 =	sld [smem:$0x3FA6]  }
0x29: {  	s4 =	sld [smem:$0x3FA8]  }
0x2a: {  	p0 =	seq.s32 s5, $0x0;
	s5 =	sld [smem:$0x3FA9]  }
0x2b: {  	s6 =	sld [smem:$0x3FAA]  }
0x2c: {  	s7 =	sld [smem:$0x3FAB]  }
0x2d: {  	s3 =	simm.s32 $0x108;
	s8 =	sld [smem:$0x3FAC]  }
0x2e: {  	s3 =	simm.s32 @!p0 $0x1082;
	s9 =	sld [smem:$0x3FAD]  }
0x2f: {  	lr =	sadd.s32 s0, s3;
	s0 =	sld [smem:$0x3FA4]  }
0x30: {  	s3 =	sld [smem:$0x3FA7]  }
0x31: {  	[smem:$0x3FB0] =	sst s10  }
0x32: {  	s10 =	sld [smem:$0x3FAE];
	_ =	sdelay $0x3  }
0x33: {  	p0 =	seq.s32 s10, $0x1;
	s10 =	sld [smem:$0x3FB0];
	_ =	sdelay $0x3  }
0x34: {  	[smem:$0x3FB0] =	sst s10  }
0x35: {  	s10 =	sld [smem:$0x3FAF];
	_ =	sdelay $0x3  }
0x36: {  	p1 =	seq.s32 s10, $0x1;
	s10 =	sld [smem:$0x3FB0];
	_ =	sdelay $0x3  }
0x37: {  	[smem:$0x3FB0] =	sst s10  }
0x38: {  	s10 =	sld [smem:$0x3FB1]  }
0x39: {  	_ = 	snop;
	(pc) =	sbr.ind lr, $3  }
0x3a: {  	_ = 	snop  }
0x3b: {  	_ = 	snop  }
0x3c: {  	p2 =	seq.s32 s10, $0x1;
	s10 =	sld [smem:$0x3FB0]  }
0x3d: {  	_ =	shalt  }
0x3e: {  	_ =	shalt  }
0x3f: {  	_ =	shalt  }
0x40: {  	_ =	shalt  }
0x41: {  	_ =	shalt  }
0x42: {  	_ =	shalt  }
0x43: {  	_ =	shalt  }
0x44: {  	_ =	shalt  }
0x45: {  	_ =	shalt  }
0x46: {  	_ =	shalt  }
0x47: {  	_ =	shalt  }
0x48: {  	_ =	shalt  }
0x49: {  	_ =	shalt  }
0x4a: {  	_ =	shalt  }
0x4b: {  	_ =	shalt  }
0x4c: {  	_ =	shalt  }
0x4d: {  	_ =	shalt  }
0x4e: {  	_ =	shalt  }
0x4f: {  	_ =	shalt  }
0x50: {  	_ =	shalt  }
0x51: {  	_ =	shalt  }
0x52: {  	_ =	shalt  }
0x53: {  	_ =	shalt  }
0x54: {  	_ =	shalt  }
0x55: {  	_ =	shalt  }
0x56: {  	_ =	shalt  }
0x57: {  	_ =	shalt  }
0x58: {  	_ =	shalt  }
0x59: {  	_ =	shalt  }
0x5a: {  	_ =	shalt  }
0x5b: {  	_ =	shalt  }
0x5c: {  	_ =	shalt  }
0x5d: {  	_ =	shalt  }
0x5e: {  	_ =	shalt  }
0x5f: {  	_ =	shalt  }
0x60: {  	_ =	shalt  }
0x61: {  	_ =	shalt  }
0x62: {  	_ =	shalt  }
0x63: {  	_ =	shalt  }
0x64: {  	_ =	shalt  }
0x65: {  	_ =	shalt  }
0x66: {  	_ =	shalt  }
0x67: {  	_ =	shalt  }
0x68: {  	_ =	shalt  }
0x69: {  	_ =	shalt  }
0x6a: {  	_ =	shalt  }
0x6b: {  	_ =	shalt  }
0x6c: {  	_ =	shalt  }
0x6d: {  	_ =	shalt  }
0x6e: {  	_ =	shalt  }
0x6f: {  	_ =	shalt  }
0x70: {  	_ =	shalt  }
0x71: {  	_ =	shalt  }
0x72: {  	_ =	shalt  }
0x73: {  	_ =	shalt  }
0x74: {  	_ =	shalt  }
0x75: {  	_ =	shalt  }
0x76: {  	_ =	shalt  }
0x77: {  	_ =	shalt  }
0x78: {  	_ =	shalt  }
0x79: {  	_ =	shalt  }
0x7a: {  	_ =	shalt  }
0x7b: {  	_ =	shalt  }
0x7c: {  	_ =	shalt  }
0x7d: {  	_ =	shalt  }
0x7e: {  	_ =	shalt  }
0x7f: {  	_ =	shalt  }
0x80: {  	_ =	shalt  }
0x81: {  	_ =	shalt  }
0x82: {  	_ =	shalt  }
0x83: {  	_ =	shalt  }
0x84: {  	_ =	shalt  }
0x85: {  	_ =	shalt  }
0x86: {  	_ =	shalt  }
0x87: {  	_ =	shalt  }
.Lfunc_end0:
.L_simem_size_0:
called_computation_lowered:
.L_overlay_start_0:
0x88: {  	s2 =	sld [smem:$0x3FD9]  }
0x89: {  	s3 =	sld [smem:$0x3FFE];
	_ =	sdelay $0x1  }
0x8a: {  	s1 =	srdreg.scid  }
0x8b: {  	s0 =	sand.u32 $0x1, s1  }
0x8c: {  	s14 =	sshll.u32 s0, $0xA;
	s2 =	sadd.s32 s3, s2  }
0x8d: {  	s2 =	sadd.s32 s2, s14  }
0x8e: {  	[smem:$0x3FBC] =	sst s2  }
0x8f: {  	_ = 	snop  }
0x90: {  	s2 =	sld [smem:$0x3FD0];
	_ =	sdelay $0x2  }
0x91: {  	s15 =	simm.s32 $0xA;
	s4 =	simm.s32 $0x10  }
0x92: {  	[smem:s4], [sflag:s15] =	dma.local [hbm:s2], $0x1  }
0x93: {  	_ =	swait.eq [sflag:s15], $0x1  }
0x94: {  	[sflag:s15] =	ssyncset.done $0x0  }
0x95: {  	[sflag:s15] =	ssyncadd.s32 $0xFFFFFFFF  }
0x96: {  	s16 =	sld [smem:$0x10];
	(tm) =	ssettm $0x1  }
0x97: {  	s17 =	sld [smem:$0x3FFB];
	_ =	sdelay $0x3  }
0x98: {  	_ =	strace s17  }
0x99: {  	s3 =	sld [smem:$0x3FFC];
	_ =	sdelay $0x3  }
0x9a: {  	_ =	strace s3  }
0x9b: {  	s3 =	sld [smem:$0x3FFD];
	_ =	sdelay $0x3  }
0x9c: {  	_ =	strace s3  }
0x9d: {  	_ =	strace $0x8FFFFFFF  }
0x9e: {  	s18 =	sld [smem:$0x3FDB];
	_ =	sdelay $0x1  }
0x9f: {  	s19 =	simm.s32 $_scs_section_size  }
0xa0: {  	s5 =	simm.s32 $_size__tile_overlayer_lowered;
	s6 =	simm.s32 $_tile_overlayer_lowered  }
0xa1: {  	s22 =	simm.s32 $0x1BFF;
	s21 =	sshll.u32 s6, $0x1;
	s3 =	sadd.s32 s19, s18  }
0xa2: {  	s7 =	simm.s32 $0x0;
	s20 =	sshll.u32 s5, $0x1;
	s5 =	sadd.s32 s21, s3  }
0xa3: {  	[timem:s7], [sflag:s22] =	dma.local [hbm:s5], s20  }
0xa4: {  	_ =	swait.ge [sflag:s22], s20  }
0xa5: {  	s4 =	ssub.s32 $0x0, s20;
	[sflag:s22] =	ssyncset.done $0x0  }
0xa6: {  	[sflag:s22] =	ssyncadd.s32 s4;
	_ =	sdelay $0x1  }
0xa7: {  	s23 =	simm.s32 $0x1B8B  }
0xa8: {  	_ =	swait.ge [sflag:s23], $0x1  }
0xa9: {  	[sflag:s23] =	ssyncset.done $0x0  }
0xaa: {  	s25 =	simm.s32 $0x1B8E;
	s24 =	sld [smem:$0x3FFE];
	[sflag:s23] =	ssyncadd.s32 $0xFFFFFFFF  }
0xab: {  	s26 =	simm.s32 $execute0_lowered;
	[smem:$0x3FD2] =	sst s25  }
0xac: {  	s5 =	sshll.u32 s26, $0x1;
	_ =	strace $0x80000046;
	[dreg:$0x1] =	wrdreg $0xFFFFFFFF  }
0xad: {  	s28 =	simm.s32 $_size_execute0_lowered;
	s3 =	sadd.s32 s3, s5;
	[dreg:$0x0] =	wrdreg $0x0  }
0xae: {  	s5 =	sshll.u32 s28, $0x1;
	[dreg:$0x2] =	wrdreg s3  }
0xaf: {  	[dreg:$0x3] =	wrdreg s5  }
0xb0: {  	[dreg:$0x4] =	wrdreg $0xC0  }
0xb1: {  	_ =	task [dreg:s7], $0x5FFFF  }
0xb2: {  	[dreg:$0x1] =	wrdreg $0xFFFFFFFF  }
0xb3: {  	[dreg:$0x0] =	wrdreg $0x60  }
0xb4: {  	[dreg:$0x2] =	wrdreg s24  }
0xb5: {  	[dreg:$0x3] =	wrdreg s16  }
0xb6: {  	[dreg:$0x4] =	wrdreg $0x0  }
0xb7: {  	[dreg:$0x5] =	wrdreg $0x9  }
0xb8: {  	_ =	task.clear_ibuf [dreg:s7], $0x6FFFF;
	_ =	strace $0x90000046  }
0xb9: {  	s29 =	simm.s32 $0x9;
	_ =	strace $0x80000048  }
0xba: {  	_ =	swait.ge [sflag:s29], $0x1  }
0xbb: {  	[sflag:s29] =	ssyncadd.s32 $0xFFFFFFFF  }
0xbc: {  	_ =	strace $0x90000048  }
0xbd: {  	_ =	sfence  }
0xbe: {  	s30 =	sld [smem:$0x0];
	_ =	sdelay $0x2  }
0xbf: {  	s31 =	sshll.u32 s1, $0xD;
	s1 =	sshrl.u32 s1, $0x2  }
0xc0: {  	s3 =	sand.u32 $0x4000, s31;
	s1 =	sadd.s32 s1, s30  }
0xc1: {  	s0 =	sor.u32 s3, s0;
	s1 =	sshll.u32 s1, $0x11  }
0xc2: {  	s0 =	sor.u32 s1, s0  }
0xc3: {  	s0 =	sadd.s32 $0x8F2B, s0  }
0xc4: {  	[sflag:s0] =	ssyncadd.remote.s32 $0x1  }
0xc5: {  	_ =	sfence.sel $0xFFFF  }
0xc6: {  	[dreg:$0x0] =	wrdreg $0xFFFFFFFF;
	(pc) =	sbr.abs _section_cstart, $3  }
0xc7: {  	[dreg:$0x1] =	wrdreg $0xFFFFFFFF  }
0xc8: {  	_ =	task.clear_ibuf [dreg:s7], $0x2FFFF;
	_ =	strace $0x9FFFFFFF  }
0xc9: {  	(tm) =	ssettm $0x7FFFFFFF  }
tec
execute0_lowered:
.L_overlay_start_1:
0x0: {  	(tag) =	ssettag $0x1  }
0x1: {  	s0 =	rddreg [dreg:$0x0]  }
0x2: {  	s1 =	rddreg [dreg:$0x1]  }
0x3: {  	s2 =	rddreg [dreg:$0x2]  }
0x4: {  	s3 =	simm.s32 $0x0;
	s22 =	srdreg.scid;
	s25 =	stileid.u32  }
0x5: {  	[smem:$0x7FF] =	sst s3;
	s4 =	sadd.s32 $0x2E800, s0;
	s5 =	sadd.s32 $0x87000, s0  }
0x6: {  	s6 =	sadd.s32 $0x5F800, s0;
	s7 =	sadd.s32 $0x6E00, s0;
	s8 =	sadd.s32 $0x69600, s0  }
0x7: {  	s9 =	sadd.s32 $0x73400, s0;
	s10 =	sadd.s32 $0x10C00, s0;
	s11 =	sadd.s32 $0x7D200, s0  }
0x8: {  	s12 =	sadd.s32 $0x55A00, s0;
	s13 =	sadd.s32 $0x1AA00, s0;
	s14 =	sadd.s32 $0x29800, s0  }
0x9: {  	s15 =	sadd.s32 $0x24800, s0;
	s3 =	sand.u32 $0x1, s22;
	s17 =	sadd.s32 $0x1E00, s0  }
0xa: {  	s16 =	sadd.s32 $0x90E00, s0;
	s19 =	sadd.s32 $0xE0600, s0;
	s26 =	sadd.s32 $0xB8600, s0  }
0xb: {  	s23 =	sshll.u32 s25, $0xE;
	s28 =	sadd.s32 $0xCC600, s0;
	_ =	strace $0x80000047  }
0xc: {  	s18 =	ssub.s32 $0x2, s3;
	p0 =	seq.s32 s3, $0x1;
	s24 =	sadd.s32 s23, s2  }
0xd: {  	s3 =	sor.u32 $0x20, s25;
	[dreg:$0x5] =	wrdreg s28;
	s20 =	sshrl.u32 s18, $0x1  }
0xe: {  	[dreg:$0x4] =	wrdreg s26;
	s18 =	ssub.s32 s18, s20;
	s20 =	sor.u32 $0x10, s25  }
0xf: {  	[dreg:$0x6] =	wrdreg s24;
	s22 =	sshll.u32 s3, $0xE;
	s21 =	sshll.u32 s20, $0xE  }
0x10: {  	s22 =	sadd.s32 s22, s2;
	s29 =	sadd.s32 s21, s2;
	s21 =	sor.u32 $0x30, s25  }
0x11: {  	s0 =	sshll.u32 s25, $0xB;
	[dreg:$0x8] =	wrdreg s22;
	s23 =	sshll.u32 s21, $0xE  }
0x12: {  	[dreg:$0x7] =	wrdreg s29;
	s29 =	sor.u32 $0x40, s25;
	s23 =	sadd.s32 s23, s2  }
0x13: {  	s24 =	sshll.u32 s29, $0xE;
	[dreg:$0x9] =	wrdreg s23;
	s23 =	sshll.u32 s3, $0xB  }
0x14: {  	s3 =	sshll.u32 s21, $0xB;
	s21 =	sshll.u32 s29, $0xB;
	s29 =	sadd.s32 s16, s0  }
0x15: {  	[dreg:$0xc] =	wrdreg s29  }
0x16: {  	s20 =	sshll.u32 s20, $0xB;
	s22 =	sadd.s32 s24, s2;
	[dreg:$0xb] =	wrdreg s23  }
0x17: {  	s29 =	sadd.s32 s16, s20;
	[dreg:$0xa] =	wrdreg s22  }
0x18: {  	s24 =	sadd.s32 s19, s21;
	[dreg:$0xd] =	wrdreg s29  }
0x19: {  	s29 =	sadd.s32 s16, s23;
	[dreg:$0x12] =	wrdreg s24  }
0x1a: {  	s24 =	sadd.s32 s28, s20;
	[dreg:$0xe] =	wrdreg s29  }
0x1b: {  	s29 =	sadd.s32 s16, s3;
	[dreg:$0x18] =	wrdreg s24  }
0x1c: {  	p1 =	seq.s32 s25, $0xF;
	s16 =	sadd.s32 s16, s21;
	[dreg:$0xf] =	wrdreg s29  }
0x1d: {  	p2 =	sgt.u32 s25, $0x7;
	s3 =	sadd.s32 s19, s3;
	[dreg:$0x10] =	wrdreg s16  }
0x1e: {  	p3 =	slt.u32 s25, $0x8;
	s21 =	sadd.s32 s19, s23;
	[dreg:$0x11] =	wrdreg s3  }
0x1f: {  	s30 =	smul.u32 $0x4E80, s25;
	s23 =	sadd.s32 s28, s0;
	[dreg:$0x15] =	wrdreg s21  }
0x20: {  	s31 =	smul.u32 $0x2780, s25;
	s29 =	sadd.s32 s19, s0;
	[dreg:$0x16] =	wrdreg s23  }
0x21: {  	s25 =	simm.s32 $0x80;
	s16 =	sadd.s32 s19, s20;
	[dreg:$0x13] =	wrdreg s29  }
.Ltmp0:
0x22: {  	s0 =	sadd.s32 s26, s0;
	[dreg:$0x14] =	wrdreg s16;
	(pc) =	sbr.rel .LBB2_1-.Ltmp0, $4  }
0x23: {  	s28 =	simm.s32 $0x13C00;
	s26 =	sadd.s32 s26, s20;
	[dreg:$0x17] =	wrdreg s0  }
0x24: {  	s19 =	simm.s32 $0x13D00;
	s21 =	simm.s32 $0x0;
	[dreg:$0x19] =	wrdreg s26  }
0x25: {  	s29 =	smax.u32 s18, $0x1;
	s0 =	simm.s32 $0x13D80;
	s26 =	simm.s32 $0x2  }
0x26: {  	v0 =	vimm.f32 $0.0e+00;
	s18 =	simm.s32 $0x13C80;
	s16 =	simm.s32 $0x1;
	[dreg:$0x1a] =	wrdreg s29  }
.LBB2_28:
0x27: {  	s3 =	rddreg [dreg:$0xb]  }
0x28: {  	s24 =	rddreg [dreg:$0x8]  }
0x29: {  	s3 =	sadd.s32 s20, s3;
	s20 =	sshrl.u32 s24, $0x3  }
0x2a: {  	[hbm:s3], [sflag:s29] =	dma.local [spmem:s20], $0x800  }
0x2b: {  	_ =	swait.ge [sflag:s26], $0x800  }
0x2c: {  	[sflag:s26] =	ssyncset.done $0x0  }
0x2d: {  	[sflag:s26] =	ssyncadd.s32 $0xFFFFF800  }
.LBB2_29:
0x2e: {  	s21 =	sadd.s32 $0x1, s21;
	s3 =	rddreg [dreg:$0x1a]  }
0x2f: {  	p4 =	sne.s32 s21, s3  }
.Ltmp1:
0x30: {  	_ = 	snop;
	(pc) =	sbr.rel @!p4 .LBB2_30-.Ltmp1, $2  }
0x31: {  	_ =	sdelay $0x1  }
0x32: {  	[bflag:$0x0] =	sbarrier.arrive $0xFFFF;
	_ =	sdelay $0x1  }
.LBB2_1:
.Ltmp2:
0x33: {  	(pc) =	sbr.rel @!p0 .LBB2_2-.Ltmp2, $2  }
0x34: {  	_ =	sdelay $0x2  }
0x35: {  	[dreg:$0x1b] =	wrdreg s21;
	s23 =	sshrl.u32 @!p1 s22, $0x3  }
0x36: {  	s3 =	simm.s32 $0x0  }
0x37: {  	s20 =	sshra.s32 s3, $0x2;
	s21 =	sadd.s32 $0x200, s3  }
.LBB2_16:
0x38: {  	p4 =	sne.s32 s21, $0xFE00;
	[tilespmem:s20+$0x13DF0] =	vst v0  }
0x39: {  	[tilespmem:s20+$0x13D80] =	vst v0  }
0x3a: {  	[tilespmem:s20+$0x13D90] =	vst v0  }
.Ltmp3:
0x3b: {  	[tilespmem:s20+$0x13DA0] =	vst v0;
	(pc) =	sbr.rel @p4 .LBB2_16-.Ltmp3, $4  }
0x3c: {  	[tilespmem:s20+$0x13DB0] =	vst v0  }
0x3d: {  	[tilespmem:s20+$0x13DC0] =	vst v0  }
0x3e: {  	[tilespmem:s20+$0x13DD0] =	vst v0  }
0x3f: {  	[tilespmem:s20+$0x13DE0] =	vst v0;
	s20 =	sshra.s32 s21, $0x2;
	s21 =	sadd.s32 $0x200, s21  }
0x40: {  	[tilespmem:s20+$0x13DF0] =	vst v0  }
0x41: {  	[tilespmem:s20+$0x13D80] =	vst v0  }
0x42: {  	[tilespmem:s20+$0x13D90] =	vst v0  }
0x43: {  	[tilespmem:s20+$0x13DA0] =	vst v0  }
0x44: {  	[tilespmem:s20+$0x13DB0] =	vst v0  }
0x45: {  	[tilespmem:s20+$0x13DC0] =	vst v0  }
0x46: {  	[tilespmem:s20+$0x13DD0] =	vst v0  }
0x47: {  	[tilespmem:s20+$0x13DE0] =	vst v0;
	s3 =	rddreg [dreg:$0x6]  }
0x48: {  	[spmem:s3] =	stream.linear.scatter [tilespmem:s0], [sflag:$0x2], $0x4000, $0x38;
	[tilespmem:$0x17D80] =	vst v63  }
0x49: {  	_ =	swait.ge [sflag:s26], $0x4000  }
0x4a: {  	[sflag:s26] =	ssyncset.done $0x0  }
0x4b: {  	s21 =	rddreg [dreg:$0x7];
	[sflag:s26] =	ssyncadd.s32 $0xFFFFC000  }
0x4c: {  	[spmem:s21] =	stream.linear.scatter [tilespmem:s0], [sflag:$0x2], $0x4000, $0x38;
	[tilespmem:$0x17D80] =	vst v63  }
0x4d: {  	_ =	swait.ge [sflag:s26], $0x4000  }
0x4e: {  	[sflag:s26] =	ssyncset.done $0x0  }
0x4f: {  	s24 =	rddreg [dreg:$0x8];
	[sflag:s26] =	ssyncadd.s32 $0xFFFFC000  }
0x50: {  	[spmem:s24] =	stream.linear.scatter [tilespmem:s0], [sflag:$0x2], $0x4000, $0x38;
	[tilespmem:$0x17D80] =	vst v63  }
0x51: {  	_ =	swait.ge [sflag:s26], $0x4000  }
0x52: {  	[sflag:s26] =	ssyncset.done $0x0  }
0x53: {  	s29 =	rddreg [dreg:$0x9];
	[sflag:s26] =	ssyncadd.s32 $0xFFFFC000  }
0x54: {  	[spmem:s29] =	stream.linear.scatter [tilespmem:s0], [sflag:$0x2], $0x4000, $0x38;
	[tilespmem:$0x17D80] =	vst v63  }
0x55: {  	_ =	swait.ge [sflag:s26], $0x4000  }
0x56: {  	[sflag:s26] =	ssyncset.done $0x0  }
0x57: {  	s3 =	simm.s32 @!p1 $0x13D80;
	[sflag:s26] =	ssyncadd.s32 $0xFFFFC000  }
0x58: {  	[spmem:s22] =	stream.linear.scatter @!p1 [tilespmem:s3], [sflag:$0x2], $0x4000, $0x38;
	[tilespmem:$0x17D80] =	vst v63  }
0x59: {  	s3 =	simm.s32 @!p1 $0x2  }
0x5a: {  	_ =	swait.ge @!p1 [sflag:s3], $0x4000  }
0x5b: {  	[sflag:s3] =	ssyncset.done @!p1 $0x0  }
0x5c: {  	[sflag:s3] =	ssyncadd.s32 @!p1 $0xFFFFC000  }
0x5d: {  	s20 =	simm.s32 $0x0;
	s21 =	simm.s32 $0x0;
	[bflag:$0x0] =	sbarrier.arrive $0xFFFF  }
.LBB2_18:
0x5e: {  	s3 =	sshll.u32 s21, $0x7  }
0x5f: {  	s3 =	sadd.s32 s30, s3  }
0x60: {  	s3 =	sshrl.u32 s3, $0x3  }
0x61: {  	s22 =	sadd.s32 s8, s3  }
0x62: {  	[tilespmem:s28], [sflag:$0x2] =	stream.linear.gather [hbm4b:s22+s20], $0x80, $0x38;
	[tilespmem:$0x17D80] =	vst v63  }
0x63: {  	_ =	swait.ge [sflag:s26], $0x80  }
0x64: {  	[sflag:s26] =	ssyncset.done $0x0  }
0x65: {  	s24 =	sadd.s32 s9, s3;
	[sflag:s26] =	ssyncadd.s32 $0xFFFFFF80  }
0x66: {  	[tilespmem:s18], [sflag:$0x2] =	stream.linear.gather [hbm4b:s24+s20], $0x80, $0x38;
	[tilespmem:$0x17D80] =	vst v63  }
0x67: {  	_ =	swait.ge [sflag:s26], $0x80  }
0x68: {  	[sflag:s26] =	ssyncset.done $0x0  }
0x69: {  	s3 =	sadd.s32 s10, s3;
	[sflag:s26] =	ssyncadd.s32 $0xFFFFFF80  }
0x6a: {  	[tilespmem:s19], [sflag:$0x2] =	stream.linear.gather [hbm4b:s3+s20], $0x80, $0x38;
	[tilespmem:$0x17D80] =	vst v63  }
0x6b: {  	_ =	swait.ge [sflag:s26], $0x80  }
0x6c: {  	[sflag:s26] =	ssyncset.done $0x0  }
0x6d: {  	[sflag:s26] =	ssyncadd.s32 $0xFFFFFF80  }
0x6e: {  	[tilespmem:s0], [sflag:$0x1] =	stream.indirect.gather [hbm4b:s1+s25], $0x80, s18, s25, $0xb8;
	[tilespmem:$0x17D80] =	vst v63  }
0x6f: {  	_ =	swait.ge [sflag:s16], $0x4000  }
0x70: {  	v1 =	vmov s20;
	[sflag:s16] =	ssyncset.done $0x0  }
0x71: {  	s22 =	simm.s32 $0x13DC0;
	[sflag:s16] =	ssyncadd.s32 $0xFFFFC000  }
0x72: {  	v5 =	vld [tilespmem:s22+$0x30]  }
0x73: {  	v8 =	vld [tilespmem:s22+$0x10]  }
0x74: {  	v6 =	vld [tilespmem:s22+$0xFFFFFFC0]  }
0x75: {  	v2 =	vld.idx.msk [tilespmem:v1+s19+$0x0], $0xffff  }
0x76: {  	v10 =	vld [tilespmem:s22+$0xFFFFFFE0]  }
0x77: {  	v1 =	vld [tilespmem:s22+$0xFFFFFFF0]  }
0x78: {  	v3 =	vld [tilespmem:s22+$0x20]  }
0x79: {  	v4 =	vld [tilespmem:s22+$0xFFFFFFD0]  }
0x7a: {  	v9 =	vmul.f32 v5, v2;
	v5 =	vld [tilespmem:s22+$0x0]  }
0x7b: {  	v7 =	vmul.f32 v6, v2  }
0x7c: {  	s29 =	simm.s32 $0x13DC0;
	s24 =	simm.s32 $0x1;
	v6 =	vmul.f32 v10, v2;
	v8 =	vmul.f32 v8, v2  }
.LBB2_19:
0x7d: {  	p4 =	sne.s32 s24, $0x7F  }
0x7e: {  	v4 =	vmul.f32 v4, v2;
	v3 =	vmul.f32 v3, v2;
	[tilespmem:s22+$0x30] =	vst v9;
	s29 =	sadd.s32 $0x80, s29;
	s3 =	smov.u32 s24;
	s24 =	sadd.s32 $0x1, s24  }
0x7f: {  	[tilespmem:s22+$0xFFFFFFC0] =	vst v7;
	v7 =	vmul.f32 v1, v2;
	v2 =	vmul.f32 v5, v2  }
0x80: {  	[tilespmem:s22+$0x10] =	vst v8  }
0x81: {  	v5 =	vmov s3;
	[tilespmem:s22+$0xFFFFFFE0] =	vst v6  }
0x82: {  	v1 =	vld [tilespmem:s29+$0xFFFFFFF0];
	[tilespmem:s22+$0xFFFFFFF0] =	vst v7  }
0x83: {  	v6 =	vld [tilespmem:s29+$0x30];
	[tilespmem:s22+$0x0] =	vst v2  }
0x84: {  	v8 =	vld [tilespmem:s29+$0x10];
	[tilespmem:s22+$0x20] =	vst v3  }
0x85: {  	v7 =	vld [tilespmem:s29+$0xFFFFFFC0];
	[tilespmem:s22+$0xFFFFFFD0] =	vst v4;
	s22 =	smov.u32 s29  }
0x86: {  	v2 =	vld.idx.msk [tilespmem:v5+s19+$0x0], $0xffff  }
0x87: {  	v10 =	vld [tilespmem:s29+$0xFFFFFFE0]  }
0x88: {  	v3 =	vld [tilespmem:s29+$0x20]  }
.Ltmp4:
0x89: {  	v4 =	vld [tilespmem:s29+$0xFFFFFFD0];
	(pc) =	sbr.rel @p4 .LBB2_19-.Ltmp4, $3  }
0x8a: {  	v5 =	vld [tilespmem:s29+$0x0];
	_ =	sdelay $0x1  }
0x8b: {  	v7 =	vmul.f32 v7, v2;
	v9 =	vmul.f32 v6, v2  }
0x8c: {  	v8 =	vmul.f32 v8, v2;
	v6 =	vmul.f32 v10, v2  }
0x8d: {  	[tilespmem:s22+$0x30] =	vst v9  }
0x8e: {  	[tilespmem:s22+$0xFFFFFFC0] =	vst v7  }
0x8f: {  	v1 =	vmul.f32 v1, v2;
	[tilespmem:s22+$0x10] =	vst v8  }
0x90: {  	v3 =	vmul.f32 v3, v2;
	[tilespmem:s22+$0xFFFFFFE0] =	vst v6  }
0x91: {  	v5 =	vmul.f32 v5, v2;
	[tilespmem:s22+$0xFFFFFFF0] =	vst v1  }
0x92: {  	s21 =	sadd.s32 $0x1, s21;
	v1 =	vmul.f32 v4, v2;
	[tilespmem:s22+$0x20] =	vst v3  }
0x93: {  	p4 =	sne.s32 s21, $0x9D;
	[tilespmem:s22+$0x0] =	vst v5  }
.Ltmp5:
0x94: {  	[tilespmem:s22+$0xFFFFFFD0] =	vst v1;
	(pc) =	sbr.rel @p4 .LBB2_18-.Ltmp5, $4  }
0x95: {  	[spmem:s2] =	stream.indirect.scatter.add.f32 [tilespmem:s0], [sflag:$0x2], $0x80, s28, s25, $0xb8;
	[tilespmem:$0x17D80] =	vst v63  }
0x96: {  	_ =	swait.ge [sflag:s26], $0x4000  }
0x97: {  	[sflag:s26] =	ssyncset.done $0x0  }
0x98: {  	[sflag:s26] =	ssyncadd.s32 $0xFFFFC000  }
0x99: {  	[bflag:$0x0] =	sbarrier.arrive $0xFFFF  }
0x9a: {  	s3 =	stileid.u32;
	s22 =	rddreg [dreg:$0x6]  }
0x9b: {  	s3 =	sshll.u32 s3, $0x6;
	s24 =	rddreg [dreg:$0x13];
	s20 =	sshrl.u32 s22, $0x3  }
0x9c: {  	s29 =	sor.u32 $0x1C02, s3;
	[dreg:$0x1e] =	wrdreg s20  }
0x9d: {  	[hbm:s24], [sflag:s29] =	dma.local [spmem:s20], $0x800  }
0x9e: {  	_ =	swait.ge [sflag:s26], $0x800  }
0x9f: {  	s21 =	rddreg [dreg:$0x7]  }
0xa0: {  	[sflag:s26] =	ssyncset.done $0x0;
	s24 =	rddreg [dreg:$0x14];
	s22 =	sshrl.u32 s21, $0x3  }
0xa1: {  	[sflag:s26] =	ssyncadd.s32 $0xFFFFF800;
	[smem:$0x7FD] =	sst s22  }
0xa2: {  	[hbm:s24], [sflag:s29] =	dma.local [spmem:s22], $0x800  }
0xa3: {  	_ =	swait.ge [sflag:s26], $0x800  }
0xa4: {  	[sflag:s26] =	ssyncset.done $0x0;
	s20 =	rddreg [dreg:$0x8]  }
0xa5: {  	s21 =	rddreg [dreg:$0x15];
	[sflag:s26] =	ssyncadd.s32 $0xFFFFF800;
	s3 =	sshrl.u32 s20, $0x3  }
0xa6: {  	[hbm:s21], [sflag:s29] =	dma.local [spmem:s3], $0x800  }
0xa7: {  	_ =	swait.ge [sflag:s26], $0x800  }
0xa8: {  	[sflag:s26] =	ssyncset.done $0x0;
	s22 =	rddreg [dreg:$0x9]  }
0xa9: {  	s24 =	rddreg [dreg:$0x11];
	[sflag:s26] =	ssyncadd.s32 $0xFFFFF800;
	s3 =	sshrl.u32 s22, $0x3  }
0xaa: {  	[hbm:s24], [sflag:s29] =	dma.local [spmem:s3], $0x800  }
0xab: {  	_ =	swait.ge [sflag:s26], $0x800  }
0xac: {  	[sflag:s26] =	ssyncset.done $0x0  }
0xad: {  	s3 =	rddreg [dreg:$0x12];
	[sflag:s26] =	ssyncadd.s32 $0xFFFFF800  }
0xae: {  	[hbm:s3], [sflag:s29] =	dma.local @!p1 [spmem:s23], $0x800  }
0xaf: {  	s3 =	simm.s32 @!p1 $0x2  }
0xb0: {  	_ =	swait.ge @!p1 [sflag:s3], $0x800  }
0xb1: {  	[sflag:s3] =	ssyncset.done @!p1 $0x0  }
0xb2: {  	[sflag:s3] =	ssyncadd.s32 @!p1 $0xFFFFF800  }
0xb3: {  	s20 =	simm.s32 $0x0;
	s21 =	simm.s32 $0x200;
	[bflag:$0x0] =	sbarrier.arrive $0xFFFF  }
.LBB2_22:
0xb4: {  	p4 =	sne.s32 s21, $0xFE00;
	[tilespmem:s20+$0x13DF0] =	vst v0  }
0xb5: {  	[tilespmem:s20+$0x13D80] =	vst v0  }
0xb6: {  	[tilespmem:s20+$0x13D90] =	vst v0  }
.Ltmp6:
0xb7: {  	[tilespmem:s20+$0x13DA0] =	vst v0;
	(pc) =	sbr.rel @p4 .LBB2_22-.Ltmp6, $4  }
0xb8: {  	[tilespmem:s20+$0x13DB0] =	vst v0  }
0xb9: {  	[tilespmem:s20+$0x13DC0] =	vst v0  }
0xba: {  	[tilespmem:s20+$0x13DD0] =	vst v0  }
0xbb: {  	[tilespmem:s20+$0x13DE0] =	vst v0;
	s20 =	sshra.s32 s21, $0x2;
	s21 =	sadd.s32 $0x200, s21  }
0xbc: {  	[tilespmem:s20+$0x13DF0] =	vst v0  }
0xbd: {  	[tilespmem:s20+$0x13D80] =	vst v0  }
0xbe: {  	[tilespmem:s20+$0x13D90] =	vst v0  }
0xbf: {  	[tilespmem:s20+$0x13DA0] =	vst v0  }
0xc0: {  	[tilespmem:s20+$0x13DB0] =	vst v0  }
0xc1: {  	[tilespmem:s20+$0x13DC0] =	vst v0  }
0xc2: {  	[tilespmem:s20+$0x13DD0] =	vst v0  }
0xc3: {  	[tilespmem:s20+$0x13DE0] =	vst v0;
	s3 =	rddreg [dreg:$0x6]  }
0xc4: {  	[spmem:s3] =	stream.linear.scatter [tilespmem:s0], [sflag:$0x2], $0x4000, $0x38;
	[tilespmem:$0x17D80] =	vst v63  }
0xc5: {  	_ =	swait.ge [sflag:s26], $0x4000  }
0xc6: {  	[sflag:s26] =	ssyncset.done $0x0  }
0xc7: {  	s24 =	rddreg [dreg:$0x7];
	[sflag:s26] =	ssyncadd.s32 $0xFFFFC000  }
0xc8: {  	[spmem:s24] =	stream.linear.scatter [tilespmem:s0], [sflag:$0x2], $0x4000, $0x38;
	[tilespmem:$0x17D80] =	vst v63  }
0xc9: {  	_ =	swait.ge [sflag:s26], $0x4000  }
0xca: {  	[sflag:s26] =	ssyncset.done $0x0  }
0xcb: {  	s3 =	simm.s32 @!p2 $0x13D80;
	s20 =	rddreg [dreg:$0x8];
	[sflag:s26] =	ssyncadd.s32 $0xFFFFC000  }
0xcc: {  	[spmem:s20] =	stream.linear.scatter @!p2 [tilespmem:s3], [sflag:$0x2], $0x4000, $0x38;
	[tilespmem:$0x17D80] =	vst v63  }
0xcd: {  	s3 =	simm.s32 @!p2 $0x2  }
0xce: {  	_ =	swait.ge @!p2 [sflag:s3], $0x4000  }
0xcf: {  	[sflag:s3] =	ssyncset.done @!p2 $0x0  }
0xd0: {  	[sflag:s3] =	ssyncadd.s32 @!p2 $0xFFFFC000  }
0xd1: {  	s23 =	simm.s32 $0x0;
	s21 =	simm.s32 $0x0;
	[bflag:$0x0] =	sbarrier.arrive $0xFFFF  }
.LBB2_24:
0xd2: {  	s3 =	sshll.u32 s21, $0x7  }
0xd3: {  	s3 =	sadd.s32 s30, s3  }
0xd4: {  	s3 =	sshrl.u32 s3, $0x3  }
0xd5: {  	s20 =	sadd.s32 s11, s3  }
0xd6: {  	[tilespmem:s28], [sflag:$0x2] =	stream.linear.gather [hbm4b:s20+s23], $0x80, $0x38;
	[tilespmem:$0x17D80] =	vst v63  }
0xd7: {  	_ =	swait.ge [sflag:s26], $0x80  }
0xd8: {  	[sflag:s26] =	ssyncset.done $0x0  }
0xd9: {  	s24 =	sadd.s32 s12, s3;
	[sflag:s26] =	ssyncadd.s32 $0xFFFFFF80  }
0xda: {  	[tilespmem:s18], [sflag:$0x2] =	stream.linear.gather [hbm4b:s24+s23], $0x80, $0x38;
	[tilespmem:$0x17D80] =	vst v63  }
0xdb: {  	_ =	swait.ge [sflag:s26], $0x80  }
0xdc: {  	[sflag:s26] =	ssyncset.done $0x0  }
0xdd: {  	s3 =	sadd.s32 s13, s3;
	[sflag:s26] =	ssyncadd.s32 $0xFFFFFF80  }
0xde: {  	[tilespmem:s19], [sflag:$0x2] =	stream.linear.gather [hbm4b:s3+s23], $0x80, $0x38;
	[tilespmem:$0x17D80] =	vst v63  }
0xdf: {  	_ =	swait.ge [sflag:s26], $0x80  }
0xe0: {  	[sflag:s26] =	ssyncset.done $0x0  }
0xe1: {  	[sflag:s26] =	ssyncadd.s32 $0xFFFFFF80  }
0xe2: {  	[tilespmem:s0], [sflag:$0x1] =	stream.indirect.gather [hbm4b:s4+s25], $0x80, s18, s25, $0xb8;
	[tilespmem:$0x17D80] =	vst v63  }
0xe3: {  	_ =	swait.ge [sflag:s16], $0x4000  }
0xe4: {  	v1 =	vmov s23;
	[sflag:s16] =	ssyncset.done $0x0  }
0xe5: {  	s22 =	simm.s32 $0x13DC0;
	[sflag:s16] =	ssyncadd.s32 $0xFFFFC000  }
0xe6: {  	v5 =	vld [tilespmem:s22+$0x30]  }
0xe7: {  	v8 =	vld [tilespmem:s22+$0x10]  }
0xe8: {  	v6 =	vld [tilespmem:s22+$0xFFFFFFC0]  }
0xe9: {  	v2 =	vld.idx.msk [tilespmem:v1+s19+$0x0], $0xffff  }
0xea: {  	v10 =	vld [tilespmem:s22+$0xFFFFFFE0]  }
0xeb: {  	v1 =	vld [tilespmem:s22+$0xFFFFFFF0]  }
0xec: {  	v3 =	vld [tilespmem:s22+$0x20]  }
0xed: {  	v4 =	vld [tilespmem:s22+$0xFFFFFFD0]  }
0xee: {  	v9 =	vmul.f32 v5, v2;
	v5 =	vld [tilespmem:s22+$0x0]  }
0xef: {  	v7 =	vmul.f32 v6, v2  }
0xf0: {  	s20 =	simm.s32 $0x13DC0;
	s24 =	simm.s32 $0x1;
	v6 =	vmul.f32 v10, v2;
	v8 =	vmul.f32 v8, v2  }
.LBB2_25:
0xf1: {  	p4 =	sne.s32 s24, $0x7F  }
0xf2: {  	v4 =	vmul.f32 v4, v2;
	v3 =	vmul.f32 v3, v2;
	[tilespmem:s22+$0x30] =	vst v9;
	s20 =	sadd.s32 $0x80, s20;
	s3 =	smov.u32 s24;
	s24 =	sadd.s32 $0x1, s24  }
0xf3: {  	[tilespmem:s22+$0xFFFFFFC0] =	vst v7;
	v7 =	vmul.f32 v1, v2;
	v2 =	vmul.f32 v5, v2  }
0xf4: {  	[tilespmem:s22+$0x10] =	vst v8  }
0xf5: {  	v5 =	vmov s3;
	[tilespmem:s22+$0xFFFFFFE0] =	vst v6  }
0xf6: {  	v1 =	vld [tilespmem:s20+$0xFFFFFFF0];
	[tilespmem:s22+$0xFFFFFFF0] =	vst v7  }
0xf7: {  	v6 =	vld [tilespmem:s20+$0x30];
	[tilespmem:s22+$0x0] =	vst v2  }
0xf8: {  	v8 =	vld [tilespmem:s20+$0x10];
	[tilespmem:s22+$0x20] =	vst v3  }
0xf9: {  	v7 =	vld [tilespmem:s20+$0xFFFFFFC0];
	[tilespmem:s22+$0xFFFFFFD0] =	vst v4;
	s22 =	smov.u32 s20  }
0xfa: {  	v2 =	vld.idx.msk [tilespmem:v5+s19+$0x0], $0xffff  }
0xfb: {  	v10 =	vld [tilespmem:s20+$0xFFFFFFE0]  }
0xfc: {  	v3 =	vld [tilespmem:s20+$0x20]  }
.Ltmp7:
0xfd: {  	v4 =	vld [tilespmem:s20+$0xFFFFFFD0];
	(pc) =	sbr.rel @p4 .LBB2_25-.Ltmp7, $3  }
0xfe: {  	v5 =	vld [tilespmem:s20+$0x0];
	_ =	sdelay $0x1  }
0xff: {  	v7 =	vmul.f32 v7, v2;
	v9 =	vmul.f32 v6, v2  }
0x100: {  	v8 =	vmul.f32 v8, v2;
	v6 =	vmul.f32 v10, v2  }
0x101: {  	[tilespmem:s22+$0x30] =	vst v9  }
0x102: {  	[tilespmem:s22+$0xFFFFFFC0] =	vst v7  }
0x103: {  	v1 =	vmul.f32 v1, v2;
	[tilespmem:s22+$0x10] =	vst v8  }
0x104: {  	v3 =	vmul.f32 v3, v2;
	[tilespmem:s22+$0xFFFFFFE0] =	vst v6  }
0x105: {  	v5 =	vmul.f32 v5, v2;
	[tilespmem:s22+$0xFFFFFFF0] =	vst v1  }
0x106: {  	s21 =	sadd.s32 $0x1, s21;
	v1 =	vmul.f32 v4, v2;
	[tilespmem:s22+$0x20] =	vst v3  }
0x107: {  	p4 =	sne.s32 s21, $0x9D;
	[tilespmem:s22+$0x0] =	vst v5  }
.Ltmp8:
0x108: {  	[tilespmem:s22+$0xFFFFFFD0] =	vst v1;
	(pc) =	sbr.rel @p4 .LBB2_24-.Ltmp8, $4  }
0x109: {  	[spmem:s2] =	stream.indirect.scatter.add.f32 [tilespmem:s0], [sflag:$0x2], $0x80, s28, s25, $0xb8;
	[tilespmem:$0x17D80] =	vst v63  }
0x10a: {  	_ =	swait.ge [sflag:s26], $0x4000  }
0x10b: {  	[sflag:s26] =	ssyncset.done $0x0  }
0x10c: {  	[sflag:s26] =	ssyncadd.s32 $0xFFFFC000  }
0x10d: {  	[bflag:$0x0] =	sbarrier.arrive $0xFFFF  }
0x10e: {  	s3 =	rddreg [dreg:$0x17]  }
0x10f: {  	s20 =	rddreg [dreg:$0x1e]  }
0x110: {  	[hbm:s3], [sflag:s29] =	dma.local [spmem:s20], $0x800  }
0x111: {  	_ =	swait.ge [sflag:s26], $0x800  }
0x112: {  	s24 =	sld [smem:$0x7FD]  }
0x113: {  	[sflag:s26] =	ssyncset.done $0x0  }
0x114: {  	s23 =	rddreg [dreg:$0x19];
	[sflag:s26] =	ssyncadd.s32 $0xFFFFF800  }
0x115: {  	[hbm:s23], [sflag:s29] =	dma.local [spmem:s24], $0x800  }
.Ltmp9:
0x116: {  	_ = 	snop;
	(pc) =	sbr.rel @p2 .LBB2_29-.Ltmp9, $4  }
.Ltmp10:
0x117: {  	_ =	swait.ge [sflag:s26], $0x800;
	(pc) =	sbr.rel @!p2 .LBB2_28-.Ltmp10, $4  }
0x118: {  	s20 =	rddreg [dreg:$0x4]  }
0x119: {  	[sflag:s26] =	ssyncset.done $0x0;
	s22 =	rddreg [dreg:$0xa]  }
0x11a: {  	s21 =	rddreg [dreg:$0x1b];
	[sflag:s26] =	ssyncadd.s32 $0xFFFFF800  }
0x11b: {  	_ = 	snop  }
.LBB2_2:
0x11c: {  	s3 =	simm.s32 $0x0  }
0x11d: {  	[dreg:$0x1c] =	wrdreg s23;
	s20 =	sshra.s32 s3, $0x2;
	s21 =	sadd.s32 $0x200, s3  }
.LBB2_3:
0x11e: {  	p4 =	sne.s32 s21, $0xFE00;
	[tilespmem:s20+$0x13DF0] =	vst v0  }
0x11f: {  	[tilespmem:s20+$0x13D80] =	vst v0  }
0x120: {  	[tilespmem:s20+$0x13D90] =	vst v0  }
.Ltmp11:
0x121: {  	[tilespmem:s20+$0x13DA0] =	vst v0;
	(pc) =	sbr.rel @p4 .LBB2_3-.Ltmp11, $4  }
0x122: {  	[tilespmem:s20+$0x13DB0] =	vst v0  }
0x123: {  	[tilespmem:s20+$0x13DC0] =	vst v0  }
0x124: {  	[tilespmem:s20+$0x13DD0] =	vst v0  }
0x125: {  	[tilespmem:s20+$0x13DE0] =	vst v0;
	s20 =	sshra.s32 s21, $0x2;
	s21 =	sadd.s32 $0x200, s21  }
0x126: {  	[tilespmem:s20+$0x13DF0] =	vst v0  }
0x127: {  	[tilespmem:s20+$0x13D80] =	vst v0  }
0x128: {  	[tilespmem:s20+$0x13D90] =	vst v0  }
0x129: {  	[tilespmem:s20+$0x13DA0] =	vst v0  }
0x12a: {  	[tilespmem:s20+$0x13DB0] =	vst v0  }
0x12b: {  	[tilespmem:s20+$0x13DC0] =	vst v0  }
0x12c: {  	[tilespmem:s20+$0x13DD0] =	vst v0  }
0x12d: {  	[tilespmem:s20+$0x13DE0] =	vst v0;
	s3 =	rddreg [dreg:$0x6]  }
0x12e: {  	[spmem:s3] =	stream.linear.scatter [tilespmem:s0], [sflag:$0x2], $0x4000, $0x38;
	[tilespmem:$0x17D80] =	vst v63  }
0x12f: {  	_ =	swait.ge [sflag:s26], $0x4000  }
0x130: {  	[sflag:s26] =	ssyncset.done $0x0  }
0x131: {  	s23 =	rddreg [dreg:$0x7];
	[sflag:s26] =	ssyncadd.s32 $0xFFFFC000  }
0x132: {  	[spmem:s23] =	stream.linear.scatter [tilespmem:s0], [sflag:$0x2], $0x4000, $0x38;
	[tilespmem:$0x17D80] =	vst v63  }
0x133: {  	_ =	swait.ge [sflag:s26], $0x4000  }
0x134: {  	[sflag:s26] =	ssyncset.done $0x0  }
0x135: {  	s24 =	rddreg [dreg:$0x8];
	[sflag:s26] =	ssyncadd.s32 $0xFFFFC000  }
0x136: {  	[spmem:s24] =	stream.linear.scatter [tilespmem:s0], [sflag:$0x2], $0x4000, $0x38;
	[tilespmem:$0x17D80] =	vst v63  }
0x137: {  	_ =	swait.ge [sflag:s26], $0x4000  }
0x138: {  	[sflag:s26] =	ssyncset.done $0x0  }
0x139: {  	s29 =	rddreg [dreg:$0x9];
	[sflag:s26] =	ssyncadd.s32 $0xFFFFC000  }
0x13a: {  	[spmem:s29] =	stream.linear.scatter [tilespmem:s0], [sflag:$0x2], $0x4000, $0x38;
	[tilespmem:$0x17D80] =	vst v63  }
0x13b: {  	_ =	swait.ge [sflag:s26], $0x4000  }
0x13c: {  	[sflag:s26] =	ssyncset.done $0x0  }
0x13d: {  	s20 =	simm.s32 @!p1 $0x13D80;
	[sflag:s26] =	ssyncadd.s32 $0xFFFFC000  }
0x13e: {  	[spmem:s22] =	stream.linear.scatter @!p1 [tilespmem:s20], [sflag:$0x2], $0x4000, $0x38;
	[tilespmem:$0x17D80] =	vst v63  }
0x13f: {  	s20 =	simm.s32 @!p1 $0x2  }
0x140: {  	_ =	swait.ge @!p1 [sflag:s20], $0x4000  }
0x141: {  	[sflag:s20] =	ssyncset.done @!p1 $0x0  }
0x142: {  	[sflag:s20] =	ssyncadd.s32 @!p1 $0xFFFFC000  }
0x143: {  	s24 =	simm.s32 $0x0;
	s20 =	simm.s32 $0x0;
	[bflag:$0x0] =	sbarrier.arrive $0xFFFF  }
.LBB2_5:
0x144: {  	s21 =	sshll.u32 s24, $0x7  }
0x145: {  	s21 =	sadd.s32 s30, s21  }
0x146: {  	s21 =	sshrl.u32 s21, $0x3  }
0x147: {  	s22 =	sadd.s32 s5, s21  }
0x148: {  	[tilespmem:s28], [sflag:$0x2] =	stream.linear.gather [hbm4b:s22+s20], $0x80, $0x38;
	[tilespmem:$0x17D80] =	vst v63  }
0x149: {  	_ =	swait.ge [sflag:s26], $0x80  }
0x14a: {  	[sflag:s26] =	ssyncset.done $0x0  }
0x14b: {  	s23 =	sadd.s32 s6, s21;
	[sflag:s26] =	ssyncadd.s32 $0xFFFFFF80  }
0x14c: {  	[tilespmem:s18], [sflag:$0x2] =	stream.linear.gather [hbm4b:s23+s20], $0x80, $0x38;
	[tilespmem:$0x17D80] =	vst v63  }
0x14d: {  	_ =	swait.ge [sflag:s26], $0x80  }
0x14e: {  	[sflag:s26] =	ssyncset.done $0x0  }
0x14f: {  	s21 =	sadd.s32 s7, s21;
	[sflag:s26] =	ssyncadd.s32 $0xFFFFFF80  }
0x150: {  	[tilespmem:s19], [sflag:$0x2] =	stream.linear.gather [hbm4b:s21+s20], $0x80, $0x38;
	[tilespmem:$0x17D80] =	vst v63  }
0x151: {  	_ =	swait.ge [sflag:s26], $0x80  }
0x152: {  	[sflag:s26] =	ssyncset.done $0x0  }
0x153: {  	[sflag:s26] =	ssyncadd.s32 $0xFFFFFF80  }
0x154: {  	[tilespmem:s0], [sflag:$0x1] =	stream.indirect.gather [hbm4b:s4+s25], $0x80, s18, s25, $0xb8;
	[tilespmem:$0x17D80] =	vst v63  }
0x155: {  	_ =	swait.ge [sflag:s16], $0x4000  }
0x156: {  	v1 =	vmov s20;
	[sflag:s16] =	ssyncset.done $0x0  }
0x157: {  	s21 =	simm.s32 $0x13DC0;
	[sflag:s16] =	ssyncadd.s32 $0xFFFFC000  }
0x158: {  	v5 =	vld [tilespmem:s21+$0x30]  }
0x159: {  	v8 =	vld [tilespmem:s21+$0x10]  }
0x15a: {  	v6 =	vld [tilespmem:s21+$0xFFFFFFC0]  }
0x15b: {  	v2 =	vld.idx.msk [tilespmem:v1+s19+$0x0], $0xffff  }
0x15c: {  	v10 =	vld [tilespmem:s21+$0xFFFFFFE0]  }
0x15d: {  	v1 =	vld [tilespmem:s21+$0xFFFFFFF0]  }
0x15e: {  	v3 =	vld [tilespmem:s21+$0x20]  }
0x15f: {  	v4 =	vld [tilespmem:s21+$0xFFFFFFD0]  }
0x160: {  	v9 =	vmul.f32 v5, v2;
	v5 =	vld [tilespmem:s21+$0x0]  }
0x161: {  	v7 =	vmul.f32 v6, v2  }
0x162: {  	s29 =	simm.s32 $0x13DC0;
	s22 =	simm.s32 $0x1;
	v6 =	vmul.f32 v10, v2;
	v8 =	vmul.f32 v8, v2  }
.LBB2_6:
0x163: {  	p4 =	sne.s32 s22, $0x7F  }
0x164: {  	v4 =	vmul.f32 v4, v2;
	v3 =	vmul.f32 v3, v2;
	[tilespmem:s21+$0x30] =	vst v9;
	s29 =	sadd.s32 $0x80, s29;
	s23 =	smov.u32 s22;
	s22 =	sadd.s32 $0x1, s22  }
0x165: {  	[tilespmem:s21+$0xFFFFFFC0] =	vst v7;
	v7 =	vmul.f32 v1, v2;
	v2 =	vmul.f32 v5, v2  }
0x166: {  	[tilespmem:s21+$0x10] =	vst v8  }
0x167: {  	v5 =	vmov s23;
	[tilespmem:s21+$0xFFFFFFE0] =	vst v6  }
0x168: {  	v1 =	vld [tilespmem:s29+$0xFFFFFFF0];
	[tilespmem:s21+$0xFFFFFFF0] =	vst v7  }
0x169: {  	v6 =	vld [tilespmem:s29+$0x30];
	[tilespmem:s21+$0x0] =	vst v2  }
0x16a: {  	v8 =	vld [tilespmem:s29+$0x10];
	[tilespmem:s21+$0x20] =	vst v3  }
0x16b: {  	v7 =	vld [tilespmem:s29+$0xFFFFFFC0];
	[tilespmem:s21+$0xFFFFFFD0] =	vst v4;
	s21 =	smov.u32 s29  }
0x16c: {  	v2 =	vld.idx.msk [tilespmem:v5+s19+$0x0], $0xffff  }
0x16d: {  	v10 =	vld [tilespmem:s29+$0xFFFFFFE0]  }
0x16e: {  	v3 =	vld [tilespmem:s29+$0x20]  }
.Ltmp12:
0x16f: {  	v4 =	vld [tilespmem:s29+$0xFFFFFFD0];
	(pc) =	sbr.rel @p4 .LBB2_6-.Ltmp12, $3  }
0x170: {  	v5 =	vld [tilespmem:s29+$0x0];
	_ =	sdelay $0x1  }
0x171: {  	v7 =	vmul.f32 v7, v2;
	v9 =	vmul.f32 v6, v2  }
0x172: {  	v8 =	vmul.f32 v8, v2;
	v6 =	vmul.f32 v10, v2  }
0x173: {  	[tilespmem:s21+$0x30] =	vst v9  }
0x174: {  	[tilespmem:s21+$0xFFFFFFC0] =	vst v7  }
0x175: {  	v1 =	vmul.f32 v1, v2;
	[tilespmem:s21+$0x10] =	vst v8  }
0x176: {  	v3 =	vmul.f32 v3, v2;
	[tilespmem:s21+$0xFFFFFFE0] =	vst v6  }
0x177: {  	v5 =	vmul.f32 v5, v2;
	[tilespmem:s21+$0xFFFFFFF0] =	vst v1  }
0x178: {  	s24 =	sadd.s32 $0x1, s24;
	v1 =	vmul.f32 v4, v2;
	[tilespmem:s21+$0x20] =	vst v3  }
0x179: {  	p4 =	sne.s32 s24, $0x9D;
	[tilespmem:s21+$0x0] =	vst v5  }
.Ltmp13:
0x17a: {  	[tilespmem:s21+$0xFFFFFFD0] =	vst v1;
	(pc) =	sbr.rel @p4 .LBB2_5-.Ltmp13, $4  }
0x17b: {  	[spmem:s2] =	stream.indirect.scatter.add.f32 [tilespmem:s0], [sflag:$0x2], $0x80, s28, s25, $0xb8;
	[tilespmem:$0x17D80] =	vst v63  }
0x17c: {  	_ =	swait.ge [sflag:s26], $0x4000  }
0x17d: {  	[sflag:s26] =	ssyncset.done $0x0  }
0x17e: {  	[sflag:s26] =	ssyncadd.s32 $0xFFFFC000  }
0x17f: {  	[bflag:$0x0] =	sbarrier.arrive $0xFFFF  }
0x180: {  	s3 =	stileid.u32;
	s22 =	rddreg [dreg:$0x6]  }
0x181: {  	s20 =	sshll.u32 s3, $0x6;
	s24 =	rddreg [dreg:$0xc];
	s23 =	sshrl.u32 s22, $0x3  }
0x182: {  	s29 =	sor.u32 $0x1C02, s20;
	[dreg:$0x1d] =	wrdreg s23  }
0x183: {  	[hbm:s24], [sflag:s29] =	dma.local [spmem:s23], $0x800  }
0x184: {  	_ =	swait.ge [sflag:s26], $0x800  }
0x185: {  	s21 =	rddreg [dreg:$0x7]  }
0x186: {  	[sflag:s26] =	ssyncset.done $0x0;
	s23 =	rddreg [dreg:$0xd];
	s22 =	sshrl.u32 s21, $0x3  }
0x187: {  	[sflag:s26] =	ssyncadd.s32 $0xFFFFF800;
	[dreg:$0x1f] =	wrdreg s22  }
0x188: {  	[hbm:s23], [sflag:s29] =	dma.local [spmem:s22], $0x800  }
0x189: {  	_ =	swait.ge [sflag:s26], $0x800  }
0x18a: {  	[sflag:s26] =	ssyncset.done $0x0;
	s24 =	rddreg [dreg:$0x8]  }
0x18b: {  	s21 =	rddreg [dreg:$0xe];
	[sflag:s26] =	ssyncadd.s32 $0xFFFFF800;
	s3 =	sshrl.u32 s24, $0x3  }
0x18c: {  	[hbm:s21], [sflag:s29] =	dma.local [spmem:s3], $0x800  }
0x18d: {  	_ =	swait.ge [sflag:s26], $0x800  }
0x18e: {  	[sflag:s26] =	ssyncset.done $0x0;
	s22 =	rddreg [dreg:$0x9]  }
0x18f: {  	s24 =	rddreg [dreg:$0xf];
	[sflag:s26] =	ssyncadd.s32 $0xFFFFF800;
	s23 =	sshrl.u32 s22, $0x3  }
0x190: {  	[hbm:s24], [sflag:s29] =	dma.local [spmem:s23], $0x800  }
0x191: {  	_ =	swait.ge [sflag:s26], $0x800  }
0x192: {  	[sflag:s26] =	ssyncset.done $0x0;
	s3 =	rddreg [dreg:$0x10]  }
0x193: {  	s20 =	rddreg [dreg:$0x1c];
	[sflag:s26] =	ssyncadd.s32 $0xFFFFF800  }
0x194: {  	[hbm:s3], [sflag:s29] =	dma.local @!p1 [spmem:s20], $0x800  }
0x195: {  	s20 =	simm.s32 @!p1 $0x2  }
0x196: {  	_ =	swait.ge @!p1 [sflag:s20], $0x800  }
0x197: {  	[sflag:s20] =	ssyncset.done @!p1 $0x0  }
0x198: {  	[sflag:s20] =	ssyncadd.s32 @!p1 $0xFFFFF800  }
0x199: {  	s21 =	simm.s32 $0x200;
	s20 =	simm.s32 $0x0;
	[bflag:$0x0] =	sbarrier.arrive $0xFFFF  }
.LBB2_9:
0x19a: {  	p4 =	sne.s32 s21, $0xFE00;
	[tilespmem:s20+$0x13DF0] =	vst v0  }
0x19b: {  	[tilespmem:s20+$0x13D80] =	vst v0  }
0x19c: {  	[tilespmem:s20+$0x13D90] =	vst v0  }
.Ltmp14:
0x19d: {  	[tilespmem:s20+$0x13DA0] =	vst v0;
	(pc) =	sbr.rel @p4 .LBB2_9-.Ltmp14, $4  }
0x19e: {  	[tilespmem:s20+$0x13DB0] =	vst v0  }
0x19f: {  	[tilespmem:s20+$0x13DC0] =	vst v0  }
0x1a0: {  	[tilespmem:s20+$0x13DD0] =	vst v0  }
0x1a1: {  	[tilespmem:s20+$0x13DE0] =	vst v0;
	s20 =	sshra.s32 s21, $0x2;
	s21 =	sadd.s32 $0x200, s21  }
0x1a2: {  	[tilespmem:s20+$0x13DF0] =	vst v0  }
0x1a3: {  	[tilespmem:s20+$0x13D80] =	vst v0  }
0x1a4: {  	[tilespmem:s20+$0x13D90] =	vst v0  }
0x1a5: {  	[tilespmem:s20+$0x13DA0] =	vst v0  }
0x1a6: {  	[tilespmem:s20+$0x13DB0] =	vst v0  }
0x1a7: {  	[tilespmem:s20+$0x13DC0] =	vst v0  }
0x1a8: {  	[tilespmem:s20+$0x13DD0] =	vst v0  }
0x1a9: {  	[tilespmem:s20+$0x13DE0] =	vst v0;
	s3 =	rddreg [dreg:$0x6]  }
0x1aa: {  	[spmem:s3] =	stream.linear.scatter [tilespmem:s0], [sflag:$0x2], $0x4000, $0x38;
	[tilespmem:$0x17D80] =	vst v63  }
0x1ab: {  	_ =	swait.ge [sflag:s26], $0x4000  }
0x1ac: {  	[sflag:s26] =	ssyncset.done $0x0  }
0x1ad: {  	s24 =	rddreg [dreg:$0x7];
	[sflag:s26] =	ssyncadd.s32 $0xFFFFC000  }
0x1ae: {  	[spmem:s24] =	stream.linear.scatter [tilespmem:s0], [sflag:$0x2], $0x4000, $0x38;
	[tilespmem:$0x17D80] =	vst v63  }
0x1af: {  	_ =	swait.ge [sflag:s26], $0x4000  }
0x1b0: {  	[sflag:s26] =	ssyncset.done $0x0  }
0x1b1: {  	s20 =	simm.s32 @!p2 $0x13D80;
	s3 =	rddreg [dreg:$0x8];
	[sflag:s26] =	ssyncadd.s32 $0xFFFFC000  }
0x1b2: {  	[spmem:s3] =	stream.linear.scatter @!p2 [tilespmem:s20], [sflag:$0x2], $0x4000, $0x38;
	[tilespmem:$0x17D80] =	vst v63  }
0x1b3: {  	s20 =	simm.s32 @!p2 $0x2  }
0x1b4: {  	_ =	swait.ge @!p2 [sflag:s20], $0x4000  }
0x1b5: {  	[sflag:s20] =	ssyncset.done @!p2 $0x0  }
0x1b6: {  	[sflag:s20] =	ssyncadd.s32 @!p2 $0xFFFFC000  }
0x1b7: {  	s23 =	simm.s32 $0x0;
	s21 =	simm.s32 $0x0;
	[bflag:$0x0] =	sbarrier.arrive $0xFFFF  }
.LBB2_11:
0x1b8: {  	s20 =	sshll.u32 s21, $0x7  }
0x1b9: {  	s20 =	sadd.s32 s31, s20  }
0x1ba: {  	s20 =	sshrl.u32 s20, $0x3  }
0x1bb: {  	s22 =	sadd.s32 s14, s20  }
0x1bc: {  	[tilespmem:s28], [sflag:$0x2] =	stream.linear.gather [hbm4b:s22+s23], $0x80, $0x38;
	[tilespmem:$0x17D80] =	vst v63  }
0x1bd: {  	_ =	swait.ge [sflag:s26], $0x80  }
0x1be: {  	[sflag:s26] =	ssyncset.done $0x0  }
0x1bf: {  	s24 =	sadd.s32 s15, s20;
	[sflag:s26] =	ssyncadd.s32 $0xFFFFFF80  }
0x1c0: {  	[tilespmem:s18], [sflag:$0x2] =	stream.linear.gather [hbm4b:s24+s23], $0x80, $0x38;
	[tilespmem:$0x17D80] =	vst v63  }
0x1c1: {  	_ =	swait.ge [sflag:s26], $0x80  }
0x1c2: {  	[sflag:s26] =	ssyncset.done $0x0  }
0x1c3: {  	s20 =	sadd.s32 s17, s20;
	[sflag:s26] =	ssyncadd.s32 $0xFFFFFF80  }
0x1c4: {  	[tilespmem:s19], [sflag:$0x2] =	stream.linear.gather [hbm4b:s20+s23], $0x80, $0x38;
	[tilespmem:$0x17D80] =	vst v63  }
0x1c5: {  	_ =	swait.ge [sflag:s26], $0x80  }
0x1c6: {  	[sflag:s26] =	ssyncset.done $0x0  }
0x1c7: {  	[sflag:s26] =	ssyncadd.s32 $0xFFFFFF80  }
0x1c8: {  	[tilespmem:s0], [sflag:$0x1] =	stream.indirect.gather [hbm4b:s1+s25], $0x80, s18, s25, $0xb8;
	[tilespmem:$0x17D80] =	vst v63  }
0x1c9: {  	_ =	swait.ge [sflag:s16], $0x4000  }
0x1ca: {  	v1 =	vmov s23;
	[sflag:s16] =	ssyncset.done $0x0  }
0x1cb: {  	s22 =	simm.s32 $0x13DC0;
	[sflag:s16] =	ssyncadd.s32 $0xFFFFC000  }
0x1cc: {  	v5 =	vld [tilespmem:s22+$0x30]  }
0x1cd: {  	v8 =	vld [tilespmem:s22+$0x10]  }
0x1ce: {  	v6 =	vld [tilespmem:s22+$0xFFFFFFC0]  }
0x1cf: {  	v2 =	vld.idx.msk [tilespmem:v1+s19+$0x0], $0xffff  }
0x1d0: {  	v10 =	vld [tilespmem:s22+$0xFFFFFFE0]  }
0x1d1: {  	v1 =	vld [tilespmem:s22+$0xFFFFFFF0]  }
0x1d2: {  	v3 =	vld [tilespmem:s22+$0x20]  }
0x1d3: {  	v4 =	vld [tilespmem:s22+$0xFFFFFFD0]  }
0x1d4: {  	v9 =	vmul.f32 v5, v2;
	v5 =	vld [tilespmem:s22+$0x0]  }
0x1d5: {  	v7 =	vmul.f32 v6, v2  }
0x1d6: {  	s24 =	simm.s32 $0x1;
	s20 =	simm.s32 $0x13DC0;
	v6 =	vmul.f32 v10, v2;
	v8 =	vmul.f32 v8, v2  }
.LBB2_12:
0x1d7: {  	p4 =	sne.s32 s24, $0x7F  }
0x1d8: {  	v4 =	vmul.f32 v4, v2;
	v3 =	vmul.f32 v3, v2;
	[tilespmem:s22+$0x30] =	vst v9;
	s20 =	sadd.s32 $0x80, s20;
	s3 =	smov.u32 s24;
	s24 =	sadd.s32 $0x1, s24  }
0x1d9: {  	[tilespmem:s22+$0xFFFFFFC0] =	vst v7;
	v7 =	vmul.f32 v1, v2;
	v2 =	vmul.f32 v5, v2  }
0x1da: {  	[tilespmem:s22+$0x10] =	vst v8  }
0x1db: {  	v5 =	vmov s3;
	[tilespmem:s22+$0xFFFFFFE0] =	vst v6  }
0x1dc: {  	v1 =	vld [tilespmem:s20+$0xFFFFFFF0];
	[tilespmem:s22+$0xFFFFFFF0] =	vst v7  }
0x1dd: {  	v6 =	vld [tilespmem:s20+$0x30];
	[tilespmem:s22+$0x0] =	vst v2  }
0x1de: {  	v8 =	vld [tilespmem:s20+$0x10];
	[tilespmem:s22+$0x20] =	vst v3  }
0x1df: {  	v7 =	vld [tilespmem:s20+$0xFFFFFFC0];
	[tilespmem:s22+$0xFFFFFFD0] =	vst v4;
	s22 =	smov.u32 s20  }
0x1e0: {  	v2 =	vld.idx.msk [tilespmem:v5+s19+$0x0], $0xffff  }
0x1e1: {  	v10 =	vld [tilespmem:s20+$0xFFFFFFE0]  }
0x1e2: {  	v3 =	vld [tilespmem:s20+$0x20]  }
.Ltmp15:
0x1e3: {  	v4 =	vld [tilespmem:s20+$0xFFFFFFD0];
	(pc) =	sbr.rel @p4 .LBB2_12-.Ltmp15, $3  }
0x1e4: {  	v5 =	vld [tilespmem:s20+$0x0];
	_ =	sdelay $0x1  }
0x1e5: {  	v7 =	vmul.f32 v7, v2;
	v9 =	vmul.f32 v6, v2  }
0x1e6: {  	v8 =	vmul.f32 v8, v2;
	v6 =	vmul.f32 v10, v2  }
0x1e7: {  	[tilespmem:s22+$0x30] =	vst v9  }
0x1e8: {  	[tilespmem:s22+$0xFFFFFFC0] =	vst v7  }
0x1e9: {  	v1 =	vmul.f32 v1, v2;
	[tilespmem:s22+$0x10] =	vst v8  }
0x1ea: {  	v3 =	vmul.f32 v3, v2;
	[tilespmem:s22+$0xFFFFFFE0] =	vst v6  }
0x1eb: {  	v5 =	vmul.f32 v5, v2;
	[tilespmem:s22+$0xFFFFFFF0] =	vst v1  }
0x1ec: {  	s21 =	sadd.s32 $0x1, s21;
	v1 =	vmul.f32 v4, v2;
	[tilespmem:s22+$0x20] =	vst v3  }
0x1ed: {  	p4 =	sne.s32 s21, $0x4F;
	[tilespmem:s22+$0x0] =	vst v5  }
.Ltmp16:
0x1ee: {  	[tilespmem:s22+$0xFFFFFFD0] =	vst v1;
	(pc) =	sbr.rel @p4 .LBB2_11-.Ltmp16, $4  }
0x1ef: {  	[spmem:s2] =	stream.indirect.scatter.add.f32 [tilespmem:s0], [sflag:$0x2], $0x80, s28, s25, $0xb8;
	[tilespmem:$0x17D80] =	vst v63  }
0x1f0: {  	_ =	swait.ge [sflag:s26], $0x4000  }
0x1f1: {  	[sflag:s26] =	ssyncset.done $0x0  }
0x1f2: {  	[sflag:s26] =	ssyncadd.s32 $0xFFFFC000  }
0x1f3: {  	[bflag:$0x0] =	sbarrier.arrive $0xFFFF  }
0x1f4: {  	s3 =	rddreg [dreg:$0x16]  }
0x1f5: {  	s20 =	rddreg [dreg:$0x1d]  }
0x1f6: {  	[hbm:s3], [sflag:s29] =	dma.local [spmem:s20], $0x800  }
0x1f7: {  	_ =	swait.ge [sflag:s26], $0x800  }
0x1f8: {  	[sflag:s26] =	ssyncset.done $0x0;
	s23 =	rddreg [dreg:$0x18]  }
0x1f9: {  	s24 =	rddreg [dreg:$0x1f];
	[sflag:s26] =	ssyncadd.s32 $0xFFFFF800  }
0x1fa: {  	[hbm:s23], [sflag:s29] =	dma.local [spmem:s24], $0x800  }
.Ltmp17:
0x1fb: {  	_ = 	snop;
	(pc) =	sbr.rel @p3 .LBB2_28-.Ltmp17, $4  }
.Ltmp18:
0x1fc: {  	_ =	swait.ge [sflag:s26], $0x800;
	(pc) =	sbr.rel @!p3 .LBB2_29-.Ltmp18, $4  }
0x1fd: {  	s20 =	rddreg [dreg:$0x5]  }
0x1fe: {  	[sflag:s26] =	ssyncset.done $0x0;
	s22 =	rddreg [dreg:$0xa]  }
0x1ff: {  	s21 =	rddreg [dreg:$0x1b];
	[sflag:s26] =	ssyncadd.s32 $0xFFFFF800  }
0x200: {  	_ = 	snop  }
.LBB2_30:
0x201: {  	_ =	sfence.sel $0x180000  }
0x202: {  	[bflag:$0x0] =	sbarrier.arrive $0xFFFF  }
0x203: {  	_ =	strace $0x90000047  }
0x204: {  	s0 =	stileid.u32;
	[bflag:$0x2] =	sbarrier.arrive $0xFFFF  }
0x205: {  	p0 =	sne.s32 s0, $0x0;
	s0 =	rddreg [dreg:$0x3]  }
0x206: {  	s0 =	sadd.s32 @!p0 $0x100000, s0  }
0x207: {  	[sflag:s0] =	ssyncadd.tile.s32 @!p0 $0x1;
	_ =	shalt  }
.Lfunc_end2:
_tile_overlayer_lowered:
.L_overlay_start_2:
0x208: {  	(tag) =	ssettag $0x2  }
0x209: {  	s0 =	rddreg [dreg:$0x0];
	s2 =	stileid.u32  }
0x20a: {  	s1 =	rddreg [dreg:$0x1];
	p0 =	sne.s32 s2, $0x0  }
0x20b: {  	s3 =	rddreg [dreg:$0x2];
	[bflag:$0x3] =	sbarrier.arrive $0xFFFF;
	s2 =	simm.s32 @!p0 $0x1C02  }
0x20c: {  	[timem:s3], [sflag:s2] =	dma.local @!p0 [hbm:s0], s1  }
0x20d: {  	s0 =	simm.s32 @!p0 $0x2  }
0x20e: {  	_ =	swait.ge @!p0 [sflag:s0], s1  }
0x20f: {  	s1 =	ssub.s32 @!p0 $0x0, s1;
	[sflag:s0] =	ssyncset.done @!p0 $0x0  }
0x210: {  	[sflag:s0] =	ssyncadd.s32 @!p0 s1  }
0x211: {  	[bflag:$0x3] =	sbarrier.arrive $0xFFFF  }
0x212: {  	_ =	shalt  }

</sc_bundles>
